<compile_context>
chip_gen: v7x
topology: tpu7x:2x2x1
jax: 0.10.2.dev20260603
libtpu: 0.0.44.dev20260713+nightly
codegen_flags: <defaults>
</compile_context>

<pallas_src>
import functools

import jax
import jax.numpy as jnp
from jax import lax
from jax.experimental import pallas as pl
from jax.experimental.pallas import tpu as pltpu
from jax.experimental.pallas import tpu_sc as plsc

K_TOTAL = 1_000_000
Q = 64
D = 32
KB = 16384
NBLK = (K_TOTAL + KB - 1) // KB
NPAD = NBLK * KB
NCOL = NPAD // 128
TOPK_N = 32

NC, NS, L = 2, 16, 16
NW = NC * NS
QPW = Q // NW
WINC = 128
NCT = NCOL // 128
GCAP = 128
CAP = 1024
INT_MAX = 2**31 - 1


def _tc_body(qt_ref, kt_ref, sims_ref, thr_ref, cmax_ref,
             bmax_ref, cm_ref):
    j = pl.program_id(0)
    sims = lax.dot_general(
        qt_ref[...], kt_ref[...], (((0,), (0,)), ((), ())),
        preferred_element_type=jnp.float32)
    gidx = j * KB + lax.broadcasted_iota(jnp.int32, (Q, KB), 1)
    sims = jnp.where(gidx < K_TOTAL, sims, -jnp.inf)

    mcols = []
    for c in range(WINC):
        vc = sims[:, c * 128:(c + 1) * 128]
        sims_ref[:, c, :, :] = vc.reshape(8, 8, 128)
        mcols.append(jnp.max(vc, axis=1, keepdims=True))
    colmax = jnp.concatenate(mcols, axis=1)

    @pl.when(j == 0)
    def _():
        bmax_ref[...] = jnp.full((Q, 128), -jnp.inf, jnp.float32)

    lane = lax.broadcasted_iota(jnp.int32, (Q, 128), 1)
    bmax = jnp.max(colmax, axis=1, keepdims=True)
    bmax_ref[...] = jnp.where(lane == j, bmax, bmax_ref[...])

    cm_ref[:, pl.ds(j * 128, 128)] = colmax

    @pl.when(j == NBLK - 1)
    def _():
        cmax_ref[...] = jnp.transpose(
            cm_ref[...].reshape(8, 8, NCT, 128), (0, 2, 1, 3))

        def step(i, mm):
            rmax = jnp.max(mm, axis=1, keepdims=True)
            return jnp.where(mm == rmax, -jnp.inf, mm)
        mm = lax.fori_loop(0, TOPK_N - 1, step, bmax_ref[...])
        t = jnp.max(mm, axis=1, keepdims=True)
        thr_ref[...] = jnp.broadcast_to(t, (Q, 128))


def _tc_stage(query_t, knowledge_t):
    return pl.pallas_call(
        _tc_body,
        grid=(NBLK,),
        in_specs=[
            pl.BlockSpec((D, Q), lambda j: (0, 0)),
            pl.BlockSpec((D, KB), lambda j: (0, j)),
        ],
        out_specs=[
            pl.BlockSpec((8, WINC, 8, 128), lambda j: (0, j, 0, 0)),
            pl.BlockSpec((Q, 128), lambda j: (0, 0)),
            pl.BlockSpec((8, NCT, 8, 128), lambda j: (0, 0, 0, 0)),
        ],
        out_shape=[
            jax.ShapeDtypeStruct((8, NCOL, 8, 128), jnp.float32),
            jax.ShapeDtypeStruct((Q, 128), jnp.float32),
            jax.ShapeDtypeStruct((8, NCT, 8, 128), jnp.float32),
        ],
        scratch_shapes=[
            pltpu.VMEM((Q, 128), jnp.float32),
            pltpu.VMEM((Q, NCT * 128), jnp.float32),
        ],
    )(query_t, knowledge_t)


def _sc_body(sims2_hbm, thr_hbm, cmax_hbm, out_hbm,
             cm_v, gath_v, cval_v, cidx_v, thr_v, colb_v, rowid_v, orow_v,
             sem):
    wid = lax.axis_index("s") * NC + lax.axis_index("c")
    lanes = lax.iota(jnp.int32, L)
    minus_inf = jnp.full((L,), -jnp.inf, jnp.float32)

    def do_query(qi, _):
        q = wid * QPW + qi
        qg = q // 8
        r = q % 8
        pltpu.sync_copy(thr_hbm.at[q, pl.ds(0, L)], thr_v)
        pltpu.sync_copy(cmax_hbm.at[qg, :, r, :], cm_v)
        t = thr_v[...]

        def init(i, _):
            cval_v[pl.ds(i * L, L)] = minus_inf
            cidx_v[pl.ds(i * L, L)] = jnp.full((L,), INT_MAX, jnp.int32)
            return 0
        lax.fori_loop(0, (CAP + 64) // L, init, 0)

        def col_group(cc, nc):
            m_any = cm_v[cc, pl.ds(0, L)] >= t
            for u in range(1, 8):
                m_any = m_any | (cm_v[cc, pl.ds(u * L, L)] >= t)

            def slow(n):
                for u in range(8):
                    ids = lax.broadcast(cc * 128 + u * L, (L,)) + lanes
                    m = (cm_v[cc, pl.ds(u * L, L)] >= t) & (ids < NCOL)
                    plsc.store_compressed(colb_v.at[pl.ds(n, L)], ids, mask=m)
                    cnt = plsc.all_reduce_population_count(m)
                    cnt = cnt if cnt.ndim == 0 else jnp.max(cnt, axis=0)
                    n = jnp.minimum(n + cnt, GCAP - L)
                return n

            return lax.cond(jnp.any(m_any), slow, lambda n: n, nc)

        nc = lax.fori_loop(0, NCT, col_group, 0)

        for v in range(GCAP // L):
            slot = lax.broadcast(v * L, (L,)) + lanes
            col = jnp.where(slot < nc, colb_v[pl.ds(v * L, L)], slot)
            colb_v[pl.ds(v * L, L)] = col
            rowid_v[pl.ds(v * L, L)] = (qg * NCOL + col) * 8 + r
        pltpu.async_copy(sims2_hbm.at[rowid_v], gath_v, sem).wait()

        def scan_col(c, ptr):
            cvec = colb_v[pl.ds((c // L) * L, L)]
            colbase = jnp.take_along_axis(
                cvec, lax.broadcast(c % L, (L,)), axis=0) * 128

            def do_col(p):
                for u in range(8):
                    v = gath_v[c, pl.ds(u * L, L)]
                    m = v >= t
                    gv = colbase + u * L + lanes
                    plsc.store_compressed(cval_v.at[pl.ds(p, L)], v, mask=m)
                    plsc.store_compressed(cidx_v.at[pl.ds(p, L)], gv, mask=m)
                    cnt = plsc.all_reduce_population_count(m)
                    cnt = cnt if cnt.ndim == 0 else jnp.max(cnt, axis=0)
                    p = jnp.minimum(p + cnt, CAP)
                return p

            m_any = gath_v[c, pl.ds(0, L)] >= t
            for u in range(1, 8):
                m_any = m_any | (gath_v[c, pl.ds(u * L, L)] >= t)
            return lax.cond(jnp.any(m_any), do_col, lambda p: p, ptr)

        ptr = lax.fori_loop(0, nc, scan_col, 0)
        nv = (ptr + L - 1) // L

        def extract(k, _):
            def red1(i, acc):
                return jnp.maximum(acc, cval_v[pl.ds(i * L, L)])
            mx = lax.fori_loop(0, nv, red1, minus_inf)
            m = jnp.max(mx, axis=0)

            def red2(i, acc):
                v = cval_v[pl.ds(i * L, L)]
                ix = cidx_v[pl.ds(i * L, L)]
                return jnp.minimum(acc, jnp.where(v == m, ix, INT_MAX))
            mi = lax.fori_loop(
                0, nv, red2, jnp.full((L,), INT_MAX, jnp.int32))
            gi = jnp.min(mi, axis=0)

            def kill(i, _):
                v = cval_v[pl.ds(i * L, L)]
                ix = cidx_v[pl.ds(i * L, L)]
                cval_v[pl.ds(i * L, L)] = jnp.where(
                    (v == m) & (ix == gi), minus_inf, v)
                return 0
            lax.fori_loop(0, nv, kill, 0)

            plsc.store_scatter(
                orow_v, [lax.broadcast(k, (L,))], lax.broadcast(gi, (L,)),
                mask=lanes == 0)
            return 0
        lax.fori_loop(0, TOPK_N, extract, 0)

        pltpu.sync_copy(orow_v.at[pl.ds(0, TOPK_N)], out_hbm.at[q])
        return 0

    lax.fori_loop(0, QPW, do_query, 0)


@functools.cache
def _sc_topk():
    mesh = plsc.VectorSubcoreMesh(
        core_axis_name="c", subcore_axis_name="s",
        num_cores=NC, num_subcores=NS)
    return pl.kernel(
        _sc_body,
        out_type=jax.ShapeDtypeStruct((Q, TOPK_N), jnp.int32),
        name="sc_filter_topk",
        mesh=mesh,
        compiler_params=pltpu.CompilerParams(
            needs_layout_passes=False, use_tc_tiling_on_sc=False),
        scratch_types=[
            pltpu.VMEM((NCT, 128), jnp.float32),
            pltpu.VMEM((GCAP, 128), jnp.float32),
            pltpu.VMEM((CAP + 64,), jnp.float32),
            pltpu.VMEM((CAP + 64,), jnp.int32),
            pltpu.VMEM((L,), jnp.float32),
            pltpu.VMEM((GCAP,), jnp.int32),
            pltpu.VMEM((GCAP,), jnp.int32),
            pltpu.VMEM((48,), jnp.int32),
            pltpu.SemaphoreType.DMA,
        ],
    )


@jax.jit
def kernel(query, knowledge_embed):
    sims4, thr, cmax4 = _tc_stage(query.T, knowledge_embed.T)
    sims2 = sims4.reshape(8 * NCOL * 8, 128)
    return _sc_topk()(sims2, thr, cmax4)

# --- scband reference (transcript-rebuilt; emitter-appended) ---
"""Pipeline reference for scband-retriever-65816078844452 (READ-ONLY COPY).

The authoritative reference and input builder live on the scoring server;
editing this copy changes nothing except your own understanding.
"""

import jax, jax.numpy as jnp
import numpy as np

TOPK = 32

def setup_inputs(seed: int = 0) -> dict:
    key = jax.random.key(seed)
    k1, k2 = jax.random.split(key)
    query = jax.random.normal(k1, (64, 32), dtype=jnp.float32)
    knowledge_embed = jax.random.normal(k2, (1000000, 32), dtype=jnp.float32)
    return {"query": query, "knowledge_embed": knowledge_embed}

def reference(query, knowledge_embed):
    # Faithful to the torch module: for each query row, compute similarity
    # against all knowledge embeddings (plain dot-product matmul, since the
    # torch forward uses torch.matmul directly) and take top-k indices.
    # The per-query python loop in torch is mathematically identical to a
    # single batched matmul followed by row-wise top-k.
    sims = jnp.matmul(query, jnp.transpose(knowledge_embed))  # [Q, K]
    top_values, top_indices = jax.lax.top_k(sims, TOPK)       # [Q, TOPK]
    return top_indices

if __name__ == "__main__":
    import jax
    _d = setup_inputs()
    print(jax.jit(kernel)(*tuple(_d.values())))

</pallas_src>

<mosaic_0001>
#map = affine_map<(d0, d1) -> (0, 0)>
#map1 = affine_map<(d0, d1) -> (0, 0, 0, 0)>
module attributes {stable_mosaic.version = 14 : i64} {
  func.func @sc_filter_topk(%arg0: i32, %arg1: i32, %arg2: memref<507904x128xf32, #tpu.memory_space<hbm>>, %arg3: memref<64x128xf32, #tpu.memory_space<hbm>>, %arg4: memref<8x62x8x128xf32, #tpu.memory_space<hbm>>, %arg5: memref<64x32xi32, #tpu.memory_space<hbm>>, %arg6: memref<62x128xf32, #tpu.memory_space<vmem>>, %arg7: memref<128x128xf32, #tpu.memory_space<vmem>>, %arg8: memref<1088xf32, #tpu.memory_space<vmem>>, %arg9: memref<1088xi32, #tpu.memory_space<vmem>>, %arg10: memref<16xf32, #tpu.memory_space<vmem>>, %arg11: memref<128xi32, #tpu.memory_space<vmem>>, %arg12: memref<128xi32, #tpu.memory_space<vmem>>, %arg13: memref<48xi32, #tpu.memory_space<vmem>>, %arg14: memref<!tpu.dma_semaphore, #tpu.memory_space<semaphore_mem>>) attributes {dimension_semantics = [#tpu.dimension_semantics<core_parallel>, #tpu.dimension_semantics<subcore_parallel>], iteration_bounds = array<i64: 2, 16>, scalar_prefetch = 0 : i64, scratch_operands = 9 : i64, tpu.core_type = #tpu.core_type<sc_vector_subcore>, window_params = [{transform_indices = #map}, {transform_indices = #map}, {transform_indices = #map1}, {transform_indices = #map}]} {
    %mul3A = arith.constant 2 : i32
    %mul3A_0 = arith.muli %arg1, %mul3A : i32
    %add3A = arith.addi %mul3A_0, %arg0 : i32
    %iota3A = tpu.iota {dimensions = array<i32: 0>} : vector<16xi32>
    %broadcast_in_dim3A = arith.constant 0xFF800000 : f32
    %broadcast_in_dim3A_1 = vector.broadcast %broadcast_in_dim3A : f32 to vector<16xf32>
    %scan3A = arith.constant 0 : i32
    %scan3A_2 = arith.constant 0 : i32
    %scan3A_3 = arith.constant 2 : i32
    %scan3A_4 = arith.addi %scan3A_2, %scan3A_3 : i32
    %scan3A_5 = arith.constant 1 : i32
    %scan3A_6 = scf.for %scan3A_8 = %scan3A_2 to %scan3A_4 step %scan3A_5 iter_args(%scan3A_9 = %scan3A) -> (i32)  : i32 {
      %mul3A_10 = arith.constant 2 : i32
      %mul3A_11 = arith.muli %add3A, %mul3A_10 : i32
      %add3A_12 = arith.addi %mul3A_11, %scan3A_8 : i32
      %jit3A = arith.constant 8 : i32
      %div3A = arith.divsi %add3A_12, %jit3A : i32
      %sign3A = arith.constant 0 : i32
      %sign3A_13 = arith.cmpi sgt, %add3A_12, %sign3A : i32
      %sign3A_14 = arith.extui %sign3A_13 : i1 to i32
      %sign3A_15 = arith.constant 0 : i32
      %sign3A_16 = arith.cmpi slt, %add3A_12, %sign3A_15 : i32
      %sign3A_17 = arith.extui %sign3A_16 : i1 to i32
      %sign3A_18 = arith.subi %sign3A_14, %sign3A_17 : i32
      %sign3A_19 = arith.constant 0 : i32
      %sign3A_20 = arith.cmpi sgt, %jit3A, %sign3A_19 : i32
      %sign3A_21 = arith.extui %sign3A_20 : i1 to i32
      %sign3A_22 = arith.constant 0 : i32
      %sign3A_23 = arith.cmpi slt, %jit3A, %sign3A_22 : i32
      %sign3A_24 = arith.extui %sign3A_23 : i1 to i32
      %sign3A_25 = arith.subi %sign3A_21, %sign3A_24 : i32
      %ne3A = arith.cmpi ne, %sign3A_18, %sign3A_25 : i32
      %rem3A = arith.remsi %add3A_12, %jit3A : i32
      %ne3A_26 = arith.constant 0 : i32
      %ne3A_27 = arith.cmpi ne, %rem3A, %ne3A_26 : i32
      %and3A = arith.andi %ne3A, %ne3A_27 : i1
      %sub3A = arith.constant 1 : i32
      %sub3A_28 = arith.subi %div3A, %sub3A : i32
      %select_n3A = arith.select %and3A, %sub3A_28, %div3A : i32
      %jit3A_29 = arith.constant 8 : i32
      %eq3A = arith.constant 0 : i32
      %eq3A_30 = arith.cmpi eq, %jit3A_29, %eq3A : i32
      %jit3A_31 = arith.constant 1 : i32
      %select_n3A_32 = arith.select %eq3A_30, %jit3A_31, %jit3A_29 : i32
      %rem3A_33 = arith.remsi %add3A_12, %select_n3A_32 : i32
      %ne3A_34 = arith.constant 0 : i32
      %ne3A_35 = arith.cmpi ne, %rem3A_33, %ne3A_34 : i32
      %lt3A = arith.constant 0 : i32
      %lt3A_36 = arith.cmpi slt, %rem3A_33, %lt3A : i32
      %lt3A_37 = arith.constant 0 : i32
      %lt3A_38 = arith.cmpi slt, %select_n3A_32, %lt3A_37 : i32
      %ne3A_39 = arith.xori %lt3A_36, %lt3A_38 : i1
      %and3A_40 = arith.andi %ne3A_39, %ne3A_35 : i1
      %add3A_41 = arith.addi %rem3A_33, %select_n3A_32 : i32
      %select_n3A_42 = arith.select %and3A_40, %add3A_41, %rem3A_33 : i32
      "tpu.region"() ({
        %run_scoped3A = tpu.sem_alloc : memref<!tpu.dma_semaphore, #tpu.memory_space<semaphore_mem>>
        %dma_start3A_276 = arith.constant 0 : i32
        %dma_start3A_277 = tpu.memref_slice %arg3[%add3A_12, %dma_start3A_276] : memref<64x128xf32, #tpu.memory_space<hbm>> -> memref<1x16xf32, #tpu.memory_space<hbm>>
        %dma_start3A_278 = tpu.memref_squeeze %dma_start3A_277 : memref<1x16xf32, #tpu.memory_space<hbm>> -> memref<16xf32, #tpu.memory_space<hbm>>
        %dma_start3A_279 = arith.constant 0 : i32
        %dma_start3A_280 = tpu.memref_slice %arg3[%add3A_12, %dma_start3A_279] : memref<64x128xf32, #tpu.memory_space<hbm>> -> memref<1x16xf32, #tpu.memory_space<hbm>>
        %dma_start3A_281 = tpu.memref_squeeze %dma_start3A_280 : memref<1x16xf32, #tpu.memory_space<hbm>> -> memref<16xf32, #tpu.memory_space<hbm>>
        tpu.enqueue_dma source(%dma_start3A_281 : memref<16xf32, #tpu.memory_space<hbm>>) target(%arg10 : memref<16xf32, #tpu.memory_space<vmem>>) target_semaphore(%run_scoped3A : memref<!tpu.dma_semaphore, #tpu.memory_space<semaphore_mem>>)
        %dma_wait3A_282 = arith.constant 0 : i32
        %dma_wait3A_283 = tpu.memref_slice %arg3[%add3A_12, %dma_wait3A_282] : memref<64x128xf32, #tpu.memory_space<hbm>> -> memref<1x16xf32, #tpu.memory_space<hbm>>
        %dma_wait3A_284 = tpu.memref_squeeze %dma_wait3A_283 : memref<1x16xf32, #tpu.memory_space<hbm>> -> memref<16xf32, #tpu.memory_space<hbm>>
        %dma_wait3A_285 = arith.constant 0 : i32
        %dma_wait3A_286 = tpu.memref_slice %arg3[%add3A_12, %dma_wait3A_285] : memref<64x128xf32, #tpu.memory_space<hbm>> -> memref<1x16xf32, #tpu.memory_space<hbm>>
        %dma_wait3A_287 = tpu.memref_squeeze %dma_wait3A_286 : memref<1x16xf32, #tpu.memory_space<hbm>> -> memref<16xf32, #tpu.memory_space<hbm>>
        tpu.wait_dma2 semaphore(%run_scoped3A : memref<!tpu.dma_semaphore, #tpu.memory_space<semaphore_mem>>) src(%dma_wait3A_287 : memref<16xf32, #tpu.memory_space<hbm>>) dst(%arg10 : memref<16xf32, #tpu.memory_space<vmem>>)
        tpu.yield
      }) : () -> ()
      "tpu.region"() ({
        %run_scoped3A = tpu.sem_alloc : memref<!tpu.dma_semaphore, #tpu.memory_space<semaphore_mem>>
        %dma_start3A_276 = arith.constant 0 : i32
        %dma_start3A_277 = arith.constant 0 : i32
        %dma_start3A_278 = tpu.memref_slice %arg4[%select_n3A, %dma_start3A_276, %select_n3A_42, %dma_start3A_277] : memref<8x62x8x128xf32, #tpu.memory_space<hbm>> -> memref<1x62x1x128xf32, #tpu.memory_space<hbm>>
        %dma_start3A_279 = tpu.memref_squeeze %dma_start3A_278 : memref<1x62x1x128xf32, #tpu.memory_space<hbm>> -> memref<62x128xf32, #tpu.memory_space<hbm>>
        %dma_start3A_280 = arith.constant 0 : i32
        %dma_start3A_281 = arith.constant 0 : i32
        %dma_start3A_282 = tpu.memref_slice %arg4[%select_n3A, %dma_start3A_280, %select_n3A_42, %dma_start3A_281] : memref<8x62x8x128xf32, #tpu.memory_space<hbm>> -> memref<1x62x1x128xf32, #tpu.memory_space<hbm>>
        %dma_start3A_283 = tpu.memref_squeeze %dma_start3A_282 : memref<1x62x1x128xf32, #tpu.memory_space<hbm>> -> memref<62x128xf32, #tpu.memory_space<hbm>>
        tpu.enqueue_dma source(%dma_start3A_283 : memref<62x128xf32, #tpu.memory_space<hbm>>) target(%arg6 : memref<62x128xf32, #tpu.memory_space<vmem>>) target_semaphore(%run_scoped3A : memref<!tpu.dma_semaphore, #tpu.memory_space<semaphore_mem>>)
        %dma_wait3A_284 = arith.constant 0 : i32
        %dma_wait3A_285 = arith.constant 0 : i32
        %dma_wait3A_286 = tpu.memref_slice %arg4[%select_n3A, %dma_wait3A_284, %select_n3A_42, %dma_wait3A_285] : memref<8x62x8x128xf32, #tpu.memory_space<hbm>> -> memref<1x62x1x128xf32, #tpu.memory_space<hbm>>
        %dma_wait3A_287 = tpu.memref_squeeze %dma_wait3A_286 : memref<1x62x1x128xf32, #tpu.memory_space<hbm>> -> memref<62x128xf32, #tpu.memory_space<hbm>>
        %dma_wait3A_288 = arith.constant 0 : i32
        %dma_wait3A_289 = arith.constant 0 : i32
        %dma_wait3A_290 = tpu.memref_slice %arg4[%select_n3A, %dma_wait3A_288, %select_n3A_42, %dma_wait3A_289] : memref<8x62x8x128xf32, #tpu.memory_space<hbm>> -> memref<1x62x1x128xf32, #tpu.memory_space<hbm>>
        %dma_wait3A_291 = tpu.memref_squeeze %dma_wait3A_290 : memref<1x62x1x128xf32, #tpu.memory_space<hbm>> -> memref<62x128xf32, #tpu.memory_space<hbm>>
        tpu.wait_dma2 semaphore(%run_scoped3A : memref<!tpu.dma_semaphore, #tpu.memory_space<semaphore_mem>>) src(%dma_wait3A_291 : memref<62x128xf32, #tpu.memory_space<hbm>>) dst(%arg6 : memref<62x128xf32, #tpu.memory_space<vmem>>)
        tpu.yield
      }) : () -> ()
      %get3A = arith.constant 0 : index
      %get3A_43 = tpu.vector_load %arg10[%get3A] {strides = array<i32>} : memref<16xf32, #tpu.memory_space<vmem>>, vector<16xf32>,
      %scan3A_44 = arith.constant 0 : i32
      %scan3A_45 = arith.constant 0 : i32
      %scan3A_46 = arith.constant 68 : i32
      %scan3A_47 = arith.addi %scan3A_45, %scan3A_46 : i32
      %scan3A_48 = arith.constant 1 : i32
      %scan3A_49 = scf.for %scan3A_276 = %scan3A_45 to %scan3A_47 step %scan3A_48 iter_args(%scan3A_277 = %scan3A_44) -> (i32)  : i32 {
        %mul3A_278 = arith.constant 16 : i32
        %mul3A_279 = arith.muli %scan3A_276, %mul3A_278 : i32
        %swap3A_280 = arith.index_cast %mul3A_279 : i32 to index
        %swap3A_281 = tpu.vector_load %arg8[%swap3A_280] {strides = array<i32>} : memref<1088xf32, #tpu.memory_space<vmem>>, vector<16xf32>,
        tpu.vector_store %arg8[%swap3A_280], %broadcast_in_dim3A_1 {strides = array<i32>} : memref<1088xf32, #tpu.memory_space<vmem>>, vector<16xf32>,
        %broadcast_in_dim3A_282 = arith.constant 2147483647 : i32
        %broadcast_in_dim3A_283 = vector.broadcast %broadcast_in_dim3A_282 : i32 to vector<16xi32>
        %mul3A_284 = arith.constant 16 : i32
        %mul3A_285 = arith.muli %scan3A_276, %mul3A_284 : i32
        %swap3A_286 = arith.index_cast %mul3A_285 : i32 to index
        %swap3A_287 = tpu.vector_load %arg9[%swap3A_286] {strides = array<i32>} : memref<1088xi32, #tpu.memory_space<vmem>>, vector<16xi32>,
        tpu.vector_store %arg9[%swap3A_286], %broadcast_in_dim3A_283 {strides = array<i32>} : memref<1088xi32, #tpu.memory_space<vmem>>, vector<16xi32>,
        %scan3A_288 = arith.constant 0 : i32
        scf.yield %scan3A_288 : i32
      }
      %scan3A_50 = arith.constant 68 : i32
      %scan3A_51 = arith.constant 0 : i32
      %scan3A_52 = arith.constant 0 : i32
      %scan3A_53 = arith.constant 62 : i32
      %scan3A_54 = arith.addi %scan3A_52, %scan3A_53 : i32
      %scan3A_55 = arith.constant 1 : i32
      %scan3A_56 = scf.for %scan3A_276 = %scan3A_52 to %scan3A_54 step %scan3A_55 iter_args(%scan3A_277 = %scan3A_51) -> (i32)  : i32 {
        %get3A_278 = arith.index_cast %scan3A_276 : i32 to index
        %get3A_279 = arith.constant 0 : index
        %get3A_280 = tpu.vector_load %arg6[%get3A_278, %get3A_279] {strides = array<i32>} : memref<62x128xf32, #tpu.memory_space<vmem>>, vector<16xf32>,
        %ge3A = arith.cmpf oge, %get3A_280, %get3A_43 : vector<16xf32>
        %get3A_281 = arith.index_cast %scan3A_276 : i32 to index
        %get3A_282 = arith.constant 16 : index
        %get3A_283 = tpu.vector_load %arg6[%get3A_281, %get3A_282] {strides = array<i32>} : memref<62x128xf32, #tpu.memory_space<vmem>>, vector<16xf32>,
        %ge3A_284 = arith.cmpf oge, %get3A_283, %get3A_43 : vector<16xf32>
        %or3A = arith.ori %ge3A, %ge3A_284 : vector<16xi1>
        %get3A_285 = arith.index_cast %scan3A_276 : i32 to index
        %get3A_286 = arith.constant 32 : index
        %get3A_287 = tpu.vector_load %arg6[%get3A_285, %get3A_286] {strides = array<i32>} : memref<62x128xf32, #tpu.memory_space<vmem>>, vector<16xf32>,
        %ge3A_288 = arith.cmpf oge, %get3A_287, %get3A_43 : vector<16xf32>
        %or3A_289 = arith.ori %or3A, %ge3A_288 : vector<16xi1>
        %get3A_290 = arith.index_cast %scan3A_276 : i32 to index
        %get3A_291 = arith.constant 48 : index
        %get3A_292 = tpu.vector_load %arg6[%get3A_290, %get3A_291] {strides = array<i32>} : memref<62x128xf32, #tpu.memory_space<vmem>>, vector<16xf32>,
        %ge3A_293 = arith.cmpf oge, %get3A_292, %get3A_43 : vector<16xf32>
        %or3A_294 = arith.ori %or3A_289, %ge3A_293 : vector<16xi1>
        %get3A_295 = arith.index_cast %scan3A_276 : i32 to index
        %get3A_296 = arith.constant 64 : index
        %get3A_297 = tpu.vector_load %arg6[%get3A_295, %get3A_296] {strides = array<i32>} : memref<62x128xf32, #tpu.memory_space<vmem>>, vector<16xf32>,
        %ge3A_298 = arith.cmpf oge, %get3A_297, %get3A_43 : vector<16xf32>
        %or3A_299 = arith.ori %or3A_294, %ge3A_298 : vector<16xi1>
        %get3A_300 = arith.index_cast %scan3A_276 : i32 to index
        %get3A_301 = arith.constant 80 : index
        %get3A_302 = tpu.vector_load %arg6[%get3A_300, %get3A_301] {strides = array<i32>} : memref<62x128xf32, #tpu.memory_space<vmem>>, vector<16xf32>,
        %ge3A_303 = arith.cmpf oge, %get3A_302, %get3A_43 : vector<16xf32>
        %or3A_304 = arith.ori %or3A_299, %ge3A_303 : vector<16xi1>
        %get3A_305 = arith.index_cast %scan3A_276 : i32 to index
        %get3A_306 = arith.constant 96 : index
        %get3A_307 = tpu.vector_load %arg6[%get3A_305, %get3A_306] {strides = array<i32>} : memref<62x128xf32, #tpu.memory_space<vmem>>, vector<16xf32>,
        %ge3A_308 = arith.cmpf oge, %get3A_307, %get3A_43 : vector<16xf32>
        %or3A_309 = arith.ori %or3A_304, %ge3A_308 : vector<16xi1>
        %get3A_310 = arith.index_cast %scan3A_276 : i32 to index
        %get3A_311 = arith.constant 112 : index
        %get3A_312 = tpu.vector_load %arg6[%get3A_310, %get3A_311] {strides = array<i32>} : memref<62x128xf32, #tpu.memory_space<vmem>>, vector<16xf32>,
        %ge3A_313 = arith.cmpf oge, %get3A_312, %get3A_43 : vector<16xf32>
        %or3A_314 = arith.ori %or3A_309, %ge3A_313 : vector<16xi1>
        %reduce_or3A = arith.constant 1.000000e+00 : f32
        %reduce_or3A_315 = arith.constant 0.000000e+00 : f32
        %reduce_or3A_316 = vector.broadcast %reduce_or3A : f32 to vector<16xf32>
        %reduce_or3A_317 = vector.broadcast %reduce_or3A_315 : f32 to vector<16xf32>
        %reduce_or3A_318 = arith.select %or3A_314, %reduce_or3A_316, %reduce_or3A_317 : vector<16xi1>, vector<16xf32>
        %reduce_or3A_319 = arith.constant true
        %reduce_or3A_320 = vector.broadcast %reduce_or3A_319 : i1 to vector<16xi1>
        %reduce_or3A_321 = tpu.scan <max>, %reduce_or3A_318 masked %reduce_or3A_320 : vector<16xf32>, vector<16xi1> -> vector<16xf32>
        %reduce_or3A_322 = vector.extract %reduce_or3A_321[15] : f32 from vector<16xf32>
        %reduce_or3A_323 = arith.constant 0.000000e+00 : f32
        %reduce_or3A_324 = arith.cmpf ogt, %reduce_or3A_322, %reduce_or3A_323 : f32
        %convert_element_type3A = arith.extui %reduce_or3A_324 : i1 to i32
        %cond3A = arith.constant 0 : i32
        %cond3A_325 = arith.cmpi ne, %convert_element_type3A, %cond3A : i32
        %cond3A_326 = scf.if %cond3A_325 -> (i32) {
          %mul3A_327 = arith.constant 128 : i32
          %mul3A_328 = arith.muli %scan3A_276, %mul3A_327 : i32
          %add3A_329 = arith.constant 0 : i32
          %add3A_330 = arith.addi %mul3A_328, %add3A_329 : i32
          %broadcast_in_dim3A_331 = vector.broadcast %add3A_330 : i32 to vector<16xi32>
          %add3A_332 = arith.addi %broadcast_in_dim3A_331, %iota3A : vector<16xi32>
          %get3A_333 = arith.index_cast %scan3A_276 : i32 to index
          %get3A_334 = arith.constant 0 : index
          %get3A_335 = tpu.vector_load %arg6[%get3A_333, %get3A_334] {strides = array<i32>} : memref<62x128xf32, #tpu.memory_space<vmem>>, vector<16xf32>,
          %ge3A_336 = arith.cmpf oge, %get3A_335, %get3A_43 : vector<16xf32>
          %lt3A_337 = arith.constant 7936 : i32
          %lt3A_338 = vector.broadcast %lt3A_337 : i32 to vector<16xi32>
          %lt3A_339 = arith.cmpi slt, %add3A_332, %lt3A_338 : vector<16xi32>
          %and3A_340 = arith.andi %ge3A_336, %lt3A_339 : vector<16xi1>
          %swap3A_341 = arith.index_cast %scan3A_277 : i32 to index
          %swap3A_342 = tpu.vector_load %arg11[%swap3A_341] masked %and3A_340 {strides = array<i32>} : memref<128xi32, #tpu.memory_space<vmem>>, vector<16xi32>, vector<16xi1>
          tpu.vector_store %arg11[%swap3A_341], %add3A_332 masked %and3A_340 {strides = array<i32>} : memref<128xi32, #tpu.memory_space<vmem>>, vector<16xi32>, vector<16xi1>
          %all_reduce_population_count3A = tpu.all_reduce %and3A_340 {dim = 0 : i64, kind = #tpu.reduction_kind<sum>} : vector<16xi1> -> vector<16xi32>
          %reduce_max3A = arith.constant true
          %reduce_max3A_343 = vector.broadcast %reduce_max3A : i1 to vector<16xi1>
          %reduce_max3A_344 = arith.constant -2147483648 : i32
          %reduce_max3A_345 = vector.broadcast %reduce_max3A_344 : i32 to vector<16xi32>
          %reduce_max3A_346 = arith.xori %all_reduce_population_count3A, %reduce_max3A_345 : vector<16xi32>
          %reduce_max3A_347 = tpu.scan <max>, %reduce_max3A_346 masked %reduce_max3A_343 : vector<16xi32>, vector<16xi1> -> vector<16xi32>
          %reduce_max3A_348 = arith.xori %reduce_max3A_347, %reduce_max3A_345 : vector<16xi32>
          %reduce_max3A_349 = vector.extract %reduce_max3A_348[15] : i32 from vector<16xi32>
          %add3A_350 = arith.addi %scan3A_277, %reduce_max3A_349 : i32
          %min3A = arith.constant 112 : i32
          %min3A_351 = arith.minsi %add3A_350, %min3A : i32
          %mul3A_352 = arith.constant 128 : i32
          %mul3A_353 = arith.muli %scan3A_276, %mul3A_352 : i32
          %add3A_354 = arith.constant 16 : i32
          %add3A_355 = arith.addi %mul3A_353, %add3A_354 : i32
          %broadcast_in_dim3A_356 = vector.broadcast %add3A_355 : i32 to vector<16xi32>
          %add3A_357 = arith.addi %broadcast_in_dim3A_356, %iota3A : vector<16xi32>
          %get3A_358 = arith.index_cast %scan3A_276 : i32 to index
          %get3A_359 = arith.constant 16 : index
          %get3A_360 = tpu.vector_load %arg6[%get3A_358, %get3A_359] {strides = array<i32>} : memref<62x128xf32, #tpu.memory_space<vmem>>, vector<16xf32>,
          %ge3A_361 = arith.cmpf oge, %get3A_360, %get3A_43 : vector<16xf32>
          %lt3A_362 = arith.constant 7936 : i32
          %lt3A_363 = vector.broadcast %lt3A_362 : i32 to vector<16xi32>
          %lt3A_364 = arith.cmpi slt, %add3A_357, %lt3A_363 : vector<16xi32>
          %and3A_365 = arith.andi %ge3A_361, %lt3A_364 : vector<16xi1>
          %swap3A_366 = arith.index_cast %min3A_351 : i32 to index
          %swap3A_367 = tpu.vector_load %arg11[%swap3A_366] masked %and3A_365 {strides = array<i32>} : memref<128xi32, #tpu.memory_space<vmem>>, vector<16xi32>, vector<16xi1>
          tpu.vector_store %arg11[%swap3A_366], %add3A_357 masked %and3A_365 {strides = array<i32>} : memref<128xi32, #tpu.memory_space<vmem>>, vector<16xi32>, vector<16xi1>
          %all_reduce_population_count3A_368 = tpu.all_reduce %and3A_365 {dim = 0 : i64, kind = #tpu.reduction_kind<sum>} : vector<16xi1> -> vector<16xi32>
          %reduce_max3A_369 = arith.constant true
          %reduce_max3A_370 = vector.broadcast %reduce_max3A_369 : i1 to vector<16xi1>
          %reduce_max3A_371 = arith.constant -2147483648 : i32
          %reduce_max3A_372 = vector.broadcast %reduce_max3A_371 : i32 to vector<16xi32>
          %reduce_max3A_373 = arith.xori %all_reduce_population_count3A_368, %reduce_max3A_372 : vector<16xi32>
          %reduce_max3A_374 = tpu.scan <max>, %reduce_max3A_373 masked %reduce_max3A_370 : vector<16xi32>, vector<16xi1> -> vector<16xi32>
          %reduce_max3A_375 = arith.xori %reduce_max3A_374, %reduce_max3A_372 : vector<16xi32>
          %reduce_max3A_376 = vector.extract %reduce_max3A_375[15] : i32 from vector<16xi32>
          %add3A_377 = arith.addi %min3A_351, %reduce_max3A_376 : i32
          %min3A_378 = arith.constant 112 : i32
          %min3A_379 = arith.minsi %add3A_377, %min3A_378 : i32
          %mul3A_380 = arith.constant 128 : i32
          %mul3A_381 = arith.muli %scan3A_276, %mul3A_380 : i32
          %add3A_382 = arith.constant 32 : i32
          %add3A_383 = arith.addi %mul3A_381, %add3A_382 : i32
          %broadcast_in_dim3A_384 = vector.broadcast %add3A_383 : i32 to vector<16xi32>
          %add3A_385 = arith.addi %broadcast_in_dim3A_384, %iota3A : vector<16xi32>
          %get3A_386 = arith.index_cast %scan3A_276 : i32 to index
          %get3A_387 = arith.constant 32 : index
          %get3A_388 = tpu.vector_load %arg6[%get3A_386, %get3A_387] {strides = array<i32>} : memref<62x128xf32, #tpu.memory_space<vmem>>, vector<16xf32>,
          %ge3A_389 = arith.cmpf oge, %get3A_388, %get3A_43 : vector<16xf32>
          %lt3A_390 = arith.constant 7936 : i32
          %lt3A_391 = vector.broadcast %lt3A_390 : i32 to vector<16xi32>
          %lt3A_392 = arith.cmpi slt, %add3A_385, %lt3A_391 : vector<16xi32>
          %and3A_393 = arith.andi %ge3A_389, %lt3A_392 : vector<16xi1>
          %swap3A_394 = arith.index_cast %min3A_379 : i32 to index
          %swap3A_395 = tpu.vector_load %arg11[%swap3A_394] masked %and3A_393 {strides = array<i32>} : memref<128xi32, #tpu.memory_space<vmem>>, vector<16xi32>, vector<16xi1>
          tpu.vector_store %arg11[%swap3A_394], %add3A_385 masked %and3A_393 {strides = array<i32>} : memref<128xi32, #tpu.memory_space<vmem>>, vector<16xi32>, vector<16xi1>
          %all_reduce_population_count3A_396 = tpu.all_reduce %and3A_393 {dim = 0 : i64, kind = #tpu.reduction_kind<sum>} : vector<16xi1> -> vector<16xi32>
          %reduce_max3A_397 = arith.constant true
          %reduce_max3A_398 = vector.broadcast %reduce_max3A_397 : i1 to vector<16xi1>
          %reduce_max3A_399 = arith.constant -2147483648 : i32
          %reduce_max3A_400 = vector.broadcast %reduce_max3A_399 : i32 to vector<16xi32>
          %reduce_max3A_401 = arith.xori %all_reduce_population_count3A_396, %reduce_max3A_400 : vector<16xi32>
          %reduce_max3A_402 = tpu.scan <max>, %reduce_max3A_401 masked %reduce_max3A_398 : vector<16xi32>, vector<16xi1> -> vector<16xi32>
          %reduce_max3A_403 = arith.xori %reduce_max3A_402, %reduce_max3A_400 : vector<16xi32>
          %reduce_max3A_404 = vector.extract %reduce_max3A_403[15] : i32 from vector<16xi32>
          %add3A_405 = arith.addi %min3A_379, %reduce_max3A_404 : i32
          %min3A_406 = arith.constant 112 : i32
          %min3A_407 = arith.minsi %add3A_405, %min3A_406 : i32
          %mul3A_408 = arith.constant 128 : i32
          %mul3A_409 = arith.muli %scan3A_276, %mul3A_408 : i32
          %add3A_410 = arith.constant 48 : i32
          %add3A_411 = arith.addi %mul3A_409, %add3A_410 : i32
          %broadcast_in_dim3A_412 = vector.broadcast %add3A_411 : i32 to vector<16xi32>
          %add3A_413 = arith.addi %broadcast_in_dim3A_412, %iota3A : vector<16xi32>
          %get3A_414 = arith.index_cast %scan3A_276 : i32 to index
          %get3A_415 = arith.constant 48 : index
          %get3A_416 = tpu.vector_load %arg6[%get3A_414, %get3A_415] {strides = array<i32>} : memref<62x128xf32, #tpu.memory_space<vmem>>, vector<16xf32>,
          %ge3A_417 = arith.cmpf oge, %get3A_416, %get3A_43 : vector<16xf32>
          %lt3A_418 = arith.constant 7936 : i32
          %lt3A_419 = vector.broadcast %lt3A_418 : i32 to vector<16xi32>
          %lt3A_420 = arith.cmpi slt, %add3A_413, %lt3A_419 : vector<16xi32>
          %and3A_421 = arith.andi %ge3A_417, %lt3A_420 : vector<16xi1>
          %swap3A_422 = arith.index_cast %min3A_407 : i32 to index
          %swap3A_423 = tpu.vector_load %arg11[%swap3A_422] masked %and3A_421 {strides = array<i32>} : memref<128xi32, #tpu.memory_space<vmem>>, vector<16xi32>, vector<16xi1>
          tpu.vector_store %arg11[%swap3A_422], %add3A_413 masked %and3A_421 {strides = array<i32>} : memref<128xi32, #tpu.memory_space<vmem>>, vector<16xi32>, vector<16xi1>
          %all_reduce_population_count3A_424 = tpu.all_reduce %and3A_421 {dim = 0 : i64, kind = #tpu.reduction_kind<sum>} : vector<16xi1> -> vector<16xi32>
          %reduce_max3A_425 = arith.constant true
          %reduce_max3A_426 = vector.broadcast %reduce_max3A_425 : i1 to vector<16xi1>
          %reduce_max3A_427 = arith.constant -2147483648 : i32
          %reduce_max3A_428 = vector.broadcast %reduce_max3A_427 : i32 to vector<16xi32>
          %reduce_max3A_429 = arith.xori %all_reduce_population_count3A_424, %reduce_max3A_428 : vector<16xi32>
          %reduce_max3A_430 = tpu.scan <max>, %reduce_max3A_429 masked %reduce_max3A_426 : vector<16xi32>, vector<16xi1> -> vector<16xi32>
          %reduce_max3A_431 = arith.xori %reduce_max3A_430, %reduce_max3A_428 : vector<16xi32>
          %reduce_max3A_432 = vector.extract %reduce_max3A_431[15] : i32 from vector<16xi32>
          %add3A_433 = arith.addi %min3A_407, %reduce_max3A_432 : i32
          %min3A_434 = arith.constant 112 : i32
          %min3A_435 = arith.minsi %add3A_433, %min3A_434 : i32
          %mul3A_436 = arith.constant 128 : i32
          %mul3A_437 = arith.muli %scan3A_276, %mul3A_436 : i32
          %add3A_438 = arith.constant 64 : i32
          %add3A_439 = arith.addi %mul3A_437, %add3A_438 : i32
          %broadcast_in_dim3A_440 = vector.broadcast %add3A_439 : i32 to vector<16xi32>
          %add3A_441 = arith.addi %broadcast_in_dim3A_440, %iota3A : vector<16xi32>
          %get3A_442 = arith.index_cast %scan3A_276 : i32 to index
          %get3A_443 = arith.constant 64 : index
          %get3A_444 = tpu.vector_load %arg6[%get3A_442, %get3A_443] {strides = array<i32>} : memref<62x128xf32, #tpu.memory_space<vmem>>, vector<16xf32>,
          %ge3A_445 = arith.cmpf oge, %get3A_444, %get3A_43 : vector<16xf32>
          %lt3A_446 = arith.constant 7936 : i32
          %lt3A_447 = vector.broadcast %lt3A_446 : i32 to vector<16xi32>
          %lt3A_448 = arith.cmpi slt, %add3A_441, %lt3A_447 : vector<16xi32>
          %and3A_449 = arith.andi %ge3A_445, %lt3A_448 : vector<16xi1>
          %swap3A_450 = arith.index_cast %min3A_435 : i32 to index
          %swap3A_451 = tpu.vector_load %arg11[%swap3A_450] masked %and3A_449 {strides = array<i32>} : memref<128xi32, #tpu.memory_space<vmem>>, vector<16xi32>, vector<16xi1>
          tpu.vector_store %arg11[%swap3A_450], %add3A_441 masked %and3A_449 {strides = array<i32>} : memref<128xi32, #tpu.memory_space<vmem>>, vector<16xi32>, vector<16xi1>
          %all_reduce_population_count3A_452 = tpu.all_reduce %and3A_449 {dim = 0 : i64, kind = #tpu.reduction_kind<sum>} : vector<16xi1> -> vector<16xi32>
          %reduce_max3A_453 = arith.constant true
          %reduce_max3A_454 = vector.broadcast %reduce_max3A_453 : i1 to vector<16xi1>
          %reduce_max3A_455 = arith.constant -2147483648 : i32
          %reduce_max3A_456 = vector.broadcast %reduce_max3A_455 : i32 to vector<16xi32>
          %reduce_max3A_457 = arith.xori %all_reduce_population_count3A_452, %reduce_max3A_456 : vector<16xi32>
          %reduce_max3A_458 = tpu.scan <max>, %reduce_max3A_457 masked %reduce_max3A_454 : vector<16xi32>, vector<16xi1> -> vector<16xi32>
          %reduce_max3A_459 = arith.xori %reduce_max3A_458, %reduce_max3A_456 : vector<16xi32>
          %reduce_max3A_460 = vector.extract %reduce_max3A_459[15] : i32 from vector<16xi32>
          %add3A_461 = arith.addi %min3A_435, %reduce_max3A_460 : i32
          %min3A_462 = arith.constant 112 : i32
          %min3A_463 = arith.minsi %add3A_461, %min3A_462 : i32
          %mul3A_464 = arith.constant 128 : i32
          %mul3A_465 = arith.muli %scan3A_276, %mul3A_464 : i32
          %add3A_466 = arith.constant 80 : i32
          %add3A_467 = arith.addi %mul3A_465, %add3A_466 : i32
          %broadcast_in_dim3A_468 = vector.broadcast %add3A_467 : i32 to vector<16xi32>
          %add3A_469 = arith.addi %broadcast_in_dim3A_468, %iota3A : vector<16xi32>
          %get3A_470 = arith.index_cast %scan3A_276 : i32 to index
          %get3A_471 = arith.constant 80 : index
          %get3A_472 = tpu.vector_load %arg6[%get3A_470, %get3A_471] {strides = array<i32>} : memref<62x128xf32, #tpu.memory_space<vmem>>, vector<16xf32>,
          %ge3A_473 = arith.cmpf oge, %get3A_472, %get3A_43 : vector<16xf32>
          %lt3A_474 = arith.constant 7936 : i32
          %lt3A_475 = vector.broadcast %lt3A_474 : i32 to vector<16xi32>
          %lt3A_476 = arith.cmpi slt, %add3A_469, %lt3A_475 : vector<16xi32>
          %and3A_477 = arith.andi %ge3A_473, %lt3A_476 : vector<16xi1>
          %swap3A_478 = arith.index_cast %min3A_463 : i32 to index
          %swap3A_479 = tpu.vector_load %arg11[%swap3A_478] masked %and3A_477 {strides = array<i32>} : memref<128xi32, #tpu.memory_space<vmem>>, vector<16xi32>, vector<16xi1>
          tpu.vector_store %arg11[%swap3A_478], %add3A_469 masked %and3A_477 {strides = array<i32>} : memref<128xi32, #tpu.memory_space<vmem>>, vector<16xi32>, vector<16xi1>
          %all_reduce_population_count3A_480 = tpu.all_reduce %and3A_477 {dim = 0 : i64, kind = #tpu.reduction_kind<sum>} : vector<16xi1> -> vector<16xi32>
          %reduce_max3A_481 = arith.constant true
          %reduce_max3A_482 = vector.broadcast %reduce_max3A_481 : i1 to vector<16xi1>
          %reduce_max3A_483 = arith.constant -2147483648 : i32
          %reduce_max3A_484 = vector.broadcast %reduce_max3A_483 : i32 to vector<16xi32>
          %reduce_max3A_485 = arith.xori %all_reduce_population_count3A_480, %reduce_max3A_484 : vector<16xi32>
          %reduce_max3A_486 = tpu.scan <max>, %reduce_max3A_485 masked %reduce_max3A_482 : vector<16xi32>, vector<16xi1> -> vector<16xi32>
          %reduce_max3A_487 = arith.xori %reduce_max3A_486, %reduce_max3A_484 : vector<16xi32>
          %reduce_max3A_488 = vector.extract %reduce_max3A_487[15] : i32 from vector<16xi32>
          %add3A_489 = arith.addi %min3A_463, %reduce_max3A_488 : i32
          %min3A_490 = arith.constant 112 : i32
          %min3A_491 = arith.minsi %add3A_489, %min3A_490 : i32
          %mul3A_492 = arith.constant 128 : i32
          %mul3A_493 = arith.muli %scan3A_276, %mul3A_492 : i32
          %add3A_494 = arith.constant 96 : i32
          %add3A_495 = arith.addi %mul3A_493, %add3A_494 : i32
          %broadcast_in_dim3A_496 = vector.broadcast %add3A_495 : i32 to vector<16xi32>
          %add3A_497 = arith.addi %broadcast_in_dim3A_496, %iota3A : vector<16xi32>
          %get3A_498 = arith.index_cast %scan3A_276 : i32 to index
          %get3A_499 = arith.constant 96 : index
          %get3A_500 = tpu.vector_load %arg6[%get3A_498, %get3A_499] {strides = array<i32>} : memref<62x128xf32, #tpu.memory_space<vmem>>, vector<16xf32>,
          %ge3A_501 = arith.cmpf oge, %get3A_500, %get3A_43 : vector<16xf32>
          %lt3A_502 = arith.constant 7936 : i32
          %lt3A_503 = vector.broadcast %lt3A_502 : i32 to vector<16xi32>
          %lt3A_504 = arith.cmpi slt, %add3A_497, %lt3A_503 : vector<16xi32>
          %and3A_505 = arith.andi %ge3A_501, %lt3A_504 : vector<16xi1>
          %swap3A_506 = arith.index_cast %min3A_491 : i32 to index
          %swap3A_507 = tpu.vector_load %arg11[%swap3A_506] masked %and3A_505 {strides = array<i32>} : memref<128xi32, #tpu.memory_space<vmem>>, vector<16xi32>, vector<16xi1>
          tpu.vector_store %arg11[%swap3A_506], %add3A_497 masked %and3A_505 {strides = array<i32>} : memref<128xi32, #tpu.memory_space<vmem>>, vector<16xi32>, vector<16xi1>
          %all_reduce_population_count3A_508 = tpu.all_reduce %and3A_505 {dim = 0 : i64, kind = #tpu.reduction_kind<sum>} : vector<16xi1> -> vector<16xi32>
          %reduce_max3A_509 = arith.constant true
          %reduce_max3A_510 = vector.broadcast %reduce_max3A_509 : i1 to vector<16xi1>
          %reduce_max3A_511 = arith.constant -2147483648 : i32
          %reduce_max3A_512 = vector.broadcast %reduce_max3A_511 : i32 to vector<16xi32>
          %reduce_max3A_513 = arith.xori %all_reduce_population_count3A_508, %reduce_max3A_512 : vector<16xi32>
          %reduce_max3A_514 = tpu.scan <max>, %reduce_max3A_513 masked %reduce_max3A_510 : vector<16xi32>, vector<16xi1> -> vector<16xi32>
          %reduce_max3A_515 = arith.xori %reduce_max3A_514, %reduce_max3A_512 : vector<16xi32>
          %reduce_max3A_516 = vector.extract %reduce_max3A_515[15] : i32 from vector<16xi32>
          %add3A_517 = arith.addi %min3A_491, %reduce_max3A_516 : i32
          %min3A_518 = arith.constant 112 : i32
          %min3A_519 = arith.minsi %add3A_517, %min3A_518 : i32
          %mul3A_520 = arith.constant 128 : i32
          %mul3A_521 = arith.muli %scan3A_276, %mul3A_520 : i32
          %add3A_522 = arith.constant 112 : i32
          %add3A_523 = arith.addi %mul3A_521, %add3A_522 : i32
          %broadcast_in_dim3A_524 = vector.broadcast %add3A_523 : i32 to vector<16xi32>
          %add3A_525 = arith.addi %broadcast_in_dim3A_524, %iota3A : vector<16xi32>
          %get3A_526 = arith.index_cast %scan3A_276 : i32 to index
          %get3A_527 = arith.constant 112 : index
          %get3A_528 = tpu.vector_load %arg6[%get3A_526, %get3A_527] {strides = array<i32>} : memref<62x128xf32, #tpu.memory_space<vmem>>, vector<16xf32>,
          %ge3A_529 = arith.cmpf oge, %get3A_528, %get3A_43 : vector<16xf32>
          %lt3A_530 = arith.constant 7936 : i32
          %lt3A_531 = vector.broadcast %lt3A_530 : i32 to vector<16xi32>
          %lt3A_532 = arith.cmpi slt, %add3A_525, %lt3A_531 : vector<16xi32>
          %and3A_533 = arith.andi %ge3A_529, %lt3A_532 : vector<16xi1>
          %swap3A_534 = arith.index_cast %min3A_519 : i32 to index
          %swap3A_535 = tpu.vector_load %arg11[%swap3A_534] masked %and3A_533 {strides = array<i32>} : memref<128xi32, #tpu.memory_space<vmem>>, vector<16xi32>, vector<16xi1>
          tpu.vector_store %arg11[%swap3A_534], %add3A_525 masked %and3A_533 {strides = array<i32>} : memref<128xi32, #tpu.memory_space<vmem>>, vector<16xi32>, vector<16xi1>
          %all_reduce_population_count3A_536 = tpu.all_reduce %and3A_533 {dim = 0 : i64, kind = #tpu.reduction_kind<sum>} : vector<16xi1> -> vector<16xi32>
          %reduce_max3A_537 = arith.constant true
          %reduce_max3A_538 = vector.broadcast %reduce_max3A_537 : i1 to vector<16xi1>
          %reduce_max3A_539 = arith.constant -2147483648 : i32
          %reduce_max3A_540 = vector.broadcast %reduce_max3A_539 : i32 to vector<16xi32>
          %reduce_max3A_541 = arith.xori %all_reduce_population_count3A_536, %reduce_max3A_540 : vector<16xi32>
          %reduce_max3A_542 = tpu.scan <max>, %reduce_max3A_541 masked %reduce_max3A_538 : vector<16xi32>, vector<16xi1> -> vector<16xi32>
          %reduce_max3A_543 = arith.xori %reduce_max3A_542, %reduce_max3A_540 : vector<16xi32>
          %reduce_max3A_544 = vector.extract %reduce_max3A_543[15] : i32 from vector<16xi32>
          %add3A_545 = arith.addi %min3A_519, %reduce_max3A_544 : i32
          %min3A_546 = arith.constant 112 : i32
          %min3A_547 = arith.minsi %add3A_545, %min3A_546 : i32
          scf.yield %min3A_547 : i32
        } else {
          scf.yield %scan3A_277 : i32
        }
        scf.yield %cond3A_326 : i32
      }
      %scan3A_57 = arith.constant 62 : i32
      %broadcast_in_dim3A_58 = arith.constant 0 : i32
      %broadcast_in_dim3A_59 = vector.broadcast %broadcast_in_dim3A_58 : i32 to vector<16xi32>
      %add3A_60 = arith.addi %broadcast_in_dim3A_59, %iota3A : vector<16xi32>
      %lt3A_61 = vector.broadcast %scan3A_56 : i32 to vector<16xi32>
      %lt3A_62 = arith.cmpi slt, %add3A_60, %lt3A_61 : vector<16xi32>
      %get3A_63 = arith.constant 0 : index
      %get3A_64 = tpu.vector_load %arg11[%get3A_63] {strides = array<i32>} : memref<128xi32, #tpu.memory_space<vmem>>, vector<16xi32>,
      %select_n3A_65 = arith.select %lt3A_62, %get3A_64, %add3A_60 : vector<16xi1>, vector<16xi32>
      %swap3A = arith.constant 0 : index
      %swap3A_66 = tpu.vector_load %arg11[%swap3A] {strides = array<i32>} : memref<128xi32, #tpu.memory_space<vmem>>, vector<16xi32>,
      tpu.vector_store %arg11[%swap3A], %select_n3A_65 {strides = array<i32>} : memref<128xi32, #tpu.memory_space<vmem>>, vector<16xi32>,
      %mul3A_67 = arith.constant 7936 : i32
      %mul3A_68 = arith.muli %select_n3A, %mul3A_67 : i32
      %add3A_69 = vector.broadcast %mul3A_68 : i32 to vector<16xi32>
      %add3A_70 = arith.addi %add3A_69, %select_n3A_65 : vector<16xi32>
      %mul3A_71 = arith.constant 8 : i32
      %mul3A_72 = vector.broadcast %mul3A_71 : i32 to vector<16xi32>
      %mul3A_73 = arith.muli %add3A_70, %mul3A_72 : vector<16xi32>
      %add3A_74 = vector.broadcast %select_n3A_42 : i32 to vector<16xi32>
      %add3A_75 = arith.addi %mul3A_73, %add3A_74 : vector<16xi32>
      %swap3A_76 = arith.constant 0 : index
      %swap3A_77 = tpu.vector_load %arg12[%swap3A_76] {strides = array<i32>} : memref<128xi32, #tpu.memory_space<vmem>>, vector<16xi32>,
      tpu.vector_store %arg12[%swap3A_76], %add3A_75 {strides = array<i32>} : memref<128xi32, #tpu.memory_space<vmem>>, vector<16xi32>,
      %broadcast_in_dim3A_78 = arith.constant 16 : i32
      %broadcast_in_dim3A_79 = vector.broadcast %broadcast_in_dim3A_78 : i32 to vector<16xi32>
      %add3A_80 = arith.addi %broadcast_in_dim3A_79, %iota3A : vector<16xi32>
      %lt3A_81 = vector.broadcast %scan3A_56 : i32 to vector<16xi32>
      %lt3A_82 = arith.cmpi slt, %add3A_80, %lt3A_81 : vector<16xi32>
      %get3A_83 = arith.constant 16 : index
      %get3A_84 = tpu.vector_load %arg11[%get3A_83] {strides = array<i32>} : memref<128xi32, #tpu.memory_space<vmem>>, vector<16xi32>,
      %select_n3A_85 = arith.select %lt3A_82, %get3A_84, %add3A_80 : vector<16xi1>, vector<16xi32>
      %swap3A_86 = arith.constant 16 : index
      %swap3A_87 = tpu.vector_load %arg11[%swap3A_86] {strides = array<i32>} : memref<128xi32, #tpu.memory_space<vmem>>, vector<16xi32>,
      tpu.vector_store %arg11[%swap3A_86], %select_n3A_85 {strides = array<i32>} : memref<128xi32, #tpu.memory_space<vmem>>, vector<16xi32>,
      %mul3A_88 = arith.constant 7936 : i32
      %mul3A_89 = arith.muli %select_n3A, %mul3A_88 : i32
      %add3A_90 = vector.broadcast %mul3A_89 : i32 to vector<16xi32>
      %add3A_91 = arith.addi %add3A_90, %select_n3A_85 : vector<16xi32>
      %mul3A_92 = arith.constant 8 : i32
      %mul3A_93 = vector.broadcast %mul3A_92 : i32 to vector<16xi32>
      %mul3A_94 = arith.muli %add3A_91, %mul3A_93 : vector<16xi32>
      %add3A_95 = vector.broadcast %select_n3A_42 : i32 to vector<16xi32>
      %add3A_96 = arith.addi %mul3A_94, %add3A_95 : vector<16xi32>
      %swap3A_97 = arith.constant 16 : index
      %swap3A_98 = tpu.vector_load %arg12[%swap3A_97] {strides = array<i32>} : memref<128xi32, #tpu.memory_space<vmem>>, vector<16xi32>,
      tpu.vector_store %arg12[%swap3A_97], %add3A_96 {strides = array<i32>} : memref<128xi32, #tpu.memory_space<vmem>>, vector<16xi32>,
      %broadcast_in_dim3A_99 = arith.constant 32 : i32
      %broadcast_in_dim3A_100 = vector.broadcast %broadcast_in_dim3A_99 : i32 to vector<16xi32>
      %add3A_101 = arith.addi %broadcast_in_dim3A_100, %iota3A : vector<16xi32>
      %lt3A_102 = vector.broadcast %scan3A_56 : i32 to vector<16xi32>
      %lt3A_103 = arith.cmpi slt, %add3A_101, %lt3A_102 : vector<16xi32>
      %get3A_104 = arith.constant 32 : index
      %get3A_105 = tpu.vector_load %arg11[%get3A_104] {strides = array<i32>} : memref<128xi32, #tpu.memory_space<vmem>>, vector<16xi32>,
      %select_n3A_106 = arith.select %lt3A_103, %get3A_105, %add3A_101 : vector<16xi1>, vector<16xi32>
      %swap3A_107 = arith.constant 32 : index
      %swap3A_108 = tpu.vector_load %arg11[%swap3A_107] {strides = array<i32>} : memref<128xi32, #tpu.memory_space<vmem>>, vector<16xi32>,
      tpu.vector_store %arg11[%swap3A_107], %select_n3A_106 {strides = array<i32>} : memref<128xi32, #tpu.memory_space<vmem>>, vector<16xi32>,
      %mul3A_109 = arith.constant 7936 : i32
      %mul3A_110 = arith.muli %select_n3A, %mul3A_109 : i32
      %add3A_111 = vector.broadcast %mul3A_110 : i32 to vector<16xi32>
      %add3A_112 = arith.addi %add3A_111, %select_n3A_106 : vector<16xi32>
      %mul3A_113 = arith.constant 8 : i32
      %mul3A_114 = vector.broadcast %mul3A_113 : i32 to vector<16xi32>
      %mul3A_115 = arith.muli %add3A_112, %mul3A_114 : vector<16xi32>
      %add3A_116 = vector.broadcast %select_n3A_42 : i32 to vector<16xi32>
      %add3A_117 = arith.addi %mul3A_115, %add3A_116 : vector<16xi32>
      %swap3A_118 = arith.constant 32 : index
      %swap3A_119 = tpu.vector_load %arg12[%swap3A_118] {strides = array<i32>} : memref<128xi32, #tpu.memory_space<vmem>>, vector<16xi32>,
      tpu.vector_store %arg12[%swap3A_118], %add3A_117 {strides = array<i32>} : memref<128xi32, #tpu.memory_space<vmem>>, vector<16xi32>,
      %broadcast_in_dim3A_120 = arith.constant 48 : i32
      %broadcast_in_dim3A_121 = vector.broadcast %broadcast_in_dim3A_120 : i32 to vector<16xi32>
      %add3A_122 = arith.addi %broadcast_in_dim3A_121, %iota3A : vector<16xi32>
      %lt3A_123 = vector.broadcast %scan3A_56 : i32 to vector<16xi32>
      %lt3A_124 = arith.cmpi slt, %add3A_122, %lt3A_123 : vector<16xi32>
      %get3A_125 = arith.constant 48 : index
      %get3A_126 = tpu.vector_load %arg11[%get3A_125] {strides = array<i32>} : memref<128xi32, #tpu.memory_space<vmem>>, vector<16xi32>,
      %select_n3A_127 = arith.select %lt3A_124, %get3A_126, %add3A_122 : vector<16xi1>, vector<16xi32>
      %swap3A_128 = arith.constant 48 : index
      %swap3A_129 = tpu.vector_load %arg11[%swap3A_128] {strides = array<i32>} : memref<128xi32, #tpu.memory_space<vmem>>, vector<16xi32>,
      tpu.vector_store %arg11[%swap3A_128], %select_n3A_127 {strides = array<i32>} : memref<128xi32, #tpu.memory_space<vmem>>, vector<16xi32>,
      %mul3A_130 = arith.constant 7936 : i32
      %mul3A_131 = arith.muli %select_n3A, %mul3A_130 : i32
      %add3A_132 = vector.broadcast %mul3A_131 : i32 to vector<16xi32>
      %add3A_133 = arith.addi %add3A_132, %select_n3A_127 : vector<16xi32>
      %mul3A_134 = arith.constant 8 : i32
      %mul3A_135 = vector.broadcast %mul3A_134 : i32 to vector<16xi32>
      %mul3A_136 = arith.muli %add3A_133, %mul3A_135 : vector<16xi32>
      %add3A_137 = vector.broadcast %select_n3A_42 : i32 to vector<16xi32>
      %add3A_138 = arith.addi %mul3A_136, %add3A_137 : vector<16xi32>
      %swap3A_139 = arith.constant 48 : index
      %swap3A_140 = tpu.vector_load %arg12[%swap3A_139] {strides = array<i32>} : memref<128xi32, #tpu.memory_space<vmem>>, vector<16xi32>,
      tpu.vector_store %arg12[%swap3A_139], %add3A_138 {strides = array<i32>} : memref<128xi32, #tpu.memory_space<vmem>>, vector<16xi32>,
      %broadcast_in_dim3A_141 = arith.constant 64 : i32
      %broadcast_in_dim3A_142 = vector.broadcast %broadcast_in_dim3A_141 : i32 to vector<16xi32>
      %add3A_143 = arith.addi %broadcast_in_dim3A_142, %iota3A : vector<16xi32>
      %lt3A_144 = vector.broadcast %scan3A_56 : i32 to vector<16xi32>
      %lt3A_145 = arith.cmpi slt, %add3A_143, %lt3A_144 : vector<16xi32>
      %get3A_146 = arith.constant 64 : index
      %get3A_147 = tpu.vector_load %arg11[%get3A_146] {strides = array<i32>} : memref<128xi32, #tpu.memory_space<vmem>>, vector<16xi32>,
      %select_n3A_148 = arith.select %lt3A_145, %get3A_147, %add3A_143 : vector<16xi1>, vector<16xi32>
      %swap3A_149 = arith.constant 64 : index
      %swap3A_150 = tpu.vector_load %arg11[%swap3A_149] {strides = array<i32>} : memref<128xi32, #tpu.memory_space<vmem>>, vector<16xi32>,
      tpu.vector_store %arg11[%swap3A_149], %select_n3A_148 {strides = array<i32>} : memref<128xi32, #tpu.memory_space<vmem>>, vector<16xi32>,
      %mul3A_151 = arith.constant 7936 : i32
      %mul3A_152 = arith.muli %select_n3A, %mul3A_151 : i32
      %add3A_153 = vector.broadcast %mul3A_152 : i32 to vector<16xi32>
      %add3A_154 = arith.addi %add3A_153, %select_n3A_148 : vector<16xi32>
      %mul3A_155 = arith.constant 8 : i32
      %mul3A_156 = vector.broadcast %mul3A_155 : i32 to vector<16xi32>
      %mul3A_157 = arith.muli %add3A_154, %mul3A_156 : vector<16xi32>
      %add3A_158 = vector.broadcast %select_n3A_42 : i32 to vector<16xi32>
      %add3A_159 = arith.addi %mul3A_157, %add3A_158 : vector<16xi32>
      %swap3A_160 = arith.constant 64 : index
      %swap3A_161 = tpu.vector_load %arg12[%swap3A_160] {strides = array<i32>} : memref<128xi32, #tpu.memory_space<vmem>>, vector<16xi32>,
      tpu.vector_store %arg12[%swap3A_160], %add3A_159 {strides = array<i32>} : memref<128xi32, #tpu.memory_space<vmem>>, vector<16xi32>,
      %broadcast_in_dim3A_162 = arith.constant 80 : i32
      %broadcast_in_dim3A_163 = vector.broadcast %broadcast_in_dim3A_162 : i32 to vector<16xi32>
      %add3A_164 = arith.addi %broadcast_in_dim3A_163, %iota3A : vector<16xi32>
      %lt3A_165 = vector.broadcast %scan3A_56 : i32 to vector<16xi32>
      %lt3A_166 = arith.cmpi slt, %add3A_164, %lt3A_165 : vector<16xi32>
      %get3A_167 = arith.constant 80 : index
      %get3A_168 = tpu.vector_load %arg11[%get3A_167] {strides = array<i32>} : memref<128xi32, #tpu.memory_space<vmem>>, vector<16xi32>,
      %select_n3A_169 = arith.select %lt3A_166, %get3A_168, %add3A_164 : vector<16xi1>, vector<16xi32>
      %swap3A_170 = arith.constant 80 : index
      %swap3A_171 = tpu.vector_load %arg11[%swap3A_170] {strides = array<i32>} : memref<128xi32, #tpu.memory_space<vmem>>, vector<16xi32>,
      tpu.vector_store %arg11[%swap3A_170], %select_n3A_169 {strides = array<i32>} : memref<128xi32, #tpu.memory_space<vmem>>, vector<16xi32>,
      %mul3A_172 = arith.constant 7936 : i32
      %mul3A_173 = arith.muli %select_n3A, %mul3A_172 : i32
      %add3A_174 = vector.broadcast %mul3A_173 : i32 to vector<16xi32>
      %add3A_175 = arith.addi %add3A_174, %select_n3A_169 : vector<16xi32>
      %mul3A_176 = arith.constant 8 : i32
      %mul3A_177 = vector.broadcast %mul3A_176 : i32 to vector<16xi32>
      %mul3A_178 = arith.muli %add3A_175, %mul3A_177 : vector<16xi32>
      %add3A_179 = vector.broadcast %select_n3A_42 : i32 to vector<16xi32>
      %add3A_180 = arith.addi %mul3A_178, %add3A_179 : vector<16xi32>
      %swap3A_181 = arith.constant 80 : index
      %swap3A_182 = tpu.vector_load %arg12[%swap3A_181] {strides = array<i32>} : memref<128xi32, #tpu.memory_space<vmem>>, vector<16xi32>,
      tpu.vector_store %arg12[%swap3A_181], %add3A_180 {strides = array<i32>} : memref<128xi32, #tpu.memory_space<vmem>>, vector<16xi32>,
      %broadcast_in_dim3A_183 = arith.constant 96 : i32
      %broadcast_in_dim3A_184 = vector.broadcast %broadcast_in_dim3A_183 : i32 to vector<16xi32>
      %add3A_185 = arith.addi %broadcast_in_dim3A_184, %iota3A : vector<16xi32>
      %lt3A_186 = vector.broadcast %scan3A_56 : i32 to vector<16xi32>
      %lt3A_187 = arith.cmpi slt, %add3A_185, %lt3A_186 : vector<16xi32>
      %get3A_188 = arith.constant 96 : index
      %get3A_189 = tpu.vector_load %arg11[%get3A_188] {strides = array<i32>} : memref<128xi32, #tpu.memory_space<vmem>>, vector<16xi32>,
      %select_n3A_190 = arith.select %lt3A_187, %get3A_189, %add3A_185 : vector<16xi1>, vector<16xi32>
      %swap3A_191 = arith.constant 96 : index
      %swap3A_192 = tpu.vector_load %arg11[%swap3A_191] {strides = array<i32>} : memref<128xi32, #tpu.memory_space<vmem>>, vector<16xi32>,
      tpu.vector_store %arg11[%swap3A_191], %select_n3A_190 {strides = array<i32>} : memref<128xi32, #tpu.memory_space<vmem>>, vector<16xi32>,
      %mul3A_193 = arith.constant 7936 : i32
      %mul3A_194 = arith.muli %select_n3A, %mul3A_193 : i32
      %add3A_195 = vector.broadcast %mul3A_194 : i32 to vector<16xi32>
      %add3A_196 = arith.addi %add3A_195, %select_n3A_190 : vector<16xi32>
      %mul3A_197 = arith.constant 8 : i32
      %mul3A_198 = vector.broadcast %mul3A_197 : i32 to vector<16xi32>
      %mul3A_199 = arith.muli %add3A_196, %mul3A_198 : vector<16xi32>
      %add3A_200 = vector.broadcast %select_n3A_42 : i32 to vector<16xi32>
      %add3A_201 = arith.addi %mul3A_199, %add3A_200 : vector<16xi32>
      %swap3A_202 = arith.constant 96 : index
      %swap3A_203 = tpu.vector_load %arg12[%swap3A_202] {strides = array<i32>} : memref<128xi32, #tpu.memory_space<vmem>>, vector<16xi32>,
      tpu.vector_store %arg12[%swap3A_202], %add3A_201 {strides = array<i32>} : memref<128xi32, #tpu.memory_space<vmem>>, vector<16xi32>,
      %broadcast_in_dim3A_204 = arith.constant 112 : i32
      %broadcast_in_dim3A_205 = vector.broadcast %broadcast_in_dim3A_204 : i32 to vector<16xi32>
      %add3A_206 = arith.addi %broadcast_in_dim3A_205, %iota3A : vector<16xi32>
      %lt3A_207 = vector.broadcast %scan3A_56 : i32 to vector<16xi32>
      %lt3A_208 = arith.cmpi slt, %add3A_206, %lt3A_207 : vector<16xi32>
      %get3A_209 = arith.constant 112 : index
      %get3A_210 = tpu.vector_load %arg11[%get3A_209] {strides = array<i32>} : memref<128xi32, #tpu.memory_space<vmem>>, vector<16xi32>,
      %select_n3A_211 = arith.select %lt3A_208, %get3A_210, %add3A_206 : vector<16xi1>, vector<16xi32>
      %swap3A_212 = arith.constant 112 : index
      %swap3A_213 = tpu.vector_load %arg11[%swap3A_212] {strides = array<i32>} : memref<128xi32, #tpu.memory_space<vmem>>, vector<16xi32>,
      tpu.vector_store %arg11[%swap3A_212], %select_n3A_211 {strides = array<i32>} : memref<128xi32, #tpu.memory_space<vmem>>, vector<16xi32>,
      %mul3A_214 = arith.constant 7936 : i32
      %mul3A_215 = arith.muli %select_n3A, %mul3A_214 : i32
      %add3A_216 = vector.broadcast %mul3A_215 : i32 to vector<16xi32>
      %add3A_217 = arith.addi %add3A_216, %select_n3A_211 : vector<16xi32>
      %mul3A_218 = arith.constant 8 : i32
      %mul3A_219 = vector.broadcast %mul3A_218 : i32 to vector<16xi32>
      %mul3A_220 = arith.muli %add3A_217, %mul3A_219 : vector<16xi32>
      %add3A_221 = vector.broadcast %select_n3A_42 : i32 to vector<16xi32>
      %add3A_222 = arith.addi %mul3A_220, %add3A_221 : vector<16xi32>
      %swap3A_223 = arith.constant 112 : index
      %swap3A_224 = tpu.vector_load %arg12[%swap3A_223] {strides = array<i32>} : memref<128xi32, #tpu.memory_space<vmem>>, vector<16xi32>,
      tpu.vector_store %arg12[%swap3A_223], %add3A_222 {strides = array<i32>} : memref<128xi32, #tpu.memory_space<vmem>>, vector<16xi32>,
      %dma_start3A = arith.constant 0 : i32
      %dma_start3A_225 = arith.constant 0 : i32
      %dma_start3A_226 = tpu.memref_slice %arg2[%dma_start3A, %dma_start3A_225] : memref<507904x128xf32, #tpu.memory_space<hbm>> -> memref<507904x128xf32, #tpu.memory_space<hbm>>
      tpu.enqueue_indirect_dma source(%dma_start3A_226 : memref<507904x128xf32, #tpu.memory_space<hbm>>) target(%arg7 : memref<128x128xf32, #tpu.memory_space<vmem>>) offsets(%arg12 : memref<128xi32, #tpu.memory_space<vmem>>) semaphore(%arg14 : memref<!tpu.dma_semaphore, #tpu.memory_space<semaphore_mem>>)
      %dma_wait3A = arith.constant 0 : i32
      %dma_wait3A_227 = arith.constant 0 : i32
      %dma_wait3A_228 = tpu.memref_slice %arg2[%dma_wait3A, %dma_wait3A_227] : memref<507904x128xf32, #tpu.memory_space<hbm>> -> memref<507904x128xf32, #tpu.memory_space<hbm>>
      tpu.wait_indirect_dma semaphore(%arg14 : memref<!tpu.dma_semaphore, #tpu.memory_space<semaphore_mem>>) src(%dma_wait3A_228 : memref<507904x128xf32, #tpu.memory_space<hbm>>) dst(%arg7 : memref<128x128xf32, #tpu.memory_space<vmem>>)
      %while3A = arith.constant 0 : i32
      %while3A_229 = arith.constant 0 : i32
      %while3A_230 = arith.subi %scan3A_56, %while3A : i32
      %while3A_231 = arith.addi %while3A, %while3A_230 : i32
      %while3A_232 = arith.constant 1 : i32
      %while3A_233 = arith.divsi %while3A_230, %while3A_232 : i32
      %while3A_234 = arith.muli %while3A_233, %while3A_232 : i32
      %while3A_235 = arith.addi %while3A, %while3A_234 : i32
      %while3A_236 = arith.constant 1 : i32
      %while3A_237 = scf.for %while3A_276 = %while3A to %while3A_235 step %while3A_236 iter_args(%while3A_277 = %while3A_229) -> (i32)  : i32 {
        %jit3A_278 = arith.constant 16 : i32
        %div3A_279 = arith.divsi %while3A_276, %jit3A_278 : i32
        %sign3A_280 = arith.constant 0 : i32
        %sign3A_281 = arith.cmpi sgt, %while3A_276, %sign3A_280 : i32
        %sign3A_282 = arith.extui %sign3A_281 : i1 to i32
        %sign3A_283 = arith.constant 0 : i32
        %sign3A_284 = arith.cmpi slt, %while3A_276, %sign3A_283 : i32
        %sign3A_285 = arith.extui %sign3A_284 : i1 to i32
        %sign3A_286 = arith.subi %sign3A_282, %sign3A_285 : i32
        %sign3A_287 = arith.constant 0 : i32
        %sign3A_288 = arith.cmpi sgt, %jit3A_278, %sign3A_287 : i32
        %sign3A_289 = arith.extui %sign3A_288 : i1 to i32
        %sign3A_290 = arith.constant 0 : i32
        %sign3A_291 = arith.cmpi slt, %jit3A_278, %sign3A_290 : i32
        %sign3A_292 = arith.extui %sign3A_291 : i1 to i32
        %sign3A_293 = arith.subi %sign3A_289, %sign3A_292 : i32
        %ne3A_294 = arith.cmpi ne, %sign3A_286, %sign3A_293 : i32
        %rem3A_295 = arith.remsi %while3A_276, %jit3A_278 : i32
        %ne3A_296 = arith.constant 0 : i32
        %ne3A_297 = arith.cmpi ne, %rem3A_295, %ne3A_296 : i32
        %and3A_298 = arith.andi %ne3A_294, %ne3A_297 : i1
        %sub3A_299 = arith.constant 1 : i32
        %sub3A_300 = arith.subi %div3A_279, %sub3A_299 : i32
        %select_n3A_301 = arith.select %and3A_298, %sub3A_300, %div3A_279 : i32
        %mul3A_302 = arith.constant 16 : i32
        %mul3A_303 = arith.muli %select_n3A_301, %mul3A_302 : i32
        %get3A_304 = arith.index_cast %mul3A_303 : i32 to index
        %get3A_305 = tpu.vector_load %arg11[%get3A_304] {strides = array<i32>} : memref<128xi32, #tpu.memory_space<vmem>>, vector<16xi32>,
        %jit3A_306 = arith.constant 16 : i32
        %eq3A_307 = arith.constant 0 : i32
        %eq3A_308 = arith.cmpi eq, %jit3A_306, %eq3A_307 : i32
        %jit3A_309 = arith.constant 1 : i32
        %select_n3A_310 = arith.select %eq3A_308, %jit3A_309, %jit3A_306 : i32
        %rem3A_311 = arith.remsi %while3A_276, %select_n3A_310 : i32
        %ne3A_312 = arith.constant 0 : i32
        %ne3A_313 = arith.cmpi ne, %rem3A_311, %ne3A_312 : i32
        %lt3A_314 = arith.constant 0 : i32
        %lt3A_315 = arith.cmpi slt, %rem3A_311, %lt3A_314 : i32
        %lt3A_316 = arith.constant 0 : i32
        %lt3A_317 = arith.cmpi slt, %select_n3A_310, %lt3A_316 : i32
        %ne3A_318 = arith.xori %lt3A_315, %lt3A_317 : i1
        %and3A_319 = arith.andi %ne3A_318, %ne3A_313 : i1
        %add3A_320 = arith.addi %rem3A_311, %select_n3A_310 : i32
        %select_n3A_321 = arith.select %and3A_319, %add3A_320, %rem3A_311 : i32
        %broadcast_in_dim3A_322 = vector.broadcast %select_n3A_321 : i32 to vector<16xi32>
        %lt3A_323 = arith.constant 0 : i32
        %lt3A_324 = vector.broadcast %lt3A_323 : i32 to vector<16xi32>
        %lt3A_325 = arith.cmpi slt, %broadcast_in_dim3A_322, %lt3A_324 : vector<16xi32>
        %add3A_326 = arith.constant 16 : i32
        %add3A_327 = vector.broadcast %add3A_326 : i32 to vector<16xi32>
        %add3A_328 = arith.addi %broadcast_in_dim3A_322, %add3A_327 : vector<16xi32>
        %select_n3A_329 = arith.select %lt3A_325, %add3A_328, %broadcast_in_dim3A_322 : vector<16xi1>, vector<16xi32>
        %reshape3A = vector.shape_cast %select_n3A_329 : vector<16xi32> to vector<16x1xi32>
        %gather3A = vector.shape_cast %reshape3A : vector<16x1xi32> to vector<16xi32>
        %gather3A_330 = tpu.dynamic_gather %get3A_305[%gather3A] in [0] : vector<16xi32>, vector<16xi32> -> vector<16xi32>
        %mul3A_331 = arith.constant 128 : i32
        %mul3A_332 = vector.broadcast %mul3A_331 : i32 to vector<16xi32>
        %mul3A_333 = arith.muli %gather3A_330, %mul3A_332 : vector<16xi32>
        %get3A_334 = arith.index_cast %while3A_276 : i32 to index
        %get3A_335 = arith.constant 0 : index
        %get3A_336 = tpu.vector_load %arg7[%get3A_334, %get3A_335] {strides = array<i32>} : memref<128x128xf32, #tpu.memory_space<vmem>>, vector<16xf32>,
        %ge3A = arith.cmpf oge, %get3A_336, %get3A_43 : vector<16xf32>
        %get3A_337 = arith.index_cast %while3A_276 : i32 to index
        %get3A_338 = arith.constant 16 : index
        %get3A_339 = tpu.vector_load %arg7[%get3A_337, %get3A_338] {strides = array<i32>} : memref<128x128xf32, #tpu.memory_space<vmem>>, vector<16xf32>,
        %ge3A_340 = arith.cmpf oge, %get3A_339, %get3A_43 : vector<16xf32>
        %or3A = arith.ori %ge3A, %ge3A_340 : vector<16xi1>
        %get3A_341 = arith.index_cast %while3A_276 : i32 to index
        %get3A_342 = arith.constant 32 : index
        %get3A_343 = tpu.vector_load %arg7[%get3A_341, %get3A_342] {strides = array<i32>} : memref<128x128xf32, #tpu.memory_space<vmem>>, vector<16xf32>,
        %ge3A_344 = arith.cmpf oge, %get3A_343, %get3A_43 : vector<16xf32>
        %or3A_345 = arith.ori %or3A, %ge3A_344 : vector<16xi1>
        %get3A_346 = arith.index_cast %while3A_276 : i32 to index
        %get3A_347 = arith.constant 48 : index
        %get3A_348 = tpu.vector_load %arg7[%get3A_346, %get3A_347] {strides = array<i32>} : memref<128x128xf32, #tpu.memory_space<vmem>>, vector<16xf32>,
        %ge3A_349 = arith.cmpf oge, %get3A_348, %get3A_43 : vector<16xf32>
        %or3A_350 = arith.ori %or3A_345, %ge3A_349 : vector<16xi1>
        %get3A_351 = arith.index_cast %while3A_276 : i32 to index
        %get3A_352 = arith.constant 64 : index
        %get3A_353 = tpu.vector_load %arg7[%get3A_351, %get3A_352] {strides = array<i32>} : memref<128x128xf32, #tpu.memory_space<vmem>>, vector<16xf32>,
        %ge3A_354 = arith.cmpf oge, %get3A_353, %get3A_43 : vector<16xf32>
        %or3A_355 = arith.ori %or3A_350, %ge3A_354 : vector<16xi1>
        %get3A_356 = arith.index_cast %while3A_276 : i32 to index
        %get3A_357 = arith.constant 80 : index
        %get3A_358 = tpu.vector_load %arg7[%get3A_356, %get3A_357] {strides = array<i32>} : memref<128x128xf32, #tpu.memory_space<vmem>>, vector<16xf32>,
        %ge3A_359 = arith.cmpf oge, %get3A_358, %get3A_43 : vector<16xf32>
        %or3A_360 = arith.ori %or3A_355, %ge3A_359 : vector<16xi1>
        %get3A_361 = arith.index_cast %while3A_276 : i32 to index
        %get3A_362 = arith.constant 96 : index
        %get3A_363 = tpu.vector_load %arg7[%get3A_361, %get3A_362] {strides = array<i32>} : memref<128x128xf32, #tpu.memory_space<vmem>>, vector<16xf32>,
        %ge3A_364 = arith.cmpf oge, %get3A_363, %get3A_43 : vector<16xf32>
        %or3A_365 = arith.ori %or3A_360, %ge3A_364 : vector<16xi1>
        %get3A_366 = arith.index_cast %while3A_276 : i32 to index
        %get3A_367 = arith.constant 112 : index
        %get3A_368 = tpu.vector_load %arg7[%get3A_366, %get3A_367] {strides = array<i32>} : memref<128x128xf32, #tpu.memory_space<vmem>>, vector<16xf32>,
        %ge3A_369 = arith.cmpf oge, %get3A_368, %get3A_43 : vector<16xf32>
        %or3A_370 = arith.ori %or3A_365, %ge3A_369 : vector<16xi1>
        %reduce_or3A = arith.constant 1.000000e+00 : f32
        %reduce_or3A_371 = arith.constant 0.000000e+00 : f32
        %reduce_or3A_372 = vector.broadcast %reduce_or3A : f32 to vector<16xf32>
        %reduce_or3A_373 = vector.broadcast %reduce_or3A_371 : f32 to vector<16xf32>
        %reduce_or3A_374 = arith.select %or3A_370, %reduce_or3A_372, %reduce_or3A_373 : vector<16xi1>, vector<16xf32>
        %reduce_or3A_375 = arith.constant true
        %reduce_or3A_376 = vector.broadcast %reduce_or3A_375 : i1 to vector<16xi1>
        %reduce_or3A_377 = tpu.scan <max>, %reduce_or3A_374 masked %reduce_or3A_376 : vector<16xf32>, vector<16xi1> -> vector<16xf32>
        %reduce_or3A_378 = vector.extract %reduce_or3A_377[15] : f32 from vector<16xf32>
        %reduce_or3A_379 = arith.constant 0.000000e+00 : f32
        %reduce_or3A_380 = arith.cmpf ogt, %reduce_or3A_378, %reduce_or3A_379 : f32
        %convert_element_type3A = arith.extui %reduce_or3A_380 : i1 to i32
        %cond3A = arith.constant 0 : i32
        %cond3A_381 = arith.cmpi ne, %convert_element_type3A, %cond3A : i32
        %cond3A_382 = scf.if %cond3A_381 -> (i32) {
          %get3A_383 = arith.index_cast %while3A_276 : i32 to index
          %get3A_384 = arith.constant 0 : index
          %get3A_385 = tpu.vector_load %arg7[%get3A_383, %get3A_384] {strides = array<i32>} : memref<128x128xf32, #tpu.memory_space<vmem>>, vector<16xf32>,
          %ge3A_386 = arith.cmpf oge, %get3A_385, %get3A_43 : vector<16xf32>
          %add3A_387 = arith.constant 0 : i32
          %add3A_388 = vector.broadcast %add3A_387 : i32 to vector<16xi32>
          %add3A_389 = arith.addi %mul3A_333, %add3A_388 : vector<16xi32>
          %add3A_390 = arith.addi %add3A_389, %iota3A : vector<16xi32>
          %swap3A_391 = arith.index_cast %while3A_277 : i32 to index
          %swap3A_392 = tpu.vector_load %arg8[%swap3A_391] masked %ge3A_386 {strides = array<i32>} : memref<1088xf32, #tpu.memory_space<vmem>>, vector<16xf32>, vector<16xi1>
          tpu.vector_store %arg8[%swap3A_391], %get3A_385 masked %ge3A_386 {strides = array<i32>} : memref<1088xf32, #tpu.memory_space<vmem>>, vector<16xf32>, vector<16xi1>
          %swap3A_393 = arith.index_cast %while3A_277 : i32 to index
          %swap3A_394 = tpu.vector_load %arg9[%swap3A_393] masked %ge3A_386 {strides = array<i32>} : memref<1088xi32, #tpu.memory_space<vmem>>, vector<16xi32>, vector<16xi1>
          tpu.vector_store %arg9[%swap3A_393], %add3A_390 masked %ge3A_386 {strides = array<i32>} : memref<1088xi32, #tpu.memory_space<vmem>>, vector<16xi32>, vector<16xi1>
          %all_reduce_population_count3A = tpu.all_reduce %ge3A_386 {dim = 0 : i64, kind = #tpu.reduction_kind<sum>} : vector<16xi1> -> vector<16xi32>
          %reduce_max3A = arith.constant true
          %reduce_max3A_395 = vector.broadcast %reduce_max3A : i1 to vector<16xi1>
          %reduce_max3A_396 = arith.constant -2147483648 : i32
          %reduce_max3A_397 = vector.broadcast %reduce_max3A_396 : i32 to vector<16xi32>
          %reduce_max3A_398 = arith.xori %all_reduce_population_count3A, %reduce_max3A_397 : vector<16xi32>
          %reduce_max3A_399 = tpu.scan <max>, %reduce_max3A_398 masked %reduce_max3A_395 : vector<16xi32>, vector<16xi1> -> vector<16xi32>
          %reduce_max3A_400 = arith.xori %reduce_max3A_399, %reduce_max3A_397 : vector<16xi32>
          %reduce_max3A_401 = vector.extract %reduce_max3A_400[15] : i32 from vector<16xi32>
          %add3A_402 = arith.addi %while3A_277, %reduce_max3A_401 : i32
          %min3A = arith.constant 1024 : i32
          %min3A_403 = arith.minsi %add3A_402, %min3A : i32
          %get3A_404 = arith.index_cast %while3A_276 : i32 to index
          %get3A_405 = arith.constant 16 : index
          %get3A_406 = tpu.vector_load %arg7[%get3A_404, %get3A_405] {strides = array<i32>} : memref<128x128xf32, #tpu.memory_space<vmem>>, vector<16xf32>,
          %ge3A_407 = arith.cmpf oge, %get3A_406, %get3A_43 : vector<16xf32>
          %add3A_408 = arith.constant 16 : i32
          %add3A_409 = vector.broadcast %add3A_408 : i32 to vector<16xi32>
          %add3A_410 = arith.addi %mul3A_333, %add3A_409 : vector<16xi32>
          %add3A_411 = arith.addi %add3A_410, %iota3A : vector<16xi32>
          %swap3A_412 = arith.index_cast %min3A_403 : i32 to index
          %swap3A_413 = tpu.vector_load %arg8[%swap3A_412] masked %ge3A_407 {strides = array<i32>} : memref<1088xf32, #tpu.memory_space<vmem>>, vector<16xf32>, vector<16xi1>
          tpu.vector_store %arg8[%swap3A_412], %get3A_406 masked %ge3A_407 {strides = array<i32>} : memref<1088xf32, #tpu.memory_space<vmem>>, vector<16xf32>, vector<16xi1>
          %swap3A_414 = arith.index_cast %min3A_403 : i32 to index
          %swap3A_415 = tpu.vector_load %arg9[%swap3A_414] masked %ge3A_407 {strides = array<i32>} : memref<1088xi32, #tpu.memory_space<vmem>>, vector<16xi32>, vector<16xi1>
          tpu.vector_store %arg9[%swap3A_414], %add3A_411 masked %ge3A_407 {strides = array<i32>} : memref<1088xi32, #tpu.memory_space<vmem>>, vector<16xi32>, vector<16xi1>
          %all_reduce_population_count3A_416 = tpu.all_reduce %ge3A_407 {dim = 0 : i64, kind = #tpu.reduction_kind<sum>} : vector<16xi1> -> vector<16xi32>
          %reduce_max3A_417 = arith.constant true
          %reduce_max3A_418 = vector.broadcast %reduce_max3A_417 : i1 to vector<16xi1>
          %reduce_max3A_419 = arith.constant -2147483648 : i32
          %reduce_max3A_420 = vector.broadcast %reduce_max3A_419 : i32 to vector<16xi32>
          %reduce_max3A_421 = arith.xori %all_reduce_population_count3A_416, %reduce_max3A_420 : vector<16xi32>
          %reduce_max3A_422 = tpu.scan <max>, %reduce_max3A_421 masked %reduce_max3A_418 : vector<16xi32>, vector<16xi1> -> vector<16xi32>
          %reduce_max3A_423 = arith.xori %reduce_max3A_422, %reduce_max3A_420 : vector<16xi32>
          %reduce_max3A_424 = vector.extract %reduce_max3A_423[15] : i32 from vector<16xi32>
          %add3A_425 = arith.addi %min3A_403, %reduce_max3A_424 : i32
          %min3A_426 = arith.constant 1024 : i32
          %min3A_427 = arith.minsi %add3A_425, %min3A_426 : i32
          %get3A_428 = arith.index_cast %while3A_276 : i32 to index
          %get3A_429 = arith.constant 32 : index
          %get3A_430 = tpu.vector_load %arg7[%get3A_428, %get3A_429] {strides = array<i32>} : memref<128x128xf32, #tpu.memory_space<vmem>>, vector<16xf32>,
          %ge3A_431 = arith.cmpf oge, %get3A_430, %get3A_43 : vector<16xf32>
          %add3A_432 = arith.constant 32 : i32
          %add3A_433 = vector.broadcast %add3A_432 : i32 to vector<16xi32>
          %add3A_434 = arith.addi %mul3A_333, %add3A_433 : vector<16xi32>
          %add3A_435 = arith.addi %add3A_434, %iota3A : vector<16xi32>
          %swap3A_436 = arith.index_cast %min3A_427 : i32 to index
          %swap3A_437 = tpu.vector_load %arg8[%swap3A_436] masked %ge3A_431 {strides = array<i32>} : memref<1088xf32, #tpu.memory_space<vmem>>, vector<16xf32>, vector<16xi1>
          tpu.vector_store %arg8[%swap3A_436], %get3A_430 masked %ge3A_431 {strides = array<i32>} : memref<1088xf32, #tpu.memory_space<vmem>>, vector<16xf32>, vector<16xi1>
          %swap3A_438 = arith.index_cast %min3A_427 : i32 to index
          %swap3A_439 = tpu.vector_load %arg9[%swap3A_438] masked %ge3A_431 {strides = array<i32>} : memref<1088xi32, #tpu.memory_space<vmem>>, vector<16xi32>, vector<16xi1>
          tpu.vector_store %arg9[%swap3A_438], %add3A_435 masked %ge3A_431 {strides = array<i32>} : memref<1088xi32, #tpu.memory_space<vmem>>, vector<16xi32>, vector<16xi1>
          %all_reduce_population_count3A_440 = tpu.all_reduce %ge3A_431 {dim = 0 : i64, kind = #tpu.reduction_kind<sum>} : vector<16xi1> -> vector<16xi32>
          %reduce_max3A_441 = arith.constant true
          %reduce_max3A_442 = vector.broadcast %reduce_max3A_441 : i1 to vector<16xi1>
          %reduce_max3A_443 = arith.constant -2147483648 : i32
          %reduce_max3A_444 = vector.broadcast %reduce_max3A_443 : i32 to vector<16xi32>
          %reduce_max3A_445 = arith.xori %all_reduce_population_count3A_440, %reduce_max3A_444 : vector<16xi32>
          %reduce_max3A_446 = tpu.scan <max>, %reduce_max3A_445 masked %reduce_max3A_442 : vector<16xi32>, vector<16xi1> -> vector<16xi32>
          %reduce_max3A_447 = arith.xori %reduce_max3A_446, %reduce_max3A_444 : vector<16xi32>
          %reduce_max3A_448 = vector.extract %reduce_max3A_447[15] : i32 from vector<16xi32>
          %add3A_449 = arith.addi %min3A_427, %reduce_max3A_448 : i32
          %min3A_450 = arith.constant 1024 : i32
          %min3A_451 = arith.minsi %add3A_449, %min3A_450 : i32
          %get3A_452 = arith.index_cast %while3A_276 : i32 to index
          %get3A_453 = arith.constant 48 : index
          %get3A_454 = tpu.vector_load %arg7[%get3A_452, %get3A_453] {strides = array<i32>} : memref<128x128xf32, #tpu.memory_space<vmem>>, vector<16xf32>,
          %ge3A_455 = arith.cmpf oge, %get3A_454, %get3A_43 : vector<16xf32>
          %add3A_456 = arith.constant 48 : i32
          %add3A_457 = vector.broadcast %add3A_456 : i32 to vector<16xi32>
          %add3A_458 = arith.addi %mul3A_333, %add3A_457 : vector<16xi32>
          %add3A_459 = arith.addi %add3A_458, %iota3A : vector<16xi32>
          %swap3A_460 = arith.index_cast %min3A_451 : i32 to index
          %swap3A_461 = tpu.vector_load %arg8[%swap3A_460] masked %ge3A_455 {strides = array<i32>} : memref<1088xf32, #tpu.memory_space<vmem>>, vector<16xf32>, vector<16xi1>
          tpu.vector_store %arg8[%swap3A_460], %get3A_454 masked %ge3A_455 {strides = array<i32>} : memref<1088xf32, #tpu.memory_space<vmem>>, vector<16xf32>, vector<16xi1>
          %swap3A_462 = arith.index_cast %min3A_451 : i32 to index
          %swap3A_463 = tpu.vector_load %arg9[%swap3A_462] masked %ge3A_455 {strides = array<i32>} : memref<1088xi32, #tpu.memory_space<vmem>>, vector<16xi32>, vector<16xi1>
          tpu.vector_store %arg9[%swap3A_462], %add3A_459 masked %ge3A_455 {strides = array<i32>} : memref<1088xi32, #tpu.memory_space<vmem>>, vector<16xi32>, vector<16xi1>
          %all_reduce_population_count3A_464 = tpu.all_reduce %ge3A_455 {dim = 0 : i64, kind = #tpu.reduction_kind<sum>} : vector<16xi1> -> vector<16xi32>
          %reduce_max3A_465 = arith.constant true
          %reduce_max3A_466 = vector.broadcast %reduce_max3A_465 : i1 to vector<16xi1>
          %reduce_max3A_467 = arith.constant -2147483648 : i32
          %reduce_max3A_468 = vector.broadcast %reduce_max3A_467 : i32 to vector<16xi32>
          %reduce_max3A_469 = arith.xori %all_reduce_population_count3A_464, %reduce_max3A_468 : vector<16xi32>
          %reduce_max3A_470 = tpu.scan <max>, %reduce_max3A_469 masked %reduce_max3A_466 : vector<16xi32>, vector<16xi1> -> vector<16xi32>
          %reduce_max3A_471 = arith.xori %reduce_max3A_470, %reduce_max3A_468 : vector<16xi32>
          %reduce_max3A_472 = vector.extract %reduce_max3A_471[15] : i32 from vector<16xi32>
          %add3A_473 = arith.addi %min3A_451, %reduce_max3A_472 : i32
          %min3A_474 = arith.constant 1024 : i32
          %min3A_475 = arith.minsi %add3A_473, %min3A_474 : i32
          %get3A_476 = arith.index_cast %while3A_276 : i32 to index
          %get3A_477 = arith.constant 64 : index
          %get3A_478 = tpu.vector_load %arg7[%get3A_476, %get3A_477] {strides = array<i32>} : memref<128x128xf32, #tpu.memory_space<vmem>>, vector<16xf32>,
          %ge3A_479 = arith.cmpf oge, %get3A_478, %get3A_43 : vector<16xf32>
          %add3A_480 = arith.constant 64 : i32
          %add3A_481 = vector.broadcast %add3A_480 : i32 to vector<16xi32>
          %add3A_482 = arith.addi %mul3A_333, %add3A_481 : vector<16xi32>
          %add3A_483 = arith.addi %add3A_482, %iota3A : vector<16xi32>
          %swap3A_484 = arith.index_cast %min3A_475 : i32 to index
          %swap3A_485 = tpu.vector_load %arg8[%swap3A_484] masked %ge3A_479 {strides = array<i32>} : memref<1088xf32, #tpu.memory_space<vmem>>, vector<16xf32>, vector<16xi1>
          tpu.vector_store %arg8[%swap3A_484], %get3A_478 masked %ge3A_479 {strides = array<i32>} : memref<1088xf32, #tpu.memory_space<vmem>>, vector<16xf32>, vector<16xi1>
          %swap3A_486 = arith.index_cast %min3A_475 : i32 to index
          %swap3A_487 = tpu.vector_load %arg9[%swap3A_486] masked %ge3A_479 {strides = array<i32>} : memref<1088xi32, #tpu.memory_space<vmem>>, vector<16xi32>, vector<16xi1>
          tpu.vector_store %arg9[%swap3A_486], %add3A_483 masked %ge3A_479 {strides = array<i32>} : memref<1088xi32, #tpu.memory_space<vmem>>, vector<16xi32>, vector<16xi1>
          %all_reduce_population_count3A_488 = tpu.all_reduce %ge3A_479 {dim = 0 : i64, kind = #tpu.reduction_kind<sum>} : vector<16xi1> -> vector<16xi32>
          %reduce_max3A_489 = arith.constant true
          %reduce_max3A_490 = vector.broadcast %reduce_max3A_489 : i1 to vector<16xi1>
          %reduce_max3A_491 = arith.constant -2147483648 : i32
          %reduce_max3A_492 = vector.broadcast %reduce_max3A_491 : i32 to vector<16xi32>
          %reduce_max3A_493 = arith.xori %all_reduce_population_count3A_488, %reduce_max3A_492 : vector<16xi32>
          %reduce_max3A_494 = tpu.scan <max>, %reduce_max3A_493 masked %reduce_max3A_490 : vector<16xi32>, vector<16xi1> -> vector<16xi32>
          %reduce_max3A_495 = arith.xori %reduce_max3A_494, %reduce_max3A_492 : vector<16xi32>
          %reduce_max3A_496 = vector.extract %reduce_max3A_495[15] : i32 from vector<16xi32>
          %add3A_497 = arith.addi %min3A_475, %reduce_max3A_496 : i32
          %min3A_498 = arith.constant 1024 : i32
          %min3A_499 = arith.minsi %add3A_497, %min3A_498 : i32
          %get3A_500 = arith.index_cast %while3A_276 : i32 to index
          %get3A_501 = arith.constant 80 : index
          %get3A_502 = tpu.vector_load %arg7[%get3A_500, %get3A_501] {strides = array<i32>} : memref<128x128xf32, #tpu.memory_space<vmem>>, vector<16xf32>,
          %ge3A_503 = arith.cmpf oge, %get3A_502, %get3A_43 : vector<16xf32>
          %add3A_504 = arith.constant 80 : i32
          %add3A_505 = vector.broadcast %add3A_504 : i32 to vector<16xi32>
          %add3A_506 = arith.addi %mul3A_333, %add3A_505 : vector<16xi32>
          %add3A_507 = arith.addi %add3A_506, %iota3A : vector<16xi32>
          %swap3A_508 = arith.index_cast %min3A_499 : i32 to index
          %swap3A_509 = tpu.vector_load %arg8[%swap3A_508] masked %ge3A_503 {strides = array<i32>} : memref<1088xf32, #tpu.memory_space<vmem>>, vector<16xf32>, vector<16xi1>
          tpu.vector_store %arg8[%swap3A_508], %get3A_502 masked %ge3A_503 {strides = array<i32>} : memref<1088xf32, #tpu.memory_space<vmem>>, vector<16xf32>, vector<16xi1>
          %swap3A_510 = arith.index_cast %min3A_499 : i32 to index
          %swap3A_511 = tpu.vector_load %arg9[%swap3A_510] masked %ge3A_503 {strides = array<i32>} : memref<1088xi32, #tpu.memory_space<vmem>>, vector<16xi32>, vector<16xi1>
          tpu.vector_store %arg9[%swap3A_510], %add3A_507 masked %ge3A_503 {strides = array<i32>} : memref<1088xi32, #tpu.memory_space<vmem>>, vector<16xi32>, vector<16xi1>
          %all_reduce_population_count3A_512 = tpu.all_reduce %ge3A_503 {dim = 0 : i64, kind = #tpu.reduction_kind<sum>} : vector<16xi1> -> vector<16xi32>
          %reduce_max3A_513 = arith.constant true
          %reduce_max3A_514 = vector.broadcast %reduce_max3A_513 : i1 to vector<16xi1>
          %reduce_max3A_515 = arith.constant -2147483648 : i32
          %reduce_max3A_516 = vector.broadcast %reduce_max3A_515 : i32 to vector<16xi32>
          %reduce_max3A_517 = arith.xori %all_reduce_population_count3A_512, %reduce_max3A_516 : vector<16xi32>
          %reduce_max3A_518 = tpu.scan <max>, %reduce_max3A_517 masked %reduce_max3A_514 : vector<16xi32>, vector<16xi1> -> vector<16xi32>
          %reduce_max3A_519 = arith.xori %reduce_max3A_518, %reduce_max3A_516 : vector<16xi32>
          %reduce_max3A_520 = vector.extract %reduce_max3A_519[15] : i32 from vector<16xi32>
          %add3A_521 = arith.addi %min3A_499, %reduce_max3A_520 : i32
          %min3A_522 = arith.constant 1024 : i32
          %min3A_523 = arith.minsi %add3A_521, %min3A_522 : i32
          %get3A_524 = arith.index_cast %while3A_276 : i32 to index
          %get3A_525 = arith.constant 96 : index
          %get3A_526 = tpu.vector_load %arg7[%get3A_524, %get3A_525] {strides = array<i32>} : memref<128x128xf32, #tpu.memory_space<vmem>>, vector<16xf32>,
          %ge3A_527 = arith.cmpf oge, %get3A_526, %get3A_43 : vector<16xf32>
          %add3A_528 = arith.constant 96 : i32
          %add3A_529 = vector.broadcast %add3A_528 : i32 to vector<16xi32>
          %add3A_530 = arith.addi %mul3A_333, %add3A_529 : vector<16xi32>
          %add3A_531 = arith.addi %add3A_530, %iota3A : vector<16xi32>
          %swap3A_532 = arith.index_cast %min3A_523 : i32 to index
          %swap3A_533 = tpu.vector_load %arg8[%swap3A_532] masked %ge3A_527 {strides = array<i32>} : memref<1088xf32, #tpu.memory_space<vmem>>, vector<16xf32>, vector<16xi1>
          tpu.vector_store %arg8[%swap3A_532], %get3A_526 masked %ge3A_527 {strides = array<i32>} : memref<1088xf32, #tpu.memory_space<vmem>>, vector<16xf32>, vector<16xi1>
          %swap3A_534 = arith.index_cast %min3A_523 : i32 to index
          %swap3A_535 = tpu.vector_load %arg9[%swap3A_534] masked %ge3A_527 {strides = array<i32>} : memref<1088xi32, #tpu.memory_space<vmem>>, vector<16xi32>, vector<16xi1>
          tpu.vector_store %arg9[%swap3A_534], %add3A_531 masked %ge3A_527 {strides = array<i32>} : memref<1088xi32, #tpu.memory_space<vmem>>, vector<16xi32>, vector<16xi1>
          %all_reduce_population_count3A_536 = tpu.all_reduce %ge3A_527 {dim = 0 : i64, kind = #tpu.reduction_kind<sum>} : vector<16xi1> -> vector<16xi32>
          %reduce_max3A_537 = arith.constant true
          %reduce_max3A_538 = vector.broadcast %reduce_max3A_537 : i1 to vector<16xi1>
          %reduce_max3A_539 = arith.constant -2147483648 : i32
          %reduce_max3A_540 = vector.broadcast %reduce_max3A_539 : i32 to vector<16xi32>
          %reduce_max3A_541 = arith.xori %all_reduce_population_count3A_536, %reduce_max3A_540 : vector<16xi32>
          %reduce_max3A_542 = tpu.scan <max>, %reduce_max3A_541 masked %reduce_max3A_538 : vector<16xi32>, vector<16xi1> -> vector<16xi32>
          %reduce_max3A_543 = arith.xori %reduce_max3A_542, %reduce_max3A_540 : vector<16xi32>
          %reduce_max3A_544 = vector.extract %reduce_max3A_543[15] : i32 from vector<16xi32>
          %add3A_545 = arith.addi %min3A_523, %reduce_max3A_544 : i32
          %min3A_546 = arith.constant 1024 : i32
          %min3A_547 = arith.minsi %add3A_545, %min3A_546 : i32
          %get3A_548 = arith.index_cast %while3A_276 : i32 to index
          %get3A_549 = arith.constant 112 : index
          %get3A_550 = tpu.vector_load %arg7[%get3A_548, %get3A_549] {strides = array<i32>} : memref<128x128xf32, #tpu.memory_space<vmem>>, vector<16xf32>,
          %ge3A_551 = arith.cmpf oge, %get3A_550, %get3A_43 : vector<16xf32>
          %add3A_552 = arith.constant 112 : i32
          %add3A_553 = vector.broadcast %add3A_552 : i32 to vector<16xi32>
          %add3A_554 = arith.addi %mul3A_333, %add3A_553 : vector<16xi32>
          %add3A_555 = arith.addi %add3A_554, %iota3A : vector<16xi32>
          %swap3A_556 = arith.index_cast %min3A_547 : i32 to index
          %swap3A_557 = tpu.vector_load %arg8[%swap3A_556] masked %ge3A_551 {strides = array<i32>} : memref<1088xf32, #tpu.memory_space<vmem>>, vector<16xf32>, vector<16xi1>
          tpu.vector_store %arg8[%swap3A_556], %get3A_550 masked %ge3A_551 {strides = array<i32>} : memref<1088xf32, #tpu.memory_space<vmem>>, vector<16xf32>, vector<16xi1>
          %swap3A_558 = arith.index_cast %min3A_547 : i32 to index
          %swap3A_559 = tpu.vector_load %arg9[%swap3A_558] masked %ge3A_551 {strides = array<i32>} : memref<1088xi32, #tpu.memory_space<vmem>>, vector<16xi32>, vector<16xi1>
          tpu.vector_store %arg9[%swap3A_558], %add3A_555 masked %ge3A_551 {strides = array<i32>} : memref<1088xi32, #tpu.memory_space<vmem>>, vector<16xi32>, vector<16xi1>
          %all_reduce_population_count3A_560 = tpu.all_reduce %ge3A_551 {dim = 0 : i64, kind = #tpu.reduction_kind<sum>} : vector<16xi1> -> vector<16xi32>
          %reduce_max3A_561 = arith.constant true
          %reduce_max3A_562 = vector.broadcast %reduce_max3A_561 : i1 to vector<16xi1>
          %reduce_max3A_563 = arith.constant -2147483648 : i32
          %reduce_max3A_564 = vector.broadcast %reduce_max3A_563 : i32 to vector<16xi32>
          %reduce_max3A_565 = arith.xori %all_reduce_population_count3A_560, %reduce_max3A_564 : vector<16xi32>
          %reduce_max3A_566 = tpu.scan <max>, %reduce_max3A_565 masked %reduce_max3A_562 : vector<16xi32>, vector<16xi1> -> vector<16xi32>
          %reduce_max3A_567 = arith.xori %reduce_max3A_566, %reduce_max3A_564 : vector<16xi32>
          %reduce_max3A_568 = vector.extract %reduce_max3A_567[15] : i32 from vector<16xi32>
          %add3A_569 = arith.addi %min3A_547, %reduce_max3A_568 : i32
          %min3A_570 = arith.constant 1024 : i32
          %min3A_571 = arith.minsi %add3A_569, %min3A_570 : i32
          scf.yield %min3A_571 : i32
        } else {
          scf.yield %while3A_277 : i32
        }
        scf.yield %cond3A_382 : i32
      }
      %while3A_238 = arith.constant 1 : i32
      %while3A_239 = scf.for %while3A_276 = %while3A_235 to %while3A_231 step %while3A_238 iter_args(%while3A_277 = %while3A_237) -> (i32)  : i32 {
        %jit3A_278 = arith.constant 16 : i32
        %div3A_279 = arith.divsi %while3A_276, %jit3A_278 : i32
        %sign3A_280 = arith.constant 0 : i32
        %sign3A_281 = arith.cmpi sgt, %while3A_276, %sign3A_280 : i32
        %sign3A_282 = arith.extui %sign3A_281 : i1 to i32
        %sign3A_283 = arith.constant 0 : i32
        %sign3A_284 = arith.cmpi slt, %while3A_276, %sign3A_283 : i32
        %sign3A_285 = arith.extui %sign3A_284 : i1 to i32
        %sign3A_286 = arith.subi %sign3A_282, %sign3A_285 : i32
        %sign3A_287 = arith.constant 0 : i32
        %sign3A_288 = arith.cmpi sgt, %jit3A_278, %sign3A_287 : i32
        %sign3A_289 = arith.extui %sign3A_288 : i1 to i32
        %sign3A_290 = arith.constant 0 : i32
        %sign3A_291 = arith.cmpi slt, %jit3A_278, %sign3A_290 : i32
        %sign3A_292 = arith.extui %sign3A_291 : i1 to i32
        %sign3A_293 = arith.subi %sign3A_289, %sign3A_292 : i32
        %ne3A_294 = arith.cmpi ne, %sign3A_286, %sign3A_293 : i32
        %rem3A_295 = arith.remsi %while3A_276, %jit3A_278 : i32
        %ne3A_296 = arith.constant 0 : i32
        %ne3A_297 = arith.cmpi ne, %rem3A_295, %ne3A_296 : i32
        %and3A_298 = arith.andi %ne3A_294, %ne3A_297 : i1
        %sub3A_299 = arith.constant 1 : i32
        %sub3A_300 = arith.subi %div3A_279, %sub3A_299 : i32
        %select_n3A_301 = arith.select %and3A_298, %sub3A_300, %div3A_279 : i32
        %mul3A_302 = arith.constant 16 : i32
        %mul3A_303 = arith.muli %select_n3A_301, %mul3A_302 : i32
        %get3A_304 = arith.index_cast %mul3A_303 : i32 to index
        %get3A_305 = tpu.vector_load %arg11[%get3A_304] {strides = array<i32>} : memref<128xi32, #tpu.memory_space<vmem>>, vector<16xi32>,
        %jit3A_306 = arith.constant 16 : i32
        %eq3A_307 = arith.constant 0 : i32
        %eq3A_308 = arith.cmpi eq, %jit3A_306, %eq3A_307 : i32
        %jit3A_309 = arith.constant 1 : i32
        %select_n3A_310 = arith.select %eq3A_308, %jit3A_309, %jit3A_306 : i32
        %rem3A_311 = arith.remsi %while3A_276, %select_n3A_310 : i32
        %ne3A_312 = arith.constant 0 : i32
        %ne3A_313 = arith.cmpi ne, %rem3A_311, %ne3A_312 : i32
        %lt3A_314 = arith.constant 0 : i32
        %lt3A_315 = arith.cmpi slt, %rem3A_311, %lt3A_314 : i32
        %lt3A_316 = arith.constant 0 : i32
        %lt3A_317 = arith.cmpi slt, %select_n3A_310, %lt3A_316 : i32
        %ne3A_318 = arith.xori %lt3A_315, %lt3A_317 : i1
        %and3A_319 = arith.andi %ne3A_318, %ne3A_313 : i1
        %add3A_320 = arith.addi %rem3A_311, %select_n3A_310 : i32
        %select_n3A_321 = arith.select %and3A_319, %add3A_320, %rem3A_311 : i32
        %broadcast_in_dim3A_322 = vector.broadcast %select_n3A_321 : i32 to vector<16xi32>
        %lt3A_323 = arith.constant 0 : i32
        %lt3A_324 = vector.broadcast %lt3A_323 : i32 to vector<16xi32>
        %lt3A_325 = arith.cmpi slt, %broadcast_in_dim3A_322, %lt3A_324 : vector<16xi32>
        %add3A_326 = arith.constant 16 : i32
        %add3A_327 = vector.broadcast %add3A_326 : i32 to vector<16xi32>
        %add3A_328 = arith.addi %broadcast_in_dim3A_322, %add3A_327 : vector<16xi32>
        %select_n3A_329 = arith.select %lt3A_325, %add3A_328, %broadcast_in_dim3A_322 : vector<16xi1>, vector<16xi32>
        %reshape3A = vector.shape_cast %select_n3A_329 : vector<16xi32> to vector<16x1xi32>
        %gather3A = vector.shape_cast %reshape3A : vector<16x1xi32> to vector<16xi32>
        %gather3A_330 = tpu.dynamic_gather %get3A_305[%gather3A] in [0] : vector<16xi32>, vector<16xi32> -> vector<16xi32>
        %mul3A_331 = arith.constant 128 : i32
        %mul3A_332 = vector.broadcast %mul3A_331 : i32 to vector<16xi32>
        %mul3A_333 = arith.muli %gather3A_330, %mul3A_332 : vector<16xi32>
        %get3A_334 = arith.index_cast %while3A_276 : i32 to index
        %get3A_335 = arith.constant 0 : index
        %get3A_336 = tpu.vector_load %arg7[%get3A_334, %get3A_335] {strides = array<i32>} : memref<128x128xf32, #tpu.memory_space<vmem>>, vector<16xf32>,
        %ge3A = arith.cmpf oge, %get3A_336, %get3A_43 : vector<16xf32>
        %get3A_337 = arith.index_cast %while3A_276 : i32 to index
        %get3A_338 = arith.constant 16 : index
        %get3A_339 = tpu.vector_load %arg7[%get3A_337, %get3A_338] {strides = array<i32>} : memref<128x128xf32, #tpu.memory_space<vmem>>, vector<16xf32>,
        %ge3A_340 = arith.cmpf oge, %get3A_339, %get3A_43 : vector<16xf32>
        %or3A = arith.ori %ge3A, %ge3A_340 : vector<16xi1>
        %get3A_341 = arith.index_cast %while3A_276 : i32 to index
        %get3A_342 = arith.constant 32 : index
        %get3A_343 = tpu.vector_load %arg7[%get3A_341, %get3A_342] {strides = array<i32>} : memref<128x128xf32, #tpu.memory_space<vmem>>, vector<16xf32>,
        %ge3A_344 = arith.cmpf oge, %get3A_343, %get3A_43 : vector<16xf32>
        %or3A_345 = arith.ori %or3A, %ge3A_344 : vector<16xi1>
        %get3A_346 = arith.index_cast %while3A_276 : i32 to index
        %get3A_347 = arith.constant 48 : index
        %get3A_348 = tpu.vector_load %arg7[%get3A_346, %get3A_347] {strides = array<i32>} : memref<128x128xf32, #tpu.memory_space<vmem>>, vector<16xf32>,
        %ge3A_349 = arith.cmpf oge, %get3A_348, %get3A_43 : vector<16xf32>
        %or3A_350 = arith.ori %or3A_345, %ge3A_349 : vector<16xi1>
        %get3A_351 = arith.index_cast %while3A_276 : i32 to index
        %get3A_352 = arith.constant 64 : index
        %get3A_353 = tpu.vector_load %arg7[%get3A_351, %get3A_352] {strides = array<i32>} : memref<128x128xf32, #tpu.memory_space<vmem>>, vector<16xf32>,
        %ge3A_354 = arith.cmpf oge, %get3A_353, %get3A_43 : vector<16xf32>
        %or3A_355 = arith.ori %or3A_350, %ge3A_354 : vector<16xi1>
        %get3A_356 = arith.index_cast %while3A_276 : i32 to index
        %get3A_357 = arith.constant 80 : index
        %get3A_358 = tpu.vector_load %arg7[%get3A_356, %get3A_357] {strides = array<i32>} : memref<128x128xf32, #tpu.memory_space<vmem>>, vector<16xf32>,
        %ge3A_359 = arith.cmpf oge, %get3A_358, %get3A_43 : vector<16xf32>
        %or3A_360 = arith.ori %or3A_355, %ge3A_359 : vector<16xi1>
        %get3A_361 = arith.index_cast %while3A_276 : i32 to index
        %get3A_362 = arith.constant 96 : index
        %get3A_363 = tpu.vector_load %arg7[%get3A_361, %get3A_362] {strides = array<i32>} : memref<128x128xf32, #tpu.memory_space<vmem>>, vector<16xf32>,
        %ge3A_364 = arith.cmpf oge, %get3A_363, %get3A_43 : vector<16xf32>
        %or3A_365 = arith.ori %or3A_360, %ge3A_364 : vector<16xi1>
        %get3A_366 = arith.index_cast %while3A_276 : i32 to index
        %get3A_367 = arith.constant 112 : index
        %get3A_368 = tpu.vector_load %arg7[%get3A_366, %get3A_367] {strides = array<i32>} : memref<128x128xf32, #tpu.memory_space<vmem>>, vector<16xf32>,
        %ge3A_369 = arith.cmpf oge, %get3A_368, %get3A_43 : vector<16xf32>
        %or3A_370 = arith.ori %or3A_365, %ge3A_369 : vector<16xi1>
        %reduce_or3A = arith.constant 1.000000e+00 : f32
        %reduce_or3A_371 = arith.constant 0.000000e+00 : f32
        %reduce_or3A_372 = vector.broadcast %reduce_or3A : f32 to vector<16xf32>
        %reduce_or3A_373 = vector.broadcast %reduce_or3A_371 : f32 to vector<16xf32>
        %reduce_or3A_374 = arith.select %or3A_370, %reduce_or3A_372, %reduce_or3A_373 : vector<16xi1>, vector<16xf32>
        %reduce_or3A_375 = arith.constant true
        %reduce_or3A_376 = vector.broadcast %reduce_or3A_375 : i1 to vector<16xi1>
        %reduce_or3A_377 = tpu.scan <max>, %reduce_or3A_374 masked %reduce_or3A_376 : vector<16xf32>, vector<16xi1> -> vector<16xf32>
        %reduce_or3A_378 = vector.extract %reduce_or3A_377[15] : f32 from vector<16xf32>
        %reduce_or3A_379 = arith.constant 0.000000e+00 : f32
        %reduce_or3A_380 = arith.cmpf ogt, %reduce_or3A_378, %reduce_or3A_379 : f32
        %convert_element_type3A = arith.extui %reduce_or3A_380 : i1 to i32
        %cond3A = arith.constant 0 : i32
        %cond3A_381 = arith.cmpi ne, %convert_element_type3A, %cond3A : i32
        %cond3A_382 = scf.if %cond3A_381 -> (i32) {
          %get3A_383 = arith.index_cast %while3A_276 : i32 to index
          %get3A_384 = arith.constant 0 : index
          %get3A_385 = tpu.vector_load %arg7[%get3A_383, %get3A_384] {strides = array<i32>} : memref<128x128xf32, #tpu.memory_space<vmem>>, vector<16xf32>,
          %ge3A_386 = arith.cmpf oge, %get3A_385, %get3A_43 : vector<16xf32>
          %add3A_387 = arith.constant 0 : i32
          %add3A_388 = vector.broadcast %add3A_387 : i32 to vector<16xi32>
          %add3A_389 = arith.addi %mul3A_333, %add3A_388 : vector<16xi32>
          %add3A_390 = arith.addi %add3A_389, %iota3A : vector<16xi32>
          %swap3A_391 = arith.index_cast %while3A_277 : i32 to index
          %swap3A_392 = tpu.vector_load %arg8[%swap3A_391] masked %ge3A_386 {strides = array<i32>} : memref<1088xf32, #tpu.memory_space<vmem>>, vector<16xf32>, vector<16xi1>
          tpu.vector_store %arg8[%swap3A_391], %get3A_385 masked %ge3A_386 {strides = array<i32>} : memref<1088xf32, #tpu.memory_space<vmem>>, vector<16xf32>, vector<16xi1>
          %swap3A_393 = arith.index_cast %while3A_277 : i32 to index
          %swap3A_394 = tpu.vector_load %arg9[%swap3A_393] masked %ge3A_386 {strides = array<i32>} : memref<1088xi32, #tpu.memory_space<vmem>>, vector<16xi32>, vector<16xi1>
          tpu.vector_store %arg9[%swap3A_393], %add3A_390 masked %ge3A_386 {strides = array<i32>} : memref<1088xi32, #tpu.memory_space<vmem>>, vector<16xi32>, vector<16xi1>
          %all_reduce_population_count3A = tpu.all_reduce %ge3A_386 {dim = 0 : i64, kind = #tpu.reduction_kind<sum>} : vector<16xi1> -> vector<16xi32>
          %reduce_max3A = arith.constant true
          %reduce_max3A_395 = vector.broadcast %reduce_max3A : i1 to vector<16xi1>
          %reduce_max3A_396 = arith.constant -2147483648 : i32
          %reduce_max3A_397 = vector.broadcast %reduce_max3A_396 : i32 to vector<16xi32>
          %reduce_max3A_398 = arith.xori %all_reduce_population_count3A, %reduce_max3A_397 : vector<16xi32>
          %reduce_max3A_399 = tpu.scan <max>, %reduce_max3A_398 masked %reduce_max3A_395 : vector<16xi32>, vector<16xi1> -> vector<16xi32>
          %reduce_max3A_400 = arith.xori %reduce_max3A_399, %reduce_max3A_397 : vector<16xi32>
          %reduce_max3A_401 = vector.extract %reduce_max3A_400[15] : i32 from vector<16xi32>
          %add3A_402 = arith.addi %while3A_277, %reduce_max3A_401 : i32
          %min3A = arith.constant 1024 : i32
          %min3A_403 = arith.minsi %add3A_402, %min3A : i32
          %get3A_404 = arith.index_cast %while3A_276 : i32 to index
          %get3A_405 = arith.constant 16 : index
          %get3A_406 = tpu.vector_load %arg7[%get3A_404, %get3A_405] {strides = array<i32>} : memref<128x128xf32, #tpu.memory_space<vmem>>, vector<16xf32>,
          %ge3A_407 = arith.cmpf oge, %get3A_406, %get3A_43 : vector<16xf32>
          %add3A_408 = arith.constant 16 : i32
          %add3A_409 = vector.broadcast %add3A_408 : i32 to vector<16xi32>
          %add3A_410 = arith.addi %mul3A_333, %add3A_409 : vector<16xi32>
          %add3A_411 = arith.addi %add3A_410, %iota3A : vector<16xi32>
          %swap3A_412 = arith.index_cast %min3A_403 : i32 to index
          %swap3A_413 = tpu.vector_load %arg8[%swap3A_412] masked %ge3A_407 {strides = array<i32>} : memref<1088xf32, #tpu.memory_space<vmem>>, vector<16xf32>, vector<16xi1>
          tpu.vector_store %arg8[%swap3A_412], %get3A_406 masked %ge3A_407 {strides = array<i32>} : memref<1088xf32, #tpu.memory_space<vmem>>, vector<16xf32>, vector<16xi1>
          %swap3A_414 = arith.index_cast %min3A_403 : i32 to index
          %swap3A_415 = tpu.vector_load %arg9[%swap3A_414] masked %ge3A_407 {strides = array<i32>} : memref<1088xi32, #tpu.memory_space<vmem>>, vector<16xi32>, vector<16xi1>
          tpu.vector_store %arg9[%swap3A_414], %add3A_411 masked %ge3A_407 {strides = array<i32>} : memref<1088xi32, #tpu.memory_space<vmem>>, vector<16xi32>, vector<16xi1>
          %all_reduce_population_count3A_416 = tpu.all_reduce %ge3A_407 {dim = 0 : i64, kind = #tpu.reduction_kind<sum>} : vector<16xi1> -> vector<16xi32>
          %reduce_max3A_417 = arith.constant true
          %reduce_max3A_418 = vector.broadcast %reduce_max3A_417 : i1 to vector<16xi1>
          %reduce_max3A_419 = arith.constant -2147483648 : i32
          %reduce_max3A_420 = vector.broadcast %reduce_max3A_419 : i32 to vector<16xi32>
          %reduce_max3A_421 = arith.xori %all_reduce_population_count3A_416, %reduce_max3A_420 : vector<16xi32>
          %reduce_max3A_422 = tpu.scan <max>, %reduce_max3A_421 masked %reduce_max3A_418 : vector<16xi32>, vector<16xi1> -> vector<16xi32>
          %reduce_max3A_423 = arith.xori %reduce_max3A_422, %reduce_max3A_420 : vector<16xi32>
          %reduce_max3A_424 = vector.extract %reduce_max3A_423[15] : i32 from vector<16xi32>
          %add3A_425 = arith.addi %min3A_403, %reduce_max3A_424 : i32
          %min3A_426 = arith.constant 1024 : i32
          %min3A_427 = arith.minsi %add3A_425, %min3A_426 : i32
          %get3A_428 = arith.index_cast %while3A_276 : i32 to index
          %get3A_429 = arith.constant 32 : index
          %get3A_430 = tpu.vector_load %arg7[%get3A_428, %get3A_429] {strides = array<i32>} : memref<128x128xf32, #tpu.memory_space<vmem>>, vector<16xf32>,
          %ge3A_431 = arith.cmpf oge, %get3A_430, %get3A_43 : vector<16xf32>
          %add3A_432 = arith.constant 32 : i32
          %add3A_433 = vector.broadcast %add3A_432 : i32 to vector<16xi32>
          %add3A_434 = arith.addi %mul3A_333, %add3A_433 : vector<16xi32>
          %add3A_435 = arith.addi %add3A_434, %iota3A : vector<16xi32>
          %swap3A_436 = arith.index_cast %min3A_427 : i32 to index
          %swap3A_437 = tpu.vector_load %arg8[%swap3A_436] masked %ge3A_431 {strides = array<i32>} : memref<1088xf32, #tpu.memory_space<vmem>>, vector<16xf32>, vector<16xi1>
          tpu.vector_store %arg8[%swap3A_436], %get3A_430 masked %ge3A_431 {strides = array<i32>} : memref<1088xf32, #tpu.memory_space<vmem>>, vector<16xf32>, vector<16xi1>
          %swap3A_438 = arith.index_cast %min3A_427 : i32 to index
          %swap3A_439 = tpu.vector_load %arg9[%swap3A_438] masked %ge3A_431 {strides = array<i32>} : memref<1088xi32, #tpu.memory_space<vmem>>, vector<16xi32>, vector<16xi1>
          tpu.vector_store %arg9[%swap3A_438], %add3A_435 masked %ge3A_431 {strides = array<i32>} : memref<1088xi32, #tpu.memory_space<vmem>>, vector<16xi32>, vector<16xi1>
          %all_reduce_population_count3A_440 = tpu.all_reduce %ge3A_431 {dim = 0 : i64, kind = #tpu.reduction_kind<sum>} : vector<16xi1> -> vector<16xi32>
          %reduce_max3A_441 = arith.constant true
          %reduce_max3A_442 = vector.broadcast %reduce_max3A_441 : i1 to vector<16xi1>
          %reduce_max3A_443 = arith.constant -2147483648 : i32
          %reduce_max3A_444 = vector.broadcast %reduce_max3A_443 : i32 to vector<16xi32>
          %reduce_max3A_445 = arith.xori %all_reduce_population_count3A_440, %reduce_max3A_444 : vector<16xi32>
          %reduce_max3A_446 = tpu.scan <max>, %reduce_max3A_445 masked %reduce_max3A_442 : vector<16xi32>, vector<16xi1> -> vector<16xi32>
          %reduce_max3A_447 = arith.xori %reduce_max3A_446, %reduce_max3A_444 : vector<16xi32>
          %reduce_max3A_448 = vector.extract %reduce_max3A_447[15] : i32 from vector<16xi32>
          %add3A_449 = arith.addi %min3A_427, %reduce_max3A_448 : i32
          %min3A_450 = arith.constant 1024 : i32
          %min3A_451 = arith.minsi %add3A_449, %min3A_450 : i32
          %get3A_452 = arith.index_cast %while3A_276 : i32 to index
          %get3A_453 = arith.constant 48 : index
          %get3A_454 = tpu.vector_load %arg7[%get3A_452, %get3A_453] {strides = array<i32>} : memref<128x128xf32, #tpu.memory_space<vmem>>, vector<16xf32>,
          %ge3A_455 = arith.cmpf oge, %get3A_454, %get3A_43 : vector<16xf32>
          %add3A_456 = arith.constant 48 : i32
          %add3A_457 = vector.broadcast %add3A_456 : i32 to vector<16xi32>
          %add3A_458 = arith.addi %mul3A_333, %add3A_457 : vector<16xi32>
          %add3A_459 = arith.addi %add3A_458, %iota3A : vector<16xi32>
          %swap3A_460 = arith.index_cast %min3A_451 : i32 to index
          %swap3A_461 = tpu.vector_load %arg8[%swap3A_460] masked %ge3A_455 {strides = array<i32>} : memref<1088xf32, #tpu.memory_space<vmem>>, vector<16xf32>, vector<16xi1>
          tpu.vector_store %arg8[%swap3A_460], %get3A_454 masked %ge3A_455 {strides = array<i32>} : memref<1088xf32, #tpu.memory_space<vmem>>, vector<16xf32>, vector<16xi1>
          %swap3A_462 = arith.index_cast %min3A_451 : i32 to index
          %swap3A_463 = tpu.vector_load %arg9[%swap3A_462] masked %ge3A_455 {strides = array<i32>} : memref<1088xi32, #tpu.memory_space<vmem>>, vector<16xi32>, vector<16xi1>
          tpu.vector_store %arg9[%swap3A_462], %add3A_459 masked %ge3A_455 {strides = array<i32>} : memref<1088xi32, #tpu.memory_space<vmem>>, vector<16xi32>, vector<16xi1>
          %all_reduce_population_count3A_464 = tpu.all_reduce %ge3A_455 {dim = 0 : i64, kind = #tpu.reduction_kind<sum>} : vector<16xi1> -> vector<16xi32>
          %reduce_max3A_465 = arith.constant true
          %reduce_max3A_466 = vector.broadcast %reduce_max3A_465 : i1 to vector<16xi1>
          %reduce_max3A_467 = arith.constant -2147483648 : i32
          %reduce_max3A_468 = vector.broadcast %reduce_max3A_467 : i32 to vector<16xi32>
          %reduce_max3A_469 = arith.xori %all_reduce_population_count3A_464, %reduce_max3A_468 : vector<16xi32>
          %reduce_max3A_470 = tpu.scan <max>, %reduce_max3A_469 masked %reduce_max3A_466 : vector<16xi32>, vector<16xi1> -> vector<16xi32>
          %reduce_max3A_471 = arith.xori %reduce_max3A_470, %reduce_max3A_468 : vector<16xi32>
          %reduce_max3A_472 = vector.extract %reduce_max3A_471[15] : i32 from vector<16xi32>
          %add3A_473 = arith.addi %min3A_451, %reduce_max3A_472 : i32
          %min3A_474 = arith.constant 1024 : i32
          %min3A_475 = arith.minsi %add3A_473, %min3A_474 : i32
          %get3A_476 = arith.index_cast %while3A_276 : i32 to index
          %get3A_477 = arith.constant 64 : index
          %get3A_478 = tpu.vector_load %arg7[%get3A_476, %get3A_477] {strides = array<i32>} : memref<128x128xf32, #tpu.memory_space<vmem>>, vector<16xf32>,
          %ge3A_479 = arith.cmpf oge, %get3A_478, %get3A_43 : vector<16xf32>
          %add3A_480 = arith.constant 64 : i32
          %add3A_481 = vector.broadcast %add3A_480 : i32 to vector<16xi32>
          %add3A_482 = arith.addi %mul3A_333, %add3A_481 : vector<16xi32>
          %add3A_483 = arith.addi %add3A_482, %iota3A : vector<16xi32>
          %swap3A_484 = arith.index_cast %min3A_475 : i32 to index
          %swap3A_485 = tpu.vector_load %arg8[%swap3A_484] masked %ge3A_479 {strides = array<i32>} : memref<1088xf32, #tpu.memory_space<vmem>>, vector<16xf32>, vector<16xi1>
          tpu.vector_store %arg8[%swap3A_484], %get3A_478 masked %ge3A_479 {strides = array<i32>} : memref<1088xf32, #tpu.memory_space<vmem>>, vector<16xf32>, vector<16xi1>
          %swap3A_486 = arith.index_cast %min3A_475 : i32 to index
          %swap3A_487 = tpu.vector_load %arg9[%swap3A_486] masked %ge3A_479 {strides = array<i32>} : memref<1088xi32, #tpu.memory_space<vmem>>, vector<16xi32>, vector<16xi1>
          tpu.vector_store %arg9[%swap3A_486], %add3A_483 masked %ge3A_479 {strides = array<i32>} : memref<1088xi32, #tpu.memory_space<vmem>>, vector<16xi32>, vector<16xi1>
          %all_reduce_population_count3A_488 = tpu.all_reduce %ge3A_479 {dim = 0 : i64, kind = #tpu.reduction_kind<sum>} : vector<16xi1> -> vector<16xi32>
          %reduce_max3A_489 = arith.constant true
          %reduce_max3A_490 = vector.broadcast %reduce_max3A_489 : i1 to vector<16xi1>
          %reduce_max3A_491 = arith.constant -2147483648 : i32
          %reduce_max3A_492 = vector.broadcast %reduce_max3A_491 : i32 to vector<16xi32>
          %reduce_max3A_493 = arith.xori %all_reduce_population_count3A_488, %reduce_max3A_492 : vector<16xi32>
          %reduce_max3A_494 = tpu.scan <max>, %reduce_max3A_493 masked %reduce_max3A_490 : vector<16xi32>, vector<16xi1> -> vector<16xi32>
          %reduce_max3A_495 = arith.xori %reduce_max3A_494, %reduce_max3A_492 : vector<16xi32>
          %reduce_max3A_496 = vector.extract %reduce_max3A_495[15] : i32 from vector<16xi32>
          %add3A_497 = arith.addi %min3A_475, %reduce_max3A_496 : i32
          %min3A_498 = arith.constant 1024 : i32
          %min3A_499 = arith.minsi %add3A_497, %min3A_498 : i32
          %get3A_500 = arith.index_cast %while3A_276 : i32 to index
          %get3A_501 = arith.constant 80 : index
          %get3A_502 = tpu.vector_load %arg7[%get3A_500, %get3A_501] {strides = array<i32>} : memref<128x128xf32, #tpu.memory_space<vmem>>, vector<16xf32>,
          %ge3A_503 = arith.cmpf oge, %get3A_502, %get3A_43 : vector<16xf32>
          %add3A_504 = arith.constant 80 : i32
          %add3A_505 = vector.broadcast %add3A_504 : i32 to vector<16xi32>
          %add3A_506 = arith.addi %mul3A_333, %add3A_505 : vector<16xi32>
          %add3A_507 = arith.addi %add3A_506, %iota3A : vector<16xi32>
          %swap3A_508 = arith.index_cast %min3A_499 : i32 to index
          %swap3A_509 = tpu.vector_load %arg8[%swap3A_508] masked %ge3A_503 {strides = array<i32>} : memref<1088xf32, #tpu.memory_space<vmem>>, vector<16xf32>, vector<16xi1>
          tpu.vector_store %arg8[%swap3A_508], %get3A_502 masked %ge3A_503 {strides = array<i32>} : memref<1088xf32, #tpu.memory_space<vmem>>, vector<16xf32>, vector<16xi1>
          %swap3A_510 = arith.index_cast %min3A_499 : i32 to index
          %swap3A_511 = tpu.vector_load %arg9[%swap3A_510] masked %ge3A_503 {strides = array<i32>} : memref<1088xi32, #tpu.memory_space<vmem>>, vector<16xi32>, vector<16xi1>
          tpu.vector_store %arg9[%swap3A_510], %add3A_507 masked %ge3A_503 {strides = array<i32>} : memref<1088xi32, #tpu.memory_space<vmem>>, vector<16xi32>, vector<16xi1>
          %all_reduce_population_count3A_512 = tpu.all_reduce %ge3A_503 {dim = 0 : i64, kind = #tpu.reduction_kind<sum>} : vector<16xi1> -> vector<16xi32>
          %reduce_max3A_513 = arith.constant true
          %reduce_max3A_514 = vector.broadcast %reduce_max3A_513 : i1 to vector<16xi1>
          %reduce_max3A_515 = arith.constant -2147483648 : i32
          %reduce_max3A_516 = vector.broadcast %reduce_max3A_515 : i32 to vector<16xi32>
          %reduce_max3A_517 = arith.xori %all_reduce_population_count3A_512, %reduce_max3A_516 : vector<16xi32>
          %reduce_max3A_518 = tpu.scan <max>, %reduce_max3A_517 masked %reduce_max3A_514 : vector<16xi32>, vector<16xi1> -> vector<16xi32>
          %reduce_max3A_519 = arith.xori %reduce_max3A_518, %reduce_max3A_516 : vector<16xi32>
          %reduce_max3A_520 = vector.extract %reduce_max3A_519[15] : i32 from vector<16xi32>
          %add3A_521 = arith.addi %min3A_499, %reduce_max3A_520 : i32
          %min3A_522 = arith.constant 1024 : i32
          %min3A_523 = arith.minsi %add3A_521, %min3A_522 : i32
          %get3A_524 = arith.index_cast %while3A_276 : i32 to index
          %get3A_525 = arith.constant 96 : index
          %get3A_526 = tpu.vector_load %arg7[%get3A_524, %get3A_525] {strides = array<i32>} : memref<128x128xf32, #tpu.memory_space<vmem>>, vector<16xf32>,
          %ge3A_527 = arith.cmpf oge, %get3A_526, %get3A_43 : vector<16xf32>
          %add3A_528 = arith.constant 96 : i32
          %add3A_529 = vector.broadcast %add3A_528 : i32 to vector<16xi32>
          %add3A_530 = arith.addi %mul3A_333, %add3A_529 : vector<16xi32>
          %add3A_531 = arith.addi %add3A_530, %iota3A : vector<16xi32>
          %swap3A_532 = arith.index_cast %min3A_523 : i32 to index
          %swap3A_533 = tpu.vector_load %arg8[%swap3A_532] masked %ge3A_527 {strides = array<i32>} : memref<1088xf32, #tpu.memory_space<vmem>>, vector<16xf32>, vector<16xi1>
          tpu.vector_store %arg8[%swap3A_532], %get3A_526 masked %ge3A_527 {strides = array<i32>} : memref<1088xf32, #tpu.memory_space<vmem>>, vector<16xf32>, vector<16xi1>
          %swap3A_534 = arith.index_cast %min3A_523 : i32 to index
          %swap3A_535 = tpu.vector_load %arg9[%swap3A_534] masked %ge3A_527 {strides = array<i32>} : memref<1088xi32, #tpu.memory_space<vmem>>, vector<16xi32>, vector<16xi1>
          tpu.vector_store %arg9[%swap3A_534], %add3A_531 masked %ge3A_527 {strides = array<i32>} : memref<1088xi32, #tpu.memory_space<vmem>>, vector<16xi32>, vector<16xi1>
          %all_reduce_population_count3A_536 = tpu.all_reduce %ge3A_527 {dim = 0 : i64, kind = #tpu.reduction_kind<sum>} : vector<16xi1> -> vector<16xi32>
          %reduce_max3A_537 = arith.constant true
          %reduce_max3A_538 = vector.broadcast %reduce_max3A_537 : i1 to vector<16xi1>
          %reduce_max3A_539 = arith.constant -2147483648 : i32
          %reduce_max3A_540 = vector.broadcast %reduce_max3A_539 : i32 to vector<16xi32>
          %reduce_max3A_541 = arith.xori %all_reduce_population_count3A_536, %reduce_max3A_540 : vector<16xi32>
          %reduce_max3A_542 = tpu.scan <max>, %reduce_max3A_541 masked %reduce_max3A_538 : vector<16xi32>, vector<16xi1> -> vector<16xi32>
          %reduce_max3A_543 = arith.xori %reduce_max3A_542, %reduce_max3A_540 : vector<16xi32>
          %reduce_max3A_544 = vector.extract %reduce_max3A_543[15] : i32 from vector<16xi32>
          %add3A_545 = arith.addi %min3A_523, %reduce_max3A_544 : i32
          %min3A_546 = arith.constant 1024 : i32
          %min3A_547 = arith.minsi %add3A_545, %min3A_546 : i32
          %get3A_548 = arith.index_cast %while3A_276 : i32 to index
          %get3A_549 = arith.constant 112 : index
          %get3A_550 = tpu.vector_load %arg7[%get3A_548, %get3A_549] {strides = array<i32>} : memref<128x128xf32, #tpu.memory_space<vmem>>, vector<16xf32>,
          %ge3A_551 = arith.cmpf oge, %get3A_550, %get3A_43 : vector<16xf32>
          %add3A_552 = arith.constant 112 : i32
          %add3A_553 = vector.broadcast %add3A_552 : i32 to vector<16xi32>
          %add3A_554 = arith.addi %mul3A_333, %add3A_553 : vector<16xi32>
          %add3A_555 = arith.addi %add3A_554, %iota3A : vector<16xi32>
          %swap3A_556 = arith.index_cast %min3A_547 : i32 to index
          %swap3A_557 = tpu.vector_load %arg8[%swap3A_556] masked %ge3A_551 {strides = array<i32>} : memref<1088xf32, #tpu.memory_space<vmem>>, vector<16xf32>, vector<16xi1>
          tpu.vector_store %arg8[%swap3A_556], %get3A_550 masked %ge3A_551 {strides = array<i32>} : memref<1088xf32, #tpu.memory_space<vmem>>, vector<16xf32>, vector<16xi1>
          %swap3A_558 = arith.index_cast %min3A_547 : i32 to index
          %swap3A_559 = tpu.vector_load %arg9[%swap3A_558] masked %ge3A_551 {strides = array<i32>} : memref<1088xi32, #tpu.memory_space<vmem>>, vector<16xi32>, vector<16xi1>
          tpu.vector_store %arg9[%swap3A_558], %add3A_555 masked %ge3A_551 {strides = array<i32>} : memref<1088xi32, #tpu.memory_space<vmem>>, vector<16xi32>, vector<16xi1>
          %all_reduce_population_count3A_560 = tpu.all_reduce %ge3A_551 {dim = 0 : i64, kind = #tpu.reduction_kind<sum>} : vector<16xi1> -> vector<16xi32>
          %reduce_max3A_561 = arith.constant true
          %reduce_max3A_562 = vector.broadcast %reduce_max3A_561 : i1 to vector<16xi1>
          %reduce_max3A_563 = arith.constant -2147483648 : i32
          %reduce_max3A_564 = vector.broadcast %reduce_max3A_563 : i32 to vector<16xi32>
          %reduce_max3A_565 = arith.xori %all_reduce_population_count3A_560, %reduce_max3A_564 : vector<16xi32>
          %reduce_max3A_566 = tpu.scan <max>, %reduce_max3A_565 masked %reduce_max3A_562 : vector<16xi32>, vector<16xi1> -> vector<16xi32>
          %reduce_max3A_567 = arith.xori %reduce_max3A_566, %reduce_max3A_564 : vector<16xi32>
          %reduce_max3A_568 = vector.extract %reduce_max3A_567[15] : i32 from vector<16xi32>
          %add3A_569 = arith.addi %min3A_547, %reduce_max3A_568 : i32
          %min3A_570 = arith.constant 1024 : i32
          %min3A_571 = arith.minsi %add3A_569, %min3A_570 : i32
          scf.yield %min3A_571 : i32
        } else {
          scf.yield %while3A_277 : i32
        }
        scf.yield %cond3A_382 : i32
      }
      %add3A_240 = arith.constant 16 : i32
      %add3A_241 = arith.addi %while3A_239, %add3A_240 : i32
      %sub3A_242 = arith.constant 1 : i32
      %sub3A_243 = arith.subi %add3A_241, %sub3A_242 : i32
      %jit3A_244 = arith.constant 16 : i32
      %div3A_245 = arith.divsi %sub3A_243, %jit3A_244 : i32
      %sign3A_246 = arith.constant 0 : i32
      %sign3A_247 = arith.cmpi sgt, %sub3A_243, %sign3A_246 : i32
      %sign3A_248 = arith.extui %sign3A_247 : i1 to i32
      %sign3A_249 = arith.constant 0 : i32
      %sign3A_250 = arith.cmpi slt, %sub3A_243, %sign3A_249 : i32
      %sign3A_251 = arith.extui %sign3A_250 : i1 to i32
      %sign3A_252 = arith.subi %sign3A_248, %sign3A_251 : i32
      %sign3A_253 = arith.constant 0 : i32
      %sign3A_254 = arith.cmpi sgt, %jit3A_244, %sign3A_253 : i32
      %sign3A_255 = arith.extui %sign3A_254 : i1 to i32
      %sign3A_256 = arith.constant 0 : i32
      %sign3A_257 = arith.cmpi slt, %jit3A_244, %sign3A_256 : i32
      %sign3A_258 = arith.extui %sign3A_257 : i1 to i32
      %sign3A_259 = arith.subi %sign3A_255, %sign3A_258 : i32
      %ne3A_260 = arith.cmpi ne, %sign3A_252, %sign3A_259 : i32
      %rem3A_261 = arith.remsi %sub3A_243, %jit3A_244 : i32
      %ne3A_262 = arith.constant 0 : i32
      %ne3A_263 = arith.cmpi ne, %rem3A_261, %ne3A_262 : i32
      %and3A_264 = arith.andi %ne3A_260, %ne3A_263 : i1
      %sub3A_265 = arith.constant 1 : i32
      %sub3A_266 = arith.subi %div3A_245, %sub3A_265 : i32
      %select_n3A_267 = arith.select %and3A_264, %sub3A_266, %div3A_245 : i32
      %scan3A_268 = arith.constant 0 : i32
      %scan3A_269 = arith.constant 0 : i32
      %scan3A_270 = arith.constant 32 : i32
      %scan3A_271 = arith.addi %scan3A_269, %scan3A_270 : i32
      %scan3A_272 = arith.constant 1 : i32
      %scan3A_273 = scf.for %scan3A_276 = %scan3A_269 to %scan3A_271 step %scan3A_272 iter_args(%scan3A_277 = %scan3A_268) -> (i32)  : i32 {
        %while3A_278 = arith.constant 0 : i32
        %while3A_279 = arith.subi %select_n3A_267, %while3A_278 : i32
        %while3A_280 = arith.addi %while3A_278, %while3A_279 : i32
        %while3A_281 = arith.constant 1 : i32
        %while3A_282 = arith.divsi %while3A_279, %while3A_281 : i32
        %while3A_283 = arith.muli %while3A_282, %while3A_281 : i32
        %while3A_284 = arith.addi %while3A_278, %while3A_283 : i32
        %while3A_285 = arith.constant 1 : i32
        %while3A_286 = scf.for %while3A_330 = %while3A_278 to %while3A_284 step %while3A_285 iter_args(%while3A_331 = %broadcast_in_dim3A_1) -> (vector<16xf32>)  : i32 {
          %mul3A_332 = arith.constant 16 : i32
          %mul3A_333 = arith.muli %while3A_330, %mul3A_332 : i32
          %get3A_334 = arith.index_cast %mul3A_333 : i32 to index
          %get3A_335 = tpu.vector_load %arg8[%get3A_334] {strides = array<i32>} : memref<1088xf32, #tpu.memory_space<vmem>>, vector<16xf32>,
          %max3A = arith.maximumf %while3A_331, %get3A_335 : vector<16xf32>
          scf.yield %max3A : vector<16xf32>
        }
        %while3A_287 = arith.constant 1 : i32
        %while3A_288 = scf.for %while3A_330 = %while3A_284 to %while3A_280 step %while3A_287 iter_args(%while3A_331 = %while3A_286) -> (vector<16xf32>)  : i32 {
          %mul3A_332 = arith.constant 16 : i32
          %mul3A_333 = arith.muli %while3A_330, %mul3A_332 : i32
          %get3A_334 = arith.index_cast %mul3A_333 : i32 to index
          %get3A_335 = tpu.vector_load %arg8[%get3A_334] {strides = array<i32>} : memref<1088xf32, #tpu.memory_space<vmem>>, vector<16xf32>,
          %max3A = arith.maximumf %while3A_331, %get3A_335 : vector<16xf32>
          scf.yield %max3A : vector<16xf32>
        }
        %reduce_max3A = arith.constant true
        %reduce_max3A_289 = vector.broadcast %reduce_max3A : i1 to vector<16xi1>
        %reduce_max3A_290 = tpu.scan <max>, %while3A_288 masked %reduce_max3A_289 : vector<16xf32>, vector<16xi1> -> vector<16xf32>
        %reduce_max3A_291 = vector.extract %reduce_max3A_290[15] : f32 from vector<16xf32>
        %broadcast_in_dim3A_292 = arith.constant 2147483647 : i32
        %broadcast_in_dim3A_293 = vector.broadcast %broadcast_in_dim3A_292 : i32 to vector<16xi32>
        %while3A_294 = arith.constant 0 : i32
        %while3A_295 = arith.subi %select_n3A_267, %while3A_294 : i32
        %while3A_296 = arith.addi %while3A_294, %while3A_295 : i32
        %while3A_297 = arith.constant 1 : i32
        %while3A_298 = arith.divsi %while3A_295, %while3A_297 : i32
        %while3A_299 = arith.muli %while3A_298, %while3A_297 : i32
        %while3A_300 = arith.addi %while3A_294, %while3A_299 : i32
        %while3A_301 = arith.constant 1 : i32
        %while3A_302 = scf.for %while3A_330 = %while3A_294 to %while3A_300 step %while3A_301 iter_args(%while3A_331 = %broadcast_in_dim3A_293) -> (vector<16xi32>)  : i32 {
          %mul3A_332 = arith.constant 16 : i32
          %mul3A_333 = arith.muli %while3A_330, %mul3A_332 : i32
          %get3A_334 = arith.index_cast %mul3A_333 : i32 to index
          %get3A_335 = tpu.vector_load %arg8[%get3A_334] {strides = array<i32>} : memref<1088xf32, #tpu.memory_space<vmem>>, vector<16xf32>,
          %mul3A_336 = arith.constant 16 : i32
          %mul3A_337 = arith.muli %while3A_330, %mul3A_336 : i32
          %get3A_338 = arith.index_cast %mul3A_337 : i32 to index
          %get3A_339 = tpu.vector_load %arg9[%get3A_338] {strides = array<i32>} : memref<1088xi32, #tpu.memory_space<vmem>>, vector<16xi32>,
          %eq3A_340 = vector.broadcast %reduce_max3A_291 : f32 to vector<16xf32>
          %eq3A_341 = arith.cmpf oeq, %get3A_335, %eq3A_340 : vector<16xf32>
          %jit3A_342 = arith.constant 2147483647 : i32
          %broadcast_in_dim3A_343 = vector.broadcast %jit3A_342 : i32 to vector<16xi32>
          %select_n3A_344 = arith.select %eq3A_341, %get3A_339, %broadcast_in_dim3A_343 : vector<16xi1>, vector<16xi32>
          %min3A = arith.minsi %while3A_331, %select_n3A_344 : vector<16xi32>
          scf.yield %min3A : vector<16xi32>
        }
        %while3A_303 = arith.constant 1 : i32
        %while3A_304 = scf.for %while3A_330 = %while3A_300 to %while3A_296 step %while3A_303 iter_args(%while3A_331 = %while3A_302) -> (vector<16xi32>)  : i32 {
          %mul3A_332 = arith.constant 16 : i32
          %mul3A_333 = arith.muli %while3A_330, %mul3A_332 : i32
          %get3A_334 = arith.index_cast %mul3A_333 : i32 to index
          %get3A_335 = tpu.vector_load %arg8[%get3A_334] {strides = array<i32>} : memref<1088xf32, #tpu.memory_space<vmem>>, vector<16xf32>,
          %mul3A_336 = arith.constant 16 : i32
          %mul3A_337 = arith.muli %while3A_330, %mul3A_336 : i32
          %get3A_338 = arith.index_cast %mul3A_337 : i32 to index
          %get3A_339 = tpu.vector_load %arg9[%get3A_338] {strides = array<i32>} : memref<1088xi32, #tpu.memory_space<vmem>>, vector<16xi32>,
          %eq3A_340 = vector.broadcast %reduce_max3A_291 : f32 to vector<16xf32>
          %eq3A_341 = arith.cmpf oeq, %get3A_335, %eq3A_340 : vector<16xf32>
          %jit3A_342 = arith.constant 2147483647 : i32
          %broadcast_in_dim3A_343 = vector.broadcast %jit3A_342 : i32 to vector<16xi32>
          %select_n3A_344 = arith.select %eq3A_341, %get3A_339, %broadcast_in_dim3A_343 : vector<16xi1>, vector<16xi32>
          %min3A = arith.minsi %while3A_331, %select_n3A_344 : vector<16xi32>
          scf.yield %min3A : vector<16xi32>
        }
        %reduce_min3A = arith.constant true
        %reduce_min3A_305 = vector.broadcast %reduce_min3A : i1 to vector<16xi1>
        %reduce_min3A_306 = arith.constant -2147483648 : i32
        %reduce_min3A_307 = vector.broadcast %reduce_min3A_306 : i32 to vector<16xi32>
        %reduce_min3A_308 = arith.xori %while3A_304, %reduce_min3A_307 : vector<16xi32>
        %reduce_min3A_309 = tpu.scan <min>, %reduce_min3A_308 masked %reduce_min3A_305 : vector<16xi32>, vector<16xi1> -> vector<16xi32>
        %reduce_min3A_310 = arith.xori %reduce_min3A_309, %reduce_min3A_307 : vector<16xi32>
        %reduce_min3A_311 = vector.extract %reduce_min3A_310[15] : i32 from vector<16xi32>
        %while3A_312 = arith.constant 0 : i32
        %while3A_313 = arith.constant 0 : i32
        %while3A_314 = arith.subi %select_n3A_267, %while3A_312 : i32
        %while3A_315 = arith.addi %while3A_312, %while3A_314 : i32
        %while3A_316 = arith.constant 1 : i32
        %while3A_317 = arith.divsi %while3A_314, %while3A_316 : i32
        %while3A_318 = arith.muli %while3A_317, %while3A_316 : i32
        %while3A_319 = arith.addi %while3A_312, %while3A_318 : i32
        %while3A_320 = arith.constant 1 : i32
        %while3A_321 = scf.for %while3A_330 = %while3A_312 to %while3A_319 step %while3A_320 iter_args(%while3A_331 = %while3A_313) -> (i32)  : i32 {
          %mul3A_332 = arith.constant 16 : i32
          %mul3A_333 = arith.muli %while3A_330, %mul3A_332 : i32
          %get3A_334 = arith.index_cast %mul3A_333 : i32 to index
          %get3A_335 = tpu.vector_load %arg8[%get3A_334] {strides = array<i32>} : memref<1088xf32, #tpu.memory_space<vmem>>, vector<16xf32>,
          %mul3A_336 = arith.constant 16 : i32
          %mul3A_337 = arith.muli %while3A_330, %mul3A_336 : i32
          %get3A_338 = arith.index_cast %mul3A_337 : i32 to index
          %get3A_339 = tpu.vector_load %arg9[%get3A_338] {strides = array<i32>} : memref<1088xi32, #tpu.memory_space<vmem>>, vector<16xi32>,
          %eq3A_340 = vector.broadcast %reduce_max3A_291 : f32 to vector<16xf32>
          %eq3A_341 = arith.cmpf oeq, %get3A_335, %eq3A_340 : vector<16xf32>
          %eq3A_342 = vector.broadcast %reduce_min3A_311 : i32 to vector<16xi32>
          %eq3A_343 = arith.cmpi eq, %get3A_339, %eq3A_342 : vector<16xi32>
          %and3A_344 = arith.andi %eq3A_341, %eq3A_343 : vector<16xi1>
          %select_n3A_345 = arith.select %and3A_344, %broadcast_in_dim3A_1, %get3A_335 : vector<16xi1>, vector<16xf32>
          %mul3A_346 = arith.constant 16 : i32
          %mul3A_347 = arith.muli %while3A_330, %mul3A_346 : i32
          %swap3A_348 = arith.index_cast %mul3A_347 : i32 to index
          %swap3A_349 = tpu.vector_load %arg8[%swap3A_348] {strides = array<i32>} : memref<1088xf32, #tpu.memory_space<vmem>>, vector<16xf32>,
          tpu.vector_store %arg8[%swap3A_348], %select_n3A_345 {strides = array<i32>} : memref<1088xf32, #tpu.memory_space<vmem>>, vector<16xf32>,
          %while3A_350 = arith.constant 0 : i32
          scf.yield %while3A_350 : i32
        }
        %while3A_322 = arith.constant 1 : i32
        %while3A_323 = scf.for %while3A_330 = %while3A_319 to %while3A_315 step %while3A_322 iter_args(%while3A_331 = %while3A_321) -> (i32)  : i32 {
          %mul3A_332 = arith.constant 16 : i32
          %mul3A_333 = arith.muli %while3A_330, %mul3A_332 : i32
          %get3A_334 = arith.index_cast %mul3A_333 : i32 to index
          %get3A_335 = tpu.vector_load %arg8[%get3A_334] {strides = array<i32>} : memref<1088xf32, #tpu.memory_space<vmem>>, vector<16xf32>,
          %mul3A_336 = arith.constant 16 : i32
          %mul3A_337 = arith.muli %while3A_330, %mul3A_336 : i32
          %get3A_338 = arith.index_cast %mul3A_337 : i32 to index
          %get3A_339 = tpu.vector_load %arg9[%get3A_338] {strides = array<i32>} : memref<1088xi32, #tpu.memory_space<vmem>>, vector<16xi32>,
          %eq3A_340 = vector.broadcast %reduce_max3A_291 : f32 to vector<16xf32>
          %eq3A_341 = arith.cmpf oeq, %get3A_335, %eq3A_340 : vector<16xf32>
          %eq3A_342 = vector.broadcast %reduce_min3A_311 : i32 to vector<16xi32>
          %eq3A_343 = arith.cmpi eq, %get3A_339, %eq3A_342 : vector<16xi32>
          %and3A_344 = arith.andi %eq3A_341, %eq3A_343 : vector<16xi1>
          %select_n3A_345 = arith.select %and3A_344, %broadcast_in_dim3A_1, %get3A_335 : vector<16xi1>, vector<16xf32>
          %mul3A_346 = arith.constant 16 : i32
          %mul3A_347 = arith.muli %while3A_330, %mul3A_346 : i32
          %swap3A_348 = arith.index_cast %mul3A_347 : i32 to index
          %swap3A_349 = tpu.vector_load %arg8[%swap3A_348] {strides = array<i32>} : memref<1088xf32, #tpu.memory_space<vmem>>, vector<16xf32>,
          tpu.vector_store %arg8[%swap3A_348], %select_n3A_345 {strides = array<i32>} : memref<1088xf32, #tpu.memory_space<vmem>>, vector<16xf32>,
          %while3A_350 = arith.constant 0 : i32
          scf.yield %while3A_350 : i32
        }
        %broadcast_in_dim3A_324 = vector.broadcast %scan3A_276 : i32 to vector<16xi32>
        %broadcast_in_dim3A_325 = vector.broadcast %reduce_min3A_311 : i32 to vector<16xi32>
        %eq3A_326 = arith.constant 0 : i32
        %eq3A_327 = vector.broadcast %eq3A_326 : i32 to vector<16xi32>
        %eq3A_328 = arith.cmpi eq, %iota3A, %eq3A_327 : vector<16xi32>
        tpu.vector_store_idx %arg13[%broadcast_in_dim3A_324], %broadcast_in_dim3A_325 masked %eq3A_328 : memref<48xi32, #tpu.memory_space<vmem>>[vector<16xi32>], vector<16xi32>, vector<16xi1>
        %scan3A_329 = arith.constant 0 : i32
        scf.yield %scan3A_329 : i32
      }
      %scan3A_274 = arith.constant 32 : i32
      "tpu.region"() ({
        %run_scoped3A = tpu.sem_alloc : memref<!tpu.dma_semaphore, #tpu.memory_space<semaphore_mem>>
        %dma_start3A_276 = arith.constant 0 : i32
        %dma_start3A_277 = tpu.memref_slice %arg13[%dma_start3A_276] : memref<48xi32, #tpu.memory_space<vmem>> -> memref<32xi32, #tpu.memory_space<vmem>>
        %dma_start3A_278 = arith.constant 0 : i32
        %dma_start3A_279 = tpu.memref_slice %arg5[%add3A_12, %dma_start3A_278] : memref<64x32xi32, #tpu.memory_space<hbm>> -> memref<1x32xi32, #tpu.memory_space<hbm>>
        %dma_start3A_280 = tpu.memref_squeeze %dma_start3A_279 : memref<1x32xi32, #tpu.memory_space<hbm>> -> memref<32xi32, #tpu.memory_space<hbm>>
        %dma_start3A_281 = arith.constant 0 : i32
        %dma_start3A_282 = tpu.memref_slice %arg5[%add3A_12, %dma_start3A_281] : memref<64x32xi32, #tpu.memory_space<hbm>> -> memref<1x32xi32, #tpu.memory_space<hbm>>
        %dma_start3A_283 = tpu.memref_squeeze %dma_start3A_282 : memref<1x32xi32, #tpu.memory_space<hbm>> -> memref<32xi32, #tpu.memory_space<hbm>>
        %dma_start3A_284 = arith.constant 0 : i32
        %dma_start3A_285 = tpu.memref_slice %arg13[%dma_start3A_284] : memref<48xi32, #tpu.memory_space<vmem>> -> memref<32xi32, #tpu.memory_space<vmem>>
        tpu.enqueue_dma source(%dma_start3A_285 : memref<32xi32, #tpu.memory_space<vmem>>) target(%dma_start3A_283 : memref<32xi32, #tpu.memory_space<hbm>>) target_semaphore(%run_scoped3A : memref<!tpu.dma_semaphore, #tpu.memory_space<semaphore_mem>>)
        %dma_wait3A_286 = arith.constant 0 : i32
        %dma_wait3A_287 = tpu.memref_slice %arg13[%dma_wait3A_286] : memref<48xi32, #tpu.memory_space<vmem>> -> memref<32xi32, #tpu.memory_space<vmem>>
        %dma_wait3A_288 = arith.constant 0 : i32
        %dma_wait3A_289 = tpu.memref_slice %arg5[%add3A_12, %dma_wait3A_288] : memref<64x32xi32, #tpu.memory_space<hbm>> -> memref<1x32xi32, #tpu.memory_space<hbm>>
        %dma_wait3A_290 = tpu.memref_squeeze %dma_wait3A_289 : memref<1x32xi32, #tpu.memory_space<hbm>> -> memref<32xi32, #tpu.memory_space<hbm>>
        %dma_wait3A_291 = arith.constant 0 : i32
        %dma_wait3A_292 = tpu.memref_slice %arg5[%add3A_12, %dma_wait3A_291] : memref<64x32xi32, #tpu.memory_space<hbm>> -> memref<1x32xi32, #tpu.memory_space<hbm>>
        %dma_wait3A_293 = tpu.memref_squeeze %dma_wait3A_292 : memref<1x32xi32, #tpu.memory_space<hbm>> -> memref<32xi32, #tpu.memory_space<hbm>>
        %dma_wait3A_294 = arith.constant 0 : i32
        %dma_wait3A_295 = tpu.memref_slice %arg13[%dma_wait3A_294] : memref<48xi32, #tpu.memory_space<vmem>> -> memref<32xi32, #tpu.memory_space<vmem>>
        tpu.wait_dma2 semaphore(%run_scoped3A : memref<!tpu.dma_semaphore, #tpu.memory_space<semaphore_mem>>) src(%dma_wait3A_295 : memref<32xi32, #tpu.memory_space<vmem>>) dst(%dma_wait3A_293 : memref<32xi32, #tpu.memory_space<hbm>>)
        tpu.yield
      }) : () -> ()
      %scan3A_275 = arith.constant 0 : i32
      scf.yield %scan3A_275 : i32
    }
    %scan3A_7 = arith.constant 2 : i32
    return
  }
}

module attributes {stable_mosaic.version = 14 : i64} {
  func.func @_tc_body(%arg0: i32, %arg1: memref<32x64xf32, #tpu.memory_space<vmem>>, %arg2: memref<32x16384xf32, #tpu.memory_space<vmem>>, %arg3: memref<8x128x8x128xf32, #tpu.memory_space<vmem>>, %arg4: memref<64x128xf32, #tpu.memory_space<vmem>>, %arg5: memref<8x62x8x128xf32, #tpu.memory_space<vmem>>, %arg6: memref<64x128xf32, #tpu.memory_space<vmem>>, %arg7: memref<64x7936xf32, #tpu.memory_space<vmem>>) attributes {dimension_semantics = [#tpu.dimension_semantics<arbitrary>], iteration_bounds = array<i64: 62>, scalar_prefetch = 0 : i64, scratch_operands = 2 : i64, tpu.core_type = #tpu.core_type<tc>, window_params = [{pipeline_mode = #tpu.pipeline_mode<synchronous>, transform_indices = @transform_0, window_bounds = array<i64: 32, 64>}, {transform_indices = @transform_1, window_bounds = array<i64: 32, 16384>}, {transform_indices = @transform_2, window_bounds = array<i64: 8, 128, 8, 128>}, {pipeline_mode = #tpu.pipeline_mode<synchronous>, transform_indices = @transform_3, window_bounds = array<i64: 64, 128>}, {pipeline_mode = #tpu.pipeline_mode<synchronous>, transform_indices = @transform_4, window_bounds = array<i64: 8, 62, 8, 128>}]} {
    %get3A = arith.constant 0 : index
    %get3A_0 = arith.constant 0 : index
    %get3A_1 = vector.load %arg1[%get3A, %get3A_0] : memref<32x64xf32, #tpu.memory_space<vmem>>, vector<32x64xf32>
    %get3A_2 = arith.constant 0 : index
    %get3A_3 = arith.constant 0 : index
    %get3A_4 = vector.load %arg2[%get3A_2, %get3A_3] : memref<32x16384xf32, #tpu.memory_space<vmem>>, vector<32x16384xf32>
    %dot_general3A = arith.constant dense<0.000000e+00> : vector<64x16384xf32>
    %dot_general3A_5 = tpu.matmul %get3A_1, %get3A_4, %dot_general3A {dimension_numbers = #tpu.dot_dimension_numbers<[0], [0], [1], [1], [0, 1, 1, 1], [], []>, transpose_lhs_hint = false} : vector<32x64xf32>, vector<32x16384xf32>, vector<64x16384xf32> -> vector<64x16384xf32>
    %mul3A = arith.constant 16384 : i32
    %mul3A_6 = arith.muli %arg0, %mul3A : i32
    %iota3A = tpu.iota {dimensions = array<i32: 1>} : vector<64x16384xi32>
    %add3A = vector.broadcast %mul3A_6 : i32 to vector<64x16384xi32>
    %add3A_7 = arith.addi %add3A, %iota3A : vector<64x16384xi32>
    %lt3A = arith.constant 1000000 : i32
    %lt3A_8 = vector.broadcast %lt3A : i32 to vector<64x16384xi32>
    %lt3A_9 = arith.cmpi slt, %add3A_7, %lt3A_8 : vector<64x16384xi32>
    %jit3A = arith.constant 0xFF800000 : f32
    %broadcast_in_dim3A = vector.broadcast %jit3A : f32 to vector<64x16384xf32>
    %select_n3A = arith.select %lt3A_9, %dot_general3A_5, %broadcast_in_dim3A : vector<64x16384xi1>, vector<64x16384xf32>
    %slice3A = vector.extract_strided_slice %select_n3A {offsets = [0, 0], sizes = [64, 128], strides = [1, 1]} : vector<64x16384xf32> to vector<64x128xf32>
    %reshape3A = vector.shape_cast %slice3A : vector<64x128xf32> to vector<8x8x128xf32>
    %swap3A = arith.constant 0 : index
    %swap3A_10 = arith.constant 0 : index
    %swap3A_11 = arith.constant 0 : index
    %swap3A_12 = arith.constant 0 : index
    %swap3A_13 = vector.load %arg3[%swap3A, %swap3A_10, %swap3A_11, %swap3A_12] : memref<8x128x8x128xf32, #tpu.memory_space<vmem>>, vector<8x1x8x128xf32>
    %swap3A_14 = vector.shape_cast %swap3A_13 : vector<8x1x8x128xf32> to vector<8x8x128xf32>
    %swap3A_15 = vector.shape_cast %reshape3A : vector<8x8x128xf32> to vector<8x1x8x128xf32>
    tpu.vector_store %arg3[%swap3A, %swap3A_10, %swap3A_11, %swap3A_12], %swap3A_15 {strides = array<i32>} : memref<8x128x8x128xf32, #tpu.memory_space<vmem>>, vector<8x1x8x128xf32>,
    %reduce_max3A = arith.constant dense<0xFF800000> : vector<64xf32>
    %reduce_max3A_16 = vector.multi_reduction <maximumf>, %slice3A, %reduce_max3A [1] : vector<64x128xf32> to vector<64xf32>
    %broadcast_in_dim3A_17 = vector.shape_cast %reduce_max3A_16 : vector<64xf32> to vector<64x1xf32>
    %slice3A_18 = vector.extract_strided_slice %select_n3A {offsets = [0, 128], sizes = [64, 128], strides = [1, 1]} : vector<64x16384xf32> to vector<64x128xf32>
    %reshape3A_19 = vector.shape_cast %slice3A_18 : vector<64x128xf32> to vector<8x8x128xf32>
    %swap3A_20 = arith.constant 0 : index
    %swap3A_21 = arith.constant 1 : index
    %swap3A_22 = arith.constant 0 : index
    %swap3A_23 = arith.constant 0 : index
    %swap3A_24 = vector.load %arg3[%swap3A_20, %swap3A_21, %swap3A_22, %swap3A_23] : memref<8x128x8x128xf32, #tpu.memory_space<vmem>>, vector<8x1x8x128xf32>
    %swap3A_25 = vector.shape_cast %swap3A_24 : vector<8x1x8x128xf32> to vector<8x8x128xf32>
    %swap3A_26 = vector.shape_cast %reshape3A_19 : vector<8x8x128xf32> to vector<8x1x8x128xf32>
    tpu.vector_store %arg3[%swap3A_20, %swap3A_21, %swap3A_22, %swap3A_23], %swap3A_26 {strides = array<i32>} : memref<8x128x8x128xf32, #tpu.memory_space<vmem>>, vector<8x1x8x128xf32>,
    %reduce_max3A_27 = arith.constant dense<0xFF800000> : vector<64xf32>
    %reduce_max3A_28 = vector.multi_reduction <maximumf>, %slice3A_18, %reduce_max3A_27 [1] : vector<64x128xf32> to vector<64xf32>
    %broadcast_in_dim3A_29 = vector.shape_cast %reduce_max3A_28 : vector<64xf32> to vector<64x1xf32>
    %slice3A_30 = vector.extract_strided_slice %select_n3A {offsets = [0, 256], sizes = [64, 128], strides = [1, 1]} : vector<64x16384xf32> to vector<64x128xf32>
    %reshape3A_31 = vector.shape_cast %slice3A_30 : vector<64x128xf32> to vector<8x8x128xf32>
    %swap3A_32 = arith.constant 0 : index
    %swap3A_33 = arith.constant 2 : index
    %swap3A_34 = arith.constant 0 : index
    %swap3A_35 = arith.constant 0 : index
    %swap3A_36 = vector.load %arg3[%swap3A_32, %swap3A_33, %swap3A_34, %swap3A_35] : memref<8x128x8x128xf32, #tpu.memory_space<vmem>>, vector<8x1x8x128xf32>
    %swap3A_37 = vector.shape_cast %swap3A_36 : vector<8x1x8x128xf32> to vector<8x8x128xf32>
    %swap3A_38 = vector.shape_cast %reshape3A_31 : vector<8x8x128xf32> to vector<8x1x8x128xf32>
    tpu.vector_store %arg3[%swap3A_32, %swap3A_33, %swap3A_34, %swap3A_35], %swap3A_38 {strides = array<i32>} : memref<8x128x8x128xf32, #tpu.memory_space<vmem>>, vector<8x1x8x128xf32>,
    %reduce_max3A_39 = arith.constant dense<0xFF800000> : vector<64xf32>
    %reduce_max3A_40 = vector.multi_reduction <maximumf>, %slice3A_30, %reduce_max3A_39 [1] : vector<64x128xf32> to vector<64xf32>
    %broadcast_in_dim3A_41 = vector.shape_cast %reduce_max3A_40 : vector<64xf32> to vector<64x1xf32>
    %slice3A_42 = vector.extract_strided_slice %select_n3A {offsets = [0, 384], sizes = [64, 128], strides = [1, 1]} : vector<64x16384xf32> to vector<64x128xf32>
    %reshape3A_43 = vector.shape_cast %slice3A_42 : vector<64x128xf32> to vector<8x8x128xf32>
    %swap3A_44 = arith.constant 0 : index
    %swap3A_45 = arith.constant 3 : index
    %swap3A_46 = arith.constant 0 : index
    %swap3A_47 = arith.constant 0 : index
    %swap3A_48 = vector.load %arg3[%swap3A_44, %swap3A_45, %swap3A_46, %swap3A_47] : memref<8x128x8x128xf32, #tpu.memory_space<vmem>>, vector<8x1x8x128xf32>
    %swap3A_49 = vector.shape_cast %swap3A_48 : vector<8x1x8x128xf32> to vector<8x8x128xf32>
    %swap3A_50 = vector.shape_cast %reshape3A_43 : vector<8x8x128xf32> to vector<8x1x8x128xf32>
    tpu.vector_store %arg3[%swap3A_44, %swap3A_45, %swap3A_46, %swap3A_47], %swap3A_50 {strides = array<i32>} : memref<8x128x8x128xf32, #tpu.memory_space<vmem>>, vector<8x1x8x128xf32>,
    %reduce_max3A_51 = arith.constant dense<0xFF800000> : vector<64xf32>
    %reduce_max3A_52 = vector.multi_reduction <maximumf>, %slice3A_42, %reduce_max3A_51 [1] : vector<64x128xf32> to vector<64xf32>
    %broadcast_in_dim3A_53 = vector.shape_cast %reduce_max3A_52 : vector<64xf32> to vector<64x1xf32>
    %slice3A_54 = vector.extract_strided_slice %select_n3A {offsets = [0, 512], sizes = [64, 128], strides = [1, 1]} : vector<64x16384xf32> to vector<64x128xf32>
    %reshape3A_55 = vector.shape_cast %slice3A_54 : vector<64x128xf32> to vector<8x8x128xf32>
    %swap3A_56 = arith.constant 0 : index
    %swap3A_57 = arith.constant 4 : index
    %swap3A_58 = arith.constant 0 : index
    %swap3A_59 = arith.constant 0 : index
    %swap3A_60 = vector.load %arg3[%swap3A_56, %swap3A_57, %swap3A_58, %swap3A_59] : memref<8x128x8x128xf32, #tpu.memory_space<vmem>>, vector<8x1x8x128xf32>
    %swap3A_61 = vector.shape_cast %swap3A_60 : vector<8x1x8x128xf32> to vector<8x8x128xf32>
    %swap3A_62 = vector.shape_cast %reshape3A_55 : vector<8x8x128xf32> to vector<8x1x8x128xf32>
    tpu.vector_store %arg3[%swap3A_56, %swap3A_57, %swap3A_58, %swap3A_59], %swap3A_62 {strides = array<i32>} : memref<8x128x8x128xf32, #tpu.memory_space<vmem>>, vector<8x1x8x128xf32>,
    %reduce_max3A_63 = arith.constant dense<0xFF800000> : vector<64xf32>
    %reduce_max3A_64 = vector.multi_reduction <maximumf>, %slice3A_54, %reduce_max3A_63 [1] : vector<64x128xf32> to vector<64xf32>
    %broadcast_in_dim3A_65 = vector.shape_cast %reduce_max3A_64 : vector<64xf32> to vector<64x1xf32>
    %slice3A_66 = vector.extract_strided_slice %select_n3A {offsets = [0, 640], sizes = [64, 128], strides = [1, 1]} : vector<64x16384xf32> to vector<64x128xf32>
    %reshape3A_67 = vector.shape_cast %slice3A_66 : vector<64x128xf32> to vector<8x8x128xf32>
    %swap3A_68 = arith.constant 0 : index
    %swap3A_69 = arith.constant 5 : index
    %swap3A_70 = arith.constant 0 : index
    %swap3A_71 = arith.constant 0 : index
    %swap3A_72 = vector.load %arg3[%swap3A_68, %swap3A_69, %swap3A_70, %swap3A_71] : memref<8x128x8x128xf32, #tpu.memory_space<vmem>>, vector<8x1x8x128xf32>
    %swap3A_73 = vector.shape_cast %swap3A_72 : vector<8x1x8x128xf32> to vector<8x8x128xf32>
    %swap3A_74 = vector.shape_cast %reshape3A_67 : vector<8x8x128xf32> to vector<8x1x8x128xf32>
    tpu.vector_store %arg3[%swap3A_68, %swap3A_69, %swap3A_70, %swap3A_71], %swap3A_74 {strides = array<i32>} : memref<8x128x8x128xf32, #tpu.memory_space<vmem>>, vector<8x1x8x128xf32>,
    %reduce_max3A_75 = arith.constant dense<0xFF800000> : vector<64xf32>
    %reduce_max3A_76 = vector.multi_reduction <maximumf>, %slice3A_66, %reduce_max3A_75 [1] : vector<64x128xf32> to vector<64xf32>
    %broadcast_in_dim3A_77 = vector.shape_cast %reduce_max3A_76 : vector<64xf32> to vector<64x1xf32>
    %slice3A_78 = vector.extract_strided_slice %select_n3A {offsets = [0, 768], sizes = [64, 128], strides = [1, 1]} : vector<64x16384xf32> to vector<64x128xf32>
    %reshape3A_79 = vector.shape_cast %slice3A_78 : vector<64x128xf32> to vector<8x8x128xf32>
    %swap3A_80 = arith.constant 0 : index
    %swap3A_81 = arith.constant 6 : index
    %swap3A_82 = arith.constant 0 : index
    %swap3A_83 = arith.constant 0 : index
    %swap3A_84 = vector.load %arg3[%swap3A_80, %swap3A_81, %swap3A_82, %swap3A_83] : memref<8x128x8x128xf32, #tpu.memory_space<vmem>>, vector<8x1x8x128xf32>
    %swap3A_85 = vector.shape_cast %swap3A_84 : vector<8x1x8x128xf32> to vector<8x8x128xf32>
    %swap3A_86 = vector.shape_cast %reshape3A_79 : vector<8x8x128xf32> to vector<8x1x8x128xf32>
    tpu.vector_store %arg3[%swap3A_80, %swap3A_81, %swap3A_82, %swap3A_83], %swap3A_86 {strides = array<i32>} : memref<8x128x8x128xf32, #tpu.memory_space<vmem>>, vector<8x1x8x128xf32>,
    %reduce_max3A_87 = arith.constant dense<0xFF800000> : vector<64xf32>
    %reduce_max3A_88 = vector.multi_reduction <maximumf>, %slice3A_78, %reduce_max3A_87 [1] : vector<64x128xf32> to vector<64xf32>
    %broadcast_in_dim3A_89 = vector.shape_cast %reduce_max3A_88 : vector<64xf32> to vector<64x1xf32>
    %slice3A_90 = vector.extract_strided_slice %select_n3A {offsets = [0, 896], sizes = [64, 128], strides = [1, 1]} : vector<64x16384xf32> to vector<64x128xf32>
    %reshape3A_91 = vector.shape_cast %slice3A_90 : vector<64x128xf32> to vector<8x8x128xf32>
    %swap3A_92 = arith.constant 0 : index
    %swap3A_93 = arith.constant 7 : index
    %swap3A_94 = arith.constant 0 : index
    %swap3A_95 = arith.constant 0 : index
    %swap3A_96 = vector.load %arg3[%swap3A_92, %swap3A_93, %swap3A_94, %swap3A_95] : memref<8x128x8x128xf32, #tpu.memory_space<vmem>>, vector<8x1x8x128xf32>
    %swap3A_97 = vector.shape_cast %swap3A_96 : vector<8x1x8x128xf32> to vector<8x8x128xf32>
    %swap3A_98 = vector.shape_cast %reshape3A_91 : vector<8x8x128xf32> to vector<8x1x8x128xf32>
    tpu.vector_store %arg3[%swap3A_92, %swap3A_93, %swap3A_94, %swap3A_95], %swap3A_98 {strides = array<i32>} : memref<8x128x8x128xf32, #tpu.memory_space<vmem>>, vector<8x1x8x128xf32>,
    %reduce_max3A_99 = arith.constant dense<0xFF800000> : vector<64xf32>
    %reduce_max3A_100 = vector.multi_reduction <maximumf>, %slice3A_90, %reduce_max3A_99 [1] : vector<64x128xf32> to vector<64xf32>
    %broadcast_in_dim3A_101 = vector.shape_cast %reduce_max3A_100 : vector<64xf32> to vector<64x1xf32>
    %slice3A_102 = vector.extract_strided_slice %select_n3A {offsets = [0, 1024], sizes = [64, 128], strides = [1, 1]} : vector<64x16384xf32> to vector<64x128xf32>
    %reshape3A_103 = vector.shape_cast %slice3A_102 : vector<64x128xf32> to vector<8x8x128xf32>
    %swap3A_104 = arith.constant 0 : index
    %swap3A_105 = arith.constant 8 : index
    %swap3A_106 = arith.constant 0 : index
    %swap3A_107 = arith.constant 0 : index
    %swap3A_108 = vector.load %arg3[%swap3A_104, %swap3A_105, %swap3A_106, %swap3A_107] : memref<8x128x8x128xf32, #tpu.memory_space<vmem>>, vector<8x1x8x128xf32>
    %swap3A_109 = vector.shape_cast %swap3A_108 : vector<8x1x8x128xf32> to vector<8x8x128xf32>
    %swap3A_110 = vector.shape_cast %reshape3A_103 : vector<8x8x128xf32> to vector<8x1x8x128xf32>
    tpu.vector_store %arg3[%swap3A_104, %swap3A_105, %swap3A_106, %swap3A_107], %swap3A_110 {strides = array<i32>} : memref<8x128x8x128xf32, #tpu.memory_space<vmem>>, vector<8x1x8x128xf32>,
    %reduce_max3A_111 = arith.constant dense<0xFF800000> : vector<64xf32>
    %reduce_max3A_112 = vector.multi_reduction <maximumf>, %slice3A_102, %reduce_max3A_111 [1] : vector<64x128xf32> to vector<64xf32>
    %broadcast_in_dim3A_113 = vector.shape_cast %reduce_max3A_112 : vector<64xf32> to vector<64x1xf32>
    %slice3A_114 = vector.extract_strided_slice %select_n3A {offsets = [0, 1152], sizes = [64, 128], strides = [1, 1]} : vector<64x16384xf32> to vector<64x128xf32>
    %reshape3A_115 = vector.shape_cast %slice3A_114 : vector<64x128xf32> to vector<8x8x128xf32>
    %swap3A_116 = arith.constant 0 : index
    %swap3A_117 = arith.constant 9 : index
    %swap3A_118 = arith.constant 0 : index
    %swap3A_119 = arith.constant 0 : index
    %swap3A_120 = vector.load %arg3[%swap3A_116, %swap3A_117, %swap3A_118, %swap3A_119] : memref<8x128x8x128xf32, #tpu.memory_space<vmem>>, vector<8x1x8x128xf32>
    %swap3A_121 = vector.shape_cast %swap3A_120 : vector<8x1x8x128xf32> to vector<8x8x128xf32>
    %swap3A_122 = vector.shape_cast %reshape3A_115 : vector<8x8x128xf32> to vector<8x1x8x128xf32>
    tpu.vector_store %arg3[%swap3A_116, %swap3A_117, %swap3A_118, %swap3A_119], %swap3A_122 {strides = array<i32>} : memref<8x128x8x128xf32, #tpu.memory_space<vmem>>, vector<8x1x8x128xf32>,
    %reduce_max3A_123 = arith.constant dense<0xFF800000> : vector<64xf32>
    %reduce_max3A_124 = vector.multi_reduction <maximumf>, %slice3A_114, %reduce_max3A_123 [1] : vector<64x128xf32> to vector<64xf32>
    %broadcast_in_dim3A_125 = vector.shape_cast %reduce_max3A_124 : vector<64xf32> to vector<64x1xf32>
    %slice3A_126 = vector.extract_strided_slice %select_n3A {offsets = [0, 1280], sizes = [64, 128], strides = [1, 1]} : vector<64x16384xf32> to vector<64x128xf32>
    %reshape3A_127 = vector.shape_cast %slice3A_126 : vector<64x128xf32> to vector<8x8x128xf32>
    %swap3A_128 = arith.constant 0 : index
    %swap3A_129 = arith.constant 10 : index
    %swap3A_130 = arith.constant 0 : index
    %swap3A_131 = arith.constant 0 : index
    %swap3A_132 = vector.load %arg3[%swap3A_128, %swap3A_129, %swap3A_130, %swap3A_131] : memref<8x128x8x128xf32, #tpu.memory_space<vmem>>, vector<8x1x8x128xf32>
    %swap3A_133 = vector.shape_cast %swap3A_132 : vector<8x1x8x128xf32> to vector<8x8x128xf32>
    %swap3A_134 = vector.shape_cast %reshape3A_127 : vector<8x8x128xf32> to vector<8x1x8x128xf32>
    tpu.vector_store %arg3[%swap3A_128, %swap3A_129, %swap3A_130, %swap3A_131], %swap3A_134 {strides = array<i32>} : memref<8x128x8x128xf32, #tpu.memory_space<vmem>>, vector<8x1x8x128xf32>,
    %reduce_max3A_135 = arith.constant dense<0xFF800000> : vector<64xf32>
    %reduce_max3A_136 = vector.multi_reduction <maximumf>, %slice3A_126, %reduce_max3A_135 [1] : vector<64x128xf32> to vector<64xf32>
    %broadcast_in_dim3A_137 = vector.shape_cast %reduce_max3A_136 : vector<64xf32> to vector<64x1xf32>
    %slice3A_138 = vector.extract_strided_slice %select_n3A {offsets = [0, 1408], sizes = [64, 128], strides = [1, 1]} : vector<64x16384xf32> to vector<64x128xf32>
    %reshape3A_139 = vector.shape_cast %slice3A_138 : vector<64x128xf32> to vector<8x8x128xf32>
    %swap3A_140 = arith.constant 0 : index
    %swap3A_141 = arith.constant 11 : index
    %swap3A_142 = arith.constant 0 : index
    %swap3A_143 = arith.constant 0 : index
    %swap3A_144 = vector.load %arg3[%swap3A_140, %swap3A_141, %swap3A_142, %swap3A_143] : memref<8x128x8x128xf32, #tpu.memory_space<vmem>>, vector<8x1x8x128xf32>
    %swap3A_145 = vector.shape_cast %swap3A_144 : vector<8x1x8x128xf32> to vector<8x8x128xf32>
    %swap3A_146 = vector.shape_cast %reshape3A_139 : vector<8x8x128xf32> to vector<8x1x8x128xf32>
    tpu.vector_store %arg3[%swap3A_140, %swap3A_141, %swap3A_142, %swap3A_143], %swap3A_146 {strides = array<i32>} : memref<8x128x8x128xf32, #tpu.memory_space<vmem>>, vector<8x1x8x128xf32>,
    %reduce_max3A_147 = arith.constant dense<0xFF800000> : vector<64xf32>
    %reduce_max3A_148 = vector.multi_reduction <maximumf>, %slice3A_138, %reduce_max3A_147 [1] : vector<64x128xf32> to vector<64xf32>
    %broadcast_in_dim3A_149 = vector.shape_cast %reduce_max3A_148 : vector<64xf32> to vector<64x1xf32>
    %slice3A_150 = vector.extract_strided_slice %select_n3A {offsets = [0, 1536], sizes = [64, 128], strides = [1, 1]} : vector<64x16384xf32> to vector<64x128xf32>
    %reshape3A_151 = vector.shape_cast %slice3A_150 : vector<64x128xf32> to vector<8x8x128xf32>
    %swap3A_152 = arith.constant 0 : index
    %swap3A_153 = arith.constant 12 : index
    %swap3A_154 = arith.constant 0 : index
    %swap3A_155 = arith.constant 0 : index
    %swap3A_156 = vector.load %arg3[%swap3A_152, %swap3A_153, %swap3A_154, %swap3A_155] : memref<8x128x8x128xf32, #tpu.memory_space<vmem>>, vector<8x1x8x128xf32>
    %swap3A_157 = vector.shape_cast %swap3A_156 : vector<8x1x8x128xf32> to vector<8x8x128xf32>
    %swap3A_158 = vector.shape_cast %reshape3A_151 : vector<8x8x128xf32> to vector<8x1x8x128xf32>
    tpu.vector_store %arg3[%swap3A_152, %swap3A_153, %swap3A_154, %swap3A_155], %swap3A_158 {strides = array<i32>} : memref<8x128x8x128xf32, #tpu.memory_space<vmem>>, vector<8x1x8x128xf32>,
    %reduce_max3A_159 = arith.constant dense<0xFF800000> : vector<64xf32>
    %reduce_max3A_160 = vector.multi_reduction <maximumf>, %slice3A_150, %reduce_max3A_159 [1] : vector<64x128xf32> to vector<64xf32>
    %broadcast_in_dim3A_161 = vector.shape_cast %reduce_max3A_160 : vector<64xf32> to vector<64x1xf32>
    %slice3A_162 = vector.extract_strided_slice %select_n3A {offsets = [0, 1664], sizes = [64, 128], strides = [1, 1]} : vector<64x16384xf32> to vector<64x128xf32>
    %reshape3A_163 = vector.shape_cast %slice3A_162 : vector<64x128xf32> to vector<8x8x128xf32>
    %swap3A_164 = arith.constant 0 : index
    %swap3A_165 = arith.constant 13 : index
    %swap3A_166 = arith.constant 0 : index
    %swap3A_167 = arith.constant 0 : index
    %swap3A_168 = vector.load %arg3[%swap3A_164, %swap3A_165, %swap3A_166, %swap3A_167] : memref<8x128x8x128xf32, #tpu.memory_space<vmem>>, vector<8x1x8x128xf32>
    %swap3A_169 = vector.shape_cast %swap3A_168 : vector<8x1x8x128xf32> to vector<8x8x128xf32>
    %swap3A_170 = vector.shape_cast %reshape3A_163 : vector<8x8x128xf32> to vector<8x1x8x128xf32>
    tpu.vector_store %arg3[%swap3A_164, %swap3A_165, %swap3A_166, %swap3A_167], %swap3A_170 {strides = array<i32>} : memref<8x128x8x128xf32, #tpu.memory_space<vmem>>, vector<8x1x8x128xf32>,
    %reduce_max3A_171 = arith.constant dense<0xFF800000> : vector<64xf32>
    %reduce_max3A_172 = vector.multi_reduction <maximumf>, %slice3A_162, %reduce_max3A_171 [1] : vector<64x128xf32> to vector<64xf32>
    %broadcast_in_dim3A_173 = vector.shape_cast %reduce_max3A_172 : vector<64xf32> to vector<64x1xf32>
    %slice3A_174 = vector.extract_strided_slice %select_n3A {offsets = [0, 1792], sizes = [64, 128], strides = [1, 1]} : vector<64x16384xf32> to vector<64x128xf32>
    %reshape3A_175 = vector.shape_cast %slice3A_174 : vector<64x128xf32> to vector<8x8x128xf32>
    %swap3A_176 = arith.constant 0 : index
    %swap3A_177 = arith.constant 14 : index
    %swap3A_178 = arith.constant 0 : index
    %swap3A_179 = arith.constant 0 : index
    %swap3A_180 = vector.load %arg3[%swap3A_176, %swap3A_177, %swap3A_178, %swap3A_179] : memref<8x128x8x128xf32, #tpu.memory_space<vmem>>, vector<8x1x8x128xf32>
    %swap3A_181 = vector.shape_cast %swap3A_180 : vector<8x1x8x128xf32> to vector<8x8x128xf32>
    %swap3A_182 = vector.shape_cast %reshape3A_175 : vector<8x8x128xf32> to vector<8x1x8x128xf32>
    tpu.vector_store %arg3[%swap3A_176, %swap3A_177, %swap3A_178, %swap3A_179], %swap3A_182 {strides = array<i32>} : memref<8x128x8x128xf32, #tpu.memory_space<vmem>>, vector<8x1x8x128xf32>,
    %reduce_max3A_183 = arith.constant dense<0xFF800000> : vector<64xf32>
    %reduce_max3A_184 = vector.multi_reduction <maximumf>, %slice3A_174, %reduce_max3A_183 [1] : vector<64x128xf32> to vector<64xf32>
    %broadcast_in_dim3A_185 = vector.shape_cast %reduce_max3A_184 : vector<64xf32> to vector<64x1xf32>
    %slice3A_186 = vector.extract_strided_slice %select_n3A {offsets = [0, 1920], sizes = [64, 128], strides = [1, 1]} : vector<64x16384xf32> to vector<64x128xf32>
    %reshape3A_187 = vector.shape_cast %slice3A_186 : vector<64x128xf32> to vector<8x8x128xf32>
    %swap3A_188 = arith.constant 0 : index
    %swap3A_189 = arith.constant 15 : index
    %swap3A_190 = arith.constant 0 : index
    %swap3A_191 = arith.constant 0 : index
    %swap3A_192 = vector.load %arg3[%swap3A_188, %swap3A_189, %swap3A_190, %swap3A_191] : memref<8x128x8x128xf32, #tpu.memory_space<vmem>>, vector<8x1x8x128xf32>
    %swap3A_193 = vector.shape_cast %swap3A_192 : vector<8x1x8x128xf32> to vector<8x8x128xf32>
    %swap3A_194 = vector.shape_cast %reshape3A_187 : vector<8x8x128xf32> to vector<8x1x8x128xf32>
    tpu.vector_store %arg3[%swap3A_188, %swap3A_189, %swap3A_190, %swap3A_191], %swap3A_194 {strides = array<i32>} : memref<8x128x8x128xf32, #tpu.memory_space<vmem>>, vector<8x1x8x128xf32>,
    %reduce_max3A_195 = arith.constant dense<0xFF800000> : vector<64xf32>
    %reduce_max3A_196 = vector.multi_reduction <maximumf>, %slice3A_186, %reduce_max3A_195 [1] : vector<64x128xf32> to vector<64xf32>
    %broadcast_in_dim3A_197 = vector.shape_cast %reduce_max3A_196 : vector<64xf32> to vector<64x1xf32>
    %slice3A_198 = vector.extract_strided_slice %select_n3A {offsets = [0, 2048], sizes = [64, 128], strides = [1, 1]} : vector<64x16384xf32> to vector<64x128xf32>
    %reshape3A_199 = vector.shape_cast %slice3A_198 : vector<64x128xf32> to vector<8x8x128xf32>
    %swap3A_200 = arith.constant 0 : index
    %swap3A_201 = arith.constant 16 : index
    %swap3A_202 = arith.constant 0 : index
    %swap3A_203 = arith.constant 0 : index
    %swap3A_204 = vector.load %arg3[%swap3A_200, %swap3A_201, %swap3A_202, %swap3A_203] : memref<8x128x8x128xf32, #tpu.memory_space<vmem>>, vector<8x1x8x128xf32>
    %swap3A_205 = vector.shape_cast %swap3A_204 : vector<8x1x8x128xf32> to vector<8x8x128xf32>
    %swap3A_206 = vector.shape_cast %reshape3A_199 : vector<8x8x128xf32> to vector<8x1x8x128xf32>
    tpu.vector_store %arg3[%swap3A_200, %swap3A_201, %swap3A_202, %swap3A_203], %swap3A_206 {strides = array<i32>} : memref<8x128x8x128xf32, #tpu.memory_space<vmem>>, vector<8x1x8x128xf32>,
    %reduce_max3A_207 = arith.constant dense<0xFF800000> : vector<64xf32>
    %reduce_max3A_208 = vector.multi_reduction <maximumf>, %slice3A_198, %reduce_max3A_207 [1] : vector<64x128xf32> to vector<64xf32>
    %broadcast_in_dim3A_209 = vector.shape_cast %reduce_max3A_208 : vector<64xf32> to vector<64x1xf32>
    %slice3A_210 = vector.extract_strided_slice %select_n3A {offsets = [0, 2176], sizes = [64, 128], strides = [1, 1]} : vector<64x16384xf32> to vector<64x128xf32>
    %reshape3A_211 = vector.shape_cast %slice3A_210 : vector<64x128xf32> to vector<8x8x128xf32>
    %swap3A_212 = arith.constant 0 : index
    %swap3A_213 = arith.constant 17 : index
    %swap3A_214 = arith.constant 0 : index
    %swap3A_215 = arith.constant 0 : index
    %swap3A_216 = vector.load %arg3[%swap3A_212, %swap3A_213, %swap3A_214, %swap3A_215] : memref<8x128x8x128xf32, #tpu.memory_space<vmem>>, vector<8x1x8x128xf32>
    %swap3A_217 = vector.shape_cast %swap3A_216 : vector<8x1x8x128xf32> to vector<8x8x128xf32>
    %swap3A_218 = vector.shape_cast %reshape3A_211 : vector<8x8x128xf32> to vector<8x1x8x128xf32>
    tpu.vector_store %arg3[%swap3A_212, %swap3A_213, %swap3A_214, %swap3A_215], %swap3A_218 {strides = array<i32>} : memref<8x128x8x128xf32, #tpu.memory_space<vmem>>, vector<8x1x8x128xf32>,
    %reduce_max3A_219 = arith.constant dense<0xFF800000> : vector<64xf32>
    %reduce_max3A_220 = vector.multi_reduction <maximumf>, %slice3A_210, %reduce_max3A_219 [1] : vector<64x128xf32> to vector<64xf32>
    %broadcast_in_dim3A_221 = vector.shape_cast %reduce_max3A_220 : vector<64xf32> to vector<64x1xf32>
    %slice3A_222 = vector.extract_strided_slice %select_n3A {offsets = [0, 2304], sizes = [64, 128], strides = [1, 1]} : vector<64x16384xf32> to vector<64x128xf32>
    %reshape3A_223 = vector.shape_cast %slice3A_222 : vector<64x128xf32> to vector<8x8x128xf32>
    %swap3A_224 = arith.constant 0 : index
    %swap3A_225 = arith.constant 18 : index
    %swap3A_226 = arith.constant 0 : index
    %swap3A_227 = arith.constant 0 : index
    %swap3A_228 = vector.load %arg3[%swap3A_224, %swap3A_225, %swap3A_226, %swap3A_227] : memref<8x128x8x128xf32, #tpu.memory_space<vmem>>, vector<8x1x8x128xf32>
    %swap3A_229 = vector.shape_cast %swap3A_228 : vector<8x1x8x128xf32> to vector<8x8x128xf32>
    %swap3A_230 = vector.shape_cast %reshape3A_223 : vector<8x8x128xf32> to vector<8x1x8x128xf32>
    tpu.vector_store %arg3[%swap3A_224, %swap3A_225, %swap3A_226, %swap3A_227], %swap3A_230 {strides = array<i32>} : memref<8x128x8x128xf32, #tpu.memory_space<vmem>>, vector<8x1x8x128xf32>,
    %reduce_max3A_231 = arith.constant dense<0xFF800000> : vector<64xf32>
    %reduce_max3A_232 = vector.multi_reduction <maximumf>, %slice3A_222, %reduce_max3A_231 [1] : vector<64x128xf32> to vector<64xf32>
    %broadcast_in_dim3A_233 = vector.shape_cast %reduce_max3A_232 : vector<64xf32> to vector<64x1xf32>
    %slice3A_234 = vector.extract_strided_slice %select_n3A {offsets = [0, 2432], sizes = [64, 128], strides = [1, 1]} : vector<64x16384xf32> to vector<64x128xf32>
    %reshape3A_235 = vector.shape_cast %slice3A_234 : vector<64x128xf32> to vector<8x8x128xf32>
    %swap3A_236 = arith.constant 0 : index
    %swap3A_237 = arith.constant 19 : index
    %swap3A_238 = arith.constant 0 : index
    %swap3A_239 = arith.constant 0 : index
    %swap3A_240 = vector.load %arg3[%swap3A_236, %swap3A_237, %swap3A_238, %swap3A_239] : memref<8x128x8x128xf32, #tpu.memory_space<vmem>>, vector<8x1x8x128xf32>
    %swap3A_241 = vector.shape_cast %swap3A_240 : vector<8x1x8x128xf32> to vector<8x8x128xf32>
    %swap3A_242 = vector.shape_cast %reshape3A_235 : vector<8x8x128xf32> to vector<8x1x8x128xf32>
    tpu.vector_store %arg3[%swap3A_236, %swap3A_237, %swap3A_238, %swap3A_239], %swap3A_242 {strides = array<i32>} : memref<8x128x8x128xf32, #tpu.memory_space<vmem>>, vector<8x1x8x128xf32>,
    %reduce_max3A_243 = arith.constant dense<0xFF800000> : vector<64xf32>
    %reduce_max3A_244 = vector.multi_reduction <maximumf>, %slice3A_234, %reduce_max3A_243 [1] : vector<64x128xf32> to vector<64xf32>
    %broadcast_in_dim3A_245 = vector.shape_cast %reduce_max3A_244 : vector<64xf32> to vector<64x1xf32>
    %slice3A_246 = vector.extract_strided_slice %select_n3A {offsets = [0, 2560], sizes = [64, 128], strides = [1, 1]} : vector<64x16384xf32> to vector<64x128xf32>
    %reshape3A_247 = vector.shape_cast %slice3A_246 : vector<64x128xf32> to vector<8x8x128xf32>
    %swap3A_248 = arith.constant 0 : index
    %swap3A_249 = arith.constant 20 : index
    %swap3A_250 = arith.constant 0 : index
    %swap3A_251 = arith.constant 0 : index
    %swap3A_252 = vector.load %arg3[%swap3A_248, %swap3A_249, %swap3A_250, %swap3A_251] : memref<8x128x8x128xf32, #tpu.memory_space<vmem>>, vector<8x1x8x128xf32>
    %swap3A_253 = vector.shape_cast %swap3A_252 : vector<8x1x8x128xf32> to vector<8x8x128xf32>
    %swap3A_254 = vector.shape_cast %reshape3A_247 : vector<8x8x128xf32> to vector<8x1x8x128xf32>
    tpu.vector_store %arg3[%swap3A_248, %swap3A_249, %swap3A_250, %swap3A_251], %swap3A_254 {strides = array<i32>} : memref<8x128x8x128xf32, #tpu.memory_space<vmem>>, vector<8x1x8x128xf32>,
    %reduce_max3A_255 = arith.constant dense<0xFF800000> : vector<64xf32>
    %reduce_max3A_256 = vector.multi_reduction <maximumf>, %slice3A_246, %reduce_max3A_255 [1] : vector<64x128xf32> to vector<64xf32>
    %broadcast_in_dim3A_257 = vector.shape_cast %reduce_max3A_256 : vector<64xf32> to vector<64x1xf32>
    %slice3A_258 = vector.extract_strided_slice %select_n3A {offsets = [0, 2688], sizes = [64, 128], strides = [1, 1]} : vector<64x16384xf32> to vector<64x128xf32>
    %reshape3A_259 = vector.shape_cast %slice3A_258 : vector<64x128xf32> to vector<8x8x128xf32>
    %swap3A_260 = arith.constant 0 : index
    %swap3A_261 = arith.constant 21 : index
    %swap3A_262 = arith.constant 0 : index
    %swap3A_263 = arith.constant 0 : index
    %swap3A_264 = vector.load %arg3[%swap3A_260, %swap3A_261, %swap3A_262, %swap3A_263] : memref<8x128x8x128xf32, #tpu.memory_space<vmem>>, vector<8x1x8x128xf32>
    %swap3A_265 = vector.shape_cast %swap3A_264 : vector<8x1x8x128xf32> to vector<8x8x128xf32>
    %swap3A_266 = vector.shape_cast %reshape3A_259 : vector<8x8x128xf32> to vector<8x1x8x128xf32>
    tpu.vector_store %arg3[%swap3A_260, %swap3A_261, %swap3A_262, %swap3A_263], %swap3A_266 {strides = array<i32>} : memref<8x128x8x128xf32, #tpu.memory_space<vmem>>, vector<8x1x8x128xf32>,
    %reduce_max3A_267 = arith.constant dense<0xFF800000> : vector<64xf32>
    %reduce_max3A_268 = vector.multi_reduction <maximumf>, %slice3A_258, %reduce_max3A_267 [1] : vector<64x128xf32> to vector<64xf32>
    %broadcast_in_dim3A_269 = vector.shape_cast %reduce_max3A_268 : vector<64xf32> to vector<64x1xf32>
    %slice3A_270 = vector.extract_strided_slice %select_n3A {offsets = [0, 2816], sizes = [64, 128], strides = [1, 1]} : vector<64x16384xf32> to vector<64x128xf32>
    %reshape3A_271 = vector.shape_cast %slice3A_270 : vector<64x128xf32> to vector<8x8x128xf32>
    %swap3A_272 = arith.constant 0 : index
    %swap3A_273 = arith.constant 22 : index
    %swap3A_274 = arith.constant 0 : index
    %swap3A_275 = arith.constant 0 : index
    %swap3A_276 = vector.load %arg3[%swap3A_272, %swap3A_273, %swap3A_274, %swap3A_275] : memref<8x128x8x128xf32, #tpu.memory_space<vmem>>, vector<8x1x8x128xf32>
    %swap3A_277 = vector.shape_cast %swap3A_276 : vector<8x1x8x128xf32> to vector<8x8x128xf32>
    %swap3A_278 = vector.shape_cast %reshape3A_271 : vector<8x8x128xf32> to vector<8x1x8x128xf32>
    tpu.vector_store %arg3[%swap3A_272, %swap3A_273, %swap3A_274, %swap3A_275], %swap3A_278 {strides = array<i32>} : memref<8x128x8x128xf32, #tpu.memory_space<vmem>>, vector<8x1x8x128xf32>,
    %reduce_max3A_279 = arith.constant dense<0xFF800000> : vector<64xf32>
    %reduce_max3A_280 = vector.multi_reduction <maximumf>, %slice3A_270, %reduce_max3A_279 [1] : vector<64x128xf32> to vector<64xf32>
    %broadcast_in_dim3A_281 = vector.shape_cast %reduce_max3A_280 : vector<64xf32> to vector<64x1xf32>
    %slice3A_282 = vector.extract_strided_slice %select_n3A {offsets = [0, 2944], sizes = [64, 128], strides = [1, 1]} : vector<64x16384xf32> to vector<64x128xf32>
    %reshape3A_283 = vector.shape_cast %slice3A_282 : vector<64x128xf32> to vector<8x8x128xf32>
    %swap3A_284 = arith.constant 0 : index
    %swap3A_285 = arith.constant 23 : index
    %swap3A_286 = arith.constant 0 : index
    %swap3A_287 = arith.constant 0 : index
    %swap3A_288 = vector.load %arg3[%swap3A_284, %swap3A_285, %swap3A_286, %swap3A_287] : memref<8x128x8x128xf32, #tpu.memory_space<vmem>>, vector<8x1x8x128xf32>
    %swap3A_289 = vector.shape_cast %swap3A_288 : vector<8x1x8x128xf32> to vector<8x8x128xf32>
    %swap3A_290 = vector.shape_cast %reshape3A_283 : vector<8x8x128xf32> to vector<8x1x8x128xf32>
    tpu.vector_store %arg3[%swap3A_284, %swap3A_285, %swap3A_286, %swap3A_287], %swap3A_290 {strides = array<i32>} : memref<8x128x8x128xf32, #tpu.memory_space<vmem>>, vector<8x1x8x128xf32>,
    %reduce_max3A_291 = arith.constant dense<0xFF800000> : vector<64xf32>
    %reduce_max3A_292 = vector.multi_reduction <maximumf>, %slice3A_282, %reduce_max3A_291 [1] : vector<64x128xf32> to vector<64xf32>
    %broadcast_in_dim3A_293 = vector.shape_cast %reduce_max3A_292 : vector<64xf32> to vector<64x1xf32>
    %slice3A_294 = vector.extract_strided_slice %select_n3A {offsets = [0, 3072], sizes = [64, 128], strides = [1, 1]} : vector<64x16384xf32> to vector<64x128xf32>
    %reshape3A_295 = vector.shape_cast %slice3A_294 : vector<64x128xf32> to vector<8x8x128xf32>
    %swap3A_296 = arith.constant 0 : index
    %swap3A_297 = arith.constant 24 : index
    %swap3A_298 = arith.constant 0 : index
    %swap3A_299 = arith.constant 0 : index
    %swap3A_300 = vector.load %arg3[%swap3A_296, %swap3A_297, %swap3A_298, %swap3A_299] : memref<8x128x8x128xf32, #tpu.memory_space<vmem>>, vector<8x1x8x128xf32>
    %swap3A_301 = vector.shape_cast %swap3A_300 : vector<8x1x8x128xf32> to vector<8x8x128xf32>
    %swap3A_302 = vector.shape_cast %reshape3A_295 : vector<8x8x128xf32> to vector<8x1x8x128xf32>
    tpu.vector_store %arg3[%swap3A_296, %swap3A_297, %swap3A_298, %swap3A_299], %swap3A_302 {strides = array<i32>} : memref<8x128x8x128xf32, #tpu.memory_space<vmem>>, vector<8x1x8x128xf32>,
    %reduce_max3A_303 = arith.constant dense<0xFF800000> : vector<64xf32>
    %reduce_max3A_304 = vector.multi_reduction <maximumf>, %slice3A_294, %reduce_max3A_303 [1] : vector<64x128xf32> to vector<64xf32>
    %broadcast_in_dim3A_305 = vector.shape_cast %reduce_max3A_304 : vector<64xf32> to vector<64x1xf32>
    %slice3A_306 = vector.extract_strided_slice %select_n3A {offsets = [0, 3200], sizes = [64, 128], strides = [1, 1]} : vector<64x16384xf32> to vector<64x128xf32>
    %reshape3A_307 = vector.shape_cast %slice3A_306 : vector<64x128xf32> to vector<8x8x128xf32>
    %swap3A_308 = arith.constant 0 : index
    %swap3A_309 = arith.constant 25 : index
    %swap3A_310 = arith.constant 0 : index
    %swap3A_311 = arith.constant 0 : index
    %swap3A_312 = vector.load %arg3[%swap3A_308, %swap3A_309, %swap3A_310, %swap3A_311] : memref<8x128x8x128xf32, #tpu.memory_space<vmem>>, vector<8x1x8x128xf32>
    %swap3A_313 = vector.shape_cast %swap3A_312 : vector<8x1x8x128xf32> to vector<8x8x128xf32>
    %swap3A_314 = vector.shape_cast %reshape3A_307 : vector<8x8x128xf32> to vector<8x1x8x128xf32>
    tpu.vector_store %arg3[%swap3A_308, %swap3A_309, %swap3A_310, %swap3A_311], %swap3A_314 {strides = array<i32>} : memref<8x128x8x128xf32, #tpu.memory_space<vmem>>, vector<8x1x8x128xf32>,
    %reduce_max3A_315 = arith.constant dense<0xFF800000> : vector<64xf32>
    %reduce_max3A_316 = vector.multi_reduction <maximumf>, %slice3A_306, %reduce_max3A_315 [1] : vector<64x128xf32> to vector<64xf32>
    %broadcast_in_dim3A_317 = vector.shape_cast %reduce_max3A_316 : vector<64xf32> to vector<64x1xf32>
    %slice3A_318 = vector.extract_strided_slice %select_n3A {offsets = [0, 3328], sizes = [64, 128], strides = [1, 1]} : vector<64x16384xf32> to vector<64x128xf32>
    %reshape3A_319 = vector.shape_cast %slice3A_318 : vector<64x128xf32> to vector<8x8x128xf32>
    %swap3A_320 = arith.constant 0 : index
    %swap3A_321 = arith.constant 26 : index
    %swap3A_322 = arith.constant 0 : index
    %swap3A_323 = arith.constant 0 : index
    %swap3A_324 = vector.load %arg3[%swap3A_320, %swap3A_321, %swap3A_322, %swap3A_323] : memref<8x128x8x128xf32, #tpu.memory_space<vmem>>, vector<8x1x8x128xf32>
    %swap3A_325 = vector.shape_cast %swap3A_324 : vector<8x1x8x128xf32> to vector<8x8x128xf32>
    %swap3A_326 = vector.shape_cast %reshape3A_319 : vector<8x8x128xf32> to vector<8x1x8x128xf32>
    tpu.vector_store %arg3[%swap3A_320, %swap3A_321, %swap3A_322, %swap3A_323], %swap3A_326 {strides = array<i32>} : memref<8x128x8x128xf32, #tpu.memory_space<vmem>>, vector<8x1x8x128xf32>,
    %reduce_max3A_327 = arith.constant dense<0xFF800000> : vector<64xf32>
    %reduce_max3A_328 = vector.multi_reduction <maximumf>, %slice3A_318, %reduce_max3A_327 [1] : vector<64x128xf32> to vector<64xf32>
    %broadcast_in_dim3A_329 = vector.shape_cast %reduce_max3A_328 : vector<64xf32> to vector<64x1xf32>
    %slice3A_330 = vector.extract_strided_slice %select_n3A {offsets = [0, 3456], sizes = [64, 128], strides = [1, 1]} : vector<64x16384xf32> to vector<64x128xf32>
    %reshape3A_331 = vector.shape_cast %slice3A_330 : vector<64x128xf32> to vector<8x8x128xf32>
    %swap3A_332 = arith.constant 0 : index
    %swap3A_333 = arith.constant 27 : index
    %swap3A_334 = arith.constant 0 : index
    %swap3A_335 = arith.constant 0 : index
    %swap3A_336 = vector.load %arg3[%swap3A_332, %swap3A_333, %swap3A_334, %swap3A_335] : memref<8x128x8x128xf32, #tpu.memory_space<vmem>>, vector<8x1x8x128xf32>
    %swap3A_337 = vector.shape_cast %swap3A_336 : vector<8x1x8x128xf32> to vector<8x8x128xf32>
    %swap3A_338 = vector.shape_cast %reshape3A_331 : vector<8x8x128xf32> to vector<8x1x8x128xf32>
    tpu.vector_store %arg3[%swap3A_332, %swap3A_333, %swap3A_334, %swap3A_335], %swap3A_338 {strides = array<i32>} : memref<8x128x8x128xf32, #tpu.memory_space<vmem>>, vector<8x1x8x128xf32>,
    %reduce_max3A_339 = arith.constant dense<0xFF800000> : vector<64xf32>
    %reduce_max3A_340 = vector.multi_reduction <maximumf>, %slice3A_330, %reduce_max3A_339 [1] : vector<64x128xf32> to vector<64xf32>
    %broadcast_in_dim3A_341 = vector.shape_cast %reduce_max3A_340 : vector<64xf32> to vector<64x1xf32>
    %slice3A_342 = vector.extract_strided_slice %select_n3A {offsets = [0, 3584], sizes = [64, 128], strides = [1, 1]} : vector<64x16384xf32> to vector<64x128xf32>
    %reshape3A_343 = vector.shape_cast %slice3A_342 : vector<64x128xf32> to vector<8x8x128xf32>
    %swap3A_344 = arith.constant 0 : index
    %swap3A_345 = arith.constant 28 : index
    %swap3A_346 = arith.constant 0 : index
    %swap3A_347 = arith.constant 0 : index
    %swap3A_348 = vector.load %arg3[%swap3A_344, %swap3A_345, %swap3A_346, %swap3A_347] : memref<8x128x8x128xf32, #tpu.memory_space<vmem>>, vector<8x1x8x128xf32>
    %swap3A_349 = vector.shape_cast %swap3A_348 : vector<8x1x8x128xf32> to vector<8x8x128xf32>
    %swap3A_350 = vector.shape_cast %reshape3A_343 : vector<8x8x128xf32> to vector<8x1x8x128xf32>
    tpu.vector_store %arg3[%swap3A_344, %swap3A_345, %swap3A_346, %swap3A_347], %swap3A_350 {strides = array<i32>} : memref<8x128x8x128xf32, #tpu.memory_space<vmem>>, vector<8x1x8x128xf32>,
    %reduce_max3A_351 = arith.constant dense<0xFF800000> : vector<64xf32>
    %reduce_max3A_352 = vector.multi_reduction <maximumf>, %slice3A_342, %reduce_max3A_351 [1] : vector<64x128xf32> to vector<64xf32>
    %broadcast_in_dim3A_353 = vector.shape_cast %reduce_max3A_352 : vector<64xf32> to vector<64x1xf32>
    %slice3A_354 = vector.extract_strided_slice %select_n3A {offsets = [0, 3712], sizes = [64, 128], strides = [1, 1]} : vector<64x16384xf32> to vector<64x128xf32>
    %reshape3A_355 = vector.shape_cast %slice3A_354 : vector<64x128xf32> to vector<8x8x128xf32>
    %swap3A_356 = arith.constant 0 : index
    %swap3A_357 = arith.constant 29 : index
    %swap3A_358 = arith.constant 0 : index
    %swap3A_359 = arith.constant 0 : index
    %swap3A_360 = vector.load %arg3[%swap3A_356, %swap3A_357, %swap3A_358, %swap3A_359] : memref<8x128x8x128xf32, #tpu.memory_space<vmem>>, vector<8x1x8x128xf32>
    %swap3A_361 = vector.shape_cast %swap3A_360 : vector<8x1x8x128xf32> to vector<8x8x128xf32>
    %swap3A_362 = vector.shape_cast %reshape3A_355 : vector<8x8x128xf32> to vector<8x1x8x128xf32>
    tpu.vector_store %arg3[%swap3A_356, %swap3A_357, %swap3A_358, %swap3A_359], %swap3A_362 {strides = array<i32>} : memref<8x128x8x128xf32, #tpu.memory_space<vmem>>, vector<8x1x8x128xf32>,
    %reduce_max3A_363 = arith.constant dense<0xFF800000> : vector<64xf32>
    %reduce_max3A_364 = vector.multi_reduction <maximumf>, %slice3A_354, %reduce_max3A_363 [1] : vector<64x128xf32> to vector<64xf32>
    %broadcast_in_dim3A_365 = vector.shape_cast %reduce_max3A_364 : vector<64xf32> to vector<64x1xf32>
    %slice3A_366 = vector.extract_strided_slice %select_n3A {offsets = [0, 3840], sizes = [64, 128], strides = [1, 1]} : vector<64x16384xf32> to vector<64x128xf32>
    %reshape3A_367 = vector.shape_cast %slice3A_366 : vector<64x128xf32> to vector<8x8x128xf32>
    %swap3A_368 = arith.constant 0 : index
    %swap3A_369 = arith.constant 30 : index
    %swap3A_370 = arith.constant 0 : index
    %swap3A_371 = arith.constant 0 : index
    %swap3A_372 = vector.load %arg3[%swap3A_368, %swap3A_369, %swap3A_370, %swap3A_371] : memref<8x128x8x128xf32, #tpu.memory_space<vmem>>, vector<8x1x8x128xf32>
    %swap3A_373 = vector.shape_cast %swap3A_372 : vector<8x1x8x128xf32> to vector<8x8x128xf32>
    %swap3A_374 = vector.shape_cast %reshape3A_367 : vector<8x8x128xf32> to vector<8x1x8x128xf32>
    tpu.vector_store %arg3[%swap3A_368, %swap3A_369, %swap3A_370, %swap3A_371], %swap3A_374 {strides = array<i32>} : memref<8x128x8x128xf32, #tpu.memory_space<vmem>>, vector<8x1x8x128xf32>,
    %reduce_max3A_375 = arith.constant dense<0xFF800000> : vector<64xf32>
    %reduce_max3A_376 = vector.multi_reduction <maximumf>, %slice3A_366, %reduce_max3A_375 [1] : vector<64x128xf32> to vector<64xf32>
    %broadcast_in_dim3A_377 = vector.shape_cast %reduce_max3A_376 : vector<64xf32> to vector<64x1xf32>
    %slice3A_378 = vector.extract_strided_slice %select_n3A {offsets = [0, 3968], sizes = [64, 128], strides = [1, 1]} : vector<64x16384xf32> to vector<64x128xf32>
    %reshape3A_379 = vector.shape_cast %slice3A_378 : vector<64x128xf32> to vector<8x8x128xf32>
    %swap3A_380 = arith.constant 0 : index
    %swap3A_381 = arith.constant 31 : index
    %swap3A_382 = arith.constant 0 : index
    %swap3A_383 = arith.constant 0 : index
    %swap3A_384 = vector.load %arg3[%swap3A_380, %swap3A_381, %swap3A_382, %swap3A_383] : memref<8x128x8x128xf32, #tpu.memory_space<vmem>>, vector<8x1x8x128xf32>
    %swap3A_385 = vector.shape_cast %swap3A_384 : vector<8x1x8x128xf32> to vector<8x8x128xf32>
    %swap3A_386 = vector.shape_cast %reshape3A_379 : vector<8x8x128xf32> to vector<8x1x8x128xf32>
    tpu.vector_store %arg3[%swap3A_380, %swap3A_381, %swap3A_382, %swap3A_383], %swap3A_386 {strides = array<i32>} : memref<8x128x8x128xf32, #tpu.memory_space<vmem>>, vector<8x1x8x128xf32>,
    %reduce_max3A_387 = arith.constant dense<0xFF800000> : vector<64xf32>
    %reduce_max3A_388 = vector.multi_reduction <maximumf>, %slice3A_378, %reduce_max3A_387 [1] : vector<64x128xf32> to vector<64xf32>
    %broadcast_in_dim3A_389 = vector.shape_cast %reduce_max3A_388 : vector<64xf32> to vector<64x1xf32>
    %slice3A_390 = vector.extract_strided_slice %select_n3A {offsets = [0, 4096], sizes = [64, 128], strides = [1, 1]} : vector<64x16384xf32> to vector<64x128xf32>
    %reshape3A_391 = vector.shape_cast %slice3A_390 : vector<64x128xf32> to vector<8x8x128xf32>
    %swap3A_392 = arith.constant 0 : index
    %swap3A_393 = arith.constant 32 : index
    %swap3A_394 = arith.constant 0 : index
    %swap3A_395 = arith.constant 0 : index
    %swap3A_396 = vector.load %arg3[%swap3A_392, %swap3A_393, %swap3A_394, %swap3A_395] : memref<8x128x8x128xf32, #tpu.memory_space<vmem>>, vector<8x1x8x128xf32>
    %swap3A_397 = vector.shape_cast %swap3A_396 : vector<8x1x8x128xf32> to vector<8x8x128xf32>
    %swap3A_398 = vector.shape_cast %reshape3A_391 : vector<8x8x128xf32> to vector<8x1x8x128xf32>
    tpu.vector_store %arg3[%swap3A_392, %swap3A_393, %swap3A_394, %swap3A_395], %swap3A_398 {strides = array<i32>} : memref<8x128x8x128xf32, #tpu.memory_space<vmem>>, vector<8x1x8x128xf32>,
    %reduce_max3A_399 = arith.constant dense<0xFF800000> : vector<64xf32>
    %reduce_max3A_400 = vector.multi_reduction <maximumf>, %slice3A_390, %reduce_max3A_399 [1] : vector<64x128xf32> to vector<64xf32>
    %broadcast_in_dim3A_401 = vector.shape_cast %reduce_max3A_400 : vector<64xf32> to vector<64x1xf32>
    %slice3A_402 = vector.extract_strided_slice %select_n3A {offsets = [0, 4224], sizes = [64, 128], strides = [1, 1]} : vector<64x16384xf32> to vector<64x128xf32>
    %reshape3A_403 = vector.shape_cast %slice3A_402 : vector<64x128xf32> to vector<8x8x128xf32>
    %swap3A_404 = arith.constant 0 : index
    %swap3A_405 = arith.constant 33 : index
    %swap3A_406 = arith.constant 0 : index
    %swap3A_407 = arith.constant 0 : index
    %swap3A_408 = vector.load %arg3[%swap3A_404, %swap3A_405, %swap3A_406, %swap3A_407] : memref<8x128x8x128xf32, #tpu.memory_space<vmem>>, vector<8x1x8x128xf32>
    %swap3A_409 = vector.shape_cast %swap3A_408 : vector<8x1x8x128xf32> to vector<8x8x128xf32>
    %swap3A_410 = vector.shape_cast %reshape3A_403 : vector<8x8x128xf32> to vector<8x1x8x128xf32>
    tpu.vector_store %arg3[%swap3A_404, %swap3A_405, %swap3A_406, %swap3A_407], %swap3A_410 {strides = array<i32>} : memref<8x128x8x128xf32, #tpu.memory_space<vmem>>, vector<8x1x8x128xf32>,
    %reduce_max3A_411 = arith.constant dense<0xFF800000> : vector<64xf32>
    %reduce_max3A_412 = vector.multi_reduction <maximumf>, %slice3A_402, %reduce_max3A_411 [1] : vector<64x128xf32> to vector<64xf32>
    %broadcast_in_dim3A_413 = vector.shape_cast %reduce_max3A_412 : vector<64xf32> to vector<64x1xf32>
    %slice3A_414 = vector.extract_strided_slice %select_n3A {offsets = [0, 4352], sizes = [64, 128], strides = [1, 1]} : vector<64x16384xf32> to vector<64x128xf32>
    %reshape3A_415 = vector.shape_cast %slice3A_414 : vector<64x128xf32> to vector<8x8x128xf32>
    %swap3A_416 = arith.constant 0 : index
    %swap3A_417 = arith.constant 34 : index
    %swap3A_418 = arith.constant 0 : index
    %swap3A_419 = arith.constant 0 : index
    %swap3A_420 = vector.load %arg3[%swap3A_416, %swap3A_417, %swap3A_418, %swap3A_419] : memref<8x128x8x128xf32, #tpu.memory_space<vmem>>, vector<8x1x8x128xf32>
    %swap3A_421 = vector.shape_cast %swap3A_420 : vector<8x1x8x128xf32> to vector<8x8x128xf32>
    %swap3A_422 = vector.shape_cast %reshape3A_415 : vector<8x8x128xf32> to vector<8x1x8x128xf32>
    tpu.vector_store %arg3[%swap3A_416, %swap3A_417, %swap3A_418, %swap3A_419], %swap3A_422 {strides = array<i32>} : memref<8x128x8x128xf32, #tpu.memory_space<vmem>>, vector<8x1x8x128xf32>,
    %reduce_max3A_423 = arith.constant dense<0xFF800000> : vector<64xf32>
    %reduce_max3A_424 = vector.multi_reduction <maximumf>, %slice3A_414, %reduce_max3A_423 [1] : vector<64x128xf32> to vector<64xf32>
    %broadcast_in_dim3A_425 = vector.shape_cast %reduce_max3A_424 : vector<64xf32> to vector<64x1xf32>
    %slice3A_426 = vector.extract_strided_slice %select_n3A {offsets = [0, 4480], sizes = [64, 128], strides = [1, 1]} : vector<64x16384xf32> to vector<64x128xf32>
    %reshape3A_427 = vector.shape_cast %slice3A_426 : vector<64x128xf32> to vector<8x8x128xf32>
    %swap3A_428 = arith.constant 0 : index
    %swap3A_429 = arith.constant 35 : index
    %swap3A_430 = arith.constant 0 : index
    %swap3A_431 = arith.constant 0 : index
    %swap3A_432 = vector.load %arg3[%swap3A_428, %swap3A_429, %swap3A_430, %swap3A_431] : memref<8x128x8x128xf32, #tpu.memory_space<vmem>>, vector<8x1x8x128xf32>
    %swap3A_433 = vector.shape_cast %swap3A_432 : vector<8x1x8x128xf32> to vector<8x8x128xf32>
    %swap3A_434 = vector.shape_cast %reshape3A_427 : vector<8x8x128xf32> to vector<8x1x8x128xf32>
    tpu.vector_store %arg3[%swap3A_428, %swap3A_429, %swap3A_430, %swap3A_431], %swap3A_434 {strides = array<i32>} : memref<8x128x8x128xf32, #tpu.memory_space<vmem>>, vector<8x1x8x128xf32>,
    %reduce_max3A_435 = arith.constant dense<0xFF800000> : vector<64xf32>
    %reduce_max3A_436 = vector.multi_reduction <maximumf>, %slice3A_426, %reduce_max3A_435 [1] : vector<64x128xf32> to vector<64xf32>
    %broadcast_in_dim3A_437 = vector.shape_cast %reduce_max3A_436 : vector<64xf32> to vector<64x1xf32>
    %slice3A_438 = vector.extract_strided_slice %select_n3A {offsets = [0, 4608], sizes = [64, 128], strides = [1, 1]} : vector<64x16384xf32> to vector<64x128xf32>
    %reshape3A_439 = vector.shape_cast %slice3A_438 : vector<64x128xf32> to vector<8x8x128xf32>
    %swap3A_440 = arith.constant 0 : index
    %swap3A_441 = arith.constant 36 : index
    %swap3A_442 = arith.constant 0 : index
    %swap3A_443 = arith.constant 0 : index
    %swap3A_444 = vector.load %arg3[%swap3A_440, %swap3A_441, %swap3A_442, %swap3A_443] : memref<8x128x8x128xf32, #tpu.memory_space<vmem>>, vector<8x1x8x128xf32>
    %swap3A_445 = vector.shape_cast %swap3A_444 : vector<8x1x8x128xf32> to vector<8x8x128xf32>
    %swap3A_446 = vector.shape_cast %reshape3A_439 : vector<8x8x128xf32> to vector<8x1x8x128xf32>
    tpu.vector_store %arg3[%swap3A_440, %swap3A_441, %swap3A_442, %swap3A_443], %swap3A_446 {strides = array<i32>} : memref<8x128x8x128xf32, #tpu.memory_space<vmem>>, vector<8x1x8x128xf32>,
    %reduce_max3A_447 = arith.constant dense<0xFF800000> : vector<64xf32>
    %reduce_max3A_448 = vector.multi_reduction <maximumf>, %slice3A_438, %reduce_max3A_447 [1] : vector<64x128xf32> to vector<64xf32>
    %broadcast_in_dim3A_449 = vector.shape_cast %reduce_max3A_448 : vector<64xf32> to vector<64x1xf32>
    %slice3A_450 = vector.extract_strided_slice %select_n3A {offsets = [0, 4736], sizes = [64, 128], strides = [1, 1]} : vector<64x16384xf32> to vector<64x128xf32>
    %reshape3A_451 = vector.shape_cast %slice3A_450 : vector<64x128xf32> to vector<8x8x128xf32>
    %swap3A_452 = arith.constant 0 : index
    %swap3A_453 = arith.constant 37 : index
    %swap3A_454 = arith.constant 0 : index
    %swap3A_455 = arith.constant 0 : index
    %swap3A_456 = vector.load %arg3[%swap3A_452, %swap3A_453, %swap3A_454, %swap3A_455] : memref<8x128x8x128xf32, #tpu.memory_space<vmem>>, vector<8x1x8x128xf32>
    %swap3A_457 = vector.shape_cast %swap3A_456 : vector<8x1x8x128xf32> to vector<8x8x128xf32>
    %swap3A_458 = vector.shape_cast %reshape3A_451 : vector<8x8x128xf32> to vector<8x1x8x128xf32>
    tpu.vector_store %arg3[%swap3A_452, %swap3A_453, %swap3A_454, %swap3A_455], %swap3A_458 {strides = array<i32>} : memref<8x128x8x128xf32, #tpu.memory_space<vmem>>, vector<8x1x8x128xf32>,
    %reduce_max3A_459 = arith.constant dense<0xFF800000> : vector<64xf32>
    %reduce_max3A_460 = vector.multi_reduction <maximumf>, %slice3A_450, %reduce_max3A_459 [1] : vector<64x128xf32> to vector<64xf32>
    %broadcast_in_dim3A_461 = vector.shape_cast %reduce_max3A_460 : vector<64xf32> to vector<64x1xf32>
    %slice3A_462 = vector.extract_strided_slice %select_n3A {offsets = [0, 4864], sizes = [64, 128], strides = [1, 1]} : vector<64x16384xf32> to vector<64x128xf32>
    %reshape3A_463 = vector.shape_cast %slice3A_462 : vector<64x128xf32> to vector<8x8x128xf32>
    %swap3A_464 = arith.constant 0 : index
    %swap3A_465 = arith.constant 38 : index
    %swap3A_466 = arith.constant 0 : index
    %swap3A_467 = arith.constant 0 : index
    %swap3A_468 = vector.load %arg3[%swap3A_464, %swap3A_465, %swap3A_466, %swap3A_467] : memref<8x128x8x128xf32, #tpu.memory_space<vmem>>, vector<8x1x8x128xf32>
    %swap3A_469 = vector.shape_cast %swap3A_468 : vector<8x1x8x128xf32> to vector<8x8x128xf32>
    %swap3A_470 = vector.shape_cast %reshape3A_463 : vector<8x8x128xf32> to vector<8x1x8x128xf32>
    tpu.vector_store %arg3[%swap3A_464, %swap3A_465, %swap3A_466, %swap3A_467], %swap3A_470 {strides = array<i32>} : memref<8x128x8x128xf32, #tpu.memory_space<vmem>>, vector<8x1x8x128xf32>,
    %reduce_max3A_471 = arith.constant dense<0xFF800000> : vector<64xf32>
    %reduce_max3A_472 = vector.multi_reduction <maximumf>, %slice3A_462, %reduce_max3A_471 [1] : vector<64x128xf32> to vector<64xf32>
    %broadcast_in_dim3A_473 = vector.shape_cast %reduce_max3A_472 : vector<64xf32> to vector<64x1xf32>
    %slice3A_474 = vector.extract_strided_slice %select_n3A {offsets = [0, 4992], sizes = [64, 128], strides = [1, 1]} : vector<64x16384xf32> to vector<64x128xf32>
    %reshape3A_475 = vector.shape_cast %slice3A_474 : vector<64x128xf32> to vector<8x8x128xf32>
    %swap3A_476 = arith.constant 0 : index
    %swap3A_477 = arith.constant 39 : index
    %swap3A_478 = arith.constant 0 : index
    %swap3A_479 = arith.constant 0 : index
    %swap3A_480 = vector.load %arg3[%swap3A_476, %swap3A_477, %swap3A_478, %swap3A_479] : memref<8x128x8x128xf32, #tpu.memory_space<vmem>>, vector<8x1x8x128xf32>
    %swap3A_481 = vector.shape_cast %swap3A_480 : vector<8x1x8x128xf32> to vector<8x8x128xf32>
    %swap3A_482 = vector.shape_cast %reshape3A_475 : vector<8x8x128xf32> to vector<8x1x8x128xf32>
    tpu.vector_store %arg3[%swap3A_476, %swap3A_477, %swap3A_478, %swap3A_479], %swap3A_482 {strides = array<i32>} : memref<8x128x8x128xf32, #tpu.memory_space<vmem>>, vector<8x1x8x128xf32>,
    %reduce_max3A_483 = arith.constant dense<0xFF800000> : vector<64xf32>
    %reduce_max3A_484 = vector.multi_reduction <maximumf>, %slice3A_474, %reduce_max3A_483 [1] : vector<64x128xf32> to vector<64xf32>
    %broadcast_in_dim3A_485 = vector.shape_cast %reduce_max3A_484 : vector<64xf32> to vector<64x1xf32>
    %slice3A_486 = vector.extract_strided_slice %select_n3A {offsets = [0, 5120], sizes = [64, 128], strides = [1, 1]} : vector<64x16384xf32> to vector<64x128xf32>
    %reshape3A_487 = vector.shape_cast %slice3A_486 : vector<64x128xf32> to vector<8x8x128xf32>
    %swap3A_488 = arith.constant 0 : index
    %swap3A_489 = arith.constant 40 : index
    %swap3A_490 = arith.constant 0 : index
    %swap3A_491 = arith.constant 0 : index
    %swap3A_492 = vector.load %arg3[%swap3A_488, %swap3A_489, %swap3A_490, %swap3A_491] : memref<8x128x8x128xf32, #tpu.memory_space<vmem>>, vector<8x1x8x128xf32>
    %swap3A_493 = vector.shape_cast %swap3A_492 : vector<8x1x8x128xf32> to vector<8x8x128xf32>
    %swap3A_494 = vector.shape_cast %reshape3A_487 : vector<8x8x128xf32> to vector<8x1x8x128xf32>
    tpu.vector_store %arg3[%swap3A_488, %swap3A_489, %swap3A_490, %swap3A_491], %swap3A_494 {strides = array<i32>} : memref<8x128x8x128xf32, #tpu.memory_space<vmem>>, vector<8x1x8x128xf32>,
    %reduce_max3A_495 = arith.constant dense<0xFF800000> : vector<64xf32>
    %reduce_max3A_496 = vector.multi_reduction <maximumf>, %slice3A_486, %reduce_max3A_495 [1] : vector<64x128xf32> to vector<64xf32>
    %broadcast_in_dim3A_497 = vector.shape_cast %reduce_max3A_496 : vector<64xf32> to vector<64x1xf32>
    %slice3A_498 = vector.extract_strided_slice %select_n3A {offsets = [0, 5248], sizes = [64, 128], strides = [1, 1]} : vector<64x16384xf32> to vector<64x128xf32>
    %reshape3A_499 = vector.shape_cast %slice3A_498 : vector<64x128xf32> to vector<8x8x128xf32>
    %swap3A_500 = arith.constant 0 : index
    %swap3A_501 = arith.constant 41 : index
    %swap3A_502 = arith.constant 0 : index
    %swap3A_503 = arith.constant 0 : index
    %swap3A_504 = vector.load %arg3[%swap3A_500, %swap3A_501, %swap3A_502, %swap3A_503] : memref<8x128x8x128xf32, #tpu.memory_space<vmem>>, vector<8x1x8x128xf32>
    %swap3A_505 = vector.shape_cast %swap3A_504 : vector<8x1x8x128xf32> to vector<8x8x128xf32>
    %swap3A_506 = vector.shape_cast %reshape3A_499 : vector<8x8x128xf32> to vector<8x1x8x128xf32>
    tpu.vector_store %arg3[%swap3A_500, %swap3A_501, %swap3A_502, %swap3A_503], %swap3A_506 {strides = array<i32>} : memref<8x128x8x128xf32, #tpu.memory_space<vmem>>, vector<8x1x8x128xf32>,
    %reduce_max3A_507 = arith.constant dense<0xFF800000> : vector<64xf32>
    %reduce_max3A_508 = vector.multi_reduction <maximumf>, %slice3A_498, %reduce_max3A_507 [1] : vector<64x128xf32> to vector<64xf32>
    %broadcast_in_dim3A_509 = vector.shape_cast %reduce_max3A_508 : vector<64xf32> to vector<64x1xf32>
    %slice3A_510 = vector.extract_strided_slice %select_n3A {offsets = [0, 5376], sizes = [64, 128], strides = [1, 1]} : vector<64x16384xf32> to vector<64x128xf32>
    %reshape3A_511 = vector.shape_cast %slice3A_510 : vector<64x128xf32> to vector<8x8x128xf32>
    %swap3A_512 = arith.constant 0 : index
    %swap3A_513 = arith.constant 42 : index
    %swap3A_514 = arith.constant 0 : index
    %swap3A_515 = arith.constant 0 : index
    %swap3A_516 = vector.load %arg3[%swap3A_512, %swap3A_513, %swap3A_514, %swap3A_515] : memref<8x128x8x128xf32, #tpu.memory_space<vmem>>, vector<8x1x8x128xf32>
    %swap3A_517 = vector.shape_cast %swap3A_516 : vector<8x1x8x128xf32> to vector<8x8x128xf32>
    %swap3A_518 = vector.shape_cast %reshape3A_511 : vector<8x8x128xf32> to vector<8x1x8x128xf32>
    tpu.vector_store %arg3[%swap3A_512, %swap3A_513, %swap3A_514, %swap3A_515], %swap3A_518 {strides = array<i32>} : memref<8x128x8x128xf32, #tpu.memory_space<vmem>>, vector<8x1x8x128xf32>,
    %reduce_max3A_519 = arith.constant dense<0xFF800000> : vector<64xf32>
    %reduce_max3A_520 = vector.multi_reduction <maximumf>, %slice3A_510, %reduce_max3A_519 [1] : vector<64x128xf32> to vector<64xf32>
    %broadcast_in_dim3A_521 = vector.shape_cast %reduce_max3A_520 : vector<64xf32> to vector<64x1xf32>
    %slice3A_522 = vector.extract_strided_slice %select_n3A {offsets = [0, 5504], sizes = [64, 128], strides = [1, 1]} : vector<64x16384xf32> to vector<64x128xf32>
    %reshape3A_523 = vector.shape_cast %slice3A_522 : vector<64x128xf32> to vector<8x8x128xf32>
    %swap3A_524 = arith.constant 0 : index
    %swap3A_525 = arith.constant 43 : index
    %swap3A_526 = arith.constant 0 : index
    %swap3A_527 = arith.constant 0 : index
    %swap3A_528 = vector.load %arg3[%swap3A_524, %swap3A_525, %swap3A_526, %swap3A_527] : memref<8x128x8x128xf32, #tpu.memory_space<vmem>>, vector<8x1x8x128xf32>
    %swap3A_529 = vector.shape_cast %swap3A_528 : vector<8x1x8x128xf32> to vector<8x8x128xf32>
    %swap3A_530 = vector.shape_cast %reshape3A_523 : vector<8x8x128xf32> to vector<8x1x8x128xf32>
    tpu.vector_store %arg3[%swap3A_524, %swap3A_525, %swap3A_526, %swap3A_527], %swap3A_530 {strides = array<i32>} : memref<8x128x8x128xf32, #tpu.memory_space<vmem>>, vector<8x1x8x128xf32>,
    %reduce_max3A_531 = arith.constant dense<0xFF800000> : vector<64xf32>
    %reduce_max3A_532 = vector.multi_reduction <maximumf>, %slice3A_522, %reduce_max3A_531 [1] : vector<64x128xf32> to vector<64xf32>
    %broadcast_in_dim3A_533 = vector.shape_cast %reduce_max3A_532 : vector<64xf32> to vector<64x1xf32>
    %slice3A_534 = vector.extract_strided_slice %select_n3A {offsets = [0, 5632], sizes = [64, 128], strides = [1, 1]} : vector<64x16384xf32> to vector<64x128xf32>
    %reshape3A_535 = vector.shape_cast %slice3A_534 : vector<64x128xf32> to vector<8x8x128xf32>
    %swap3A_536 = arith.constant 0 : index
    %swap3A_537 = arith.constant 44 : index
    %swap3A_538 = arith.constant 0 : index
    %swap3A_539 = arith.constant 0 : index
    %swap3A_540 = vector.load %arg3[%swap3A_536, %swap3A_537, %swap3A_538, %swap3A_539] : memref<8x128x8x128xf32, #tpu.memory_space<vmem>>, vector<8x1x8x128xf32>
    %swap3A_541 = vector.shape_cast %swap3A_540 : vector<8x1x8x128xf32> to vector<8x8x128xf32>
    %swap3A_542 = vector.shape_cast %reshape3A_535 : vector<8x8x128xf32> to vector<8x1x8x128xf32>
    tpu.vector_store %arg3[%swap3A_536, %swap3A_537, %swap3A_538, %swap3A_539], %swap3A_542 {strides = array<i32>} : memref<8x128x8x128xf32, #tpu.memory_space<vmem>>, vector<8x1x8x128xf32>,
    %reduce_max3A_543 = arith.constant dense<0xFF800000> : vector<64xf32>
    %reduce_max3A_544 = vector.multi_reduction <maximumf>, %slice3A_534, %reduce_max3A_543 [1] : vector<64x128xf32> to vector<64xf32>
    %broadcast_in_dim3A_545 = vector.shape_cast %reduce_max3A_544 : vector<64xf32> to vector<64x1xf32>
    %slice3A_546 = vector.extract_strided_slice %select_n3A {offsets = [0, 5760], sizes = [64, 128], strides = [1, 1]} : vector<64x16384xf32> to vector<64x128xf32>
    %reshape3A_547 = vector.shape_cast %slice3A_546 : vector<64x128xf32> to vector<8x8x128xf32>
    %swap3A_548 = arith.constant 0 : index
    %swap3A_549 = arith.constant 45 : index
    %swap3A_550 = arith.constant 0 : index
    %swap3A_551 = arith.constant 0 : index
    %swap3A_552 = vector.load %arg3[%swap3A_548, %swap3A_549, %swap3A_550, %swap3A_551] : memref<8x128x8x128xf32, #tpu.memory_space<vmem>>, vector<8x1x8x128xf32>
    %swap3A_553 = vector.shape_cast %swap3A_552 : vector<8x1x8x128xf32> to vector<8x8x128xf32>
    %swap3A_554 = vector.shape_cast %reshape3A_547 : vector<8x8x128xf32> to vector<8x1x8x128xf32>
    tpu.vector_store %arg3[%swap3A_548, %swap3A_549, %swap3A_550, %swap3A_551], %swap3A_554 {strides = array<i32>} : memref<8x128x8x128xf32, #tpu.memory_space<vmem>>, vector<8x1x8x128xf32>,
    %reduce_max3A_555 = arith.constant dense<0xFF800000> : vector<64xf32>
    %reduce_max3A_556 = vector.multi_reduction <maximumf>, %slice3A_546, %reduce_max3A_555 [1] : vector<64x128xf32> to vector<64xf32>
    %broadcast_in_dim3A_557 = vector.shape_cast %reduce_max3A_556 : vector<64xf32> to vector<64x1xf32>
    %slice3A_558 = vector.extract_strided_slice %select_n3A {offsets = [0, 5888], sizes = [64, 128], strides = [1, 1]} : vector<64x16384xf32> to vector<64x128xf32>
    %reshape3A_559 = vector.shape_cast %slice3A_558 : vector<64x128xf32> to vector<8x8x128xf32>
    %swap3A_560 = arith.constant 0 : index
    %swap3A_561 = arith.constant 46 : index
    %swap3A_562 = arith.constant 0 : index
    %swap3A_563 = arith.constant 0 : index
    %swap3A_564 = vector.load %arg3[%swap3A_560, %swap3A_561, %swap3A_562, %swap3A_563] : memref<8x128x8x128xf32, #tpu.memory_space<vmem>>, vector<8x1x8x128xf32>
    %swap3A_565 = vector.shape_cast %swap3A_564 : vector<8x1x8x128xf32> to vector<8x8x128xf32>
    %swap3A_566 = vector.shape_cast %reshape3A_559 : vector<8x8x128xf32> to vector<8x1x8x128xf32>
    tpu.vector_store %arg3[%swap3A_560, %swap3A_561, %swap3A_562, %swap3A_563], %swap3A_566 {strides = array<i32>} : memref<8x128x8x128xf32, #tpu.memory_space<vmem>>, vector<8x1x8x128xf32>,
    %reduce_max3A_567 = arith.constant dense<0xFF800000> : vector<64xf32>
    %reduce_max3A_568 = vector.multi_reduction <maximumf>, %slice3A_558, %reduce_max3A_567 [1] : vector<64x128xf32> to vector<64xf32>
    %broadcast_in_dim3A_569 = vector.shape_cast %reduce_max3A_568 : vector<64xf32> to vector<64x1xf32>
    %slice3A_570 = vector.extract_strided_slice %select_n3A {offsets = [0, 6016], sizes = [64, 128], strides = [1, 1]} : vector<64x16384xf32> to vector<64x128xf32>
    %reshape3A_571 = vector.shape_cast %slice3A_570 : vector<64x128xf32> to vector<8x8x128xf32>
    %swap3A_572 = arith.constant 0 : index
    %swap3A_573 = arith.constant 47 : index
    %swap3A_574 = arith.constant 0 : index
    %swap3A_575 = arith.constant 0 : index
    %swap3A_576 = vector.load %arg3[%swap3A_572, %swap3A_573, %swap3A_574, %swap3A_575] : memref<8x128x8x128xf32, #tpu.memory_space<vmem>>, vector<8x1x8x128xf32>
    %swap3A_577 = vector.shape_cast %swap3A_576 : vector<8x1x8x128xf32> to vector<8x8x128xf32>
    %swap3A_578 = vector.shape_cast %reshape3A_571 : vector<8x8x128xf32> to vector<8x1x8x128xf32>
    tpu.vector_store %arg3[%swap3A_572, %swap3A_573, %swap3A_574, %swap3A_575], %swap3A_578 {strides = array<i32>} : memref<8x128x8x128xf32, #tpu.memory_space<vmem>>, vector<8x1x8x128xf32>,
    %reduce_max3A_579 = arith.constant dense<0xFF800000> : vector<64xf32>
    %reduce_max3A_580 = vector.multi_reduction <maximumf>, %slice3A_570, %reduce_max3A_579 [1] : vector<64x128xf32> to vector<64xf32>
    %broadcast_in_dim3A_581 = vector.shape_cast %reduce_max3A_580 : vector<64xf32> to vector<64x1xf32>
    %slice3A_582 = vector.extract_strided_slice %select_n3A {offsets = [0, 6144], sizes = [64, 128], strides = [1, 1]} : vector<64x16384xf32> to vector<64x128xf32>
    %reshape3A_583 = vector.shape_cast %slice3A_582 : vector<64x128xf32> to vector<8x8x128xf32>
    %swap3A_584 = arith.constant 0 : index
    %swap3A_585 = arith.constant 48 : index
    %swap3A_586 = arith.constant 0 : index
    %swap3A_587 = arith.constant 0 : index
    %swap3A_588 = vector.load %arg3[%swap3A_584, %swap3A_585, %swap3A_586, %swap3A_587] : memref<8x128x8x128xf32, #tpu.memory_space<vmem>>, vector<8x1x8x128xf32>
    %swap3A_589 = vector.shape_cast %swap3A_588 : vector<8x1x8x128xf32> to vector<8x8x128xf32>
    %swap3A_590 = vector.shape_cast %reshape3A_583 : vector<8x8x128xf32> to vector<8x1x8x128xf32>
    tpu.vector_store %arg3[%swap3A_584, %swap3A_585, %swap3A_586, %swap3A_587], %swap3A_590 {strides = array<i32>} : memref<8x128x8x128xf32, #tpu.memory_space<vmem>>, vector<8x1x8x128xf32>,
    %reduce_max3A_591 = arith.constant dense<0xFF800000> : vector<64xf32>
    %reduce_max3A_592 = vector.multi_reduction <maximumf>, %slice3A_582, %reduce_max3A_591 [1] : vector<64x128xf32> to vector<64xf32>
    %broadcast_in_dim3A_593 = vector.shape_cast %reduce_max3A_592 : vector<64xf32> to vector<64x1xf32>
    %slice3A_594 = vector.extract_strided_slice %select_n3A {offsets = [0, 6272], sizes = [64, 128], strides = [1, 1]} : vector<64x16384xf32> to vector<64x128xf32>
    %reshape3A_595 = vector.shape_cast %slice3A_594 : vector<64x128xf32> to vector<8x8x128xf32>
    %swap3A_596 = arith.constant 0 : index
    %swap3A_597 = arith.constant 49 : index
    %swap3A_598 = arith.constant 0 : index
    %swap3A_599 = arith.constant 0 : index
    %swap3A_600 = vector.load %arg3[%swap3A_596, %swap3A_597, %swap3A_598, %swap3A_599] : memref<8x128x8x128xf32, #tpu.memory_space<vmem>>, vector<8x1x8x128xf32>
    %swap3A_601 = vector.shape_cast %swap3A_600 : vector<8x1x8x128xf32> to vector<8x8x128xf32>
    %swap3A_602 = vector.shape_cast %reshape3A_595 : vector<8x8x128xf32> to vector<8x1x8x128xf32>
    tpu.vector_store %arg3[%swap3A_596, %swap3A_597, %swap3A_598, %swap3A_599], %swap3A_602 {strides = array<i32>} : memref<8x128x8x128xf32, #tpu.memory_space<vmem>>, vector<8x1x8x128xf32>,
    %reduce_max3A_603 = arith.constant dense<0xFF800000> : vector<64xf32>
    %reduce_max3A_604 = vector.multi_reduction <maximumf>, %slice3A_594, %reduce_max3A_603 [1] : vector<64x128xf32> to vector<64xf32>
    %broadcast_in_dim3A_605 = vector.shape_cast %reduce_max3A_604 : vector<64xf32> to vector<64x1xf32>
    %slice3A_606 = vector.extract_strided_slice %select_n3A {offsets = [0, 6400], sizes = [64, 128], strides = [1, 1]} : vector<64x16384xf32> to vector<64x128xf32>
    %reshape3A_607 = vector.shape_cast %slice3A_606 : vector<64x128xf32> to vector<8x8x128xf32>
    %swap3A_608 = arith.constant 0 : index
    %swap3A_609 = arith.constant 50 : index
    %swap3A_610 = arith.constant 0 : index
    %swap3A_611 = arith.constant 0 : index
    %swap3A_612 = vector.load %arg3[%swap3A_608, %swap3A_609, %swap3A_610, %swap3A_611] : memref<8x128x8x128xf32, #tpu.memory_space<vmem>>, vector<8x1x8x128xf32>
    %swap3A_613 = vector.shape_cast %swap3A_612 : vector<8x1x8x128xf32> to vector<8x8x128xf32>
    %swap3A_614 = vector.shape_cast %reshape3A_607 : vector<8x8x128xf32> to vector<8x1x8x128xf32>
    tpu.vector_store %arg3[%swap3A_608, %swap3A_609, %swap3A_610, %swap3A_611], %swap3A_614 {strides = array<i32>} : memref<8x128x8x128xf32, #tpu.memory_space<vmem>>, vector<8x1x8x128xf32>,
    %reduce_max3A_615 = arith.constant dense<0xFF800000> : vector<64xf32>
    %reduce_max3A_616 = vector.multi_reduction <maximumf>, %slice3A_606, %reduce_max3A_615 [1] : vector<64x128xf32> to vector<64xf32>
    %broadcast_in_dim3A_617 = vector.shape_cast %reduce_max3A_616 : vector<64xf32> to vector<64x1xf32>
    %slice3A_618 = vector.extract_strided_slice %select_n3A {offsets = [0, 6528], sizes = [64, 128], strides = [1, 1]} : vector<64x16384xf32> to vector<64x128xf32>
    %reshape3A_619 = vector.shape_cast %slice3A_618 : vector<64x128xf32> to vector<8x8x128xf32>
    %swap3A_620 = arith.constant 0 : index
    %swap3A_621 = arith.constant 51 : index
    %swap3A_622 = arith.constant 0 : index
    %swap3A_623 = arith.constant 0 : index
    %swap3A_624 = vector.load %arg3[%swap3A_620, %swap3A_621, %swap3A_622, %swap3A_623] : memref<8x128x8x128xf32, #tpu.memory_space<vmem>>, vector<8x1x8x128xf32>
    %swap3A_625 = vector.shape_cast %swap3A_624 : vector<8x1x8x128xf32> to vector<8x8x128xf32>
    %swap3A_626 = vector.shape_cast %reshape3A_619 : vector<8x8x128xf32> to vector<8x1x8x128xf32>
    tpu.vector_store %arg3[%swap3A_620, %swap3A_621, %swap3A_622, %swap3A_623], %swap3A_626 {strides = array<i32>} : memref<8x128x8x128xf32, #tpu.memory_space<vmem>>, vector<8x1x8x128xf32>,
    %reduce_max3A_627 = arith.constant dense<0xFF800000> : vector<64xf32>
    %reduce_max3A_628 = vector.multi_reduction <maximumf>, %slice3A_618, %reduce_max3A_627 [1] : vector<64x128xf32> to vector<64xf32>
    %broadcast_in_dim3A_629 = vector.shape_cast %reduce_max3A_628 : vector<64xf32> to vector<64x1xf32>
    %slice3A_630 = vector.extract_strided_slice %select_n3A {offsets = [0, 6656], sizes = [64, 128], strides = [1, 1]} : vector<64x16384xf32> to vector<64x128xf32>
    %reshape3A_631 = vector.shape_cast %slice3A_630 : vector<64x128xf32> to vector<8x8x128xf32>
    %swap3A_632 = arith.constant 0 : index
    %swap3A_633 = arith.constant 52 : index
    %swap3A_634 = arith.constant 0 : index
    %swap3A_635 = arith.constant 0 : index
    %swap3A_636 = vector.load %arg3[%swap3A_632, %swap3A_633, %swap3A_634, %swap3A_635] : memref<8x128x8x128xf32, #tpu.memory_space<vmem>>, vector<8x1x8x128xf32>
    %swap3A_637 = vector.shape_cast %swap3A_636 : vector<8x1x8x128xf32> to vector<8x8x128xf32>
    %swap3A_638 = vector.shape_cast %reshape3A_631 : vector<8x8x128xf32> to vector<8x1x8x128xf32>
    tpu.vector_store %arg3[%swap3A_632, %swap3A_633, %swap3A_634, %swap3A_635], %swap3A_638 {strides = array<i32>} : memref<8x128x8x128xf32, #tpu.memory_space<vmem>>, vector<8x1x8x128xf32>,
    %reduce_max3A_639 = arith.constant dense<0xFF800000> : vector<64xf32>
    %reduce_max3A_640 = vector.multi_reduction <maximumf>, %slice3A_630, %reduce_max3A_639 [1] : vector<64x128xf32> to vector<64xf32>
    %broadcast_in_dim3A_641 = vector.shape_cast %reduce_max3A_640 : vector<64xf32> to vector<64x1xf32>
    %slice3A_642 = vector.extract_strided_slice %select_n3A {offsets = [0, 6784], sizes = [64, 128], strides = [1, 1]} : vector<64x16384xf32> to vector<64x128xf32>
    %reshape3A_643 = vector.shape_cast %slice3A_642 : vector<64x128xf32> to vector<8x8x128xf32>
    %swap3A_644 = arith.constant 0 : index
    %swap3A_645 = arith.constant 53 : index
    %swap3A_646 = arith.constant 0 : index
    %swap3A_647 = arith.constant 0 : index
    %swap3A_648 = vector.load %arg3[%swap3A_644, %swap3A_645, %swap3A_646, %swap3A_647] : memref<8x128x8x128xf32, #tpu.memory_space<vmem>>, vector<8x1x8x128xf32>
    %swap3A_649 = vector.shape_cast %swap3A_648 : vector<8x1x8x128xf32> to vector<8x8x128xf32>
    %swap3A_650 = vector.shape_cast %reshape3A_643 : vector<8x8x128xf32> to vector<8x1x8x128xf32>
    tpu.vector_store %arg3[%swap3A_644, %swap3A_645, %swap3A_646, %swap3A_647], %swap3A_650 {strides = array<i32>} : memref<8x128x8x128xf32, #tpu.memory_space<vmem>>, vector<8x1x8x128xf32>,
    %reduce_max3A_651 = arith.constant dense<0xFF800000> : vector<64xf32>
    %reduce_max3A_652 = vector.multi_reduction <maximumf>, %slice3A_642, %reduce_max3A_651 [1] : vector<64x128xf32> to vector<64xf32>
    %broadcast_in_dim3A_653 = vector.shape_cast %reduce_max3A_652 : vector<64xf32> to vector<64x1xf32>
    %slice3A_654 = vector.extract_strided_slice %select_n3A {offsets = [0, 6912], sizes = [64, 128], strides = [1, 1]} : vector<64x16384xf32> to vector<64x128xf32>
    %reshape3A_655 = vector.shape_cast %slice3A_654 : vector<64x128xf32> to vector<8x8x128xf32>
    %swap3A_656 = arith.constant 0 : index
    %swap3A_657 = arith.constant 54 : index
    %swap3A_658 = arith.constant 0 : index
    %swap3A_659 = arith.constant 0 : index
    %swap3A_660 = vector.load %arg3[%swap3A_656, %swap3A_657, %swap3A_658, %swap3A_659] : memref<8x128x8x128xf32, #tpu.memory_space<vmem>>, vector<8x1x8x128xf32>
    %swap3A_661 = vector.shape_cast %swap3A_660 : vector<8x1x8x128xf32> to vector<8x8x128xf32>
    %swap3A_662 = vector.shape_cast %reshape3A_655 : vector<8x8x128xf32> to vector<8x1x8x128xf32>
    tpu.vector_store %arg3[%swap3A_656, %swap3A_657, %swap3A_658, %swap3A_659], %swap3A_662 {strides = array<i32>} : memref<8x128x8x128xf32, #tpu.memory_space<vmem>>, vector<8x1x8x128xf32>,
    %reduce_max3A_663 = arith.constant dense<0xFF800000> : vector<64xf32>
    %reduce_max3A_664 = vector.multi_reduction <maximumf>, %slice3A_654, %reduce_max3A_663 [1] : vector<64x128xf32> to vector<64xf32>
    %broadcast_in_dim3A_665 = vector.shape_cast %reduce_max3A_664 : vector<64xf32> to vector<64x1xf32>
    %slice3A_666 = vector.extract_strided_slice %select_n3A {offsets = [0, 7040], sizes = [64, 128], strides = [1, 1]} : vector<64x16384xf32> to vector<64x128xf32>
    %reshape3A_667 = vector.shape_cast %slice3A_666 : vector<64x128xf32> to vector<8x8x128xf32>
    %swap3A_668 = arith.constant 0 : index
    %swap3A_669 = arith.constant 55 : index
    %swap3A_670 = arith.constant 0 : index
    %swap3A_671 = arith.constant 0 : index
    %swap3A_672 = vector.load %arg3[%swap3A_668, %swap3A_669, %swap3A_670, %swap3A_671] : memref<8x128x8x128xf32, #tpu.memory_space<vmem>>, vector<8x1x8x128xf32>
    %swap3A_673 = vector.shape_cast %swap3A_672 : vector<8x1x8x128xf32> to vector<8x8x128xf32>
    %swap3A_674 = vector.shape_cast %reshape3A_667 : vector<8x8x128xf32> to vector<8x1x8x128xf32>
    tpu.vector_store %arg3[%swap3A_668, %swap3A_669, %swap3A_670, %swap3A_671], %swap3A_674 {strides = array<i32>} : memref<8x128x8x128xf32, #tpu.memory_space<vmem>>, vector<8x1x8x128xf32>,
    %reduce_max3A_675 = arith.constant dense<0xFF800000> : vector<64xf32>
    %reduce_max3A_676 = vector.multi_reduction <maximumf>, %slice3A_666, %reduce_max3A_675 [1] : vector<64x128xf32> to vector<64xf32>
    %broadcast_in_dim3A_677 = vector.shape_cast %reduce_max3A_676 : vector<64xf32> to vector<64x1xf32>
    %slice3A_678 = vector.extract_strided_slice %select_n3A {offsets = [0, 7168], sizes = [64, 128], strides = [1, 1]} : vector<64x16384xf32> to vector<64x128xf32>
    %reshape3A_679 = vector.shape_cast %slice3A_678 : vector<64x128xf32> to vector<8x8x128xf32>
    %swap3A_680 = arith.constant 0 : index
    %swap3A_681 = arith.constant 56 : index
    %swap3A_682 = arith.constant 0 : index
    %swap3A_683 = arith.constant 0 : index
    %swap3A_684 = vector.load %arg3[%swap3A_680, %swap3A_681, %swap3A_682, %swap3A_683] : memref<8x128x8x128xf32, #tpu.memory_space<vmem>>, vector<8x1x8x128xf32>
    %swap3A_685 = vector.shape_cast %swap3A_684 : vector<8x1x8x128xf32> to vector<8x8x128xf32>
    %swap3A_686 = vector.shape_cast %reshape3A_679 : vector<8x8x128xf32> to vector<8x1x8x128xf32>
    tpu.vector_store %arg3[%swap3A_680, %swap3A_681, %swap3A_682, %swap3A_683], %swap3A_686 {strides = array<i32>} : memref<8x128x8x128xf32, #tpu.memory_space<vmem>>, vector<8x1x8x128xf32>,
    %reduce_max3A_687 = arith.constant dense<0xFF800000> : vector<64xf32>
    %reduce_max3A_688 = vector.multi_reduction <maximumf>, %slice3A_678, %reduce_max3A_687 [1] : vector<64x128xf32> to vector<64xf32>
    %broadcast_in_dim3A_689 = vector.shape_cast %reduce_max3A_688 : vector<64xf32> to vector<64x1xf32>
    %slice3A_690 = vector.extract_strided_slice %select_n3A {offsets = [0, 7296], sizes = [64, 128], strides = [1, 1]} : vector<64x16384xf32> to vector<64x128xf32>
    %reshape3A_691 = vector.shape_cast %slice3A_690 : vector<64x128xf32> to vector<8x8x128xf32>
    %swap3A_692 = arith.constant 0 : index
    %swap3A_693 = arith.constant 57 : index
    %swap3A_694 = arith.constant 0 : index
    %swap3A_695 = arith.constant 0 : index
    %swap3A_696 = vector.load %arg3[%swap3A_692, %swap3A_693, %swap3A_694, %swap3A_695] : memref<8x128x8x128xf32, #tpu.memory_space<vmem>>, vector<8x1x8x128xf32>
    %swap3A_697 = vector.shape_cast %swap3A_696 : vector<8x1x8x128xf32> to vector<8x8x128xf32>
    %swap3A_698 = vector.shape_cast %reshape3A_691 : vector<8x8x128xf32> to vector<8x1x8x128xf32>
    tpu.vector_store %arg3[%swap3A_692, %swap3A_693, %swap3A_694, %swap3A_695], %swap3A_698 {strides = array<i32>} : memref<8x128x8x128xf32, #tpu.memory_space<vmem>>, vector<8x1x8x128xf32>,
    %reduce_max3A_699 = arith.constant dense<0xFF800000> : vector<64xf32>
    %reduce_max3A_700 = vector.multi_reduction <maximumf>, %slice3A_690, %reduce_max3A_699 [1] : vector<64x128xf32> to vector<64xf32>
    %broadcast_in_dim3A_701 = vector.shape_cast %reduce_max3A_700 : vector<64xf32> to vector<64x1xf32>
    %slice3A_702 = vector.extract_strided_slice %select_n3A {offsets = [0, 7424], sizes = [64, 128], strides = [1, 1]} : vector<64x16384xf32> to vector<64x128xf32>
    %reshape3A_703 = vector.shape_cast %slice3A_702 : vector<64x128xf32> to vector<8x8x128xf32>
    %swap3A_704 = arith.constant 0 : index
    %swap3A_705 = arith.constant 58 : index
    %swap3A_706 = arith.constant 0 : index
    %swap3A_707 = arith.constant 0 : index
    %swap3A_708 = vector.load %arg3[%swap3A_704, %swap3A_705, %swap3A_706, %swap3A_707] : memref<8x128x8x128xf32, #tpu.memory_space<vmem>>, vector<8x1x8x128xf32>
    %swap3A_709 = vector.shape_cast %swap3A_708 : vector<8x1x8x128xf32> to vector<8x8x128xf32>
    %swap3A_710 = vector.shape_cast %reshape3A_703 : vector<8x8x128xf32> to vector<8x1x8x128xf32>
    tpu.vector_store %arg3[%swap3A_704, %swap3A_705, %swap3A_706, %swap3A_707], %swap3A_710 {strides = array<i32>} : memref<8x128x8x128xf32, #tpu.memory_space<vmem>>, vector<8x1x8x128xf32>,
    %reduce_max3A_711 = arith.constant dense<0xFF800000> : vector<64xf32>
    %reduce_max3A_712 = vector.multi_reduction <maximumf>, %slice3A_702, %reduce_max3A_711 [1] : vector<64x128xf32> to vector<64xf32>
    %broadcast_in_dim3A_713 = vector.shape_cast %reduce_max3A_712 : vector<64xf32> to vector<64x1xf32>
    %slice3A_714 = vector.extract_strided_slice %select_n3A {offsets = [0, 7552], sizes = [64, 128], strides = [1, 1]} : vector<64x16384xf32> to vector<64x128xf32>
    %reshape3A_715 = vector.shape_cast %slice3A_714 : vector<64x128xf32> to vector<8x8x128xf32>
    %swap3A_716 = arith.constant 0 : index
    %swap3A_717 = arith.constant 59 : index
    %swap3A_718 = arith.constant 0 : index
    %swap3A_719 = arith.constant 0 : index
    %swap3A_720 = vector.load %arg3[%swap3A_716, %swap3A_717, %swap3A_718, %swap3A_719] : memref<8x128x8x128xf32, #tpu.memory_space<vmem>>, vector<8x1x8x128xf32>
    %swap3A_721 = vector.shape_cast %swap3A_720 : vector<8x1x8x128xf32> to vector<8x8x128xf32>
    %swap3A_722 = vector.shape_cast %reshape3A_715 : vector<8x8x128xf32> to vector<8x1x8x128xf32>
    tpu.vector_store %arg3[%swap3A_716, %swap3A_717, %swap3A_718, %swap3A_719], %swap3A_722 {strides = array<i32>} : memref<8x128x8x128xf32, #tpu.memory_space<vmem>>, vector<8x1x8x128xf32>,
    %reduce_max3A_723 = arith.constant dense<0xFF800000> : vector<64xf32>
    %reduce_max3A_724 = vector.multi_reduction <maximumf>, %slice3A_714, %reduce_max3A_723 [1] : vector<64x128xf32> to vector<64xf32>
    %broadcast_in_dim3A_725 = vector.shape_cast %reduce_max3A_724 : vector<64xf32> to vector<64x1xf32>
    %slice3A_726 = vector.extract_strided_slice %select_n3A {offsets = [0, 7680], sizes = [64, 128], strides = [1, 1]} : vector<64x16384xf32> to vector<64x128xf32>
    %reshape3A_727 = vector.shape_cast %slice3A_726 : vector<64x128xf32> to vector<8x8x128xf32>
    %swap3A_728 = arith.constant 0 : index
    %swap3A_729 = arith.constant 60 : index
    %swap3A_730 = arith.constant 0 : index
    %swap3A_731 = arith.constant 0 : index
    %swap3A_732 = vector.load %arg3[%swap3A_728, %swap3A_729, %swap3A_730, %swap3A_731] : memref<8x128x8x128xf32, #tpu.memory_space<vmem>>, vector<8x1x8x128xf32>
    %swap3A_733 = vector.shape_cast %swap3A_732 : vector<8x1x8x128xf32> to vector<8x8x128xf32>
    %swap3A_734 = vector.shape_cast %reshape3A_727 : vector<8x8x128xf32> to vector<8x1x8x128xf32>
    tpu.vector_store %arg3[%swap3A_728, %swap3A_729, %swap3A_730, %swap3A_731], %swap3A_734 {strides = array<i32>} : memref<8x128x8x128xf32, #tpu.memory_space<vmem>>, vector<8x1x8x128xf32>,
    %reduce_max3A_735 = arith.constant dense<0xFF800000> : vector<64xf32>
    %reduce_max3A_736 = vector.multi_reduction <maximumf>, %slice3A_726, %reduce_max3A_735 [1] : vector<64x128xf32> to vector<64xf32>
    %broadcast_in_dim3A_737 = vector.shape_cast %reduce_max3A_736 : vector<64xf32> to vector<64x1xf32>
    %slice3A_738 = vector.extract_strided_slice %select_n3A {offsets = [0, 7808], sizes = [64, 128], strides = [1, 1]} : vector<64x16384xf32> to vector<64x128xf32>
    %reshape3A_739 = vector.shape_cast %slice3A_738 : vector<64x128xf32> to vector<8x8x128xf32>
    %swap3A_740 = arith.constant 0 : index
    %swap3A_741 = arith.constant 61 : index
    %swap3A_742 = arith.constant 0 : index
    %swap3A_743 = arith.constant 0 : index
    %swap3A_744 = vector.load %arg3[%swap3A_740, %swap3A_741, %swap3A_742, %swap3A_743] : memref<8x128x8x128xf32, #tpu.memory_space<vmem>>, vector<8x1x8x128xf32>
    %swap3A_745 = vector.shape_cast %swap3A_744 : vector<8x1x8x128xf32> to vector<8x8x128xf32>
    %swap3A_746 = vector.shape_cast %reshape3A_739 : vector<8x8x128xf32> to vector<8x1x8x128xf32>
    tpu.vector_store %arg3[%swap3A_740, %swap3A_741, %swap3A_742, %swap3A_743], %swap3A_746 {strides = array<i32>} : memref<8x128x8x128xf32, #tpu.memory_space<vmem>>, vector<8x1x8x128xf32>,
    %reduce_max3A_747 = arith.constant dense<0xFF800000> : vector<64xf32>
    %reduce_max3A_748 = vector.multi_reduction <maximumf>, %slice3A_738, %reduce_max3A_747 [1] : vector<64x128xf32> to vector<64xf32>
    %broadcast_in_dim3A_749 = vector.shape_cast %reduce_max3A_748 : vector<64xf32> to vector<64x1xf32>
    %slice3A_750 = vector.extract_strided_slice %select_n3A {offsets = [0, 7936], sizes = [64, 128], strides = [1, 1]} : vector<64x16384xf32> to vector<64x128xf32>
    %reshape3A_751 = vector.shape_cast %slice3A_750 : vector<64x128xf32> to vector<8x8x128xf32>
    %swap3A_752 = arith.constant 0 : index
    %swap3A_753 = arith.constant 62 : index
    %swap3A_754 = arith.constant 0 : index
    %swap3A_755 = arith.constant 0 : index
    %swap3A_756 = vector.load %arg3[%swap3A_752, %swap3A_753, %swap3A_754, %swap3A_755] : memref<8x128x8x128xf32, #tpu.memory_space<vmem>>, vector<8x1x8x128xf32>
    %swap3A_757 = vector.shape_cast %swap3A_756 : vector<8x1x8x128xf32> to vector<8x8x128xf32>
    %swap3A_758 = vector.shape_cast %reshape3A_751 : vector<8x8x128xf32> to vector<8x1x8x128xf32>
    tpu.vector_store %arg3[%swap3A_752, %swap3A_753, %swap3A_754, %swap3A_755], %swap3A_758 {strides = array<i32>} : memref<8x128x8x128xf32, #tpu.memory_space<vmem>>, vector<8x1x8x128xf32>,
    %reduce_max3A_759 = arith.constant dense<0xFF800000> : vector<64xf32>
    %reduce_max3A_760 = vector.multi_reduction <maximumf>, %slice3A_750, %reduce_max3A_759 [1] : vector<64x128xf32> to vector<64xf32>
    %broadcast_in_dim3A_761 = vector.shape_cast %reduce_max3A_760 : vector<64xf32> to vector<64x1xf32>
    %slice3A_762 = vector.extract_strided_slice %select_n3A {offsets = [0, 8064], sizes = [64, 128], strides = [1, 1]} : vector<64x16384xf32> to vector<64x128xf32>
    %reshape3A_763 = vector.shape_cast %slice3A_762 : vector<64x128xf32> to vector<8x8x128xf32>
    %swap3A_764 = arith.constant 0 : index
    %swap3A_765 = arith.constant 63 : index
    %swap3A_766 = arith.constant 0 : index
    %swap3A_767 = arith.constant 0 : index
    %swap3A_768 = vector.load %arg3[%swap3A_764, %swap3A_765, %swap3A_766, %swap3A_767] : memref<8x128x8x128xf32, #tpu.memory_space<vmem>>, vector<8x1x8x128xf32>
    %swap3A_769 = vector.shape_cast %swap3A_768 : vector<8x1x8x128xf32> to vector<8x8x128xf32>
    %swap3A_770 = vector.shape_cast %reshape3A_763 : vector<8x8x128xf32> to vector<8x1x8x128xf32>
    tpu.vector_store %arg3[%swap3A_764, %swap3A_765, %swap3A_766, %swap3A_767], %swap3A_770 {strides = array<i32>} : memref<8x128x8x128xf32, #tpu.memory_space<vmem>>, vector<8x1x8x128xf32>,
    %reduce_max3A_771 = arith.constant dense<0xFF800000> : vector<64xf32>
    %reduce_max3A_772 = vector.multi_reduction <maximumf>, %slice3A_762, %reduce_max3A_771 [1] : vector<64x128xf32> to vector<64xf32>
    %broadcast_in_dim3A_773 = vector.shape_cast %reduce_max3A_772 : vector<64xf32> to vector<64x1xf32>
    %slice3A_774 = vector.extract_strided_slice %select_n3A {offsets = [0, 8192], sizes = [64, 128], strides = [1, 1]} : vector<64x16384xf32> to vector<64x128xf32>
    %reshape3A_775 = vector.shape_cast %slice3A_774 : vector<64x128xf32> to vector<8x8x128xf32>
    %swap3A_776 = arith.constant 0 : index
    %swap3A_777 = arith.constant 64 : index
    %swap3A_778 = arith.constant 0 : index
    %swap3A_779 = arith.constant 0 : index
    %swap3A_780 = vector.load %arg3[%swap3A_776, %swap3A_777, %swap3A_778, %swap3A_779] : memref<8x128x8x128xf32, #tpu.memory_space<vmem>>, vector<8x1x8x128xf32>
    %swap3A_781 = vector.shape_cast %swap3A_780 : vector<8x1x8x128xf32> to vector<8x8x128xf32>
    %swap3A_782 = vector.shape_cast %reshape3A_775 : vector<8x8x128xf32> to vector<8x1x8x128xf32>
    tpu.vector_store %arg3[%swap3A_776, %swap3A_777, %swap3A_778, %swap3A_779], %swap3A_782 {strides = array<i32>} : memref<8x128x8x128xf32, #tpu.memory_space<vmem>>, vector<8x1x8x128xf32>,
    %reduce_max3A_783 = arith.constant dense<0xFF800000> : vector<64xf32>
    %reduce_max3A_784 = vector.multi_reduction <maximumf>, %slice3A_774, %reduce_max3A_783 [1] : vector<64x128xf32> to vector<64xf32>
    %broadcast_in_dim3A_785 = vector.shape_cast %reduce_max3A_784 : vector<64xf32> to vector<64x1xf32>
    %slice3A_786 = vector.extract_strided_slice %select_n3A {offsets = [0, 8320], sizes = [64, 128], strides = [1, 1]} : vector<64x16384xf32> to vector<64x128xf32>
    %reshape3A_787 = vector.shape_cast %slice3A_786 : vector<64x128xf32> to vector<8x8x128xf32>
    %swap3A_788 = arith.constant 0 : index
    %swap3A_789 = arith.constant 65 : index
    %swap3A_790 = arith.constant 0 : index
    %swap3A_791 = arith.constant 0 : index
    %swap3A_792 = vector.load %arg3[%swap3A_788, %swap3A_789, %swap3A_790, %swap3A_791] : memref<8x128x8x128xf32, #tpu.memory_space<vmem>>, vector<8x1x8x128xf32>
    %swap3A_793 = vector.shape_cast %swap3A_792 : vector<8x1x8x128xf32> to vector<8x8x128xf32>
    %swap3A_794 = vector.shape_cast %reshape3A_787 : vector<8x8x128xf32> to vector<8x1x8x128xf32>
    tpu.vector_store %arg3[%swap3A_788, %swap3A_789, %swap3A_790, %swap3A_791], %swap3A_794 {strides = array<i32>} : memref<8x128x8x128xf32, #tpu.memory_space<vmem>>, vector<8x1x8x128xf32>,
    %reduce_max3A_795 = arith.constant dense<0xFF800000> : vector<64xf32>
    %reduce_max3A_796 = vector.multi_reduction <maximumf>, %slice3A_786, %reduce_max3A_795 [1] : vector<64x128xf32> to vector<64xf32>
    %broadcast_in_dim3A_797 = vector.shape_cast %reduce_max3A_796 : vector<64xf32> to vector<64x1xf32>
    %slice3A_798 = vector.extract_strided_slice %select_n3A {offsets = [0, 8448], sizes = [64, 128], strides = [1, 1]} : vector<64x16384xf32> to vector<64x128xf32>
    %reshape3A_799 = vector.shape_cast %slice3A_798 : vector<64x128xf32> to vector<8x8x128xf32>
    %swap3A_800 = arith.constant 0 : index
    %swap3A_801 = arith.constant 66 : index
    %swap3A_802 = arith.constant 0 : index
    %swap3A_803 = arith.constant 0 : index
    %swap3A_804 = vector.load %arg3[%swap3A_800, %swap3A_801, %swap3A_802, %swap3A_803] : memref<8x128x8x128xf32, #tpu.memory_space<vmem>>, vector<8x1x8x128xf32>
    %swap3A_805 = vector.shape_cast %swap3A_804 : vector<8x1x8x128xf32> to vector<8x8x128xf32>
    %swap3A_806 = vector.shape_cast %reshape3A_799 : vector<8x8x128xf32> to vector<8x1x8x128xf32>
    tpu.vector_store %arg3[%swap3A_800, %swap3A_801, %swap3A_802, %swap3A_803], %swap3A_806 {strides = array<i32>} : memref<8x128x8x128xf32, #tpu.memory_space<vmem>>, vector<8x1x8x128xf32>,
    %reduce_max3A_807 = arith.constant dense<0xFF800000> : vector<64xf32>
    %reduce_max3A_808 = vector.multi_reduction <maximumf>, %slice3A_798, %reduce_max3A_807 [1] : vector<64x128xf32> to vector<64xf32>
    %broadcast_in_dim3A_809 = vector.shape_cast %reduce_max3A_808 : vector<64xf32> to vector<64x1xf32>
    %slice3A_810 = vector.extract_strided_slice %select_n3A {offsets = [0, 8576], sizes = [64, 128], strides = [1, 1]} : vector<64x16384xf32> to vector<64x128xf32>
    %reshape3A_811 = vector.shape_cast %slice3A_810 : vector<64x128xf32> to vector<8x8x128xf32>
    %swap3A_812 = arith.constant 0 : index
    %swap3A_813 = arith.constant 67 : index
    %swap3A_814 = arith.constant 0 : index
    %swap3A_815 = arith.constant 0 : index
    %swap3A_816 = vector.load %arg3[%swap3A_812, %swap3A_813, %swap3A_814, %swap3A_815] : memref<8x128x8x128xf32, #tpu.memory_space<vmem>>, vector<8x1x8x128xf32>
    %swap3A_817 = vector.shape_cast %swap3A_816 : vector<8x1x8x128xf32> to vector<8x8x128xf32>
    %swap3A_818 = vector.shape_cast %reshape3A_811 : vector<8x8x128xf32> to vector<8x1x8x128xf32>
    tpu.vector_store %arg3[%swap3A_812, %swap3A_813, %swap3A_814, %swap3A_815], %swap3A_818 {strides = array<i32>} : memref<8x128x8x128xf32, #tpu.memory_space<vmem>>, vector<8x1x8x128xf32>,
    %reduce_max3A_819 = arith.constant dense<0xFF800000> : vector<64xf32>
    %reduce_max3A_820 = vector.multi_reduction <maximumf>, %slice3A_810, %reduce_max3A_819 [1] : vector<64x128xf32> to vector<64xf32>
    %broadcast_in_dim3A_821 = vector.shape_cast %reduce_max3A_820 : vector<64xf32> to vector<64x1xf32>
    %slice3A_822 = vector.extract_strided_slice %select_n3A {offsets = [0, 8704], sizes = [64, 128], strides = [1, 1]} : vector<64x16384xf32> to vector<64x128xf32>
    %reshape3A_823 = vector.shape_cast %slice3A_822 : vector<64x128xf32> to vector<8x8x128xf32>
    %swap3A_824 = arith.constant 0 : index
    %swap3A_825 = arith.constant 68 : index
    %swap3A_826 = arith.constant 0 : index
    %swap3A_827 = arith.constant 0 : index
    %swap3A_828 = vector.load %arg3[%swap3A_824, %swap3A_825, %swap3A_826, %swap3A_827] : memref<8x128x8x128xf32, #tpu.memory_space<vmem>>, vector<8x1x8x128xf32>
    %swap3A_829 = vector.shape_cast %swap3A_828 : vector<8x1x8x128xf32> to vector<8x8x128xf32>
    %swap3A_830 = vector.shape_cast %reshape3A_823 : vector<8x8x128xf32> to vector<8x1x8x128xf32>
    tpu.vector_store %arg3[%swap3A_824, %swap3A_825, %swap3A_826, %swap3A_827], %swap3A_830 {strides = array<i32>} : memref<8x128x8x128xf32, #tpu.memory_space<vmem>>, vector<8x1x8x128xf32>,
    %reduce_max3A_831 = arith.constant dense<0xFF800000> : vector<64xf32>
    %reduce_max3A_832 = vector.multi_reduction <maximumf>, %slice3A_822, %reduce_max3A_831 [1] : vector<64x128xf32> to vector<64xf32>
    %broadcast_in_dim3A_833 = vector.shape_cast %reduce_max3A_832 : vector<64xf32> to vector<64x1xf32>
    %slice3A_834 = vector.extract_strided_slice %select_n3A {offsets = [0, 8832], sizes = [64, 128], strides = [1, 1]} : vector<64x16384xf32> to vector<64x128xf32>
    %reshape3A_835 = vector.shape_cast %slice3A_834 : vector<64x128xf32> to vector<8x8x128xf32>
    %swap3A_836 = arith.constant 0 : index
    %swap3A_837 = arith.constant 69 : index
    %swap3A_838 = arith.constant 0 : index
    %swap3A_839 = arith.constant 0 : index
    %swap3A_840 = vector.load %arg3[%swap3A_836, %swap3A_837, %swap3A_838, %swap3A_839] : memref<8x128x8x128xf32, #tpu.memory_space<vmem>>, vector<8x1x8x128xf32>
    %swap3A_841 = vector.shape_cast %swap3A_840 : vector<8x1x8x128xf32> to vector<8x8x128xf32>
    %swap3A_842 = vector.shape_cast %reshape3A_835 : vector<8x8x128xf32> to vector<8x1x8x128xf32>
    tpu.vector_store %arg3[%swap3A_836, %swap3A_837, %swap3A_838, %swap3A_839], %swap3A_842 {strides = array<i32>} : memref<8x128x8x128xf32, #tpu.memory_space<vmem>>, vector<8x1x8x128xf32>,
    %reduce_max3A_843 = arith.constant dense<0xFF800000> : vector<64xf32>
    %reduce_max3A_844 = vector.multi_reduction <maximumf>, %slice3A_834, %reduce_max3A_843 [1] : vector<64x128xf32> to vector<64xf32>
    %broadcast_in_dim3A_845 = vector.shape_cast %reduce_max3A_844 : vector<64xf32> to vector<64x1xf32>
    %slice3A_846 = vector.extract_strided_slice %select_n3A {offsets = [0, 8960], sizes = [64, 128], strides = [1, 1]} : vector<64x16384xf32> to vector<64x128xf32>
    %reshape3A_847 = vector.shape_cast %slice3A_846 : vector<64x128xf32> to vector<8x8x128xf32>
    %swap3A_848 = arith.constant 0 : index
    %swap3A_849 = arith.constant 70 : index
    %swap3A_850 = arith.constant 0 : index
    %swap3A_851 = arith.constant 0 : index
    %swap3A_852 = vector.load %arg3[%swap3A_848, %swap3A_849, %swap3A_850, %swap3A_851] : memref<8x128x8x128xf32, #tpu.memory_space<vmem>>, vector<8x1x8x128xf32>
    %swap3A_853 = vector.shape_cast %swap3A_852 : vector<8x1x8x128xf32> to vector<8x8x128xf32>
    %swap3A_854 = vector.shape_cast %reshape3A_847 : vector<8x8x128xf32> to vector<8x1x8x128xf32>
    tpu.vector_store %arg3[%swap3A_848, %swap3A_849, %swap3A_850, %swap3A_851], %swap3A_854 {strides = array<i32>} : memref<8x128x8x128xf32, #tpu.memory_space<vmem>>, vector<8x1x8x128xf32>,
    %reduce_max3A_855 = arith.constant dense<0xFF800000> : vector<64xf32>
    %reduce_max3A_856 = vector.multi_reduction <maximumf>, %slice3A_846, %reduce_max3A_855 [1] : vector<64x128xf32> to vector<64xf32>
    %broadcast_in_dim3A_857 = vector.shape_cast %reduce_max3A_856 : vector<64xf32> to vector<64x1xf32>
    %slice3A_858 = vector.extract_strided_slice %select_n3A {offsets = [0, 9088], sizes = [64, 128], strides = [1, 1]} : vector<64x16384xf32> to vector<64x128xf32>
    %reshape3A_859 = vector.shape_cast %slice3A_858 : vector<64x128xf32> to vector<8x8x128xf32>
    %swap3A_860 = arith.constant 0 : index
    %swap3A_861 = arith.constant 71 : index
    %swap3A_862 = arith.constant 0 : index
    %swap3A_863 = arith.constant 0 : index
    %swap3A_864 = vector.load %arg3[%swap3A_860, %swap3A_861, %swap3A_862, %swap3A_863] : memref<8x128x8x128xf32, #tpu.memory_space<vmem>>, vector<8x1x8x128xf32>
    %swap3A_865 = vector.shape_cast %swap3A_864 : vector<8x1x8x128xf32> to vector<8x8x128xf32>
    %swap3A_866 = vector.shape_cast %reshape3A_859 : vector<8x8x128xf32> to vector<8x1x8x128xf32>
    tpu.vector_store %arg3[%swap3A_860, %swap3A_861, %swap3A_862, %swap3A_863], %swap3A_866 {strides = array<i32>} : memref<8x128x8x128xf32, #tpu.memory_space<vmem>>, vector<8x1x8x128xf32>,
    %reduce_max3A_867 = arith.constant dense<0xFF800000> : vector<64xf32>
    %reduce_max3A_868 = vector.multi_reduction <maximumf>, %slice3A_858, %reduce_max3A_867 [1] : vector<64x128xf32> to vector<64xf32>
    %broadcast_in_dim3A_869 = vector.shape_cast %reduce_max3A_868 : vector<64xf32> to vector<64x1xf32>
    %slice3A_870 = vector.extract_strided_slice %select_n3A {offsets = [0, 9216], sizes = [64, 128], strides = [1, 1]} : vector<64x16384xf32> to vector<64x128xf32>
    %reshape3A_871 = vector.shape_cast %slice3A_870 : vector<64x128xf32> to vector<8x8x128xf32>
    %swap3A_872 = arith.constant 0 : index
    %swap3A_873 = arith.constant 72 : index
    %swap3A_874 = arith.constant 0 : index
    %swap3A_875 = arith.constant 0 : index
    %swap3A_876 = vector.load %arg3[%swap3A_872, %swap3A_873, %swap3A_874, %swap3A_875] : memref<8x128x8x128xf32, #tpu.memory_space<vmem>>, vector<8x1x8x128xf32>
    %swap3A_877 = vector.shape_cast %swap3A_876 : vector<8x1x8x128xf32> to vector<8x8x128xf32>
    %swap3A_878 = vector.shape_cast %reshape3A_871 : vector<8x8x128xf32> to vector<8x1x8x128xf32>
    tpu.vector_store %arg3[%swap3A_872, %swap3A_873, %swap3A_874, %swap3A_875], %swap3A_878 {strides = array<i32>} : memref<8x128x8x128xf32, #tpu.memory_space<vmem>>, vector<8x1x8x128xf32>,
    %reduce_max3A_879 = arith.constant dense<0xFF800000> : vector<64xf32>
    %reduce_max3A_880 = vector.multi_reduction <maximumf>, %slice3A_870, %reduce_max3A_879 [1] : vector<64x128xf32> to vector<64xf32>
    %broadcast_in_dim3A_881 = vector.shape_cast %reduce_max3A_880 : vector<64xf32> to vector<64x1xf32>
    %slice3A_882 = vector.extract_strided_slice %select_n3A {offsets = [0, 9344], sizes = [64, 128], strides = [1, 1]} : vector<64x16384xf32> to vector<64x128xf32>
    %reshape3A_883 = vector.shape_cast %slice3A_882 : vector<64x128xf32> to vector<8x8x128xf32>
    %swap3A_884 = arith.constant 0 : index
    %swap3A_885 = arith.constant 73 : index
    %swap3A_886 = arith.constant 0 : index
    %swap3A_887 = arith.constant 0 : index
    %swap3A_888 = vector.load %arg3[%swap3A_884, %swap3A_885, %swap3A_886, %swap3A_887] : memref<8x128x8x128xf32, #tpu.memory_space<vmem>>, vector<8x1x8x128xf32>
    %swap3A_889 = vector.shape_cast %swap3A_888 : vector<8x1x8x128xf32> to vector<8x8x128xf32>
    %swap3A_890 = vector.shape_cast %reshape3A_883 : vector<8x8x128xf32> to vector<8x1x8x128xf32>
    tpu.vector_store %arg3[%swap3A_884, %swap3A_885, %swap3A_886, %swap3A_887], %swap3A_890 {strides = array<i32>} : memref<8x128x8x128xf32, #tpu.memory_space<vmem>>, vector<8x1x8x128xf32>,
    %reduce_max3A_891 = arith.constant dense<0xFF800000> : vector<64xf32>
    %reduce_max3A_892 = vector.multi_reduction <maximumf>, %slice3A_882, %reduce_max3A_891 [1] : vector<64x128xf32> to vector<64xf32>
    %broadcast_in_dim3A_893 = vector.shape_cast %reduce_max3A_892 : vector<64xf32> to vector<64x1xf32>
    %slice3A_894 = vector.extract_strided_slice %select_n3A {offsets = [0, 9472], sizes = [64, 128], strides = [1, 1]} : vector<64x16384xf32> to vector<64x128xf32>
    %reshape3A_895 = vector.shape_cast %slice3A_894 : vector<64x128xf32> to vector<8x8x128xf32>
    %swap3A_896 = arith.constant 0 : index
    %swap3A_897 = arith.constant 74 : index
    %swap3A_898 = arith.constant 0 : index
    %swap3A_899 = arith.constant 0 : index
    %swap3A_900 = vector.load %arg3[%swap3A_896, %swap3A_897, %swap3A_898, %swap3A_899] : memref<8x128x8x128xf32, #tpu.memory_space<vmem>>, vector<8x1x8x128xf32>
    %swap3A_901 = vector.shape_cast %swap3A_900 : vector<8x1x8x128xf32> to vector<8x8x128xf32>
    %swap3A_902 = vector.shape_cast %reshape3A_895 : vector<8x8x128xf32> to vector<8x1x8x128xf32>
    tpu.vector_store %arg3[%swap3A_896, %swap3A_897, %swap3A_898, %swap3A_899], %swap3A_902 {strides = array<i32>} : memref<8x128x8x128xf32, #tpu.memory_space<vmem>>, vector<8x1x8x128xf32>,
    %reduce_max3A_903 = arith.constant dense<0xFF800000> : vector<64xf32>
    %reduce_max3A_904 = vector.multi_reduction <maximumf>, %slice3A_894, %reduce_max3A_903 [1] : vector<64x128xf32> to vector<64xf32>
    %broadcast_in_dim3A_905 = vector.shape_cast %reduce_max3A_904 : vector<64xf32> to vector<64x1xf32>
    %slice3A_906 = vector.extract_strided_slice %select_n3A {offsets = [0, 9600], sizes = [64, 128], strides = [1, 1]} : vector<64x16384xf32> to vector<64x128xf32>
    %reshape3A_907 = vector.shape_cast %slice3A_906 : vector<64x128xf32> to vector<8x8x128xf32>
    %swap3A_908 = arith.constant 0 : index
    %swap3A_909 = arith.constant 75 : index
    %swap3A_910 = arith.constant 0 : index
    %swap3A_911 = arith.constant 0 : index
    %swap3A_912 = vector.load %arg3[%swap3A_908, %swap3A_909, %swap3A_910, %swap3A_911] : memref<8x128x8x128xf32, #tpu.memory_space<vmem>>, vector<8x1x8x128xf32>
    %swap3A_913 = vector.shape_cast %swap3A_912 : vector<8x1x8x128xf32> to vector<8x8x128xf32>
    %swap3A_914 = vector.shape_cast %reshape3A_907 : vector<8x8x128xf32> to vector<8x1x8x128xf32>
    tpu.vector_store %arg3[%swap3A_908, %swap3A_909, %swap3A_910, %swap3A_911], %swap3A_914 {strides = array<i32>} : memref<8x128x8x128xf32, #tpu.memory_space<vmem>>, vector<8x1x8x128xf32>,
    %reduce_max3A_915 = arith.constant dense<0xFF800000> : vector<64xf32>
    %reduce_max3A_916 = vector.multi_reduction <maximumf>, %slice3A_906, %reduce_max3A_915 [1] : vector<64x128xf32> to vector<64xf32>
    %broadcast_in_dim3A_917 = vector.shape_cast %reduce_max3A_916 : vector<64xf32> to vector<64x1xf32>
    %slice3A_918 = vector.extract_strided_slice %select_n3A {offsets = [0, 9728], sizes = [64, 128], strides = [1, 1]} : vector<64x16384xf32> to vector<64x128xf32>
    %reshape3A_919 = vector.shape_cast %slice3A_918 : vector<64x128xf32> to vector<8x8x128xf32>
    %swap3A_920 = arith.constant 0 : index
    %swap3A_921 = arith.constant 76 : index
    %swap3A_922 = arith.constant 0 : index
    %swap3A_923 = arith.constant 0 : index
    %swap3A_924 = vector.load %arg3[%swap3A_920, %swap3A_921, %swap3A_922, %swap3A_923] : memref<8x128x8x128xf32, #tpu.memory_space<vmem>>, vector<8x1x8x128xf32>
    %swap3A_925 = vector.shape_cast %swap3A_924 : vector<8x1x8x128xf32> to vector<8x8x128xf32>
    %swap3A_926 = vector.shape_cast %reshape3A_919 : vector<8x8x128xf32> to vector<8x1x8x128xf32>
    tpu.vector_store %arg3[%swap3A_920, %swap3A_921, %swap3A_922, %swap3A_923], %swap3A_926 {strides = array<i32>} : memref<8x128x8x128xf32, #tpu.memory_space<vmem>>, vector<8x1x8x128xf32>,
    %reduce_max3A_927 = arith.constant dense<0xFF800000> : vector<64xf32>
    %reduce_max3A_928 = vector.multi_reduction <maximumf>, %slice3A_918, %reduce_max3A_927 [1] : vector<64x128xf32> to vector<64xf32>
    %broadcast_in_dim3A_929 = vector.shape_cast %reduce_max3A_928 : vector<64xf32> to vector<64x1xf32>
    %slice3A_930 = vector.extract_strided_slice %select_n3A {offsets = [0, 9856], sizes = [64, 128], strides = [1, 1]} : vector<64x16384xf32> to vector<64x128xf32>
    %reshape3A_931 = vector.shape_cast %slice3A_930 : vector<64x128xf32> to vector<8x8x128xf32>
    %swap3A_932 = arith.constant 0 : index
    %swap3A_933 = arith.constant 77 : index
    %swap3A_934 = arith.constant 0 : index
    %swap3A_935 = arith.constant 0 : index
    %swap3A_936 = vector.load %arg3[%swap3A_932, %swap3A_933, %swap3A_934, %swap3A_935] : memref<8x128x8x128xf32, #tpu.memory_space<vmem>>, vector<8x1x8x128xf32>
    %swap3A_937 = vector.shape_cast %swap3A_936 : vector<8x1x8x128xf32> to vector<8x8x128xf32>
    %swap3A_938 = vector.shape_cast %reshape3A_931 : vector<8x8x128xf32> to vector<8x1x8x128xf32>
    tpu.vector_store %arg3[%swap3A_932, %swap3A_933, %swap3A_934, %swap3A_935], %swap3A_938 {strides = array<i32>} : memref<8x128x8x128xf32, #tpu.memory_space<vmem>>, vector<8x1x8x128xf32>,
    %reduce_max3A_939 = arith.constant dense<0xFF800000> : vector<64xf32>
    %reduce_max3A_940 = vector.multi_reduction <maximumf>, %slice3A_930, %reduce_max3A_939 [1] : vector<64x128xf32> to vector<64xf32>
    %broadcast_in_dim3A_941 = vector.shape_cast %reduce_max3A_940 : vector<64xf32> to vector<64x1xf32>
    %slice3A_942 = vector.extract_strided_slice %select_n3A {offsets = [0, 9984], sizes = [64, 128], strides = [1, 1]} : vector<64x16384xf32> to vector<64x128xf32>
    %reshape3A_943 = vector.shape_cast %slice3A_942 : vector<64x128xf32> to vector<8x8x128xf32>
    %swap3A_944 = arith.constant 0 : index
    %swap3A_945 = arith.constant 78 : index
    %swap3A_946 = arith.constant 0 : index
    %swap3A_947 = arith.constant 0 : index
    %swap3A_948 = vector.load %arg3[%swap3A_944, %swap3A_945, %swap3A_946, %swap3A_947] : memref<8x128x8x128xf32, #tpu.memory_space<vmem>>, vector<8x1x8x128xf32>
    %swap3A_949 = vector.shape_cast %swap3A_948 : vector<8x1x8x128xf32> to vector<8x8x128xf32>
    %swap3A_950 = vector.shape_cast %reshape3A_943 : vector<8x8x128xf32> to vector<8x1x8x128xf32>
    tpu.vector_store %arg3[%swap3A_944, %swap3A_945, %swap3A_946, %swap3A_947], %swap3A_950 {strides = array<i32>} : memref<8x128x8x128xf32, #tpu.memory_space<vmem>>, vector<8x1x8x128xf32>,
    %reduce_max3A_951 = arith.constant dense<0xFF800000> : vector<64xf32>
    %reduce_max3A_952 = vector.multi_reduction <maximumf>, %slice3A_942, %reduce_max3A_951 [1] : vector<64x128xf32> to vector<64xf32>
    %broadcast_in_dim3A_953 = vector.shape_cast %reduce_max3A_952 : vector<64xf32> to vector<64x1xf32>
    %slice3A_954 = vector.extract_strided_slice %select_n3A {offsets = [0, 10112], sizes = [64, 128], strides = [1, 1]} : vector<64x16384xf32> to vector<64x128xf32>
    %reshape3A_955 = vector.shape_cast %slice3A_954 : vector<64x128xf32> to vector<8x8x128xf32>
    %swap3A_956 = arith.constant 0 : index
    %swap3A_957 = arith.constant 79 : index
    %swap3A_958 = arith.constant 0 : index
    %swap3A_959 = arith.constant 0 : index
    %swap3A_960 = vector.load %arg3[%swap3A_956, %swap3A_957, %swap3A_958, %swap3A_959] : memref<8x128x8x128xf32, #tpu.memory_space<vmem>>, vector<8x1x8x128xf32>
    %swap3A_961 = vector.shape_cast %swap3A_960 : vector<8x1x8x128xf32> to vector<8x8x128xf32>
    %swap3A_962 = vector.shape_cast %reshape3A_955 : vector<8x8x128xf32> to vector<8x1x8x128xf32>
    tpu.vector_store %arg3[%swap3A_956, %swap3A_957, %swap3A_958, %swap3A_959], %swap3A_962 {strides = array<i32>} : memref<8x128x8x128xf32, #tpu.memory_space<vmem>>, vector<8x1x8x128xf32>,
    %reduce_max3A_963 = arith.constant dense<0xFF800000> : vector<64xf32>
    %reduce_max3A_964 = vector.multi_reduction <maximumf>, %slice3A_954, %reduce_max3A_963 [1] : vector<64x128xf32> to vector<64xf32>
    %broadcast_in_dim3A_965 = vector.shape_cast %reduce_max3A_964 : vector<64xf32> to vector<64x1xf32>
    %slice3A_966 = vector.extract_strided_slice %select_n3A {offsets = [0, 10240], sizes = [64, 128], strides = [1, 1]} : vector<64x16384xf32> to vector<64x128xf32>
    %reshape3A_967 = vector.shape_cast %slice3A_966 : vector<64x128xf32> to vector<8x8x128xf32>
    %swap3A_968 = arith.constant 0 : index
    %swap3A_969 = arith.constant 80 : index
    %swap3A_970 = arith.constant 0 : index
    %swap3A_971 = arith.constant 0 : index
    %swap3A_972 = vector.load %arg3[%swap3A_968, %swap3A_969, %swap3A_970, %swap3A_971] : memref<8x128x8x128xf32, #tpu.memory_space<vmem>>, vector<8x1x8x128xf32>
    %swap3A_973 = vector.shape_cast %swap3A_972 : vector<8x1x8x128xf32> to vector<8x8x128xf32>
    %swap3A_974 = vector.shape_cast %reshape3A_967 : vector<8x8x128xf32> to vector<8x1x8x128xf32>
    tpu.vector_store %arg3[%swap3A_968, %swap3A_969, %swap3A_970, %swap3A_971], %swap3A_974 {strides = array<i32>} : memref<8x128x8x128xf32, #tpu.memory_space<vmem>>, vector<8x1x8x128xf32>,
    %reduce_max3A_975 = arith.constant dense<0xFF800000> : vector<64xf32>
    %reduce_max3A_976 = vector.multi_reduction <maximumf>, %slice3A_966, %reduce_max3A_975 [1] : vector<64x128xf32> to vector<64xf32>
    %broadcast_in_dim3A_977 = vector.shape_cast %reduce_max3A_976 : vector<64xf32> to vector<64x1xf32>
    %slice3A_978 = vector.extract_strided_slice %select_n3A {offsets = [0, 10368], sizes = [64, 128], strides = [1, 1]} : vector<64x16384xf32> to vector<64x128xf32>
    %reshape3A_979 = vector.shape_cast %slice3A_978 : vector<64x128xf32> to vector<8x8x128xf32>
    %swap3A_980 = arith.constant 0 : index
    %swap3A_981 = arith.constant 81 : index
    %swap3A_982 = arith.constant 0 : index
    %swap3A_983 = arith.constant 0 : index
    %swap3A_984 = vector.load %arg3[%swap3A_980, %swap3A_981, %swap3A_982, %swap3A_983] : memref<8x128x8x128xf32, #tpu.memory_space<vmem>>, vector<8x1x8x128xf32>
    %swap3A_985 = vector.shape_cast %swap3A_984 : vector<8x1x8x128xf32> to vector<8x8x128xf32>
    %swap3A_986 = vector.shape_cast %reshape3A_979 : vector<8x8x128xf32> to vector<8x1x8x128xf32>
    tpu.vector_store %arg3[%swap3A_980, %swap3A_981, %swap3A_982, %swap3A_983], %swap3A_986 {strides = array<i32>} : memref<8x128x8x128xf32, #tpu.memory_space<vmem>>, vector<8x1x8x128xf32>,
    %reduce_max3A_987 = arith.constant dense<0xFF800000> : vector<64xf32>
    %reduce_max3A_988 = vector.multi_reduction <maximumf>, %slice3A_978, %reduce_max3A_987 [1] : vector<64x128xf32> to vector<64xf32>
    %broadcast_in_dim3A_989 = vector.shape_cast %reduce_max3A_988 : vector<64xf32> to vector<64x1xf32>
    %slice3A_990 = vector.extract_strided_slice %select_n3A {offsets = [0, 10496], sizes = [64, 128], strides = [1, 1]} : vector<64x16384xf32> to vector<64x128xf32>
    %reshape3A_991 = vector.shape_cast %slice3A_990 : vector<64x128xf32> to vector<8x8x128xf32>
    %swap3A_992 = arith.constant 0 : index
    %swap3A_993 = arith.constant 82 : index
    %swap3A_994 = arith.constant 0 : index
    %swap3A_995 = arith.constant 0 : index
    %swap3A_996 = vector.load %arg3[%swap3A_992, %swap3A_993, %swap3A_994, %swap3A_995] : memref<8x128x8x128xf32, #tpu.memory_space<vmem>>, vector<8x1x8x128xf32>
    %swap3A_997 = vector.shape_cast %swap3A_996 : vector<8x1x8x128xf32> to vector<8x8x128xf32>
    %swap3A_998 = vector.shape_cast %reshape3A_991 : vector<8x8x128xf32> to vector<8x1x8x128xf32>
    tpu.vector_store %arg3[%swap3A_992, %swap3A_993, %swap3A_994, %swap3A_995], %swap3A_998 {strides = array<i32>} : memref<8x128x8x128xf32, #tpu.memory_space<vmem>>, vector<8x1x8x128xf32>,
    %reduce_max3A_999 = arith.constant dense<0xFF800000> : vector<64xf32>
    %reduce_max3A_1000 = vector.multi_reduction <maximumf>, %slice3A_990, %reduce_max3A_999 [1] : vector<64x128xf32> to vector<64xf32>
    %broadcast_in_dim3A_1001 = vector.shape_cast %reduce_max3A_1000 : vector<64xf32> to vector<64x1xf32>
    %slice3A_1002 = vector.extract_strided_slice %select_n3A {offsets = [0, 10624], sizes = [64, 128], strides = [1, 1]} : vector<64x16384xf32> to vector<64x128xf32>
    %reshape3A_1003 = vector.shape_cast %slice3A_1002 : vector<64x128xf32> to vector<8x8x128xf32>
    %swap3A_1004 = arith.constant 0 : index
    %swap3A_1005 = arith.constant 83 : index
    %swap3A_1006 = arith.constant 0 : index
    %swap3A_1007 = arith.constant 0 : index
    %swap3A_1008 = vector.load %arg3[%swap3A_1004, %swap3A_1005, %swap3A_1006, %swap3A_1007] : memref<8x128x8x128xf32, #tpu.memory_space<vmem>>, vector<8x1x8x128xf32>
    %swap3A_1009 = vector.shape_cast %swap3A_1008 : vector<8x1x8x128xf32> to vector<8x8x128xf32>
    %swap3A_1010 = vector.shape_cast %reshape3A_1003 : vector<8x8x128xf32> to vector<8x1x8x128xf32>
    tpu.vector_store %arg3[%swap3A_1004, %swap3A_1005, %swap3A_1006, %swap3A_1007], %swap3A_1010 {strides = array<i32>} : memref<8x128x8x128xf32, #tpu.memory_space<vmem>>, vector<8x1x8x128xf32>,
    %reduce_max3A_1011 = arith.constant dense<0xFF800000> : vector<64xf32>
    %reduce_max3A_1012 = vector.multi_reduction <maximumf>, %slice3A_1002, %reduce_max3A_1011 [1] : vector<64x128xf32> to vector<64xf32>
    %broadcast_in_dim3A_1013 = vector.shape_cast %reduce_max3A_1012 : vector<64xf32> to vector<64x1xf32>
    %slice3A_1014 = vector.extract_strided_slice %select_n3A {offsets = [0, 10752], sizes = [64, 128], strides = [1, 1]} : vector<64x16384xf32> to vector<64x128xf32>
    %reshape3A_1015 = vector.shape_cast %slice3A_1014 : vector<64x128xf32> to vector<8x8x128xf32>
    %swap3A_1016 = arith.constant 0 : index
    %swap3A_1017 = arith.constant 84 : index
    %swap3A_1018 = arith.constant 0 : index
    %swap3A_1019 = arith.constant 0 : index
    %swap3A_1020 = vector.load %arg3[%swap3A_1016, %swap3A_1017, %swap3A_1018, %swap3A_1019] : memref<8x128x8x128xf32, #tpu.memory_space<vmem>>, vector<8x1x8x128xf32>
    %swap3A_1021 = vector.shape_cast %swap3A_1020 : vector<8x1x8x128xf32> to vector<8x8x128xf32>
    %swap3A_1022 = vector.shape_cast %reshape3A_1015 : vector<8x8x128xf32> to vector<8x1x8x128xf32>
    tpu.vector_store %arg3[%swap3A_1016, %swap3A_1017, %swap3A_1018, %swap3A_1019], %swap3A_1022 {strides = array<i32>} : memref<8x128x8x128xf32, #tpu.memory_space<vmem>>, vector<8x1x8x128xf32>,
    %reduce_max3A_1023 = arith.constant dense<0xFF800000> : vector<64xf32>
    %reduce_max3A_1024 = vector.multi_reduction <maximumf>, %slice3A_1014, %reduce_max3A_1023 [1] : vector<64x128xf32> to vector<64xf32>
    %broadcast_in_dim3A_1025 = vector.shape_cast %reduce_max3A_1024 : vector<64xf32> to vector<64x1xf32>
    %slice3A_1026 = vector.extract_strided_slice %select_n3A {offsets = [0, 10880], sizes = [64, 128], strides = [1, 1]} : vector<64x16384xf32> to vector<64x128xf32>
    %reshape3A_1027 = vector.shape_cast %slice3A_1026 : vector<64x128xf32> to vector<8x8x128xf32>
    %swap3A_1028 = arith.constant 0 : index
    %swap3A_1029 = arith.constant 85 : index
    %swap3A_1030 = arith.constant 0 : index
    %swap3A_1031 = arith.constant 0 : index
    %swap3A_1032 = vector.load %arg3[%swap3A_1028, %swap3A_1029, %swap3A_1030, %swap3A_1031] : memref<8x128x8x128xf32, #tpu.memory_space<vmem>>, vector<8x1x8x128xf32>
    %swap3A_1033 = vector.shape_cast %swap3A_1032 : vector<8x1x8x128xf32> to vector<8x8x128xf32>
    %swap3A_1034 = vector.shape_cast %reshape3A_1027 : vector<8x8x128xf32> to vector<8x1x8x128xf32>
    tpu.vector_store %arg3[%swap3A_1028, %swap3A_1029, %swap3A_1030, %swap3A_1031], %swap3A_1034 {strides = array<i32>} : memref<8x128x8x128xf32, #tpu.memory_space<vmem>>, vector<8x1x8x128xf32>,
    %reduce_max3A_1035 = arith.constant dense<0xFF800000> : vector<64xf32>
    %reduce_max3A_1036 = vector.multi_reduction <maximumf>, %slice3A_1026, %reduce_max3A_1035 [1] : vector<64x128xf32> to vector<64xf32>
    %broadcast_in_dim3A_1037 = vector.shape_cast %reduce_max3A_1036 : vector<64xf32> to vector<64x1xf32>
    %slice3A_1038 = vector.extract_strided_slice %select_n3A {offsets = [0, 11008], sizes = [64, 128], strides = [1, 1]} : vector<64x16384xf32> to vector<64x128xf32>
    %reshape3A_1039 = vector.shape_cast %slice3A_1038 : vector<64x128xf32> to vector<8x8x128xf32>
    %swap3A_1040 = arith.constant 0 : index
    %swap3A_1041 = arith.constant 86 : index
    %swap3A_1042 = arith.constant 0 : index
    %swap3A_1043 = arith.constant 0 : index
    %swap3A_1044 = vector.load %arg3[%swap3A_1040, %swap3A_1041, %swap3A_1042, %swap3A_1043] : memref<8x128x8x128xf32, #tpu.memory_space<vmem>>, vector<8x1x8x128xf32>
    %swap3A_1045 = vector.shape_cast %swap3A_1044 : vector<8x1x8x128xf32> to vector<8x8x128xf32>
    %swap3A_1046 = vector.shape_cast %reshape3A_1039 : vector<8x8x128xf32> to vector<8x1x8x128xf32>
    tpu.vector_store %arg3[%swap3A_1040, %swap3A_1041, %swap3A_1042, %swap3A_1043], %swap3A_1046 {strides = array<i32>} : memref<8x128x8x128xf32, #tpu.memory_space<vmem>>, vector<8x1x8x128xf32>,
    %reduce_max3A_1047 = arith.constant dense<0xFF800000> : vector<64xf32>
    %reduce_max3A_1048 = vector.multi_reduction <maximumf>, %slice3A_1038, %reduce_max3A_1047 [1] : vector<64x128xf32> to vector<64xf32>
    %broadcast_in_dim3A_1049 = vector.shape_cast %reduce_max3A_1048 : vector<64xf32> to vector<64x1xf32>
    %slice3A_1050 = vector.extract_strided_slice %select_n3A {offsets = [0, 11136], sizes = [64, 128], strides = [1, 1]} : vector<64x16384xf32> to vector<64x128xf32>
    %reshape3A_1051 = vector.shape_cast %slice3A_1050 : vector<64x128xf32> to vector<8x8x128xf32>
    %swap3A_1052 = arith.constant 0 : index
    %swap3A_1053 = arith.constant 87 : index
    %swap3A_1054 = arith.constant 0 : index
    %swap3A_1055 = arith.constant 0 : index
    %swap3A_1056 = vector.load %arg3[%swap3A_1052, %swap3A_1053, %swap3A_1054, %swap3A_1055] : memref<8x128x8x128xf32, #tpu.memory_space<vmem>>, vector<8x1x8x128xf32>
    %swap3A_1057 = vector.shape_cast %swap3A_1056 : vector<8x1x8x128xf32> to vector<8x8x128xf32>
    %swap3A_1058 = vector.shape_cast %reshape3A_1051 : vector<8x8x128xf32> to vector<8x1x8x128xf32>
    tpu.vector_store %arg3[%swap3A_1052, %swap3A_1053, %swap3A_1054, %swap3A_1055], %swap3A_1058 {strides = array<i32>} : memref<8x128x8x128xf32, #tpu.memory_space<vmem>>, vector<8x1x8x128xf32>,
    %reduce_max3A_1059 = arith.constant dense<0xFF800000> : vector<64xf32>
    %reduce_max3A_1060 = vector.multi_reduction <maximumf>, %slice3A_1050, %reduce_max3A_1059 [1] : vector<64x128xf32> to vector<64xf32>
    %broadcast_in_dim3A_1061 = vector.shape_cast %reduce_max3A_1060 : vector<64xf32> to vector<64x1xf32>
    %slice3A_1062 = vector.extract_strided_slice %select_n3A {offsets = [0, 11264], sizes = [64, 128], strides = [1, 1]} : vector<64x16384xf32> to vector<64x128xf32>
    %reshape3A_1063 = vector.shape_cast %slice3A_1062 : vector<64x128xf32> to vector<8x8x128xf32>
    %swap3A_1064 = arith.constant 0 : index
    %swap3A_1065 = arith.constant 88 : index
    %swap3A_1066 = arith.constant 0 : index
    %swap3A_1067 = arith.constant 0 : index
    %swap3A_1068 = vector.load %arg3[%swap3A_1064, %swap3A_1065, %swap3A_1066, %swap3A_1067] : memref<8x128x8x128xf32, #tpu.memory_space<vmem>>, vector<8x1x8x128xf32>
    %swap3A_1069 = vector.shape_cast %swap3A_1068 : vector<8x1x8x128xf32> to vector<8x8x128xf32>
    %swap3A_1070 = vector.shape_cast %reshape3A_1063 : vector<8x8x128xf32> to vector<8x1x8x128xf32>
    tpu.vector_store %arg3[%swap3A_1064, %swap3A_1065, %swap3A_1066, %swap3A_1067], %swap3A_1070 {strides = array<i32>} : memref<8x128x8x128xf32, #tpu.memory_space<vmem>>, vector<8x1x8x128xf32>,
    %reduce_max3A_1071 = arith.constant dense<0xFF800000> : vector<64xf32>
    %reduce_max3A_1072 = vector.multi_reduction <maximumf>, %slice3A_1062, %reduce_max3A_1071 [1] : vector<64x128xf32> to vector<64xf32>
    %broadcast_in_dim3A_1073 = vector.shape_cast %reduce_max3A_1072 : vector<64xf32> to vector<64x1xf32>
    %slice3A_1074 = vector.extract_strided_slice %select_n3A {offsets = [0, 11392], sizes = [64, 128], strides = [1, 1]} : vector<64x16384xf32> to vector<64x128xf32>
    %reshape3A_1075 = vector.shape_cast %slice3A_1074 : vector<64x128xf32> to vector<8x8x128xf32>
    %swap3A_1076 = arith.constant 0 : index
    %swap3A_1077 = arith.constant 89 : index
    %swap3A_1078 = arith.constant 0 : index
    %swap3A_1079 = arith.constant 0 : index
    %swap3A_1080 = vector.load %arg3[%swap3A_1076, %swap3A_1077, %swap3A_1078, %swap3A_1079] : memref<8x128x8x128xf32, #tpu.memory_space<vmem>>, vector<8x1x8x128xf32>
    %swap3A_1081 = vector.shape_cast %swap3A_1080 : vector<8x1x8x128xf32> to vector<8x8x128xf32>
    %swap3A_1082 = vector.shape_cast %reshape3A_1075 : vector<8x8x128xf32> to vector<8x1x8x128xf32>
    tpu.vector_store %arg3[%swap3A_1076, %swap3A_1077, %swap3A_1078, %swap3A_1079], %swap3A_1082 {strides = array<i32>} : memref<8x128x8x128xf32, #tpu.memory_space<vmem>>, vector<8x1x8x128xf32>,
    %reduce_max3A_1083 = arith.constant dense<0xFF800000> : vector<64xf32>
    %reduce_max3A_1084 = vector.multi_reduction <maximumf>, %slice3A_1074, %reduce_max3A_1083 [1] : vector<64x128xf32> to vector<64xf32>
    %broadcast_in_dim3A_1085 = vector.shape_cast %reduce_max3A_1084 : vector<64xf32> to vector<64x1xf32>
    %slice3A_1086 = vector.extract_strided_slice %select_n3A {offsets = [0, 11520], sizes = [64, 128], strides = [1, 1]} : vector<64x16384xf32> to vector<64x128xf32>
    %reshape3A_1087 = vector.shape_cast %slice3A_1086 : vector<64x128xf32> to vector<8x8x128xf32>
    %swap3A_1088 = arith.constant 0 : index
    %swap3A_1089 = arith.constant 90 : index
    %swap3A_1090 = arith.constant 0 : index
    %swap3A_1091 = arith.constant 0 : index
    %swap3A_1092 = vector.load %arg3[%swap3A_1088, %swap3A_1089, %swap3A_1090, %swap3A_1091] : memref<8x128x8x128xf32, #tpu.memory_space<vmem>>, vector<8x1x8x128xf32>
    %swap3A_1093 = vector.shape_cast %swap3A_1092 : vector<8x1x8x128xf32> to vector<8x8x128xf32>
    %swap3A_1094 = vector.shape_cast %reshape3A_1087 : vector<8x8x128xf32> to vector<8x1x8x128xf32>
    tpu.vector_store %arg3[%swap3A_1088, %swap3A_1089, %swap3A_1090, %swap3A_1091], %swap3A_1094 {strides = array<i32>} : memref<8x128x8x128xf32, #tpu.memory_space<vmem>>, vector<8x1x8x128xf32>,
    %reduce_max3A_1095 = arith.constant dense<0xFF800000> : vector<64xf32>
    %reduce_max3A_1096 = vector.multi_reduction <maximumf>, %slice3A_1086, %reduce_max3A_1095 [1] : vector<64x128xf32> to vector<64xf32>
    %broadcast_in_dim3A_1097 = vector.shape_cast %reduce_max3A_1096 : vector<64xf32> to vector<64x1xf32>
    %slice3A_1098 = vector.extract_strided_slice %select_n3A {offsets = [0, 11648], sizes = [64, 128], strides = [1, 1]} : vector<64x16384xf32> to vector<64x128xf32>
    %reshape3A_1099 = vector.shape_cast %slice3A_1098 : vector<64x128xf32> to vector<8x8x128xf32>
    %swap3A_1100 = arith.constant 0 : index
    %swap3A_1101 = arith.constant 91 : index
    %swap3A_1102 = arith.constant 0 : index
    %swap3A_1103 = arith.constant 0 : index
    %swap3A_1104 = vector.load %arg3[%swap3A_1100, %swap3A_1101, %swap3A_1102, %swap3A_1103] : memref<8x128x8x128xf32, #tpu.memory_space<vmem>>, vector<8x1x8x128xf32>
    %swap3A_1105 = vector.shape_cast %swap3A_1104 : vector<8x1x8x128xf32> to vector<8x8x128xf32>
    %swap3A_1106 = vector.shape_cast %reshape3A_1099 : vector<8x8x128xf32> to vector<8x1x8x128xf32>
    tpu.vector_store %arg3[%swap3A_1100, %swap3A_1101, %swap3A_1102, %swap3A_1103], %swap3A_1106 {strides = array<i32>} : memref<8x128x8x128xf32, #tpu.memory_space<vmem>>, vector<8x1x8x128xf32>,
    %reduce_max3A_1107 = arith.constant dense<0xFF800000> : vector<64xf32>
    %reduce_max3A_1108 = vector.multi_reduction <maximumf>, %slice3A_1098, %reduce_max3A_1107 [1] : vector<64x128xf32> to vector<64xf32>
    %broadcast_in_dim3A_1109 = vector.shape_cast %reduce_max3A_1108 : vector<64xf32> to vector<64x1xf32>
    %slice3A_1110 = vector.extract_strided_slice %select_n3A {offsets = [0, 11776], sizes = [64, 128], strides = [1, 1]} : vector<64x16384xf32> to vector<64x128xf32>
    %reshape3A_1111 = vector.shape_cast %slice3A_1110 : vector<64x128xf32> to vector<8x8x128xf32>
    %swap3A_1112 = arith.constant 0 : index
    %swap3A_1113 = arith.constant 92 : index
    %swap3A_1114 = arith.constant 0 : index
    %swap3A_1115 = arith.constant 0 : index
    %swap3A_1116 = vector.load %arg3[%swap3A_1112, %swap3A_1113, %swap3A_1114, %swap3A_1115] : memref<8x128x8x128xf32, #tpu.memory_space<vmem>>, vector<8x1x8x128xf32>
    %swap3A_1117 = vector.shape_cast %swap3A_1116 : vector<8x1x8x128xf32> to vector<8x8x128xf32>
    %swap3A_1118 = vector.shape_cast %reshape3A_1111 : vector<8x8x128xf32> to vector<8x1x8x128xf32>
    tpu.vector_store %arg3[%swap3A_1112, %swap3A_1113, %swap3A_1114, %swap3A_1115], %swap3A_1118 {strides = array<i32>} : memref<8x128x8x128xf32, #tpu.memory_space<vmem>>, vector<8x1x8x128xf32>,
    %reduce_max3A_1119 = arith.constant dense<0xFF800000> : vector<64xf32>
    %reduce_max3A_1120 = vector.multi_reduction <maximumf>, %slice3A_1110, %reduce_max3A_1119 [1] : vector<64x128xf32> to vector<64xf32>
    %broadcast_in_dim3A_1121 = vector.shape_cast %reduce_max3A_1120 : vector<64xf32> to vector<64x1xf32>
    %slice3A_1122 = vector.extract_strided_slice %select_n3A {offsets = [0, 11904], sizes = [64, 128], strides = [1, 1]} : vector<64x16384xf32> to vector<64x128xf32>
    %reshape3A_1123 = vector.shape_cast %slice3A_1122 : vector<64x128xf32> to vector<8x8x128xf32>
    %swap3A_1124 = arith.constant 0 : index
    %swap3A_1125 = arith.constant 93 : index
    %swap3A_1126 = arith.constant 0 : index
    %swap3A_1127 = arith.constant 0 : index
    %swap3A_1128 = vector.load %arg3[%swap3A_1124, %swap3A_1125, %swap3A_1126, %swap3A_1127] : memref<8x128x8x128xf32, #tpu.memory_space<vmem>>, vector<8x1x8x128xf32>
    %swap3A_1129 = vector.shape_cast %swap3A_1128 : vector<8x1x8x128xf32> to vector<8x8x128xf32>
    %swap3A_1130 = vector.shape_cast %reshape3A_1123 : vector<8x8x128xf32> to vector<8x1x8x128xf32>
    tpu.vector_store %arg3[%swap3A_1124, %swap3A_1125, %swap3A_1126, %swap3A_1127], %swap3A_1130 {strides = array<i32>} : memref<8x128x8x128xf32, #tpu.memory_space<vmem>>, vector<8x1x8x128xf32>,
    %reduce_max3A_1131 = arith.constant dense<0xFF800000> : vector<64xf32>
    %reduce_max3A_1132 = vector.multi_reduction <maximumf>, %slice3A_1122, %reduce_max3A_1131 [1] : vector<64x128xf32> to vector<64xf32>
    %broadcast_in_dim3A_1133 = vector.shape_cast %reduce_max3A_1132 : vector<64xf32> to vector<64x1xf32>
    %slice3A_1134 = vector.extract_strided_slice %select_n3A {offsets = [0, 12032], sizes = [64, 128], strides = [1, 1]} : vector<64x16384xf32> to vector<64x128xf32>
    %reshape3A_1135 = vector.shape_cast %slice3A_1134 : vector<64x128xf32> to vector<8x8x128xf32>
    %swap3A_1136 = arith.constant 0 : index
    %swap3A_1137 = arith.constant 94 : index
    %swap3A_1138 = arith.constant 0 : index
    %swap3A_1139 = arith.constant 0 : index
    %swap3A_1140 = vector.load %arg3[%swap3A_1136, %swap3A_1137, %swap3A_1138, %swap3A_1139] : memref<8x128x8x128xf32, #tpu.memory_space<vmem>>, vector<8x1x8x128xf32>
    %swap3A_1141 = vector.shape_cast %swap3A_1140 : vector<8x1x8x128xf32> to vector<8x8x128xf32>
    %swap3A_1142 = vector.shape_cast %reshape3A_1135 : vector<8x8x128xf32> to vector<8x1x8x128xf32>
    tpu.vector_store %arg3[%swap3A_1136, %swap3A_1137, %swap3A_1138, %swap3A_1139], %swap3A_1142 {strides = array<i32>} : memref<8x128x8x128xf32, #tpu.memory_space<vmem>>, vector<8x1x8x128xf32>,
    %reduce_max3A_1143 = arith.constant dense<0xFF800000> : vector<64xf32>
    %reduce_max3A_1144 = vector.multi_reduction <maximumf>, %slice3A_1134, %reduce_max3A_1143 [1] : vector<64x128xf32> to vector<64xf32>
    %broadcast_in_dim3A_1145 = vector.shape_cast %reduce_max3A_1144 : vector<64xf32> to vector<64x1xf32>
    %slice3A_1146 = vector.extract_strided_slice %select_n3A {offsets = [0, 12160], sizes = [64, 128], strides = [1, 1]} : vector<64x16384xf32> to vector<64x128xf32>
    %reshape3A_1147 = vector.shape_cast %slice3A_1146 : vector<64x128xf32> to vector<8x8x128xf32>
    %swap3A_1148 = arith.constant 0 : index
    %swap3A_1149 = arith.constant 95 : index
    %swap3A_1150 = arith.constant 0 : index
    %swap3A_1151 = arith.constant 0 : index
    %swap3A_1152 = vector.load %arg3[%swap3A_1148, %swap3A_1149, %swap3A_1150, %swap3A_1151] : memref<8x128x8x128xf32, #tpu.memory_space<vmem>>, vector<8x1x8x128xf32>
    %swap3A_1153 = vector.shape_cast %swap3A_1152 : vector<8x1x8x128xf32> to vector<8x8x128xf32>
    %swap3A_1154 = vector.shape_cast %reshape3A_1147 : vector<8x8x128xf32> to vector<8x1x8x128xf32>
    tpu.vector_store %arg3[%swap3A_1148, %swap3A_1149, %swap3A_1150, %swap3A_1151], %swap3A_1154 {strides = array<i32>} : memref<8x128x8x128xf32, #tpu.memory_space<vmem>>, vector<8x1x8x128xf32>,
    %reduce_max3A_1155 = arith.constant dense<0xFF800000> : vector<64xf32>
    %reduce_max3A_1156 = vector.multi_reduction <maximumf>, %slice3A_1146, %reduce_max3A_1155 [1] : vector<64x128xf32> to vector<64xf32>
    %broadcast_in_dim3A_1157 = vector.shape_cast %reduce_max3A_1156 : vector<64xf32> to vector<64x1xf32>
    %slice3A_1158 = vector.extract_strided_slice %select_n3A {offsets = [0, 12288], sizes = [64, 128], strides = [1, 1]} : vector<64x16384xf32> to vector<64x128xf32>
    %reshape3A_1159 = vector.shape_cast %slice3A_1158 : vector<64x128xf32> to vector<8x8x128xf32>
    %swap3A_1160 = arith.constant 0 : index
    %swap3A_1161 = arith.constant 96 : index
    %swap3A_1162 = arith.constant 0 : index
    %swap3A_1163 = arith.constant 0 : index
    %swap3A_1164 = vector.load %arg3[%swap3A_1160, %swap3A_1161, %swap3A_1162, %swap3A_1163] : memref<8x128x8x128xf32, #tpu.memory_space<vmem>>, vector<8x1x8x128xf32>
    %swap3A_1165 = vector.shape_cast %swap3A_1164 : vector<8x1x8x128xf32> to vector<8x8x128xf32>
    %swap3A_1166 = vector.shape_cast %reshape3A_1159 : vector<8x8x128xf32> to vector<8x1x8x128xf32>
    tpu.vector_store %arg3[%swap3A_1160, %swap3A_1161, %swap3A_1162, %swap3A_1163], %swap3A_1166 {strides = array<i32>} : memref<8x128x8x128xf32, #tpu.memory_space<vmem>>, vector<8x1x8x128xf32>,
    %reduce_max3A_1167 = arith.constant dense<0xFF800000> : vector<64xf32>
    %reduce_max3A_1168 = vector.multi_reduction <maximumf>, %slice3A_1158, %reduce_max3A_1167 [1] : vector<64x128xf32> to vector<64xf32>
    %broadcast_in_dim3A_1169 = vector.shape_cast %reduce_max3A_1168 : vector<64xf32> to vector<64x1xf32>
    %slice3A_1170 = vector.extract_strided_slice %select_n3A {offsets = [0, 12416], sizes = [64, 128], strides = [1, 1]} : vector<64x16384xf32> to vector<64x128xf32>
    %reshape3A_1171 = vector.shape_cast %slice3A_1170 : vector<64x128xf32> to vector<8x8x128xf32>
    %swap3A_1172 = arith.constant 0 : index
    %swap3A_1173 = arith.constant 97 : index
    %swap3A_1174 = arith.constant 0 : index
    %swap3A_1175 = arith.constant 0 : index
    %swap3A_1176 = vector.load %arg3[%swap3A_1172, %swap3A_1173, %swap3A_1174, %swap3A_1175] : memref<8x128x8x128xf32, #tpu.memory_space<vmem>>, vector<8x1x8x128xf32>
    %swap3A_1177 = vector.shape_cast %swap3A_1176 : vector<8x1x8x128xf32> to vector<8x8x128xf32>
    %swap3A_1178 = vector.shape_cast %reshape3A_1171 : vector<8x8x128xf32> to vector<8x1x8x128xf32>
    tpu.vector_store %arg3[%swap3A_1172, %swap3A_1173, %swap3A_1174, %swap3A_1175], %swap3A_1178 {strides = array<i32>} : memref<8x128x8x128xf32, #tpu.memory_space<vmem>>, vector<8x1x8x128xf32>,
    %reduce_max3A_1179 = arith.constant dense<0xFF800000> : vector<64xf32>
    %reduce_max3A_1180 = vector.multi_reduction <maximumf>, %slice3A_1170, %reduce_max3A_1179 [1] : vector<64x128xf32> to vector<64xf32>
    %broadcast_in_dim3A_1181 = vector.shape_cast %reduce_max3A_1180 : vector<64xf32> to vector<64x1xf32>
    %slice3A_1182 = vector.extract_strided_slice %select_n3A {offsets = [0, 12544], sizes = [64, 128], strides = [1, 1]} : vector<64x16384xf32> to vector<64x128xf32>
    %reshape3A_1183 = vector.shape_cast %slice3A_1182 : vector<64x128xf32> to vector<8x8x128xf32>
    %swap3A_1184 = arith.constant 0 : index
    %swap3A_1185 = arith.constant 98 : index
    %swap3A_1186 = arith.constant 0 : index
    %swap3A_1187 = arith.constant 0 : index
    %swap3A_1188 = vector.load %arg3[%swap3A_1184, %swap3A_1185, %swap3A_1186, %swap3A_1187] : memref<8x128x8x128xf32, #tpu.memory_space<vmem>>, vector<8x1x8x128xf32>
    %swap3A_1189 = vector.shape_cast %swap3A_1188 : vector<8x1x8x128xf32> to vector<8x8x128xf32>
    %swap3A_1190 = vector.shape_cast %reshape3A_1183 : vector<8x8x128xf32> to vector<8x1x8x128xf32>
    tpu.vector_store %arg3[%swap3A_1184, %swap3A_1185, %swap3A_1186, %swap3A_1187], %swap3A_1190 {strides = array<i32>} : memref<8x128x8x128xf32, #tpu.memory_space<vmem>>, vector<8x1x8x128xf32>,
    %reduce_max3A_1191 = arith.constant dense<0xFF800000> : vector<64xf32>
    %reduce_max3A_1192 = vector.multi_reduction <maximumf>, %slice3A_1182, %reduce_max3A_1191 [1] : vector<64x128xf32> to vector<64xf32>
    %broadcast_in_dim3A_1193 = vector.shape_cast %reduce_max3A_1192 : vector<64xf32> to vector<64x1xf32>
    %slice3A_1194 = vector.extract_strided_slice %select_n3A {offsets = [0, 12672], sizes = [64, 128], strides = [1, 1]} : vector<64x16384xf32> to vector<64x128xf32>
    %reshape3A_1195 = vector.shape_cast %slice3A_1194 : vector<64x128xf32> to vector<8x8x128xf32>
    %swap3A_1196 = arith.constant 0 : index
    %swap3A_1197 = arith.constant 99 : index
    %swap3A_1198 = arith.constant 0 : index
    %swap3A_1199 = arith.constant 0 : index
    %swap3A_1200 = vector.load %arg3[%swap3A_1196, %swap3A_1197, %swap3A_1198, %swap3A_1199] : memref<8x128x8x128xf32, #tpu.memory_space<vmem>>, vector<8x1x8x128xf32>
    %swap3A_1201 = vector.shape_cast %swap3A_1200 : vector<8x1x8x128xf32> to vector<8x8x128xf32>
    %swap3A_1202 = vector.shape_cast %reshape3A_1195 : vector<8x8x128xf32> to vector<8x1x8x128xf32>
    tpu.vector_store %arg3[%swap3A_1196, %swap3A_1197, %swap3A_1198, %swap3A_1199], %swap3A_1202 {strides = array<i32>} : memref<8x128x8x128xf32, #tpu.memory_space<vmem>>, vector<8x1x8x128xf32>,
    %reduce_max3A_1203 = arith.constant dense<0xFF800000> : vector<64xf32>
    %reduce_max3A_1204 = vector.multi_reduction <maximumf>, %slice3A_1194, %reduce_max3A_1203 [1] : vector<64x128xf32> to vector<64xf32>
    %broadcast_in_dim3A_1205 = vector.shape_cast %reduce_max3A_1204 : vector<64xf32> to vector<64x1xf32>
    %slice3A_1206 = vector.extract_strided_slice %select_n3A {offsets = [0, 12800], sizes = [64, 128], strides = [1, 1]} : vector<64x16384xf32> to vector<64x128xf32>
    %reshape3A_1207 = vector.shape_cast %slice3A_1206 : vector<64x128xf32> to vector<8x8x128xf32>
    %swap3A_1208 = arith.constant 0 : index
    %swap3A_1209 = arith.constant 100 : index
    %swap3A_1210 = arith.constant 0 : index
    %swap3A_1211 = arith.constant 0 : index
    %swap3A_1212 = vector.load %arg3[%swap3A_1208, %swap3A_1209, %swap3A_1210, %swap3A_1211] : memref<8x128x8x128xf32, #tpu.memory_space<vmem>>, vector<8x1x8x128xf32>
    %swap3A_1213 = vector.shape_cast %swap3A_1212 : vector<8x1x8x128xf32> to vector<8x8x128xf32>
    %swap3A_1214 = vector.shape_cast %reshape3A_1207 : vector<8x8x128xf32> to vector<8x1x8x128xf32>
    tpu.vector_store %arg3[%swap3A_1208, %swap3A_1209, %swap3A_1210, %swap3A_1211], %swap3A_1214 {strides = array<i32>} : memref<8x128x8x128xf32, #tpu.memory_space<vmem>>, vector<8x1x8x128xf32>,
    %reduce_max3A_1215 = arith.constant dense<0xFF800000> : vector<64xf32>
    %reduce_max3A_1216 = vector.multi_reduction <maximumf>, %slice3A_1206, %reduce_max3A_1215 [1] : vector<64x128xf32> to vector<64xf32>
    %broadcast_in_dim3A_1217 = vector.shape_cast %reduce_max3A_1216 : vector<64xf32> to vector<64x1xf32>
    %slice3A_1218 = vector.extract_strided_slice %select_n3A {offsets = [0, 12928], sizes = [64, 128], strides = [1, 1]} : vector<64x16384xf32> to vector<64x128xf32>
    %reshape3A_1219 = vector.shape_cast %slice3A_1218 : vector<64x128xf32> to vector<8x8x128xf32>
    %swap3A_1220 = arith.constant 0 : index
    %swap3A_1221 = arith.constant 101 : index
    %swap3A_1222 = arith.constant 0 : index
    %swap3A_1223 = arith.constant 0 : index
    %swap3A_1224 = vector.load %arg3[%swap3A_1220, %swap3A_1221, %swap3A_1222, %swap3A_1223] : memref<8x128x8x128xf32, #tpu.memory_space<vmem>>, vector<8x1x8x128xf32>
    %swap3A_1225 = vector.shape_cast %swap3A_1224 : vector<8x1x8x128xf32> to vector<8x8x128xf32>
    %swap3A_1226 = vector.shape_cast %reshape3A_1219 : vector<8x8x128xf32> to vector<8x1x8x128xf32>
    tpu.vector_store %arg3[%swap3A_1220, %swap3A_1221, %swap3A_1222, %swap3A_1223], %swap3A_1226 {strides = array<i32>} : memref<8x128x8x128xf32, #tpu.memory_space<vmem>>, vector<8x1x8x128xf32>,
    %reduce_max3A_1227 = arith.constant dense<0xFF800000> : vector<64xf32>
    %reduce_max3A_1228 = vector.multi_reduction <maximumf>, %slice3A_1218, %reduce_max3A_1227 [1] : vector<64x128xf32> to vector<64xf32>
    %broadcast_in_dim3A_1229 = vector.shape_cast %reduce_max3A_1228 : vector<64xf32> to vector<64x1xf32>
    %slice3A_1230 = vector.extract_strided_slice %select_n3A {offsets = [0, 13056], sizes = [64, 128], strides = [1, 1]} : vector<64x16384xf32> to vector<64x128xf32>
    %reshape3A_1231 = vector.shape_cast %slice3A_1230 : vector<64x128xf32> to vector<8x8x128xf32>
    %swap3A_1232 = arith.constant 0 : index
    %swap3A_1233 = arith.constant 102 : index
    %swap3A_1234 = arith.constant 0 : index
    %swap3A_1235 = arith.constant 0 : index
    %swap3A_1236 = vector.load %arg3[%swap3A_1232, %swap3A_1233, %swap3A_1234, %swap3A_1235] : memref<8x128x8x128xf32, #tpu.memory_space<vmem>>, vector<8x1x8x128xf32>
    %swap3A_1237 = vector.shape_cast %swap3A_1236 : vector<8x1x8x128xf32> to vector<8x8x128xf32>
    %swap3A_1238 = vector.shape_cast %reshape3A_1231 : vector<8x8x128xf32> to vector<8x1x8x128xf32>
    tpu.vector_store %arg3[%swap3A_1232, %swap3A_1233, %swap3A_1234, %swap3A_1235], %swap3A_1238 {strides = array<i32>} : memref<8x128x8x128xf32, #tpu.memory_space<vmem>>, vector<8x1x8x128xf32>,
    %reduce_max3A_1239 = arith.constant dense<0xFF800000> : vector<64xf32>
    %reduce_max3A_1240 = vector.multi_reduction <maximumf>, %slice3A_1230, %reduce_max3A_1239 [1] : vector<64x128xf32> to vector<64xf32>
    %broadcast_in_dim3A_1241 = vector.shape_cast %reduce_max3A_1240 : vector<64xf32> to vector<64x1xf32>
    %slice3A_1242 = vector.extract_strided_slice %select_n3A {offsets = [0, 13184], sizes = [64, 128], strides = [1, 1]} : vector<64x16384xf32> to vector<64x128xf32>
    %reshape3A_1243 = vector.shape_cast %slice3A_1242 : vector<64x128xf32> to vector<8x8x128xf32>
    %swap3A_1244 = arith.constant 0 : index
    %swap3A_1245 = arith.constant 103 : index
    %swap3A_1246 = arith.constant 0 : index
    %swap3A_1247 = arith.constant 0 : index
    %swap3A_1248 = vector.load %arg3[%swap3A_1244, %swap3A_1245, %swap3A_1246, %swap3A_1247] : memref<8x128x8x128xf32, #tpu.memory_space<vmem>>, vector<8x1x8x128xf32>
    %swap3A_1249 = vector.shape_cast %swap3A_1248 : vector<8x1x8x128xf32> to vector<8x8x128xf32>
    %swap3A_1250 = vector.shape_cast %reshape3A_1243 : vector<8x8x128xf32> to vector<8x1x8x128xf32>
    tpu.vector_store %arg3[%swap3A_1244, %swap3A_1245, %swap3A_1246, %swap3A_1247], %swap3A_1250 {strides = array<i32>} : memref<8x128x8x128xf32, #tpu.memory_space<vmem>>, vector<8x1x8x128xf32>,
    %reduce_max3A_1251 = arith.constant dense<0xFF800000> : vector<64xf32>
    %reduce_max3A_1252 = vector.multi_reduction <maximumf>, %slice3A_1242, %reduce_max3A_1251 [1] : vector<64x128xf32> to vector<64xf32>
    %broadcast_in_dim3A_1253 = vector.shape_cast %reduce_max3A_1252 : vector<64xf32> to vector<64x1xf32>
    %slice3A_1254 = vector.extract_strided_slice %select_n3A {offsets = [0, 13312], sizes = [64, 128], strides = [1, 1]} : vector<64x16384xf32> to vector<64x128xf32>
    %reshape3A_1255 = vector.shape_cast %slice3A_1254 : vector<64x128xf32> to vector<8x8x128xf32>
    %swap3A_1256 = arith.constant 0 : index
    %swap3A_1257 = arith.constant 104 : index
    %swap3A_1258 = arith.constant 0 : index
    %swap3A_1259 = arith.constant 0 : index
    %swap3A_1260 = vector.load %arg3[%swap3A_1256, %swap3A_1257, %swap3A_1258, %swap3A_1259] : memref<8x128x8x128xf32, #tpu.memory_space<vmem>>, vector<8x1x8x128xf32>
    %swap3A_1261 = vector.shape_cast %swap3A_1260 : vector<8x1x8x128xf32> to vector<8x8x128xf32>
    %swap3A_1262 = vector.shape_cast %reshape3A_1255 : vector<8x8x128xf32> to vector<8x1x8x128xf32>
    tpu.vector_store %arg3[%swap3A_1256, %swap3A_1257, %swap3A_1258, %swap3A_1259], %swap3A_1262 {strides = array<i32>} : memref<8x128x8x128xf32, #tpu.memory_space<vmem>>, vector<8x1x8x128xf32>,
    %reduce_max3A_1263 = arith.constant dense<0xFF800000> : vector<64xf32>
    %reduce_max3A_1264 = vector.multi_reduction <maximumf>, %slice3A_1254, %reduce_max3A_1263 [1] : vector<64x128xf32> to vector<64xf32>
    %broadcast_in_dim3A_1265 = vector.shape_cast %reduce_max3A_1264 : vector<64xf32> to vector<64x1xf32>
    %slice3A_1266 = vector.extract_strided_slice %select_n3A {offsets = [0, 13440], sizes = [64, 128], strides = [1, 1]} : vector<64x16384xf32> to vector<64x128xf32>
    %reshape3A_1267 = vector.shape_cast %slice3A_1266 : vector<64x128xf32> to vector<8x8x128xf32>
    %swap3A_1268 = arith.constant 0 : index
    %swap3A_1269 = arith.constant 105 : index
    %swap3A_1270 = arith.constant 0 : index
    %swap3A_1271 = arith.constant 0 : index
    %swap3A_1272 = vector.load %arg3[%swap3A_1268, %swap3A_1269, %swap3A_1270, %swap3A_1271] : memref<8x128x8x128xf32, #tpu.memory_space<vmem>>, vector<8x1x8x128xf32>
    %swap3A_1273 = vector.shape_cast %swap3A_1272 : vector<8x1x8x128xf32> to vector<8x8x128xf32>
    %swap3A_1274 = vector.shape_cast %reshape3A_1267 : vector<8x8x128xf32> to vector<8x1x8x128xf32>
    tpu.vector_store %arg3[%swap3A_1268, %swap3A_1269, %swap3A_1270, %swap3A_1271], %swap3A_1274 {strides = array<i32>} : memref<8x128x8x128xf32, #tpu.memory_space<vmem>>, vector<8x1x8x128xf32>,
    %reduce_max3A_1275 = arith.constant dense<0xFF800000> : vector<64xf32>
    %reduce_max3A_1276 = vector.multi_reduction <maximumf>, %slice3A_1266, %reduce_max3A_1275 [1] : vector<64x128xf32> to vector<64xf32>
    %broadcast_in_dim3A_1277 = vector.shape_cast %reduce_max3A_1276 : vector<64xf32> to vector<64x1xf32>
    %slice3A_1278 = vector.extract_strided_slice %select_n3A {offsets = [0, 13568], sizes = [64, 128], strides = [1, 1]} : vector<64x16384xf32> to vector<64x128xf32>
    %reshape3A_1279 = vector.shape_cast %slice3A_1278 : vector<64x128xf32> to vector<8x8x128xf32>
    %swap3A_1280 = arith.constant 0 : index
    %swap3A_1281 = arith.constant 106 : index
    %swap3A_1282 = arith.constant 0 : index
    %swap3A_1283 = arith.constant 0 : index
    %swap3A_1284 = vector.load %arg3[%swap3A_1280, %swap3A_1281, %swap3A_1282, %swap3A_1283] : memref<8x128x8x128xf32, #tpu.memory_space<vmem>>, vector<8x1x8x128xf32>
    %swap3A_1285 = vector.shape_cast %swap3A_1284 : vector<8x1x8x128xf32> to vector<8x8x128xf32>
    %swap3A_1286 = vector.shape_cast %reshape3A_1279 : vector<8x8x128xf32> to vector<8x1x8x128xf32>
    tpu.vector_store %arg3[%swap3A_1280, %swap3A_1281, %swap3A_1282, %swap3A_1283], %swap3A_1286 {strides = array<i32>} : memref<8x128x8x128xf32, #tpu.memory_space<vmem>>, vector<8x1x8x128xf32>,
    %reduce_max3A_1287 = arith.constant dense<0xFF800000> : vector<64xf32>
    %reduce_max3A_1288 = vector.multi_reduction <maximumf>, %slice3A_1278, %reduce_max3A_1287 [1] : vector<64x128xf32> to vector<64xf32>
    %broadcast_in_dim3A_1289 = vector.shape_cast %reduce_max3A_1288 : vector<64xf32> to vector<64x1xf32>
    %slice3A_1290 = vector.extract_strided_slice %select_n3A {offsets = [0, 13696], sizes = [64, 128], strides = [1, 1]} : vector<64x16384xf32> to vector<64x128xf32>
    %reshape3A_1291 = vector.shape_cast %slice3A_1290 : vector<64x128xf32> to vector<8x8x128xf32>
    %swap3A_1292 = arith.constant 0 : index
    %swap3A_1293 = arith.constant 107 : index
    %swap3A_1294 = arith.constant 0 : index
    %swap3A_1295 = arith.constant 0 : index
    %swap3A_1296 = vector.load %arg3[%swap3A_1292, %swap3A_1293, %swap3A_1294, %swap3A_1295] : memref<8x128x8x128xf32, #tpu.memory_space<vmem>>, vector<8x1x8x128xf32>
    %swap3A_1297 = vector.shape_cast %swap3A_1296 : vector<8x1x8x128xf32> to vector<8x8x128xf32>
    %swap3A_1298 = vector.shape_cast %reshape3A_1291 : vector<8x8x128xf32> to vector<8x1x8x128xf32>
    tpu.vector_store %arg3[%swap3A_1292, %swap3A_1293, %swap3A_1294, %swap3A_1295], %swap3A_1298 {strides = array<i32>} : memref<8x128x8x128xf32, #tpu.memory_space<vmem>>, vector<8x1x8x128xf32>,
    %reduce_max3A_1299 = arith.constant dense<0xFF800000> : vector<64xf32>
    %reduce_max3A_1300 = vector.multi_reduction <maximumf>, %slice3A_1290, %reduce_max3A_1299 [1] : vector<64x128xf32> to vector<64xf32>
    %broadcast_in_dim3A_1301 = vector.shape_cast %reduce_max3A_1300 : vector<64xf32> to vector<64x1xf32>
    %slice3A_1302 = vector.extract_strided_slice %select_n3A {offsets = [0, 13824], sizes = [64, 128], strides = [1, 1]} : vector<64x16384xf32> to vector<64x128xf32>
    %reshape3A_1303 = vector.shape_cast %slice3A_1302 : vector<64x128xf32> to vector<8x8x128xf32>
    %swap3A_1304 = arith.constant 0 : index
    %swap3A_1305 = arith.constant 108 : index
    %swap3A_1306 = arith.constant 0 : index
    %swap3A_1307 = arith.constant 0 : index
    %swap3A_1308 = vector.load %arg3[%swap3A_1304, %swap3A_1305, %swap3A_1306, %swap3A_1307] : memref<8x128x8x128xf32, #tpu.memory_space<vmem>>, vector<8x1x8x128xf32>
    %swap3A_1309 = vector.shape_cast %swap3A_1308 : vector<8x1x8x128xf32> to vector<8x8x128xf32>
    %swap3A_1310 = vector.shape_cast %reshape3A_1303 : vector<8x8x128xf32> to vector<8x1x8x128xf32>
    tpu.vector_store %arg3[%swap3A_1304, %swap3A_1305, %swap3A_1306, %swap3A_1307], %swap3A_1310 {strides = array<i32>} : memref<8x128x8x128xf32, #tpu.memory_space<vmem>>, vector<8x1x8x128xf32>,
    %reduce_max3A_1311 = arith.constant dense<0xFF800000> : vector<64xf32>
    %reduce_max3A_1312 = vector.multi_reduction <maximumf>, %slice3A_1302, %reduce_max3A_1311 [1] : vector<64x128xf32> to vector<64xf32>
    %broadcast_in_dim3A_1313 = vector.shape_cast %reduce_max3A_1312 : vector<64xf32> to vector<64x1xf32>
    %slice3A_1314 = vector.extract_strided_slice %select_n3A {offsets = [0, 13952], sizes = [64, 128], strides = [1, 1]} : vector<64x16384xf32> to vector<64x128xf32>
    %reshape3A_1315 = vector.shape_cast %slice3A_1314 : vector<64x128xf32> to vector<8x8x128xf32>
    %swap3A_1316 = arith.constant 0 : index
    %swap3A_1317 = arith.constant 109 : index
    %swap3A_1318 = arith.constant 0 : index
    %swap3A_1319 = arith.constant 0 : index
    %swap3A_1320 = vector.load %arg3[%swap3A_1316, %swap3A_1317, %swap3A_1318, %swap3A_1319] : memref<8x128x8x128xf32, #tpu.memory_space<vmem>>, vector<8x1x8x128xf32>
    %swap3A_1321 = vector.shape_cast %swap3A_1320 : vector<8x1x8x128xf32> to vector<8x8x128xf32>
    %swap3A_1322 = vector.shape_cast %reshape3A_1315 : vector<8x8x128xf32> to vector<8x1x8x128xf32>
    tpu.vector_store %arg3[%swap3A_1316, %swap3A_1317, %swap3A_1318, %swap3A_1319], %swap3A_1322 {strides = array<i32>} : memref<8x128x8x128xf32, #tpu.memory_space<vmem>>, vector<8x1x8x128xf32>,
    %reduce_max3A_1323 = arith.constant dense<0xFF800000> : vector<64xf32>
    %reduce_max3A_1324 = vector.multi_reduction <maximumf>, %slice3A_1314, %reduce_max3A_1323 [1] : vector<64x128xf32> to vector<64xf32>
    %broadcast_in_dim3A_1325 = vector.shape_cast %reduce_max3A_1324 : vector<64xf32> to vector<64x1xf32>
    %slice3A_1326 = vector.extract_strided_slice %select_n3A {offsets = [0, 14080], sizes = [64, 128], strides = [1, 1]} : vector<64x16384xf32> to vector<64x128xf32>
    %reshape3A_1327 = vector.shape_cast %slice3A_1326 : vector<64x128xf32> to vector<8x8x128xf32>
    %swap3A_1328 = arith.constant 0 : index
    %swap3A_1329 = arith.constant 110 : index
    %swap3A_1330 = arith.constant 0 : index
    %swap3A_1331 = arith.constant 0 : index
    %swap3A_1332 = vector.load %arg3[%swap3A_1328, %swap3A_1329, %swap3A_1330, %swap3A_1331] : memref<8x128x8x128xf32, #tpu.memory_space<vmem>>, vector<8x1x8x128xf32>
    %swap3A_1333 = vector.shape_cast %swap3A_1332 : vector<8x1x8x128xf32> to vector<8x8x128xf32>
    %swap3A_1334 = vector.shape_cast %reshape3A_1327 : vector<8x8x128xf32> to vector<8x1x8x128xf32>
    tpu.vector_store %arg3[%swap3A_1328, %swap3A_1329, %swap3A_1330, %swap3A_1331], %swap3A_1334 {strides = array<i32>} : memref<8x128x8x128xf32, #tpu.memory_space<vmem>>, vector<8x1x8x128xf32>,
    %reduce_max3A_1335 = arith.constant dense<0xFF800000> : vector<64xf32>
    %reduce_max3A_1336 = vector.multi_reduction <maximumf>, %slice3A_1326, %reduce_max3A_1335 [1] : vector<64x128xf32> to vector<64xf32>
    %broadcast_in_dim3A_1337 = vector.shape_cast %reduce_max3A_1336 : vector<64xf32> to vector<64x1xf32>
    %slice3A_1338 = vector.extract_strided_slice %select_n3A {offsets = [0, 14208], sizes = [64, 128], strides = [1, 1]} : vector<64x16384xf32> to vector<64x128xf32>
    %reshape3A_1339 = vector.shape_cast %slice3A_1338 : vector<64x128xf32> to vector<8x8x128xf32>
    %swap3A_1340 = arith.constant 0 : index
    %swap3A_1341 = arith.constant 111 : index
    %swap3A_1342 = arith.constant 0 : index
    %swap3A_1343 = arith.constant 0 : index
    %swap3A_1344 = vector.load %arg3[%swap3A_1340, %swap3A_1341, %swap3A_1342, %swap3A_1343] : memref<8x128x8x128xf32, #tpu.memory_space<vmem>>, vector<8x1x8x128xf32>
    %swap3A_1345 = vector.shape_cast %swap3A_1344 : vector<8x1x8x128xf32> to vector<8x8x128xf32>
    %swap3A_1346 = vector.shape_cast %reshape3A_1339 : vector<8x8x128xf32> to vector<8x1x8x128xf32>
    tpu.vector_store %arg3[%swap3A_1340, %swap3A_1341, %swap3A_1342, %swap3A_1343], %swap3A_1346 {strides = array<i32>} : memref<8x128x8x128xf32, #tpu.memory_space<vmem>>, vector<8x1x8x128xf32>,
    %reduce_max3A_1347 = arith.constant dense<0xFF800000> : vector<64xf32>
    %reduce_max3A_1348 = vector.multi_reduction <maximumf>, %slice3A_1338, %reduce_max3A_1347 [1] : vector<64x128xf32> to vector<64xf32>
    %broadcast_in_dim3A_1349 = vector.shape_cast %reduce_max3A_1348 : vector<64xf32> to vector<64x1xf32>
    %slice3A_1350 = vector.extract_strided_slice %select_n3A {offsets = [0, 14336], sizes = [64, 128], strides = [1, 1]} : vector<64x16384xf32> to vector<64x128xf32>
    %reshape3A_1351 = vector.shape_cast %slice3A_1350 : vector<64x128xf32> to vector<8x8x128xf32>
    %swap3A_1352 = arith.constant 0 : index
    %swap3A_1353 = arith.constant 112 : index
    %swap3A_1354 = arith.constant 0 : index
    %swap3A_1355 = arith.constant 0 : index
    %swap3A_1356 = vector.load %arg3[%swap3A_1352, %swap3A_1353, %swap3A_1354, %swap3A_1355] : memref<8x128x8x128xf32, #tpu.memory_space<vmem>>, vector<8x1x8x128xf32>
    %swap3A_1357 = vector.shape_cast %swap3A_1356 : vector<8x1x8x128xf32> to vector<8x8x128xf32>
    %swap3A_1358 = vector.shape_cast %reshape3A_1351 : vector<8x8x128xf32> to vector<8x1x8x128xf32>
    tpu.vector_store %arg3[%swap3A_1352, %swap3A_1353, %swap3A_1354, %swap3A_1355], %swap3A_1358 {strides = array<i32>} : memref<8x128x8x128xf32, #tpu.memory_space<vmem>>, vector<8x1x8x128xf32>,
    %reduce_max3A_1359 = arith.constant dense<0xFF800000> : vector<64xf32>
    %reduce_max3A_1360 = vector.multi_reduction <maximumf>, %slice3A_1350, %reduce_max3A_1359 [1] : vector<64x128xf32> to vector<64xf32>
    %broadcast_in_dim3A_1361 = vector.shape_cast %reduce_max3A_1360 : vector<64xf32> to vector<64x1xf32>
    %slice3A_1362 = vector.extract_strided_slice %select_n3A {offsets = [0, 14464], sizes = [64, 128], strides = [1, 1]} : vector<64x16384xf32> to vector<64x128xf32>
    %reshape3A_1363 = vector.shape_cast %slice3A_1362 : vector<64x128xf32> to vector<8x8x128xf32>
    %swap3A_1364 = arith.constant 0 : index
    %swap3A_1365 = arith.constant 113 : index
    %swap3A_1366 = arith.constant 0 : index
    %swap3A_1367 = arith.constant 0 : index
    %swap3A_1368 = vector.load %arg3[%swap3A_1364, %swap3A_1365, %swap3A_1366, %swap3A_1367] : memref<8x128x8x128xf32, #tpu.memory_space<vmem>>, vector<8x1x8x128xf32>
    %swap3A_1369 = vector.shape_cast %swap3A_1368 : vector<8x1x8x128xf32> to vector<8x8x128xf32>
    %swap3A_1370 = vector.shape_cast %reshape3A_1363 : vector<8x8x128xf32> to vector<8x1x8x128xf32>
    tpu.vector_store %arg3[%swap3A_1364, %swap3A_1365, %swap3A_1366, %swap3A_1367], %swap3A_1370 {strides = array<i32>} : memref<8x128x8x128xf32, #tpu.memory_space<vmem>>, vector<8x1x8x128xf32>,
    %reduce_max3A_1371 = arith.constant dense<0xFF800000> : vector<64xf32>
    %reduce_max3A_1372 = vector.multi_reduction <maximumf>, %slice3A_1362, %reduce_max3A_1371 [1] : vector<64x128xf32> to vector<64xf32>
    %broadcast_in_dim3A_1373 = vector.shape_cast %reduce_max3A_1372 : vector<64xf32> to vector<64x1xf32>
    %slice3A_1374 = vector.extract_strided_slice %select_n3A {offsets = [0, 14592], sizes = [64, 128], strides = [1, 1]} : vector<64x16384xf32> to vector<64x128xf32>
    %reshape3A_1375 = vector.shape_cast %slice3A_1374 : vector<64x128xf32> to vector<8x8x128xf32>
    %swap3A_1376 = arith.constant 0 : index
    %swap3A_1377 = arith.constant 114 : index
    %swap3A_1378 = arith.constant 0 : index
    %swap3A_1379 = arith.constant 0 : index
    %swap3A_1380 = vector.load %arg3[%swap3A_1376, %swap3A_1377, %swap3A_1378, %swap3A_1379] : memref<8x128x8x128xf32, #tpu.memory_space<vmem>>, vector<8x1x8x128xf32>
    %swap3A_1381 = vector.shape_cast %swap3A_1380 : vector<8x1x8x128xf32> to vector<8x8x128xf32>
    %swap3A_1382 = vector.shape_cast %reshape3A_1375 : vector<8x8x128xf32> to vector<8x1x8x128xf32>
    tpu.vector_store %arg3[%swap3A_1376, %swap3A_1377, %swap3A_1378, %swap3A_1379], %swap3A_1382 {strides = array<i32>} : memref<8x128x8x128xf32, #tpu.memory_space<vmem>>, vector<8x1x8x128xf32>,
    %reduce_max3A_1383 = arith.constant dense<0xFF800000> : vector<64xf32>
    %reduce_max3A_1384 = vector.multi_reduction <maximumf>, %slice3A_1374, %reduce_max3A_1383 [1] : vector<64x128xf32> to vector<64xf32>
    %broadcast_in_dim3A_1385 = vector.shape_cast %reduce_max3A_1384 : vector<64xf32> to vector<64x1xf32>
    %slice3A_1386 = vector.extract_strided_slice %select_n3A {offsets = [0, 14720], sizes = [64, 128], strides = [1, 1]} : vector<64x16384xf32> to vector<64x128xf32>
    %reshape3A_1387 = vector.shape_cast %slice3A_1386 : vector<64x128xf32> to vector<8x8x128xf32>
    %swap3A_1388 = arith.constant 0 : index
    %swap3A_1389 = arith.constant 115 : index
    %swap3A_1390 = arith.constant 0 : index
    %swap3A_1391 = arith.constant 0 : index
    %swap3A_1392 = vector.load %arg3[%swap3A_1388, %swap3A_1389, %swap3A_1390, %swap3A_1391] : memref<8x128x8x128xf32, #tpu.memory_space<vmem>>, vector<8x1x8x128xf32>
    %swap3A_1393 = vector.shape_cast %swap3A_1392 : vector<8x1x8x128xf32> to vector<8x8x128xf32>
    %swap3A_1394 = vector.shape_cast %reshape3A_1387 : vector<8x8x128xf32> to vector<8x1x8x128xf32>
    tpu.vector_store %arg3[%swap3A_1388, %swap3A_1389, %swap3A_1390, %swap3A_1391], %swap3A_1394 {strides = array<i32>} : memref<8x128x8x128xf32, #tpu.memory_space<vmem>>, vector<8x1x8x128xf32>,
    %reduce_max3A_1395 = arith.constant dense<0xFF800000> : vector<64xf32>
    %reduce_max3A_1396 = vector.multi_reduction <maximumf>, %slice3A_1386, %reduce_max3A_1395 [1] : vector<64x128xf32> to vector<64xf32>
    %broadcast_in_dim3A_1397 = vector.shape_cast %reduce_max3A_1396 : vector<64xf32> to vector<64x1xf32>
    %slice3A_1398 = vector.extract_strided_slice %select_n3A {offsets = [0, 14848], sizes = [64, 128], strides = [1, 1]} : vector<64x16384xf32> to vector<64x128xf32>
    %reshape3A_1399 = vector.shape_cast %slice3A_1398 : vector<64x128xf32> to vector<8x8x128xf32>
    %swap3A_1400 = arith.constant 0 : index
    %swap3A_1401 = arith.constant 116 : index
    %swap3A_1402 = arith.constant 0 : index
    %swap3A_1403 = arith.constant 0 : index
    %swap3A_1404 = vector.load %arg3[%swap3A_1400, %swap3A_1401, %swap3A_1402, %swap3A_1403] : memref<8x128x8x128xf32, #tpu.memory_space<vmem>>, vector<8x1x8x128xf32>
    %swap3A_1405 = vector.shape_cast %swap3A_1404 : vector<8x1x8x128xf32> to vector<8x8x128xf32>
    %swap3A_1406 = vector.shape_cast %reshape3A_1399 : vector<8x8x128xf32> to vector<8x1x8x128xf32>
    tpu.vector_store %arg3[%swap3A_1400, %swap3A_1401, %swap3A_1402, %swap3A_1403], %swap3A_1406 {strides = array<i32>} : memref<8x128x8x128xf32, #tpu.memory_space<vmem>>, vector<8x1x8x128xf32>,
    %reduce_max3A_1407 = arith.constant dense<0xFF800000> : vector<64xf32>
    %reduce_max3A_1408 = vector.multi_reduction <maximumf>, %slice3A_1398, %reduce_max3A_1407 [1] : vector<64x128xf32> to vector<64xf32>
    %broadcast_in_dim3A_1409 = vector.shape_cast %reduce_max3A_1408 : vector<64xf32> to vector<64x1xf32>
    %slice3A_1410 = vector.extract_strided_slice %select_n3A {offsets = [0, 14976], sizes = [64, 128], strides = [1, 1]} : vector<64x16384xf32> to vector<64x128xf32>
    %reshape3A_1411 = vector.shape_cast %slice3A_1410 : vector<64x128xf32> to vector<8x8x128xf32>
    %swap3A_1412 = arith.constant 0 : index
    %swap3A_1413 = arith.constant 117 : index
    %swap3A_1414 = arith.constant 0 : index
    %swap3A_1415 = arith.constant 0 : index
    %swap3A_1416 = vector.load %arg3[%swap3A_1412, %swap3A_1413, %swap3A_1414, %swap3A_1415] : memref<8x128x8x128xf32, #tpu.memory_space<vmem>>, vector<8x1x8x128xf32>
    %swap3A_1417 = vector.shape_cast %swap3A_1416 : vector<8x1x8x128xf32> to vector<8x8x128xf32>
    %swap3A_1418 = vector.shape_cast %reshape3A_1411 : vector<8x8x128xf32> to vector<8x1x8x128xf32>
    tpu.vector_store %arg3[%swap3A_1412, %swap3A_1413, %swap3A_1414, %swap3A_1415], %swap3A_1418 {strides = array<i32>} : memref<8x128x8x128xf32, #tpu.memory_space<vmem>>, vector<8x1x8x128xf32>,
    %reduce_max3A_1419 = arith.constant dense<0xFF800000> : vector<64xf32>
    %reduce_max3A_1420 = vector.multi_reduction <maximumf>, %slice3A_1410, %reduce_max3A_1419 [1] : vector<64x128xf32> to vector<64xf32>
    %broadcast_in_dim3A_1421 = vector.shape_cast %reduce_max3A_1420 : vector<64xf32> to vector<64x1xf32>
    %slice3A_1422 = vector.extract_strided_slice %select_n3A {offsets = [0, 15104], sizes = [64, 128], strides = [1, 1]} : vector<64x16384xf32> to vector<64x128xf32>
    %reshape3A_1423 = vector.shape_cast %slice3A_1422 : vector<64x128xf32> to vector<8x8x128xf32>
    %swap3A_1424 = arith.constant 0 : index
    %swap3A_1425 = arith.constant 118 : index
    %swap3A_1426 = arith.constant 0 : index
    %swap3A_1427 = arith.constant 0 : index
    %swap3A_1428 = vector.load %arg3[%swap3A_1424, %swap3A_1425, %swap3A_1426, %swap3A_1427] : memref<8x128x8x128xf32, #tpu.memory_space<vmem>>, vector<8x1x8x128xf32>
    %swap3A_1429 = vector.shape_cast %swap3A_1428 : vector<8x1x8x128xf32> to vector<8x8x128xf32>
    %swap3A_1430 = vector.shape_cast %reshape3A_1423 : vector<8x8x128xf32> to vector<8x1x8x128xf32>
    tpu.vector_store %arg3[%swap3A_1424, %swap3A_1425, %swap3A_1426, %swap3A_1427], %swap3A_1430 {strides = array<i32>} : memref<8x128x8x128xf32, #tpu.memory_space<vmem>>, vector<8x1x8x128xf32>,
    %reduce_max3A_1431 = arith.constant dense<0xFF800000> : vector<64xf32>
    %reduce_max3A_1432 = vector.multi_reduction <maximumf>, %slice3A_1422, %reduce_max3A_1431 [1] : vector<64x128xf32> to vector<64xf32>
    %broadcast_in_dim3A_1433 = vector.shape_cast %reduce_max3A_1432 : vector<64xf32> to vector<64x1xf32>
    %slice3A_1434 = vector.extract_strided_slice %select_n3A {offsets = [0, 15232], sizes = [64, 128], strides = [1, 1]} : vector<64x16384xf32> to vector<64x128xf32>
    %reshape3A_1435 = vector.shape_cast %slice3A_1434 : vector<64x128xf32> to vector<8x8x128xf32>
    %swap3A_1436 = arith.constant 0 : index
    %swap3A_1437 = arith.constant 119 : index
    %swap3A_1438 = arith.constant 0 : index
    %swap3A_1439 = arith.constant 0 : index
    %swap3A_1440 = vector.load %arg3[%swap3A_1436, %swap3A_1437, %swap3A_1438, %swap3A_1439] : memref<8x128x8x128xf32, #tpu.memory_space<vmem>>, vector<8x1x8x128xf32>
    %swap3A_1441 = vector.shape_cast %swap3A_1440 : vector<8x1x8x128xf32> to vector<8x8x128xf32>
    %swap3A_1442 = vector.shape_cast %reshape3A_1435 : vector<8x8x128xf32> to vector<8x1x8x128xf32>
    tpu.vector_store %arg3[%swap3A_1436, %swap3A_1437, %swap3A_1438, %swap3A_1439], %swap3A_1442 {strides = array<i32>} : memref<8x128x8x128xf32, #tpu.memory_space<vmem>>, vector<8x1x8x128xf32>,
    %reduce_max3A_1443 = arith.constant dense<0xFF800000> : vector<64xf32>
    %reduce_max3A_1444 = vector.multi_reduction <maximumf>, %slice3A_1434, %reduce_max3A_1443 [1] : vector<64x128xf32> to vector<64xf32>
    %broadcast_in_dim3A_1445 = vector.shape_cast %reduce_max3A_1444 : vector<64xf32> to vector<64x1xf32>
    %slice3A_1446 = vector.extract_strided_slice %select_n3A {offsets = [0, 15360], sizes = [64, 128], strides = [1, 1]} : vector<64x16384xf32> to vector<64x128xf32>
    %reshape3A_1447 = vector.shape_cast %slice3A_1446 : vector<64x128xf32> to vector<8x8x128xf32>
    %swap3A_1448 = arith.constant 0 : index
    %swap3A_1449 = arith.constant 120 : index
    %swap3A_1450 = arith.constant 0 : index
    %swap3A_1451 = arith.constant 0 : index
    %swap3A_1452 = vector.load %arg3[%swap3A_1448, %swap3A_1449, %swap3A_1450, %swap3A_1451] : memref<8x128x8x128xf32, #tpu.memory_space<vmem>>, vector<8x1x8x128xf32>
    %swap3A_1453 = vector.shape_cast %swap3A_1452 : vector<8x1x8x128xf32> to vector<8x8x128xf32>
    %swap3A_1454 = vector.shape_cast %reshape3A_1447 : vector<8x8x128xf32> to vector<8x1x8x128xf32>
    tpu.vector_store %arg3[%swap3A_1448, %swap3A_1449, %swap3A_1450, %swap3A_1451], %swap3A_1454 {strides = array<i32>} : memref<8x128x8x128xf32, #tpu.memory_space<vmem>>, vector<8x1x8x128xf32>,
    %reduce_max3A_1455 = arith.constant dense<0xFF800000> : vector<64xf32>
    %reduce_max3A_1456 = vector.multi_reduction <maximumf>, %slice3A_1446, %reduce_max3A_1455 [1] : vector<64x128xf32> to vector<64xf32>
    %broadcast_in_dim3A_1457 = vector.shape_cast %reduce_max3A_1456 : vector<64xf32> to vector<64x1xf32>
    %slice3A_1458 = vector.extract_strided_slice %select_n3A {offsets = [0, 15488], sizes = [64, 128], strides = [1, 1]} : vector<64x16384xf32> to vector<64x128xf32>
    %reshape3A_1459 = vector.shape_cast %slice3A_1458 : vector<64x128xf32> to vector<8x8x128xf32>
    %swap3A_1460 = arith.constant 0 : index
    %swap3A_1461 = arith.constant 121 : index
    %swap3A_1462 = arith.constant 0 : index
    %swap3A_1463 = arith.constant 0 : index
    %swap3A_1464 = vector.load %arg3[%swap3A_1460, %swap3A_1461, %swap3A_1462, %swap3A_1463] : memref<8x128x8x128xf32, #tpu.memory_space<vmem>>, vector<8x1x8x128xf32>
    %swap3A_1465 = vector.shape_cast %swap3A_1464 : vector<8x1x8x128xf32> to vector<8x8x128xf32>
    %swap3A_1466 = vector.shape_cast %reshape3A_1459 : vector<8x8x128xf32> to vector<8x1x8x128xf32>
    tpu.vector_store %arg3[%swap3A_1460, %swap3A_1461, %swap3A_1462, %swap3A_1463], %swap3A_1466 {strides = array<i32>} : memref<8x128x8x128xf32, #tpu.memory_space<vmem>>, vector<8x1x8x128xf32>,
    %reduce_max3A_1467 = arith.constant dense<0xFF800000> : vector<64xf32>
    %reduce_max3A_1468 = vector.multi_reduction <maximumf>, %slice3A_1458, %reduce_max3A_1467 [1] : vector<64x128xf32> to vector<64xf32>
    %broadcast_in_dim3A_1469 = vector.shape_cast %reduce_max3A_1468 : vector<64xf32> to vector<64x1xf32>
    %slice3A_1470 = vector.extract_strided_slice %select_n3A {offsets = [0, 15616], sizes = [64, 128], strides = [1, 1]} : vector<64x16384xf32> to vector<64x128xf32>
    %reshape3A_1471 = vector.shape_cast %slice3A_1470 : vector<64x128xf32> to vector<8x8x128xf32>
    %swap3A_1472 = arith.constant 0 : index
    %swap3A_1473 = arith.constant 122 : index
    %swap3A_1474 = arith.constant 0 : index
    %swap3A_1475 = arith.constant 0 : index
    %swap3A_1476 = vector.load %arg3[%swap3A_1472, %swap3A_1473, %swap3A_1474, %swap3A_1475] : memref<8x128x8x128xf32, #tpu.memory_space<vmem>>, vector<8x1x8x128xf32>
    %swap3A_1477 = vector.shape_cast %swap3A_1476 : vector<8x1x8x128xf32> to vector<8x8x128xf32>
    %swap3A_1478 = vector.shape_cast %reshape3A_1471 : vector<8x8x128xf32> to vector<8x1x8x128xf32>
    tpu.vector_store %arg3[%swap3A_1472, %swap3A_1473, %swap3A_1474, %swap3A_1475], %swap3A_1478 {strides = array<i32>} : memref<8x128x8x128xf32, #tpu.memory_space<vmem>>, vector<8x1x8x128xf32>,
    %reduce_max3A_1479 = arith.constant dense<0xFF800000> : vector<64xf32>
    %reduce_max3A_1480 = vector.multi_reduction <maximumf>, %slice3A_1470, %reduce_max3A_1479 [1] : vector<64x128xf32> to vector<64xf32>
    %broadcast_in_dim3A_1481 = vector.shape_cast %reduce_max3A_1480 : vector<64xf32> to vector<64x1xf32>
    %slice3A_1482 = vector.extract_strided_slice %select_n3A {offsets = [0, 15744], sizes = [64, 128], strides = [1, 1]} : vector<64x16384xf32> to vector<64x128xf32>
    %reshape3A_1483 = vector.shape_cast %slice3A_1482 : vector<64x128xf32> to vector<8x8x128xf32>
    %swap3A_1484 = arith.constant 0 : index
    %swap3A_1485 = arith.constant 123 : index
    %swap3A_1486 = arith.constant 0 : index
    %swap3A_1487 = arith.constant 0 : index
    %swap3A_1488 = vector.load %arg3[%swap3A_1484, %swap3A_1485, %swap3A_1486, %swap3A_1487] : memref<8x128x8x128xf32, #tpu.memory_space<vmem>>, vector<8x1x8x128xf32>
    %swap3A_1489 = vector.shape_cast %swap3A_1488 : vector<8x1x8x128xf32> to vector<8x8x128xf32>
    %swap3A_1490 = vector.shape_cast %reshape3A_1483 : vector<8x8x128xf32> to vector<8x1x8x128xf32>
    tpu.vector_store %arg3[%swap3A_1484, %swap3A_1485, %swap3A_1486, %swap3A_1487], %swap3A_1490 {strides = array<i32>} : memref<8x128x8x128xf32, #tpu.memory_space<vmem>>, vector<8x1x8x128xf32>,
    %reduce_max3A_1491 = arith.constant dense<0xFF800000> : vector<64xf32>
    %reduce_max3A_1492 = vector.multi_reduction <maximumf>, %slice3A_1482, %reduce_max3A_1491 [1] : vector<64x128xf32> to vector<64xf32>
    %broadcast_in_dim3A_1493 = vector.shape_cast %reduce_max3A_1492 : vector<64xf32> to vector<64x1xf32>
    %slice3A_1494 = vector.extract_strided_slice %select_n3A {offsets = [0, 15872], sizes = [64, 128], strides = [1, 1]} : vector<64x16384xf32> to vector<64x128xf32>
    %reshape3A_1495 = vector.shape_cast %slice3A_1494 : vector<64x128xf32> to vector<8x8x128xf32>
    %swap3A_1496 = arith.constant 0 : index
    %swap3A_1497 = arith.constant 124 : index
    %swap3A_1498 = arith.constant 0 : index
    %swap3A_1499 = arith.constant 0 : index
    %swap3A_1500 = vector.load %arg3[%swap3A_1496, %swap3A_1497, %swap3A_1498, %swap3A_1499] : memref<8x128x8x128xf32, #tpu.memory_space<vmem>>, vector<8x1x8x128xf32>
    %swap3A_1501 = vector.shape_cast %swap3A_1500 : vector<8x1x8x128xf32> to vector<8x8x128xf32>
    %swap3A_1502 = vector.shape_cast %reshape3A_1495 : vector<8x8x128xf32> to vector<8x1x8x128xf32>
    tpu.vector_store %arg3[%swap3A_1496, %swap3A_1497, %swap3A_1498, %swap3A_1499], %swap3A_1502 {strides = array<i32>} : memref<8x128x8x128xf32, #tpu.memory_space<vmem>>, vector<8x1x8x128xf32>,
    %reduce_max3A_1503 = arith.constant dense<0xFF800000> : vector<64xf32>
    %reduce_max3A_1504 = vector.multi_reduction <maximumf>, %slice3A_1494, %reduce_max3A_1503 [1] : vector<64x128xf32> to vector<64xf32>
    %broadcast_in_dim3A_1505 = vector.shape_cast %reduce_max3A_1504 : vector<64xf32> to vector<64x1xf32>
    %slice3A_1506 = vector.extract_strided_slice %select_n3A {offsets = [0, 16000], sizes = [64, 128], strides = [1, 1]} : vector<64x16384xf32> to vector<64x128xf32>
    %reshape3A_1507 = vector.shape_cast %slice3A_1506 : vector<64x128xf32> to vector<8x8x128xf32>
    %swap3A_1508 = arith.constant 0 : index
    %swap3A_1509 = arith.constant 125 : index
    %swap3A_1510 = arith.constant 0 : index
    %swap3A_1511 = arith.constant 0 : index
    %swap3A_1512 = vector.load %arg3[%swap3A_1508, %swap3A_1509, %swap3A_1510, %swap3A_1511] : memref<8x128x8x128xf32, #tpu.memory_space<vmem>>, vector<8x1x8x128xf32>
    %swap3A_1513 = vector.shape_cast %swap3A_1512 : vector<8x1x8x128xf32> to vector<8x8x128xf32>
    %swap3A_1514 = vector.shape_cast %reshape3A_1507 : vector<8x8x128xf32> to vector<8x1x8x128xf32>
    tpu.vector_store %arg3[%swap3A_1508, %swap3A_1509, %swap3A_1510, %swap3A_1511], %swap3A_1514 {strides = array<i32>} : memref<8x128x8x128xf32, #tpu.memory_space<vmem>>, vector<8x1x8x128xf32>,
    %reduce_max3A_1515 = arith.constant dense<0xFF800000> : vector<64xf32>
    %reduce_max3A_1516 = vector.multi_reduction <maximumf>, %slice3A_1506, %reduce_max3A_1515 [1] : vector<64x128xf32> to vector<64xf32>
    %broadcast_in_dim3A_1517 = vector.shape_cast %reduce_max3A_1516 : vector<64xf32> to vector<64x1xf32>
    %slice3A_1518 = vector.extract_strided_slice %select_n3A {offsets = [0, 16128], sizes = [64, 128], strides = [1, 1]} : vector<64x16384xf32> to vector<64x128xf32>
    %reshape3A_1519 = vector.shape_cast %slice3A_1518 : vector<64x128xf32> to vector<8x8x128xf32>
    %swap3A_1520 = arith.constant 0 : index
    %swap3A_1521 = arith.constant 126 : index
    %swap3A_1522 = arith.constant 0 : index
    %swap3A_1523 = arith.constant 0 : index
    %swap3A_1524 = vector.load %arg3[%swap3A_1520, %swap3A_1521, %swap3A_1522, %swap3A_1523] : memref<8x128x8x128xf32, #tpu.memory_space<vmem>>, vector<8x1x8x128xf32>
    %swap3A_1525 = vector.shape_cast %swap3A_1524 : vector<8x1x8x128xf32> to vector<8x8x128xf32>
    %swap3A_1526 = vector.shape_cast %reshape3A_1519 : vector<8x8x128xf32> to vector<8x1x8x128xf32>
    tpu.vector_store %arg3[%swap3A_1520, %swap3A_1521, %swap3A_1522, %swap3A_1523], %swap3A_1526 {strides = array<i32>} : memref<8x128x8x128xf32, #tpu.memory_space<vmem>>, vector<8x1x8x128xf32>,
    %reduce_max3A_1527 = arith.constant dense<0xFF800000> : vector<64xf32>
    %reduce_max3A_1528 = vector.multi_reduction <maximumf>, %slice3A_1518, %reduce_max3A_1527 [1] : vector<64x128xf32> to vector<64xf32>
    %broadcast_in_dim3A_1529 = vector.shape_cast %reduce_max3A_1528 : vector<64xf32> to vector<64x1xf32>
    %slice3A_1530 = vector.extract_strided_slice %select_n3A {offsets = [0, 16256], sizes = [64, 128], strides = [1, 1]} : vector<64x16384xf32> to vector<64x128xf32>
    %reshape3A_1531 = vector.shape_cast %slice3A_1530 : vector<64x128xf32> to vector<8x8x128xf32>
    %swap3A_1532 = arith.constant 0 : index
    %swap3A_1533 = arith.constant 127 : index
    %swap3A_1534 = arith.constant 0 : index
    %swap3A_1535 = arith.constant 0 : index
    %swap3A_1536 = vector.load %arg3[%swap3A_1532, %swap3A_1533, %swap3A_1534, %swap3A_1535] : memref<8x128x8x128xf32, #tpu.memory_space<vmem>>, vector<8x1x8x128xf32>
    %swap3A_1537 = vector.shape_cast %swap3A_1536 : vector<8x1x8x128xf32> to vector<8x8x128xf32>
    %swap3A_1538 = vector.shape_cast %reshape3A_1531 : vector<8x8x128xf32> to vector<8x1x8x128xf32>
    tpu.vector_store %arg3[%swap3A_1532, %swap3A_1533, %swap3A_1534, %swap3A_1535], %swap3A_1538 {strides = array<i32>} : memref<8x128x8x128xf32, #tpu.memory_space<vmem>>, vector<8x1x8x128xf32>,
    %reduce_max3A_1539 = arith.constant dense<0xFF800000> : vector<64xf32>
    %reduce_max3A_1540 = vector.multi_reduction <maximumf>, %slice3A_1530, %reduce_max3A_1539 [1] : vector<64x128xf32> to vector<64xf32>
    %broadcast_in_dim3A_1541 = vector.shape_cast %reduce_max3A_1540 : vector<64xf32> to vector<64x1xf32>
    %concatenate3A = tpu.concatenate %broadcast_in_dim3A_17, %broadcast_in_dim3A_29, %broadcast_in_dim3A_41, %broadcast_in_dim3A_53, %broadcast_in_dim3A_65, %broadcast_in_dim3A_77, %broadcast_in_dim3A_89, %broadcast_in_dim3A_101, %broadcast_in_dim3A_113, %broadcast_in_dim3A_125, %broadcast_in_dim3A_137, %broadcast_in_dim3A_149, %broadcast_in_dim3A_161, %broadcast_in_dim3A_173, %broadcast_in_dim3A_185, %broadcast_in_dim3A_197, %broadcast_in_dim3A_209, %broadcast_in_dim3A_221, %broadcast_in_dim3A_233, %broadcast_in_dim3A_245, %broadcast_in_dim3A_257, %broadcast_in_dim3A_269, %broadcast_in_dim3A_281, %broadcast_in_dim3A_293, %broadcast_in_dim3A_305, %broadcast_in_dim3A_317, %broadcast_in_dim3A_329, %broadcast_in_dim3A_341, %broadcast_in_dim3A_353, %broadcast_in_dim3A_365, %broadcast_in_dim3A_377, %broadcast_in_dim3A_389, %broadcast_in_dim3A_401, %broadcast_in_dim3A_413, %broadcast_in_dim3A_425, %broadcast_in_dim3A_437, %broadcast_in_dim3A_449, %broadcast_in_dim3A_461, %broadcast_in_dim3A_473, %broadcast_in_dim3A_485, %broadcast_in_dim3A_497, %broadcast_in_dim3A_509, %broadcast_in_dim3A_521, %broadcast_in_dim3A_533, %broadcast_in_dim3A_545, %broadcast_in_dim3A_557, %broadcast_in_dim3A_569, %broadcast_in_dim3A_581, %broadcast_in_dim3A_593, %broadcast_in_dim3A_605, %broadcast_in_dim3A_617, %broadcast_in_dim3A_629, %broadcast_in_dim3A_641, %broadcast_in_dim3A_653, %broadcast_in_dim3A_665, %broadcast_in_dim3A_677, %broadcast_in_dim3A_689, %broadcast_in_dim3A_701, %broadcast_in_dim3A_713, %broadcast_in_dim3A_725, %broadcast_in_dim3A_737, %broadcast_in_dim3A_749, %broadcast_in_dim3A_761, %broadcast_in_dim3A_773, %broadcast_in_dim3A_785, %broadcast_in_dim3A_797, %broadcast_in_dim3A_809, %broadcast_in_dim3A_821, %broadcast_in_dim3A_833, %broadcast_in_dim3A_845, %broadcast_in_dim3A_857, %broadcast_in_dim3A_869, %broadcast_in_dim3A_881, %broadcast_in_dim3A_893, %broadcast_in_dim3A_905, %broadcast_in_dim3A_917, %broadcast_in_dim3A_929, %broadcast_in_dim3A_941, %broadcast_in_dim3A_953, %broadcast_in_dim3A_965, %broadcast_in_dim3A_977, %broadcast_in_dim3A_989, %broadcast_in_dim3A_1001, %broadcast_in_dim3A_1013, %broadcast_in_dim3A_1025, %broadcast_in_dim3A_1037, %broadcast_in_dim3A_1049, %broadcast_in_dim3A_1061, %broadcast_in_dim3A_1073, %broadcast_in_dim3A_1085, %broadcast_in_dim3A_1097, %broadcast_in_dim3A_1109, %broadcast_in_dim3A_1121, %broadcast_in_dim3A_1133, %broadcast_in_dim3A_1145, %broadcast_in_dim3A_1157, %broadcast_in_dim3A_1169, %broadcast_in_dim3A_1181, %broadcast_in_dim3A_1193, %broadcast_in_dim3A_1205, %broadcast_in_dim3A_1217, %broadcast_in_dim3A_1229, %broadcast_in_dim3A_1241, %broadcast_in_dim3A_1253, %broadcast_in_dim3A_1265, %broadcast_in_dim3A_1277, %broadcast_in_dim3A_1289, %broadcast_in_dim3A_1301, %broadcast_in_dim3A_1313, %broadcast_in_dim3A_1325, %broadcast_in_dim3A_1337, %broadcast_in_dim3A_1349, %broadcast_in_dim3A_1361, %broadcast_in_dim3A_1373, %broadcast_in_dim3A_1385, %broadcast_in_dim3A_1397, %broadcast_in_dim3A_1409, %broadcast_in_dim3A_1421, %broadcast_in_dim3A_1433, %broadcast_in_dim3A_1445, %broadcast_in_dim3A_1457, %broadcast_in_dim3A_1469, %broadcast_in_dim3A_1481, %broadcast_in_dim3A_1493, %broadcast_in_dim3A_1505, %broadcast_in_dim3A_1517, %broadcast_in_dim3A_1529, %broadcast_in_dim3A_1541 in 1 : vector<64x1xf32>, vector<64x1xf32>, vector<64x1xf32>, vector<64x1xf32>, vector<64x1xf32>, vector<64x1xf32>, vector<64x1xf32>, vector<64x1xf32>, vector<64x1xf32>, vector<64x1xf32>, vector<64x1xf32>, vector<64x1xf32>, vector<64x1xf32>, vector<64x1xf32>, vector<64x1xf32>, vector<64x1xf32>, vector<64x1xf32>, vector<64x1xf32>, vector<64x1xf32>, vector<64x1xf32>, vector<64x1xf32>, vector<64x1xf32>, vector<64x1xf32>, vector<64x1xf32>, vector<64x1xf32>, vector<64x1xf32>, vector<64x1xf32>, vector<64x1xf32>, vector<64x1xf32>, vector<64x1xf32>, vector<64x1xf32>, vector<64x1xf32>, vector<64x1xf32>, vector<64x1xf32>, vector<64x1xf32>, vector<64x1xf32>, vector<64x1xf32>, vector<64x1xf32>, vector<64x1xf32>, vector<64x1xf32>, vector<64x1xf32>, vector<64x1xf32>, vector<64x1xf32>, vector<64x1xf32>, vector<64x1xf32>, vector<64x1xf32>, vector<64x1xf32>, vector<64x1xf32>, vector<64x1xf32>, vector<64x1xf32>, vector<64x1xf32>, vector<64x1xf32>, vector<64x1xf32>, vector<64x1xf32>, vector<64x1xf32>, vector<64x1xf32>, vector<64x1xf32>, vector<64x1xf32>, vector<64x1xf32>, vector<64x1xf32>, vector<64x1xf32>, vector<64x1xf32>, vector<64x1xf32>, vector<64x1xf32>, vector<64x1xf32>, vector<64x1xf32>, vector<64x1xf32>, vector<64x1xf32>, vector<64x1xf32>, vector<64x1xf32>, vector<64x1xf32>, vector<64x1xf32>, vector<64x1xf32>, vector<64x1xf32>, vector<64x1xf32>, vector<64x1xf32>, vector<64x1xf32>, vector<64x1xf32>, vector<64x1xf32>, vector<64x1xf32>, vector<64x1xf32>, vector<64x1xf32>, vector<64x1xf32>, vector<64x1xf32>, vector<64x1xf32>, vector<64x1xf32>, vector<64x1xf32>, vector<64x1xf32>, vector<64x1xf32>, vector<64x1xf32>, vector<64x1xf32>, vector<64x1xf32>, vector<64x1xf32>, vector<64x1xf32>, vector<64x1xf32>, vector<64x1xf32>, vector<64x1xf32>, vector<64x1xf32>, vector<64x1xf32>, vector<64x1xf32>, vector<64x1xf32>, vector<64x1xf32>, vector<64x1xf32>, vector<64x1xf32>, vector<64x1xf32>, vector<64x1xf32>, vector<64x1xf32>, vector<64x1xf32>, vector<64x1xf32>, vector<64x1xf32>, vector<64x1xf32>, vector<64x1xf32>, vector<64x1xf32>, vector<64x1xf32>, vector<64x1xf32>, vector<64x1xf32>, vector<64x1xf32>, vector<64x1xf32>, vector<64x1xf32>, vector<64x1xf32>, vector<64x1xf32>, vector<64x1xf32>, vector<64x1xf32>, vector<64x1xf32>, vector<64x1xf32>, vector<64x1xf32>, vector<64x1xf32>, vector<64x1xf32> -> vector<64x128xf32>
    %eq3A = arith.constant 0 : i32
    %eq3A_1542 = arith.cmpi eq, %arg0, %eq3A : i32
    %convert_element_type3A = arith.extui %eq3A_1542 : i1 to i32
    %cond3A = arith.constant 0 : i32
    %cond3A_1543 = arith.cmpi ne, %convert_element_type3A, %cond3A : i32
    scf.if %cond3A_1543 {
      %broadcast_in_dim3A_1569 = arith.constant 0xFF800000 : f32
      %broadcast_in_dim3A_1570 = vector.broadcast %broadcast_in_dim3A_1569 : f32 to vector<64x128xf32>
      %swap3A_1571 = arith.constant 0 : index
      %swap3A_1572 = arith.constant 0 : index
      %swap3A_1573 = vector.load %arg6[%swap3A_1571, %swap3A_1572] : memref<64x128xf32, #tpu.memory_space<vmem>>, vector<64x128xf32>
      tpu.vector_store %arg6[%swap3A_1571, %swap3A_1572], %broadcast_in_dim3A_1570 {strides = array<i32>} : memref<64x128xf32, #tpu.memory_space<vmem>>, vector<64x128xf32>,
    } else {
    }
    %iota3A_1544 = tpu.iota {dimensions = array<i32: 1>} : vector<64x128xi32>
    %reduce_max3A_1545 = arith.constant dense<0xFF800000> : vector<64xf32>
    %reduce_max3A_1546 = vector.multi_reduction <maximumf>, %concatenate3A, %reduce_max3A_1545 [1] : vector<64x128xf32> to vector<64xf32>
    %broadcast_in_dim3A_1547 = vector.shape_cast %reduce_max3A_1546 : vector<64xf32> to vector<64x1xf32>
    %eq3A_1548 = vector.broadcast %arg0 : i32 to vector<64x128xi32>
    %eq3A_1549 = arith.cmpi eq, %iota3A_1544, %eq3A_1548 : vector<64x128xi32>
    %get3A_1550 = arith.constant 0 : index
    %get3A_1551 = arith.constant 0 : index
    %get3A_1552 = vector.load %arg6[%get3A_1550, %get3A_1551] : memref<64x128xf32, #tpu.memory_space<vmem>>, vector<64x128xf32>
    %broadcast_in_dim3A_1553 = vector.shape_cast %broadcast_in_dim3A_1547 : vector<64x1xf32> to vector<64x1xf32>
    %broadcast_in_dim3A_1554 = vector.broadcast %broadcast_in_dim3A_1553 : vector<64x1xf32> to vector<64x128xf32>
    %select_n3A_1555 = arith.select %eq3A_1549, %broadcast_in_dim3A_1554, %get3A_1552 : vector<64x128xi1>, vector<64x128xf32>
    %swap3A_1556 = arith.constant 0 : index
    %swap3A_1557 = arith.constant 0 : index
    %swap3A_1558 = vector.load %arg6[%swap3A_1556, %swap3A_1557] : memref<64x128xf32, #tpu.memory_space<vmem>>, vector<64x128xf32>
    tpu.vector_store %arg6[%swap3A_1556, %swap3A_1557], %select_n3A_1555 {strides = array<i32>} : memref<64x128xf32, #tpu.memory_space<vmem>>, vector<64x128xf32>,
    %mul3A_1559 = arith.constant 128 : i32
    %mul3A_1560 = arith.muli %arg0, %mul3A_1559 : i32
    %swap3A_1561 = arith.constant 0 : index
    %swap3A_1562 = arith.index_cast %mul3A_1560 : i32 to index
    %swap3A_1563 = vector.load %arg7[%swap3A_1561, %swap3A_1562] : memref<64x7936xf32, #tpu.memory_space<vmem>>, vector<64x128xf32>
    tpu.vector_store %arg7[%swap3A_1561, %swap3A_1562], %concatenate3A {strides = array<i32>} : memref<64x7936xf32, #tpu.memory_space<vmem>>, vector<64x128xf32>,
    %eq3A_1564 = arith.constant 61 : i32
    %eq3A_1565 = arith.cmpi eq, %arg0, %eq3A_1564 : i32
    %convert_element_type3A_1566 = arith.extui %eq3A_1565 : i1 to i32
    %cond3A_1567 = arith.constant 0 : i32
    %cond3A_1568 = arith.cmpi ne, %convert_element_type3A_1566, %cond3A_1567 : i32
    scf.if %cond3A_1568 {
      %get3A_1569 = arith.constant 0 : index
      %get3A_1570 = arith.constant 0 : index
      %get3A_1571 = vector.load %arg7[%get3A_1569, %get3A_1570] : memref<64x7936xf32, #tpu.memory_space<vmem>>, vector<64x7936xf32>
      %reshape3A_1572 = vector.shape_cast %get3A_1571 : vector<64x7936xf32> to vector<8x8x62x128xf32>
      %transpose3A = tpu.transpose %reshape3A_1572, [0, 2, 1, 3] : vector<8x8x62x128xf32> -> vector<8x62x8x128xf32>
      %swap3A_1573 = arith.constant 0 : index
      %swap3A_1574 = arith.constant 0 : index
      %swap3A_1575 = arith.constant 0 : index
      %swap3A_1576 = arith.constant 0 : index
      %swap3A_1577 = vector.load %arg5[%swap3A_1573, %swap3A_1574, %swap3A_1575, %swap3A_1576] : memref<8x62x8x128xf32, #tpu.memory_space<vmem>>, vector<8x62x8x128xf32>
      tpu.vector_store %arg5[%swap3A_1573, %swap3A_1574, %swap3A_1575, %swap3A_1576], %transpose3A {strides = array<i32>} : memref<8x62x8x128xf32, #tpu.memory_space<vmem>>, vector<8x62x8x128xf32>,
      %get3A_1578 = arith.constant 0 : index
      %get3A_1579 = arith.constant 0 : index
      %get3A_1580 = vector.load %arg6[%get3A_1578, %get3A_1579] : memref<64x128xf32, #tpu.memory_space<vmem>>, vector<64x128xf32>
      %scan3A = arith.constant 0 : i32
      %scan3A_1581 = arith.constant 31 : i32
      %scan3A_1582 = arith.addi %scan3A, %scan3A_1581 : i32
      %scan3A_1583 = arith.constant 1 : i32
      %scan3A_1584 = scf.for %scan3A_1593 = %scan3A to %scan3A_1582 step %scan3A_1583 iter_args(%scan3A_1594 = %get3A_1580) -> (vector<64x128xf32>)  : i32 {
        %reduce_max3A_1595 = arith.constant dense<0xFF800000> : vector<64xf32>
        %reduce_max3A_1596 = vector.multi_reduction <maximumf>, %scan3A_1594, %reduce_max3A_1595 [1] : vector<64x128xf32> to vector<64xf32>
        %broadcast_in_dim3A_1597 = vector.shape_cast %reduce_max3A_1596 : vector<64xf32> to vector<64x1xf32>
        %eq3A_1598 = vector.broadcast %broadcast_in_dim3A_1597 : vector<64x1xf32> to vector<64x128xf32>
        %eq3A_1599 = arith.cmpf oeq, %scan3A_1594, %eq3A_1598 : vector<64x128xf32>
        %jit3A_1600 = arith.constant 0xFF800000 : f32
        %broadcast_in_dim3A_1601 = vector.broadcast %jit3A_1600 : f32 to vector<64x128xf32>
        %select_n3A_1602 = arith.select %eq3A_1599, %broadcast_in_dim3A_1601, %scan3A_1594 : vector<64x128xi1>, vector<64x128xf32>
        scf.yield %select_n3A_1602 : vector<64x128xf32>
      }
      %reduce_max3A_1585 = arith.constant dense<0xFF800000> : vector<64xf32>
      %reduce_max3A_1586 = vector.multi_reduction <maximumf>, %scan3A_1584, %reduce_max3A_1585 [1] : vector<64x128xf32> to vector<64xf32>
      %broadcast_in_dim3A_1587 = vector.shape_cast %reduce_max3A_1586 : vector<64xf32> to vector<64x1xf32>
      %broadcast_in_dim3A_1588 = vector.shape_cast %broadcast_in_dim3A_1587 : vector<64x1xf32> to vector<64x1xf32>
      %broadcast_in_dim3A_1589 = vector.broadcast %broadcast_in_dim3A_1588 : vector<64x1xf32> to vector<64x128xf32>
      %swap3A_1590 = arith.constant 0 : index
      %swap3A_1591 = arith.constant 0 : index
      %swap3A_1592 = vector.load %arg4[%swap3A_1590, %swap3A_1591] : memref<64x128xf32, #tpu.memory_space<vmem>>, vector<64x128xf32>
      tpu.vector_store %arg4[%swap3A_1590, %swap3A_1591], %broadcast_in_dim3A_1589 {strides = array<i32>} : memref<64x128xf32, #tpu.memory_space<vmem>>, vector<64x128xf32>,
    } else {
    }
    return
  }
  func.func @transform_0(%arg0: i32) -> (i32, i32) {
    %c0_i32 = arith.constant 0 : i32
    %c0_i32_0 = arith.constant 0 : i32
    %c0_i32_1 = arith.constant 0 : i32
    return %c0_i32, %c0_i32_0 : i32, i32
  }
  func.func @transform_1(%arg0: i32) -> (i32, i32) {
    %c0_i32 = arith.constant 0 : i32
    %c0_i32_0 = arith.constant 0 : i32
    return %c0_i32, %arg0 : i32, i32
  }
  func.func @transform_2(%arg0: i32) -> (i32, i32, i32, i32) {
    %c0_i32 = arith.constant 0 : i32
    %c0_i32_0 = arith.constant 0 : i32
    %c0_i32_1 = arith.constant 0 : i32
    %c0_i32_2 = arith.constant 0 : i32
    return %c0_i32, %arg0, %c0_i32_0, %c0_i32_1 : i32, i32, i32, i32
  }
  func.func @transform_3(%arg0: i32) -> (i32, i32) {
    %c0_i32 = arith.constant 0 : i32
    %c0_i32_0 = arith.constant 0 : i32
    %c0_i32_1 = arith.constant 0 : i32
    return %c0_i32, %c0_i32_0 : i32, i32
  }
  func.func @transform_4(%arg0: i32) -> (i32, i32, i32, i32) {
    %c0_i32 = arith.constant 0 : i32
    %c0_i32_0 = arith.constant 0 : i32
    %c0_i32_1 = arith.constant 0 : i32
    %c0_i32_2 = arith.constant 0 : i32
    %c0_i32_3 = arith.constant 0 : i32
    return %c0_i32, %c0_i32_0, %c0_i32_1, %c0_i32_2 : i32, i32, i32, i32
  }
}

</mosaic_0001>

<sc_bundles>
// kernel: sc_filter_topk.3.cloned.1.call-start
scs
__scs_entry_jumppad:
0x0: {  	(pc) =	sbr.rel $0x88, $3  }
0x1: {  	(tag) =	ssettag $0x0;
	lr =	simm.s32 $0x1  }
0x2: {  	[smem:$0x3F9F] =	sst lr;
	_ =	strace $0xD0000000  }
0x3: {  	_ = 	snop  }
0x4: {  	_ = 	snop  }
0x5: {  	_ = 	snop  }
0x6: {  	_ = 	snop  }
0x7: {  	_ = 	snop  }
__scs_overlays_trampoline_lowered:
0x8: {  	[smem:$0x3FAE] =	sst s0  }
0x9: {  	[smem:$0x3FAF] =	sst s1  }
0xa: {  	[smem:$0x3FB0] =	sst s2  }
0xb: {  	[smem:$0x3FB1] =	sst s3  }
0xc: {  	[smem:$0x3FB2] =	sst s4  }
0xd: {  	[smem:$0x3FB3] =	sst s5  }
0xe: {  	[smem:$0x3FB4] =	sst s6  }
0xf: {  	[smem:$0x3FB5] =	sst s7  }
0x10: {  	[smem:$0x3FB6] =	sst s8  }
0x11: {  	[smem:$0x3FB7] =	sst s9;
	s0 =	simm.s32 @!p0 $0x0  }
0x12: {  	s1 =	sld [smem:$0x3F9D];
	s0 =	simm.s32 @p0 $0x1  }
0x13: {  	[smem:$0x3FB8] =	sst s0;
	s0 =	simm.s32 @!p1 $0x0  }
0x14: {  	s2 =	sld [smem:$0x3F9C];
	s0 =	simm.s32 @p1 $0x1  }
0x15: {  	[smem:$0x3FB9] =	sst s0;
	s0 =	simm.s32 @!p2 $0x0  }
0x16: {  	s3 =	sld [smem:$0x3FDB];
	s0 =	simm.s32 @p2 $0x1  }
0x17: {  	s4 =	simm.s32 $0x1BF5;
	[smem:$0x3FBB] =	sst s0  }
0x18: {  	s0 =	sld [smem:$0x3F9E];
	_ =	swait.ge [sflag:s4], $0x0  }
0x19: {  	s7 =	sld [smem:$0x3F9F]  }
0x1a: {  	s8 =	sadd.s32 $0xFFFFE003, lr  }
0x1b: {  	s9 =	sadd.s32 $0xFFFFFEF7, lr;
	s5 =	simm.s32 $0xFFFFFFFF;
	p2 =	slt.u32 s8, $0xFFFFF086  }
0x1c: {  	p1 =	slt.u32 s9, $0xF7A;
	s5 =	simm.s32 @!p2 $0x0  }
0x1d: {  	s5 =	simm.s32 @p1 $0x1;
	p0 =	seq.s32 s7, s2  }
0x1e: {  	s7 =	smul.u32 @!p0 $0xF7A, s2;
	p2 =	seq.s32 @!p0 s5, $0x0  }
0x1f: {  	s9 =	smul.u32 $0xF7A, s1;
	s8 =	simm.s32 @!p0 $0x1BF5;
	p2 =	por !p2, p0  }
0x20: {  	[sflag:s8] =	ssyncset.s32 @!p0 $0xFFFFF086;
	s6 =	sadd.s32 @!p0 s3, s7;
	s7 =	simm.s32 @!p0 $0x108  }
0x21: {  	s3 =	sadd.s32 s3, s9;
	s6 =	sadd.s32 @!p0 $0x88, s6;
	s7 =	simm.s32 @p2 $0x1082  }
0x22: {  	[simem:s7], [sflag:s8] =	dma.local @!p0 [hbm:s6], $0xF7A  }
0x23: {  	s9 =	sor.u32 $0xD0000000, s2;
	s6 =	simm.s32 $0x108;
	_ =	swait.ge @!p0 [sflag:s8], $0x0  }
0x24: {  	s3 =	sadd.s32 $0x88, s3;
	s6 =	simm.s32 @!p1 $0x1082;
	[sflag:s4] =	ssyncset.s32 $0xFFFFF086  }
0x25: {  	[simem:s6], [sflag:s4] =	dma.local [hbm:s3], $0xF7A  }
0x26: {  	[smem:$0x3F9F] =	sst s1;
	(tag) =	ssettag s2;
	_ =	strace s9  }
0x27: {  	s1 =	sld [smem:$0x3FAF]  }
0x28: {  	s2 =	sld [smem:$0x3FB0]  }
0x29: {  	s4 =	sld [smem:$0x3FB2]  }
0x2a: {  	p0 =	seq.s32 s5, $0x0;
	s5 =	sld [smem:$0x3FB3]  }
0x2b: {  	s6 =	sld [smem:$0x3FB4]  }
0x2c: {  	s7 =	sld [smem:$0x3FB5]  }
0x2d: {  	s3 =	simm.s32 $0x108;
	s8 =	sld [smem:$0x3FB6]  }
0x2e: {  	s3 =	simm.s32 @!p0 $0x1082;
	s9 =	sld [smem:$0x3FB7]  }
0x2f: {  	lr =	sadd.s32 s0, s3;
	s0 =	sld [smem:$0x3FAE]  }
0x30: {  	s3 =	sld [smem:$0x3FB1]  }
0x31: {  	[smem:$0x3FBA] =	sst s10  }
0x32: {  	s10 =	sld [smem:$0x3FB8];
	_ =	sdelay $0x3  }
0x33: {  	p0 =	seq.s32 s10, $0x1;
	s10 =	sld [smem:$0x3FBA];
	_ =	sdelay $0x3  }
0x34: {  	[smem:$0x3FBA] =	sst s10  }
0x35: {  	s10 =	sld [smem:$0x3FB9];
	_ =	sdelay $0x3  }
0x36: {  	p1 =	seq.s32 s10, $0x1;
	s10 =	sld [smem:$0x3FBA];
	_ =	sdelay $0x3  }
0x37: {  	[smem:$0x3FBA] =	sst s10  }
0x38: {  	s10 =	sld [smem:$0x3FBB]  }
0x39: {  	_ = 	snop;
	(pc) =	sbr.ind lr, $3  }
0x3a: {  	_ = 	snop  }
0x3b: {  	_ = 	snop  }
0x3c: {  	p2 =	seq.s32 s10, $0x1;
	s10 =	sld [smem:$0x3FBA]  }
0x3d: {  	_ =	shalt  }
0x3e: {  	_ =	shalt  }
0x3f: {  	_ =	shalt  }
0x40: {  	_ =	shalt  }
0x41: {  	_ =	shalt  }
0x42: {  	_ =	shalt  }
0x43: {  	_ =	shalt  }
0x44: {  	_ =	shalt  }
0x45: {  	_ =	shalt  }
0x46: {  	_ =	shalt  }
0x47: {  	_ =	shalt  }
0x48: {  	_ =	shalt  }
0x49: {  	_ =	shalt  }
0x4a: {  	_ =	shalt  }
0x4b: {  	_ =	shalt  }
0x4c: {  	_ =	shalt  }
0x4d: {  	_ =	shalt  }
0x4e: {  	_ =	shalt  }
0x4f: {  	_ =	shalt  }
0x50: {  	_ =	shalt  }
0x51: {  	_ =	shalt  }
0x52: {  	_ =	shalt  }
0x53: {  	_ =	shalt  }
0x54: {  	_ =	shalt  }
0x55: {  	_ =	shalt  }
0x56: {  	_ =	shalt  }
0x57: {  	_ =	shalt  }
0x58: {  	_ =	shalt  }
0x59: {  	_ =	shalt  }
0x5a: {  	_ =	shalt  }
0x5b: {  	_ =	shalt  }
0x5c: {  	_ =	shalt  }
0x5d: {  	_ =	shalt  }
0x5e: {  	_ =	shalt  }
0x5f: {  	_ =	shalt  }
0x60: {  	_ =	shalt  }
0x61: {  	_ =	shalt  }
0x62: {  	_ =	shalt  }
0x63: {  	_ =	shalt  }
0x64: {  	_ =	shalt  }
0x65: {  	_ =	shalt  }
0x66: {  	_ =	shalt  }
0x67: {  	_ =	shalt  }
0x68: {  	_ =	shalt  }
0x69: {  	_ =	shalt  }
0x6a: {  	_ =	shalt  }
0x6b: {  	_ =	shalt  }
0x6c: {  	_ =	shalt  }
0x6d: {  	_ =	shalt  }
0x6e: {  	_ =	shalt  }
0x6f: {  	_ =	shalt  }
0x70: {  	_ =	shalt  }
0x71: {  	_ =	shalt  }
0x72: {  	_ =	shalt  }
0x73: {  	_ =	shalt  }
0x74: {  	_ =	shalt  }
0x75: {  	_ =	shalt  }
0x76: {  	_ =	shalt  }
0x77: {  	_ =	shalt  }
0x78: {  	_ =	shalt  }
0x79: {  	_ =	shalt  }
0x7a: {  	_ =	shalt  }
0x7b: {  	_ =	shalt  }
0x7c: {  	_ =	shalt  }
0x7d: {  	_ =	shalt  }
0x7e: {  	_ =	shalt  }
0x7f: {  	_ =	shalt  }
0x80: {  	_ =	shalt  }
0x81: {  	_ =	shalt  }
0x82: {  	_ =	shalt  }
0x83: {  	_ =	shalt  }
0x84: {  	_ =	shalt  }
0x85: {  	_ =	shalt  }
0x86: {  	_ =	shalt  }
0x87: {  	_ =	shalt  }
.Lfunc_end0:
.L_simem_size_0:
called_computation_lowered:
.L_overlay_start_0:
0x88: {  	s2 =	sld [smem:$0x3FD9]  }
0x89: {  	s3 =	sld [smem:$0x3FFE];
	_ =	sdelay $0x1  }
0x8a: {  	s1 =	srdreg.scid  }
0x8b: {  	s0 =	sand.u32 $0x1, s1  }
0x8c: {  	s17 =	sshll.u32 s0, $0xA;
	s2 =	sadd.s32 s3, s2  }
0x8d: {  	s2 =	sadd.s32 s2, s17  }
0x8e: {  	[smem:$0x3FC6] =	sst s2  }
0x8f: {  	_ = 	snop  }
0x90: {  	s2 =	sld [smem:$0x3FD0];
	(tm) =	ssettm $0x1  }
0x91: {  	s18 =	sld [smem:$0x3FFB];
	_ =	sdelay $0x3  }
0x92: {  	_ =	strace s18  }
0x93: {  	s3 =	sld [smem:$0x3FFC];
	_ =	sdelay $0x3  }
0x94: {  	_ =	strace s3  }
0x95: {  	s3 =	sld [smem:$0x3FFD];
	_ =	sdelay $0x3  }
0x96: {  	_ =	strace s3  }
0x97: {  	_ =	strace $0x8FFFFFFF  }
0x98: {  	s19 =	sld [smem:$0x3FDB];
	_ =	sdelay $0x1  }
0x99: {  	s4 =	simm.s32 $_scs_section_size  }
0x9a: {  	s5 =	simm.s32 $_size__tile_overlayer_lowered;
	s6 =	simm.s32 $_tile_overlayer_lowered  }
0x9b: {  	s22 =	simm.s32 $0x1BFF;
	s21 =	sshll.u32 s6, $0x1;
	s3 =	sadd.s32 s4, s19  }
0x9c: {  	s7 =	simm.s32 $0x0;
	s20 =	sshll.u32 s5, $0x1;
	s5 =	sadd.s32 s21, s3  }
0x9d: {  	[timem:s7], [sflag:s22] =	dma.local [hbm:s5], s20  }
0x9e: {  	_ =	swait.ge [sflag:s22], s20  }
0x9f: {  	s4 =	ssub.s32 $0x0, s20;
	[sflag:s22] =	ssyncset.done $0x0  }
0xa0: {  	[sflag:s22] =	ssyncadd.s32 s4;
	_ =	sdelay $0x1  }
0xa1: {  	s23 =	simm.s32 $0x1B8B  }
0xa2: {  	_ =	swait.ge [sflag:s23], $0x1  }
0xa3: {  	[sflag:s23] =	ssyncset.done $0x0  }
0xa4: {  	s25 =	simm.s32 $0x1B8E;
	s24 =	sld [smem:$0x3FFE];
	[sflag:s23] =	ssyncadd.s32 $0xFFFFFFFF  }
0xa5: {  	s26 =	simm.s32 $execute0_lowered;
	[smem:$0x3FD2] =	sst s25  }
0xa6: {  	s5 =	sshll.u32 s26, $0x1;
	_ =	strace $0x80000046;
	[dreg:$0x1] =	wrdreg $0xFFFFFFFF  }
0xa7: {  	s28 =	simm.s32 $_size_execute0_lowered;
	s3 =	sadd.s32 s3, s5;
	[dreg:$0x0] =	wrdreg $0x0  }
0xa8: {  	s5 =	sshll.u32 s28, $0x1;
	[dreg:$0x2] =	wrdreg s3  }
0xa9: {  	[dreg:$0x3] =	wrdreg s5  }
0xaa: {  	[dreg:$0x4] =	wrdreg $0xC0  }
0xab: {  	_ =	task [dreg:s7], $0x5FFFF  }
0xac: {  	[dreg:$0x1] =	wrdreg $0xFFFFFFFF  }
0xad: {  	[dreg:$0x0] =	wrdreg $0x60  }
0xae: {  	[dreg:$0x2] =	wrdreg s24  }
0xaf: {  	[dreg:$0x3] =	wrdreg s2  }
0xb0: {  	[dreg:$0x4] =	wrdreg $0x9  }
0xb1: {  	_ =	task.clear_ibuf [dreg:s7], $0x5FFFF;
	_ =	strace $0x90000046  }
0xb2: {  	s29 =	simm.s32 $0x9;
	_ =	strace $0x80000048  }
0xb3: {  	_ =	swait.ge [sflag:s29], $0x1  }
0xb4: {  	[sflag:s29] =	ssyncadd.s32 $0xFFFFFFFF  }
0xb5: {  	_ =	strace $0x90000048  }
0xb6: {  	_ =	sfence  }
0xb7: {  	s30 =	sld [smem:$0x0];
	_ =	sdelay $0x2  }
0xb8: {  	s31 =	sshll.u32 s1, $0xD;
	s1 =	sshrl.u32 s1, $0x2  }
0xb9: {  	s3 =	sand.u32 $0x4000, s31;
	s1 =	sadd.s32 s1, s30  }
0xba: {  	s0 =	sor.u32 s3, s0;
	s1 =	sshll.u32 s1, $0x11  }
0xbb: {  	s0 =	sor.u32 s1, s0  }
0xbc: {  	s0 =	sadd.s32 $0x8F2B, s0  }
0xbd: {  	[sflag:s0] =	ssyncadd.remote.s32 $0x1  }
0xbe: {  	_ =	sfence.sel $0xFFFF  }
0xbf: {  	[dreg:$0x0] =	wrdreg $0xFFFFFFFF;
	(pc) =	sbr.abs _section_cstart, $3  }
0xc0: {  	[dreg:$0x1] =	wrdreg $0xFFFFFFFF  }
0xc1: {  	_ =	task.clear_ibuf [dreg:s7], $0x2FFFF;
	_ =	strace $0x9FFFFFFF  }
0xc2: {  	(tm) =	ssettm $0x7FFFFFFF  }
0xc3: {  	_ =	shalt  }
tec
execute0_lowered:
.L_overlay_start_1:
0x0: {  	(tag) =	ssettag $0x1  }
0x1: {  	s6 =	rddreg [dreg:$0x0]  }
0x2: {  	s1 =	rddreg [dreg:$0x1];
	s2 =	simm.s32 $0x0  }
0x3: {  	[smem:$0x7FF] =	sst s2  }
0x4: {  	s0 =	rddreg [dreg:$0x2];
	v0 =	vimm.s32 $0xFFFFFFFF;
	_ =	strace $0x80000047  }
0x5: {  	(xrf0) =	vmin.scan.msk.u32 $0xffff, v0;
	_ =	sdelay $0x5  }
0x6: {  	v0, _, _ =	vpop (xrf0)  }
0x7: {  	(v2sf) =	vpush v0, $0xF;
	_ =	sdelay $0x7  }
0x8: {  	s4 =	srdreg.scid  }
0x9: {  	s3 =	stileid.u32;
	s13 =	simm.s32 $0x400;
	s14 =	simm.s32 $0x6810  }
0xa: {  	s15 =	simm.s32 $0x1F00;
	s16 =	simm.s32 $0x1;
	s17 =	simm.s32 $0x6890  }
0xb: {  	s18 =	simm.s32 $0x0;
	s7 =	sand.u32 $0x1, s4;
	s4 =	sadd.s32 $0xC00, s6  }
0xc: {  	s9 =	sshrl.u32 s3, $0x1;
	s5 =	sadd.s32 $0x7D0400, s6;
	s6 =	sadd.s32 $0x7C0C00, s6  }
.Ltmp0:
0xd: {  	v2 =	vimm.f32 $-Inf;
	s12 =	sshll.u32 s3, $0x2;
	s8 =	ssub.s32 $0x2, s7;
	(pc) =	sbr.rel .LBB2_1-.Ltmp0, $4  }
0xe: {  	v3 =	vlaneseq.u32;
	v4 =	vimm.s32 $0x7FFFFFFF;
	v5 =	vimm.f32 $0.0e+00;
	s11 =	smul.u32 $0x1F00, s9;
	s7 =	sshll.u32 s7, $0x1;
	s10 =	sshrl.u32 s8, $0x1  }
0xf: {  	v6 =	vor.u32 $0x10, v3;
	v7 =	vor.u32 $0x20, v3;
	v8 =	vor.u32 $0x30, v3;
	s7 =	sor.u32 s7, s12;
	s12 =	simm.s32 $0x80;
	s30 =	spop (v2sf)  }
0x10: {  	v9 =	vor.u32 $0x40, v3;
	v10 =	vor.u32 $0x50, v3;
	v11 =	vor.u32 $0x60, v3;
	s10 =	ssub.s32 s8, s10;
	s8 =	smul.u32 $0xF800, s9;
	s31 =	sxor.u32 $0x80000000, s30  }
0x11: {  	v12 =	vor.u32 $0x70, v3;
	s9 =	smax.u32 s10, $0x1;
	s10 =	simm.s32 $0x6780;
	v0 =	vmov s11;
	s11 =	simm.s32 $0x2;
	v1 =	vmov s31  }
.LBB2_23:
0x12: {  	s18 =	sadd.s32 $0x1, s18  }
0x13: {  	p0 =	sne.s32 s18, s9  }
.Ltmp1:
0x14: {  	_ = 	snop;
	(pc) =	sbr.rel @!p0 .LBB2_24-.Ltmp1, $1  }
0x15: {  	_ =	sdelay $0x3  }
.LBB2_1:
.Ltmp2:
0x16: {  	(pc) =	sbr.rel .LBB2_2-.Ltmp2, $2  }
0x17: {  	_ =	sdelay $0x2  }
0x18: {  	p1 =	por $0x1, $0x1;
	s19 =	simm.s32 $0x0  }
.LBB2_22:
0x19: {  	s19 =	sshll.u32 s19, $0x2  }
.Ltmp3:
0x1a: {  	s19 =	sadd.s32 s1, s19;
	(pc) =	sbr.rel @!p0 .LBB2_23-.Ltmp3, $4  }
0x1b: {  	[hbm4b:s19+s2] =	stream.linear.scatter [tilespmem:s17], [sflag:$0x2], $0x20, $0x38;
	[tilespmem:$0x68C0] =	vst v63  }
0x1c: {  	_ =	swait.ge [sflag:s11], $0x20  }
0x1d: {  	[sflag:s11] =	ssyncset.done $0x0  }
0x1e: {  	p1 =	por $0x0, $0x0;
	s19 =	simm.s32 $0x1;
	[sflag:s11] =	ssyncadd.s32 $0xFFFFFFE0  }
.LBB2_2:
0x1f: {  	s19 =	sor.u32 s7, s19  }
0x20: {  	s20 =	sshll.u32 s19, $0x4;
	s21 =	sand.u32 $0x7, s19  }
0x21: {  	s22 =	sadd.s32 s5, s20;
	s20 =	simm.s32 $0x0;
	s31 =	sshll.u32 s21, $0x7  }
0x22: {  	[tilespmem:s10], [sflag:$0x2] =	stream.linear.gather [hbm4b:s22+s20], $0x10, $0x38;
	[tilespmem:$0x68C0] =	vst v63  }
0x23: {  	s22 =	sor.u32 s8, s31;
	_ =	swait.ge [sflag:s11], $0x10  }
0x24: {  	s22 =	sshrl.u32 s22, $0x3;
	[sflag:s11] =	ssyncset.done $0x0  }
0x25: {  	s22 =	sadd.s32 s6, s22;
	[sflag:s11] =	ssyncadd.s32 $0xFFFFFFF0  }
0x26: {  	[tilespmem:s20], [sflag:$0x2] =	stream.strided.gather [hbm4b:s22+s12], $0x1F00, s13, s12, $0x38;
	[tilespmem:$0x68C0] =	vst v63  }
0x27: {  	_ =	swait.ge [sflag:s11], $0x1F00  }
0x28: {  	[sflag:s11] =	ssyncset.done $0x0  }
0x29: {  	[sflag:s11] =	ssyncadd.s32 $0xFFFFE100  }
0x2a: {  	p0 =	por p1, p1;
	s22 =	simm.s32 $0x0;
	v13 =	vld [tilespmem:$0x6780]  }
.LBB2_3:
0x2b: {  	p1 =	sne.s32 s22, $0x10C0  }
.Ltmp4:
0x2c: {  	_ = 	snop;
	(pc) =	sbr.rel @p1 .LBB2_3-.Ltmp4, $4  }
0x2d: {  	_ = 	snop  }
0x2e: {  	s23 =	sshra.s32 s22, $0x2  }
0x2f: {  	[tilespmem:s23+$0x5F00] =	vst v2  }
0x30: {  	s22 =	sadd.s32 $0x40, s22;
	[tilespmem:s23+$0x6340] =	vst v4  }
.Ltmp5:
0x31: {  	(pc) =	sbr.rel .LBB2_5-.Ltmp5, $2  }
0x32: {  	_ =	sdelay $0x2  }
0x33: {  	s22 =	simm.s32 $0x70;
	s23 =	simm.s32 $0x40  }
.LBB2_7:
0x34: {  	s22 =	sadd.s32 $0x80, s22  }
0x35: {  	p1 =	sne.s32 s22, $0x1F70  }
.Ltmp6:
0x36: {  	_ = 	snop;
	(pc) =	sbr.rel @!p1 .LBB2_8-.Ltmp6, $2  }
0x37: {  	_ =	sdelay $0x2  }
0x38: {  	s23 =	sadd.s32 $0x80, s23  }
.LBB2_5:
0x39: {  	v14 =	vld [tilespmem:s23+$0xFFFFFFD0]  }
0x3a: {  	v15 =	vld [tilespmem:s23+$0xFFFFFFE0]  }
0x3b: {  	v16 =	vld [tilespmem:s23+$0xFFFFFFF0]  }
0x3c: {  	v17 =	vld [tilespmem:s23+$0x0]  }
0x3d: {  	v18 =	vld [tilespmem:s23+$0x10]  }
0x3e: {  	v19 =	vld [tilespmem:s23+$0x20]  }
0x3f: {  	vm0 =	vge.f32 v14, v13;
	vm1 =	vge.f32 v15, v13;
	v14 =	vld [tilespmem:s23+$0x30]  }
0x40: {  	v15 =	vld [tilespmem:s23+$0xFFFFFFC0];
	vm0 =	vmor vm0, vm1;
	vm1 =	vge.f32 v16, v13  }
0x41: {  	vm2 =	vge.f32 v17, v13;
	vm0 =	vmor vm0, vm1  }
0x42: {  	vm1 =	vge.f32 v18, v13;
	vm0 =	vmor vm0, vm2  }
0x43: {  	vm2 =	vge.f32 v19, v13;
	vm0 =	vmor vm0, vm1  }
0x44: {  	vm1 =	vge.f32 v14, v13;
	vm2 =	vmor vm0, vm2  }
0x45: {  	vm0 =	vge.f32 v15, v13;
	vm1 =	vmor vm2, vm1  }
0x46: {  	vm1 =	vmor vm0, vm1  }
0x47: {  	v14 =	vsel vm1, $0x3F800000, v5  }
0x48: {  	(xrf0) =	vmax.scan.msk.f32 $0xffff, v14;
	_ =	sdelay $0x5  }
0x49: {  	v14, _, _ =	vpop (xrf0)  }
0x4a: {  	(v2sf) =	vpush v14, $0xF;
	_ =	sdelay $0xe  }
0x4b: {  	s24 =	spop (v2sf)  }
0x4c: {  	p1 =	sgt.f32 s24, $0.0e+00  }
.Ltmp7:
0x4d: {  	_ = 	snop;
	(pc) =	sbr.rel @!p1 .LBB2_7-.Ltmp7, $1  }
0x4e: {  	_ =	sdelay $0x3  }
0x4f: {  	s24 =	sadd.s32 $0xFFFFFF90, s22  }
0x50: {  	v14 =	vmov s24  }
0x51: {  	vm1 =	vlt.u32 v14, $0x1F00  }
0x52: {  	v14 =	vor.u32 s24, v3;
	vm0 =	vmand vm1, vm0  }
0x53: {  	[tilespmem:s20+$0x6790] =	vst.msk vm0, v14;
	v14 =	vmpcnt.ones.xlane vm0  }
0x54: {  	v15 =	vld [tilespmem:s23+$0xFFFFFFD0]  }
0x55: {  	v14 =	vxor.u32 $0x80000000, v14  }
0x56: {  	(xrf0) =	vmax.scan.msk.u32 $0xffff, v14  }
0x57: {  	s28 =	sadd.s32 $0xFFFFFFA0, s22  }
0x58: {  	v14 =	vmov s28  }
0x59: {  	vm15 =	vlt.u32 v14, $0x1F00;
	vm14 =	vge.f32 v15, v13  }
0x5a: {  	vm0 =	vmand vm15, vm14  }
0x5b: {  	v14 =	vmpcnt.ones.xlane vm0  }
0x5c: {  	v15, _, _ =	vpop (xrf0)  }
0x5d: {  	(v2sf) =	vpush v15, $0xF;
	v14 =	vxor.u32 $0x80000000, v14  }
0x5e: {  	(xrf0) =	vmax.scan.msk.u32 $0xffff, v14;
	_ =	sdelay $0x5  }
0x5f: {  	v14, _, _ =	vpop (xrf0)  }
0x60: {  	(v2sf) =	vpush v14, $0xF;
	_ =	sdelay $0x6  }
0x61: {  	s25 =	spop (v2sf)  }
0x62: {  	s29 =	sadd.s32 s25, s20  }
0x63: {  	s20 =	sadd.s32 $0x80000000, s29  }
0x64: {  	p1 =	slt.s32 s20, $0x70  }
0x65: {  	v14 =	vor.u32 s28, v3;
	s20 =	simm.s32 @!p1 $0x70  }
0x66: {  	[tilespmem:s20+$0x6790] =	vst.msk vm0, v14  }
0x67: {  	v14 =	vld [tilespmem:s23+$0xFFFFFFE0];
	_ =	sdelay $0x1  }
0x68: {  	s30 =	spop (v2sf)  }
0x69: {  	s31 =	sadd.s32 $0xFFFFFFB0, s22;
	s20 =	sadd.s32 s30, s20  }
0x6a: {  	v15 =	vmov s31;
	s20 =	sadd.s32 $0x80000000, s20  }
0x6b: {  	vm5 =	vlt.u32 v15, $0x1F00;
	p1 =	slt.s32 s20, $0x70;
	vm4 =	vge.f32 v14, v13  }
0x6c: {  	v14 =	vor.u32 s31, v3;
	s20 =	simm.s32 @!p1 $0x70;
	vm0 =	vmand vm5, vm4  }
0x6d: {  	[tilespmem:s20+$0x6790] =	vst.msk vm0, v14;
	v14 =	vmpcnt.ones.xlane vm0  }
0x6e: {  	v15 =	vld [tilespmem:s23+$0xFFFFFFF0]  }
0x6f: {  	v14 =	vxor.u32 $0x80000000, v14  }
0x70: {  	(xrf0) =	vmax.scan.msk.u32 $0xffff, v14  }
0x71: {  	s26 =	sadd.s32 $0xFFFFFFC0, s22  }
0x72: {  	v14 =	vmov s26  }
0x73: {  	vm7 =	vlt.u32 v14, $0x1F00;
	vm6 =	vge.f32 v15, v13  }
0x74: {  	vm0 =	vmand vm7, vm6  }
0x75: {  	v14 =	vmpcnt.ones.xlane vm0  }
0x76: {  	v15, _, _ =	vpop (xrf0)  }
0x77: {  	(v2sf) =	vpush v15, $0xF;
	v14 =	vxor.u32 $0x80000000, v14  }
0x78: {  	(xrf0) =	vmax.scan.msk.u32 $0xffff, v14;
	_ =	sdelay $0x5  }
0x79: {  	v14, _, _ =	vpop (xrf0)  }
0x7a: {  	(v2sf) =	vpush v14, $0xF;
	_ =	sdelay $0x6  }
0x7b: {  	s28 =	spop (v2sf)  }
0x7c: {  	s20 =	sadd.s32 s28, s20  }
0x7d: {  	s20 =	sadd.s32 $0x80000000, s20  }
0x7e: {  	p1 =	slt.s32 s20, $0x70  }
0x7f: {  	v14 =	vor.u32 s26, v3;
	s20 =	simm.s32 @!p1 $0x70  }
0x80: {  	[tilespmem:s20+$0x6790] =	vst.msk vm0, v14  }
0x81: {  	v14 =	vld [tilespmem:s23+$0x0];
	_ =	sdelay $0x1  }
0x82: {  	s29 =	spop (v2sf)  }
0x83: {  	s30 =	sadd.s32 $0xFFFFFFD0, s22;
	s20 =	sadd.s32 s29, s20  }
0x84: {  	v15 =	vmov s30;
	s20 =	sadd.s32 $0x80000000, s20  }
0x85: {  	vm9 =	vlt.u32 v15, $0x1F00;
	p1 =	slt.s32 s20, $0x70;
	vm8 =	vge.f32 v14, v13  }
0x86: {  	v14 =	vor.u32 s30, v3;
	s20 =	simm.s32 @!p1 $0x70;
	vm0 =	vmand vm9, vm8  }
0x87: {  	[tilespmem:s20+$0x6790] =	vst.msk vm0, v14;
	v14 =	vmpcnt.ones.xlane vm0  }
0x88: {  	v15 =	vld [tilespmem:s23+$0x10]  }
0x89: {  	v14 =	vxor.u32 $0x80000000, v14  }
0x8a: {  	(xrf0) =	vmax.scan.msk.u32 $0xffff, v14  }
0x8b: {  	s31 =	sadd.s32 $0xFFFFFFE0, s22  }
0x8c: {  	v14 =	vmov s31  }
0x8d: {  	vm11 =	vlt.u32 v14, $0x1F00;
	vm10 =	vge.f32 v15, v13  }
0x8e: {  	vm0 =	vmand vm11, vm10  }
0x8f: {  	v14 =	vmpcnt.ones.xlane vm0  }
0x90: {  	v15, _, _ =	vpop (xrf0)  }
0x91: {  	(v2sf) =	vpush v15, $0xF;
	v14 =	vxor.u32 $0x80000000, v14  }
0x92: {  	(xrf0) =	vmax.scan.msk.u32 $0xffff, v14;
	_ =	sdelay $0x5  }
0x93: {  	v14, _, _ =	vpop (xrf0)  }
0x94: {  	(v2sf) =	vpush v14, $0xF;
	_ =	sdelay $0x6  }
0x95: {  	s26 =	spop (v2sf)  }
0x96: {  	s20 =	sadd.s32 s26, s20  }
0x97: {  	s20 =	sadd.s32 $0x80000000, s20  }
0x98: {  	p1 =	slt.s32 s20, $0x70  }
0x99: {  	v14 =	vor.u32 s31, v3;
	s20 =	simm.s32 @!p1 $0x70  }
0x9a: {  	[tilespmem:s20+$0x6790] =	vst.msk vm0, v14  }
0x9b: {  	v14 =	vld [tilespmem:s23+$0x20];
	_ =	sdelay $0x1  }
0x9c: {  	s28 =	spop (v2sf)  }
0x9d: {  	s29 =	sadd.s32 $0xFFFFFFF0, s22;
	s20 =	sadd.s32 s28, s20  }
0x9e: {  	v15 =	vmov s29;
	s20 =	sadd.s32 $0x80000000, s20  }
0x9f: {  	vm13 =	vlt.u32 v15, $0x1F00;
	p1 =	slt.s32 s20, $0x70;
	vm12 =	vge.f32 v14, v13  }
0xa0: {  	v14 =	vor.u32 s29, v3;
	s20 =	simm.s32 @!p1 $0x70;
	vm0 =	vmand vm13, vm12  }
0xa1: {  	[tilespmem:s20+$0x6790] =	vst.msk vm0, v14  }
0xa2: {  	v14 =	vld [tilespmem:s23+$0x30];
	_ =	sdelay $0x2  }
0xa3: {  	v15 =	vmpcnt.ones.xlane vm0  }
0xa4: {  	v16 =	vmov s22  }
0xa5: {  	vm15 =	vlt.u32 v16, $0x1F00;
	v15 =	vxor.u32 $0x80000000, v15;
	vm14 =	vge.f32 v14, v13  }
0xa6: {  	(xrf0) =	vmax.scan.msk.u32 $0xffff, v15;
	vm0 =	vmand vm15, vm14  }
0xa7: {  	v14 =	vmpcnt.ones.xlane vm0;
	_ =	sdelay $0x1  }
0xa8: {  	v14 =	vxor.u32 $0x80000000, v14  }
0xa9: {  	(xrf0) =	vmax.scan.msk.u32 $0xffff, v14;
	_ =	sdelay $0x1  }
0xaa: {  	v14, _, _ =	vpop (xrf0)  }
0xab: {  	(v2sf) =	vpush v14, $0xF;
	_ =	sdelay $0x2  }
0xac: {  	v14, _, _ =	vpop (xrf0)  }
0xad: {  	(v2sf) =	vpush v14, $0xF;
	_ =	sdelay $0xa  }
0xae: {  	s30 =	spop (v2sf)  }
0xaf: {  	s20 =	sadd.s32 s30, s20  }
0xb0: {  	s24 =	sadd.s32 $0x80000000, s20  }
0xb1: {  	p1 =	slt.s32 s24, $0x70  }
.Ltmp8:
0xb2: {  	s24 =	simm.s32 @!p1 $0x70;
	s31 =	spop (v2sf);
	(pc) =	sbr.rel .LBB2_7-.Ltmp8, $4  }
0xb3: {  	s20 =	sadd.s32 s31, s24  }
0xb4: {  	s20 =	sadd.s32 $0x80000000, s20  }
0xb5: {  	v14 =	vor.u32 s22, v3;
	p1 =	slt.s32 s20, $0x70  }
0xb6: {  	[tilespmem:s24+$0x6790] =	vst.msk vm0, v14;
	s20 =	simm.s32 @!p1 $0x70  }
.LBB2_8:
0xb7: {  	v14 =	vld [tilespmem:$0x6790];
	_ =	sdelay $0x1  }
0xb8: {  	v15 =	vld [tilespmem:$0x67A0]  }
0xb9: {  	v16 =	vmov s20  }
0xba: {  	v17 =	vld [tilespmem:$0x67B0];
	vm0 =	vgt.s32 v16, v3  }
0xbb: {  	v14 =	vsel vm0, v14, v3  }
0xbc: {  	v19 =	vld [tilespmem:$0x67C0];
	vm9 =	vgt.s32 v16, v6;
	v18 =	vadd.s32 v0, v14  }
0xbd: {  	v15 =	vsel vm9, v15, v6;
	v18 =	vshll.u32 v18, $0x3  }
0xbe: {  	v20 =	vld [tilespmem:$0x67D0];
	vm10 =	vgt.s32 v16, v7;
	[tilespmem:$0x6790] =	vst v14;
	v55 =	vadd.s32 v0, v15;
	v14 =	vor.u32 s21, v18  }
0xbf: {  	v17 =	vsel vm10, v17, v7;
	[tilespmem:$0x6810] =	vst v14;
	v14 =	vshll.u32 v55, $0x3  }
0xc0: {  	v56 =	vld [tilespmem:$0x67E0];
	vm11 =	vgt.s32 v16, v8;
	[tilespmem:$0x67A0] =	vst v15;
	v15 =	vadd.s32 v0, v17;
	v14 =	vor.u32 s21, v14  }
0xc1: {  	[tilespmem:$0x6820] =	vst v14;
	v14 =	vshll.u32 v15, $0x3;
	v15 =	vsel vm11, v19, v8  }
0xc2: {  	v58 =	vld [tilespmem:$0x67F0];
	vm12 =	vgt.s32 v16, v9;
	[tilespmem:$0x67B0] =	vst v17;
	v14 =	vor.u32 s21, v14;
	v57 =	vadd.s32 v0, v15  }
0xc3: {  	v59 =	vsel vm12, v20, v9;
	[tilespmem:$0x6830] =	vst v14;
	v14 =	vshll.u32 v57, $0x3  }
0xc4: {  	v60 =	vld [tilespmem:$0x6800];
	vm13 =	vgt.s32 v16, v10;
	[tilespmem:$0x67C0] =	vst v15;
	v15 =	vadd.s32 v0, v59;
	v14 =	vor.u32 s21, v14  }
0xc5: {  	[tilespmem:$0x6840] =	vst v14;
	v14 =	vshll.u32 v15, $0x3;
	v15 =	vsel vm13, v56, v10  }
0xc6: {  	vm14 =	vgt.s32 v16, v11;
	[tilespmem:$0x67D0] =	vst v59;
	v14 =	vor.u32 s21, v14;
	v61 =	vadd.s32 v0, v15  }
0xc7: {  	[tilespmem:$0x6850] =	vst v14;
	v14 =	vsel vm14, v58, v11;
	v17 =	vshll.u32 v61, $0x3  }
0xc8: {  	vm15 =	vgt.s32 v16, v12;
	[tilespmem:$0x67E0] =	vst v15;
	v15 =	vor.u32 s21, v17;
	v62 =	vadd.s32 v0, v14  }
0xc9: {  	[tilespmem:$0x6860] =	vst v15;
	v15 =	vsel vm15, v60, v12;
	v16 =	vshll.u32 v62, $0x3  }
0xca: {  	[tilespmem:$0x67F0] =	vst v14;
	v14 =	vor.u32 s21, v16;
	v63 =	vadd.s32 v0, v15  }
0xcb: {  	[tilespmem:$0x6870] =	vst v14;
	v14 =	vshll.u32 v63, $0x3  }
0xcc: {  	p1 =	slt.s32 s20, $0x1;
	[tilespmem:$0x6800] =	vst v15;
	v14 =	vor.u32 s21, v14  }
.Ltmp9:
0xcd: {  	[tilespmem:$0x6880] =	vst v14;
	(pc) =	sbr.rel @!p1 .LBB2_9-.Ltmp9, $4  }
0xce: {  	[tilespmem:s15], [sflag:$0x1] =	stream.indirect.gather [hbm4b:s4+s12], $0x80, s14, s12, $0xb8;
	[tilespmem:$0x68C0] =	vst v63  }
0xcf: {  	s22 =	simm.s32 $0x1F40;
	_ =	swait.ge [sflag:s16], $0x4000  }
0xd0: {  	s23 =	simm.s32 $0x0;
	s25 =	simm.s32 $0x0;
	[sflag:s16] =	ssyncset.done $0x0  }
0xd1: {  	s24 =	simm.s32 $0x0;
	s21 =	simm.s32 $0x0;
	[sflag:s16] =	ssyncadd.s32 $0xFFFFC000  }
.LBB2_12:
0xd2: {  	s20 =	sadd.s32 $0xF, s25  }
0xd3: {  	s22 =	sand.u32 $0xF, s20  }
0xd4: {  	p1 =	slt.s32 s25, $0xFFFFFFF2;
	s23 =	sshra.s32 s20, $0x1F;
	p2 =	sne.s32 s22, $0x0  }
.Ltmp10:
0xd5: {  	s31 =	sshrl.u32 s23, $0x1C;
	p1 =	por !p1, !p2;
	(pc) =	sbr.rel .LBB2_13-.Ltmp10, $4  }
0xd6: {  	s22 =	simm.s32 $0x1;
	s20 =	sadd.s32 s31, s20;
	p1 =	por !p1, !p1  }
0xd7: {  	s20 =	sshra.s32 s20, $0x4;
	s22 =	simm.s32 @!p1 $0x0  }
0xd8: {  	s20 =	ssub.s32 s20, s22  }
0xd9: {  	p1 =	slt.s32 s20, $0x1  }
.LBB2_11:
0xda: {  	s24 =	sadd.s32 $0x1, s24  }
0xdb: {  	p1 =	sne.s32 s20, s24  }
.Ltmp11:
0xdc: {  	_ = 	snop;
	(pc) =	sbr.rel @!p1 .LBB2_12-.Ltmp11, $2  }
0xdd: {  	_ =	sdelay $0x2  }
0xde: {  	s23 =	sadd.s32 $0x4, s23;
	s22 =	sadd.s32 $0x80, s22  }
.LBB2_9:
0xdf: {  	v14 =	vld [tilespmem:s22+$0xFFFFFFD0]  }
0xe0: {  	v15 =	vld [tilespmem:s22+$0xFFFFFFE0]  }
0xe1: {  	v16 =	vld [tilespmem:s22+$0xFFFFFFF0]  }
0xe2: {  	v17 =	vld [tilespmem:s22+$0x0]  }
0xe3: {  	v18 =	vld [tilespmem:s22+$0x10]  }
0xe4: {  	v19 =	vld [tilespmem:s22+$0x20]  }
0xe5: {  	vm0 =	vge.f32 v14, v13;
	vm1 =	vge.f32 v15, v13;
	v15 =	vld [tilespmem:s22+$0x30]  }
0xe6: {  	v14 =	vld [tilespmem:s22+$0xFFFFFFC0];
	vm0 =	vmor vm0, vm1;
	vm1 =	vge.f32 v16, v13  }
0xe7: {  	vm2 =	vge.f32 v17, v13;
	vm0 =	vmor vm0, vm1  }
0xe8: {  	vm1 =	vge.f32 v18, v13;
	vm0 =	vmor vm0, vm2  }
0xe9: {  	vm0 =	vmor vm0, vm1;
	vm1 =	vge.f32 v19, v13  }
0xea: {  	vm1 =	vmor vm0, vm1;
	vm2 =	vge.f32 v15, v13  }
0xeb: {  	vm0 =	vge.f32 v14, v13;
	vm1 =	vmor vm1, vm2  }
0xec: {  	vm1 =	vmor vm0, vm1  }
0xed: {  	v15 =	vsel vm1, $0x3F800000, v5  }
0xee: {  	(xrf0) =	vmax.scan.msk.f32 $0xffff, v15;
	_ =	sdelay $0x5  }
0xef: {  	v15, _, _ =	vpop (xrf0)  }
0xf0: {  	(v2sf) =	vpush v15, $0xF;
	_ =	sdelay $0xe  }
0xf1: {  	s26 =	spop (v2sf)  }
0xf2: {  	p1 =	sgt.f32 s26, $0.0e+00  }
.Ltmp12:
0xf3: {  	_ = 	snop;
	(pc) =	sbr.rel @!p1 .LBB2_11-.Ltmp12, $4  }
0xf4: {  	_ = 	snop  }
0xf5: {  	s31 =	sand.u32 $0xFFFFFFC0, s23  }
0xf6: {  	s26 =	sshra.s32 s31, $0x2  }
0xf7: {  	v15 =	vld [tilespmem:s26+$0x6790]  }
0xf8: {  	_ =	sdelay $0x2  }
0xf9: {  	v16 =	vmov s24  }
0xfa: {  	v15 =	vperm.xlane v15, v16;
	_ =	sdelay $0x1  }
0xfb: {  	v15 =	vshll.u32 v15, $0x7  }
0xfc: {  	[tilespmem:s25+$0x5F00] =	vst.msk vm0, v14;
	v14 =	vmpcnt.ones.xlane vm0;
	v54 =	vor.u32 v3, v15  }
0xfd: {  	[tilespmem:s25+$0x6340] =	vst.msk vm0, v54  }
0xfe: {  	v14 =	vxor.u32 $0x80000000, v14;
	v16 =	vld [tilespmem:s22+$0xFFFFFFD0]  }
0xff: {  	(xrf0) =	vmax.scan.msk.u32 $0xffff, v14;
	_ =	sdelay $0x3  }
0x100: {  	vm9 =	vge.f32 v16, v13  }
0x101: {  	v14 =	vmpcnt.ones.xlane vm9  }
0x102: {  	v17, _, _ =	vpop (xrf0)  }
0x103: {  	(v2sf) =	vpush v17, $0xF;
	v14 =	vxor.u32 $0x80000000, v14  }
0x104: {  	(xrf0) =	vmax.scan.msk.u32 $0xffff, v14;
	_ =	sdelay $0x5  }
0x105: {  	v14, _, _ =	vpop (xrf0)  }
0x106: {  	(v2sf) =	vpush v14, $0xF;
	_ =	sdelay $0x6  }
0x107: {  	s26 =	spop (v2sf)  }
0x108: {  	s28 =	sadd.s32 s26, s25  }
0x109: {  	s25 =	sadd.s32 $0x80000000, s28  }
0x10a: {  	p1 =	slt.s32 s25, $0x400  }
0x10b: {  	s25 =	simm.s32 @!p1 $0x400  }
0x10c: {  	v14 =	vor.u32 v6, v15;
	[tilespmem:s25+$0x5F00] =	vst.msk vm9, v16  }
0x10d: {  	[tilespmem:s25+$0x6340] =	vst.msk vm9, v14  }
0x10e: {  	v14 =	vld [tilespmem:s22+$0xFFFFFFE0]  }
0x10f: {  	s29 =	spop (v2sf)  }
0x110: {  	s25 =	sadd.s32 s29, s25  }
0x111: {  	s25 =	sadd.s32 $0x80000000, s25  }
0x112: {  	p1 =	slt.s32 s25, $0x400  }
0x113: {  	vm10 =	vge.f32 v14, v13;
	s25 =	simm.s32 @!p1 $0x400  }
0x114: {  	v55 =	vor.u32 v7, v15;
	[tilespmem:s25+$0x5F00] =	vst.msk vm10, v14;
	v14 =	vmpcnt.ones.xlane vm10  }
0x115: {  	[tilespmem:s25+$0x6340] =	vst.msk vm10, v55  }
0x116: {  	v14 =	vxor.u32 $0x80000000, v14;
	v16 =	vld [tilespmem:s22+$0xFFFFFFF0]  }
0x117: {  	(xrf0) =	vmax.scan.msk.u32 $0xffff, v14;
	_ =	sdelay $0x3  }
0x118: {  	vm11 =	vge.f32 v16, v13  }
0x119: {  	v14 =	vmpcnt.ones.xlane vm11  }
0x11a: {  	v56, _, _ =	vpop (xrf0)  }
0x11b: {  	(v2sf) =	vpush v56, $0xF;
	v14 =	vxor.u32 $0x80000000, v14  }
0x11c: {  	(xrf0) =	vmax.scan.msk.u32 $0xffff, v14;
	_ =	sdelay $0x5  }
0x11d: {  	v14, _, _ =	vpop (xrf0)  }
0x11e: {  	(v2sf) =	vpush v14, $0xF;
	_ =	sdelay $0x6  }
0x11f: {  	s30 =	spop (v2sf)  }
0x120: {  	s25 =	sadd.s32 s30, s25  }
0x121: {  	s25 =	sadd.s32 $0x80000000, s25  }
0x122: {  	p1 =	slt.s32 s25, $0x400  }
0x123: {  	s25 =	simm.s32 @!p1 $0x400  }
0x124: {  	v14 =	vor.u32 v8, v15;
	[tilespmem:s25+$0x5F00] =	vst.msk vm11, v16  }
0x125: {  	[tilespmem:s25+$0x6340] =	vst.msk vm11, v14  }
0x126: {  	v14 =	vld [tilespmem:s22+$0x0]  }
0x127: {  	s31 =	spop (v2sf)  }
0x128: {  	s25 =	sadd.s32 s31, s25  }
0x129: {  	s25 =	sadd.s32 $0x80000000, s25  }
0x12a: {  	p1 =	slt.s32 s25, $0x400  }
0x12b: {  	s25 =	simm.s32 @!p1 $0x400;
	vm12 =	vge.f32 v14, v13  }
0x12c: {  	v57 =	vor.u32 v9, v15;
	[tilespmem:s25+$0x5F00] =	vst.msk vm12, v14;
	v14 =	vmpcnt.ones.xlane vm12  }
0x12d: {  	[tilespmem:s25+$0x6340] =	vst.msk vm12, v57  }
0x12e: {  	v14 =	vxor.u32 $0x80000000, v14;
	v16 =	vld [tilespmem:s22+$0x10]  }
0x12f: {  	(xrf0) =	vmax.scan.msk.u32 $0xffff, v14;
	_ =	sdelay $0x3  }
0x130: {  	vm13 =	vge.f32 v16, v13  }
0x131: {  	v14 =	vmpcnt.ones.xlane vm13  }
0x132: {  	v58, _, _ =	vpop (xrf0)  }
0x133: {  	(v2sf) =	vpush v58, $0xF;
	v14 =	vxor.u32 $0x80000000, v14  }
0x134: {  	(xrf0) =	vmax.scan.msk.u32 $0xffff, v14;
	_ =	sdelay $0x5  }
0x135: {  	v14, _, _ =	vpop (xrf0)  }
0x136: {  	(v2sf) =	vpush v14, $0xF;
	_ =	sdelay $0x6  }
0x137: {  	s28 =	spop (v2sf)  }
0x138: {  	s25 =	sadd.s32 s28, s25  }
0x139: {  	s25 =	sadd.s32 $0x80000000, s25  }
0x13a: {  	p1 =	slt.s32 s25, $0x400  }
0x13b: {  	s25 =	simm.s32 @!p1 $0x400  }
0x13c: {  	v14 =	vor.u32 v10, v15;
	[tilespmem:s25+$0x5F00] =	vst.msk vm13, v16  }
0x13d: {  	[tilespmem:s25+$0x6340] =	vst.msk vm13, v14  }
0x13e: {  	v14 =	vld [tilespmem:s22+$0x20]  }
0x13f: {  	s29 =	spop (v2sf)  }
0x140: {  	s25 =	sadd.s32 s29, s25  }
0x141: {  	s25 =	sadd.s32 $0x80000000, s25  }
0x142: {  	p1 =	slt.s32 s25, $0x400  }
0x143: {  	s25 =	simm.s32 @!p1 $0x400;
	vm14 =	vge.f32 v14, v13  }
0x144: {  	v59 =	vor.u32 v11, v15;
	[tilespmem:s25+$0x5F00] =	vst.msk vm14, v14  }
0x145: {  	[tilespmem:s25+$0x6340] =	vst.msk vm14, v59  }
0x146: {  	v14 =	vld [tilespmem:s22+$0x30];
	_ =	sdelay $0x1  }
0x147: {  	v60 =	vmpcnt.ones.xlane vm14;
	_ =	sdelay $0x1  }
0x148: {  	v16 =	vxor.u32 $0x80000000, v60  }
0x149: {  	(xrf0) =	vmax.scan.msk.u32 $0xffff, v16;
	vm15 =	vge.f32 v14, v13  }
0x14a: {  	v61 =	vmpcnt.ones.xlane vm15;
	_ =	sdelay $0x1  }
0x14b: {  	v16 =	vxor.u32 $0x80000000, v61  }
0x14c: {  	(xrf0) =	vmax.scan.msk.u32 $0xffff, v16;
	_ =	sdelay $0x1  }
0x14d: {  	v62, _, _ =	vpop (xrf0)  }
0x14e: {  	(v2sf) =	vpush v62, $0xF;
	_ =	sdelay $0x2  }
0x14f: {  	v63, _, _ =	vpop (xrf0)  }
0x150: {  	(v2sf) =	vpush v63, $0xF;
	_ =	sdelay $0xa  }
0x151: {  	s30 =	spop (v2sf)  }
0x152: {  	s25 =	sadd.s32 s30, s25  }
0x153: {  	s26 =	sadd.s32 $0x80000000, s25  }
0x154: {  	p1 =	slt.s32 s26, $0x400  }
.Ltmp13:
0x155: {  	s26 =	simm.s32 @!p1 $0x400;
	s31 =	spop (v2sf);
	(pc) =	sbr.rel .LBB2_11-.Ltmp13, $4  }
0x156: {  	s25 =	sadd.s32 s31, s26  }
0x157: {  	s25 =	sadd.s32 $0x80000000, s25  }
0x158: {  	v15 =	vor.u32 v12, v15;
	[tilespmem:s26+$0x5F00] =	vst.msk vm15, v14;
	p1 =	slt.s32 s25, $0x400  }
0x159: {  	[tilespmem:s26+$0x6340] =	vst.msk vm15, v15;
	s25 =	simm.s32 @!p1 $0x400  }
.LBB2_20:
0x15a: {  	vm0 =	veq.f32 v15, v13;
	vm1 =	veq.s32 v16, v14  }
0x15b: {  	vm0 =	vmand vm0, vm1  }
0x15c: {  	v13 =	vsel vm0, $0xFF800000, v15  }
0x15d: {  	[tilespmem:s23+$0x0] =	vst v13  }
.LBB2_21:
0x15e: {  	v13 =	vmov s21;
	s21 =	sadd.s32 $0x1, s21  }
0x15f: {  	p2 =	sne.s32 s21, $0x20  }
.Ltmp14:
0x160: {  	_ = 	snop;
	(pc) =	sbr.rel @!p2 .LBB2_22-.Ltmp14, $2  }
0x161: {  	_ =	sdelay $0x2  }
0x162: {  	[tilespmem:v13+s17+$0x0] =	vst.idx.msk $0x1, v14  }
.LBB2_13:
.Ltmp15:
0x163: {  	(pc) =	sbr.rel @p1 .LBB2_21-.Ltmp15, $2  }
0x164: {  	_ =	sdelay $0x2  }
0x165: {  	v14 =	vmov v1  }
0x166: {  	p2 =	sne.s32 s20, $0x1  }
.Ltmp16:
0x167: {  	_ = 	snop;
	(pc) =	sbr.rel @!p2 .LBB2_16-.Ltmp16, $3  }
0x168: {  	_ =	sdelay $0x1  }
0x169: {  	s22 =	simm.s32 $0x5F00  }
0x16a: {  	v13 =	vimm.f32 $-Inf;
	s23 =	sadd.s32 $0xFFFFFFFF, s20;
	s24 =	simm.s32 $0x5F00;
	v14 =	vld [tilespmem:s22+$0x0]  }
.LBB2_15:
0x16b: {  	p3 =	sne.s32 s23, $0x1  }
.Ltmp17:
0x16c: {  	_ = 	snop;
	(pc) =	sbr.rel @p3 .LBB2_15-.Ltmp17, $3  }
0x16d: {  	_ =	sdelay $0x1  }
0x16e: {  	s23 =	sadd.s32 $0xFFFFFFFF, s23;
	s24 =	sadd.s32 $0x10, s24;
	v13 =	vmax.f32 v13, v14  }
0x16f: {  	v14 =	vld [tilespmem:s24+$0x0]  }
.LBB2_16:
0x170: {  	_ =	sdelay $0x3  }
0x171: {  	v13 =	vmax.f32 v13, v14  }
0x172: {  	(xrf0) =	vmax.scan.msk.f32 $0xffff, v13;
	_ =	sdelay $0x3  }
0x173: {  	v16 =	vld [tilespmem:s22+$0x0];
	s22 =	simm.s32 $0x6340  }
.Ltmp18:
0x174: {  	v15 =	vld [tilespmem:s22+$0x0];
	(pc) =	sbr.rel @!p2 .LBB2_18-.Ltmp18, $3  }
0x175: {  	v13, _, _ =	vpop (xrf0)  }
0x176: {  	v13 =	vbroadcast v13, $0xF;
	_ =	sdelay $0x1  }
0x177: {  	s23 =	sadd.s32 $0xFFFFFFFF, s20;
	s24 =	simm.s32 $0x5F10;
	s25 =	simm.s32 $0x6340;
	v14 =	vimm.s32 $0x7FFFFFFF;
	vm0 =	veq.f32 v16, v13  }
.LBB2_17:
0x178: {  	v16 =	vld [tilespmem:s24+$0x0];
	p3 =	sne.s32 s23, $0x1;
	s23 =	sadd.s32 $0xFFFFFFFF, s23;
	v17 =	vnsel vm0, $0x7FFFFFFF, v15;
	s25 =	sadd.s32 $0x10, s25  }
.Ltmp19:
0x179: {  	v15 =	vld [tilespmem:s25+$0x0];
	vm0 =	vlt.s32 v14, v17;
	(pc) =	sbr.rel @p3 .LBB2_17-.Ltmp19, $2  }
0x17a: {  	v14 =	vsel vm0, v14, v17;
	_ =	sdelay $0x2  }
0x17b: {  	s24 =	sadd.s32 $0x10, s24;
	vm0 =	veq.f32 v16, v13  }
.LBB2_18:
0x17c: {  	v15 =	vnsel vm0, $0x7FFFFFFF, v15  }
0x17d: {  	vm0 =	vlt.s32 v14, v15  }
0x17e: {  	v14 =	vsel vm0, v14, v15  }
0x17f: {  	v14 =	vxor.u32 $0x80000000, v14  }
0x180: {  	(xrf0) =	vmin.scan.msk.u32 $0xffff, v14;
	_ =	sdelay $0x5  }
0x181: {  	v14, _, _ =	vpop (xrf0)  }
0x182: {  	(v2sf) =	vpush v14, $0xF;
	_ =	sdelay $0xb  }
0x183: {  	s23 =	simm.s32 $0x5F00;
	v16 =	vld [tilespmem:s22+$0x0]  }
.Ltmp20:
0x184: {  	v15 =	vld [tilespmem:s23+$0x0];
	(pc) =	sbr.rel @!p2 .LBB2_20-.Ltmp20, $4  }
0x185: {  	_ = 	snop  }
0x186: {  	s24 =	spop (v2sf)  }
0x187: {  	s24 =	sxor.u32 $0x80000000, s24  }
0x188: {  	v14 =	vmov s24;
	s24 =	sadd.s32 $0xFFFFFFFF, s20  }
.LBB2_19:
0x189: {  	p2 =	sne.s32 s24, $0x1;
	_ =	sdelay $0x3  }
0x18a: {  	vm0 =	veq.f32 v15, v13;
	vm1 =	veq.s32 v16, v14  }
.Ltmp21:
0x18b: {  	vm0 =	vmand vm0, vm1;
	(pc) =	sbr.rel @p2 .LBB2_19-.Ltmp21, $4  }
0x18c: {  	v15 =	vsel vm0, $0xFF800000, v15  }
0x18d: {  	[tilespmem:s23+$0x0] =	vst v15;
	s23 =	sadd.s32 $0x10, s23  }
0x18e: {  	s22 =	sadd.s32 $0x10, s22;
	v15 =	vld [tilespmem:s23+$0x0]  }
0x18f: {  	s24 =	sadd.s32 $0xFFFFFFFF, s24;
	v16 =	vld [tilespmem:s22+$0x0]  }
.Ltmp22:
0x190: {  	_ = 	snop;
	(pc) =	sbr.rel .LBB2_20-.Ltmp22, $1  }
0x191: {  	_ =	sdelay $0x3  }
.LBB2_24:
0x192: {  	_ =	sfence.sel $0x180000  }
0x193: {  	[bflag:$0x0] =	sbarrier.arrive $0xFFFF  }
0x194: {  	p0 =	sne.s32 s3, $0x0;
	_ =	strace $0x90000047  }
0x195: {  	s0 =	sadd.s32 @!p0 $0x100000, s0;
	[bflag:$0x2] =	sbarrier.arrive $0xFFFF  }
0x196: {  	[sflag:s0] =	ssyncadd.tile.s32 @!p0 $0x1;
	_ =	shalt  }
.Lfunc_end2:
_tile_overlayer_lowered:
.L_overlay_start_2:
0x197: {  	(tag) =	ssettag $0x2  }
0x198: {  	s0 =	rddreg [dreg:$0x0];
	s2 =	stileid.u32  }
0x199: {  	s1 =	rddreg [dreg:$0x1];
	p0 =	sne.s32 s2, $0x0  }
0x19a: {  	s3 =	rddreg [dreg:$0x2];
	[bflag:$0x3] =	sbarrier.arrive $0xFFFF;
	s2 =	simm.s32 @!p0 $0x1C02  }
0x19b: {  	[timem:s3], [sflag:s2] =	dma.local @!p0 [hbm:s0], s1  }
0x19c: {  	s0 =	simm.s32 @!p0 $0x2  }
0x19d: {  	_ =	swait.ge @!p0 [sflag:s0], s1  }
0x19e: {  	s1 =	ssub.s32 @!p0 $0x0, s1;
	[sflag:s0] =	ssyncset.done @!p0 $0x0  }
0x19f: {  	[sflag:s0] =	ssyncadd.s32 @!p0 s1  }
0x1a0: {  	[bflag:$0x3] =	sbarrier.arrive $0xFFFF  }
0x1a1: {  	_ =	shalt  }

</sc_bundles>
